<compile_context>
chip_gen: v7x
topology: tpu7x:2x2x1
jax: 0.10.2.dev20260603
libtpu: 0.0.44.dev20260713+nightly
codegen_flags: <defaults>
</compile_context>

<pallas_src>
import jax
import jax.numpy as jnp
from jax import lax
from jax.experimental import pallas as pl
from jax.experimental.pallas import tpu as pltpu
from jax.experimental.pallas import tpu_sc as plsc

_FOCAL_ALPHA = 0.25
_DICE_WEIGHT = 0.5
_FOCAL_WEIGHT = 0.5

_B = 16
_NPIX = 512 * 512
_K = min(max(int(_NPIX * 0.3), 1000), _NPIX)

_HALF = _NPIX // 2
_CH = 16384
_NCH = _HALF // _CH
_L1B = 2048
_L2B = 1024
_L3B = 1024
_U = 8
_CAP = 2048



def _tc_body(pred_ref, target_ref, focal_ref, inter_ref, ssig_ref, st_ref):
    x = pred_ref[0]
    t = target_ref[0].astype(jnp.float32)

    bce = jnp.maximum(x, 0.0) - x * t + jnp.log1p(jnp.exp(-jnp.abs(x)))
    p_t = jnp.exp(-bce)
    focal_ref[0] = _FOCAL_ALPHA * (1.0 - p_t) ** 2 * bce

    sig = 1.0 / (1.0 + jnp.exp(-x))
    inter_ref[0, 0, 0] = jnp.sum(sig * t)
    ssig_ref[0, 0, 0] = jnp.sum(sig)
    st_ref[0, 0, 0] = jnp.sum(t)



def _sc_body(focal_hbm, out_hbm,
             dbuf0, dbuf1, sem0, sem1, cnt_h, cbuf, comb_cnt, pair_cnt,
             pair_sum, rbuf, bs_smem, sh_cnt, sh_sum):
    c = lax.axis_index("c")
    s = lax.axis_index("s")
    sample = c * 8 + s // 2
    half = s % 2
    is_odd = half == 1
    is_even = half == 0
    base = sample * _NPIX + half * _HALF

    lane = lax.iota(jnp.int32, 16)
    ones_i = jnp.full((16,), 1, jnp.int32)
    zeros_i = jnp.zeros((16,), jnp.int32)
    zeros_f = jnp.zeros((16,), jnp.float32)

    dbufs = (dbuf0, dbuf1)
    sems = (sem0, sem1)

    def stream(chunk_fn, carry):
        cp = pltpu.async_copy(focal_hbm.at[pl.ds(base, _CH)], dbuf0, sem0)
        for ch in range(_NCH):
            if ch + 1 < _NCH:
                nxt = pltpu.async_copy(
                    focal_hbm.at[pl.ds(base + (ch + 1) * _CH, _CH)],
                    dbufs[(ch + 1) % 2], sems[(ch + 1) % 2])
            cp.wait()
            carry = chunk_fn(dbufs[ch % 2], carry)
            if ch + 1 < _NCH:
                cp = nxt
        return carry

    def zero_hist(nb):
        def zbody(z, _):
            for u in range(_U):
                cnt_h[pl.ds((z * _U + u) * 16, 16)] = zeros_i
            return 0
        lax.fori_loop(0, nb // _U, zbody, 0)

    def combine_lanes(nb):
        def cbody(j, _):
            acc_c = cnt_h[pl.ds(j * 16, 16)]
            for l in range(1, 16):
                acc_c = acc_c + cnt_h[pl.ds(l * nb + j * 16, 16)]
            comb_cnt[pl.ds(j * 16, 16)] = acc_c
            return 0
        lax.fori_loop(0, nb // 16, cbody, 0)

    def merge_pair(nb):
        @pl.when(is_odd)
        def _():
            pltpu.sync_copy(comb_cnt, sh_cnt.at[sample])
        plsc.subcore_barrier()

        @pl.when(is_even)
        def _():
            pltpu.sync_copy(sh_cnt.at[sample], pair_cnt)

            def abody(j, _):
                comb_cnt[pl.ds(j * 16, 16)] = (
                    comb_cnt[pl.ds(j * 16, 16)] + pair_cnt[pl.ds(j * 16, 16)])
                return 0
            lax.fori_loop(0, nb // 16, abody, 0)

    def scan_level(nb, k_lvl):
        nblk = nb // 16

        def bsbody(j, _):
            bs_smem[j] = jnp.sum(comb_cnt[pl.ds(j * 16, 16)])
            return 0
        lax.fori_loop(0, nblk, bsbody, 0)

        def blkbody(jj, carry):
            suffix, blk, above = carry
            j = nblk - 1 - jj
            s_new = suffix + bs_smem[j]
            hit = jnp.logical_and(s_new >= k_lvl, suffix < k_lvl)
            blk = jnp.where(hit, j, blk)
            above = jnp.where(hit, suffix, above)
            return s_new, blk, above
        _, blk, above_blk = lax.fori_loop(
            0, nblk, blkbody, (jnp.int32(0), jnp.int32(0), jnp.int32(0)))
        blk = jnp.clip(blk, 0, nblk - 1)

        c16 = comb_cnt[pl.ds(blk * 16, 16)]
        r = lax.rev(c16, (0,))
        cs = plsc.cumsum(r)
        ge_count = jnp.full((16,), above_blk, jnp.int32) + cs
        m = ge_count >= jnp.full((16,), k_lvl, jnp.int32)
        p = plsc.all_reduce_population_count(m)
        loc = p - 1
        bstar_vec = jnp.full((16,), blk * 16, jnp.int32) + loc
        in_above = jnp.where(lane > loc, c16, 0)
        cnt_above = above_blk + jnp.sum(in_above)
        return bstar_vec, cnt_above

    def bcast_ctrl(val):
        @pl.when(is_even)
        def _():
            pair_cnt[pl.ds(0, 16)] = val
            pltpu.sync_copy(pair_cnt, sh_cnt.at[sample])
        plsc.subcore_barrier()
        pltpu.sync_copy(sh_cnt.at[sample], pair_cnt)
        return pair_cnt[pl.ds(0, 16)]

    k_i = jnp.int32(_K)

    zero_hist(_L1B)
    laneoff = lane * _L1B

    def chunkA(dbuf, carry):
        def ibody(i, _):
            for u in range(_U):
                v = dbuf[pl.ds((i * _U + u) * 16, 16)]
                bits = plsc.bitcast(v, jnp.int32)
                plsc.addupdate_scatter(cnt_h, [(bits >> 20) + laneoff], ones_i)
            return 0
        lax.fori_loop(0, _CH // 16 // _U, ibody, 0)
        return carry
    stream(chunkA, 0)
    combine_lanes(_L1B)
    merge_pair(_L1B)
    b1, cnt1 = scan_level(_L1B, k_i)
    b1v = bcast_ctrl(b1)

    def chunkB(dbuf, carry):
        def ibody(i, carry):
            s_hi = list(carry[:_U])
            ofs16 = carry[_U]
            for u in range(_U):
                v = dbuf[pl.ds((i * _U + u) * 16, 16)]
                bits = plsc.bitcast(v, jnp.int32)
                key = bits >> 20
                m_gt = key > b1v
                m_eq = key == b1v
                s_hi[u] = s_hi[u] + jnp.where(m_gt, v, 0.0)
                idxo = jnp.minimum(ofs16, (_CAP - 1) * 16) + lane
                plsc.store_scatter(cbuf, [idxo], v, mask=m_eq)
                ofs16 = ofs16 + jnp.where(m_eq, 16, 0)
            return tuple(s_hi) + (ofs16,)
        return lax.fori_loop(0, _CH // 16 // _U, ibody, carry)

    carry = stream(chunkB, tuple([zeros_f] * _U) + (zeros_i,))
    s_hi = zeros_f
    for u in range(_U):
        s_hi = s_hi + carry[u]
    ofs = carry[_U] >> 4
    jmax = jnp.max(jnp.minimum(ofs, _CAP))

    zero_hist(_L2B)
    laneoff2 = lane * _L2B

    def cbodyC(j, _):
        v = cbuf[pl.ds(j * 16, 16)]
        bits = plsc.bitcast(v, jnp.int32)
        valid = ofs > jnp.full((16,), j, jnp.int32)
        plsc.addupdate_scatter(cnt_h, [((bits >> 10) & 1023) + laneoff2],
                               ones_i, mask=valid)
        return 0
    lax.fori_loop(0, jmax, cbodyC, 0)
    combine_lanes(_L2B)
    merge_pair(_L2B)
    k2 = k_i - cnt1
    b2, cnt2 = scan_level(_L2B, k2)
    b2v = bcast_ctrl(b2)

    zero_hist(_L3B)
    laneoff3 = lane * _L3B

    def cbodyD(j, _):
        v = cbuf[pl.ds(j * 16, 16)]
        bits = plsc.bitcast(v, jnp.int32)
        valid = ofs > jnp.full((16,), j, jnp.int32)
        m = jnp.logical_and(valid, ((bits >> 10) & 1023) == b2v)
        plsc.addupdate_scatter(cnt_h, [(bits & 1023) + laneoff3],
                               ones_i, mask=m)
        return 0
    lax.fori_loop(0, jmax, cbodyD, 0)
    combine_lanes(_L3B)
    merge_pair(_L3B)
    k3 = k2 - cnt2
    b3, cnt3 = scan_level(_L3B, k3)
    b3v = bcast_ctrl(b3)

    tvec = plsc.bitcast(b1v * (1 << 20) + b2v * (1 << 10) + b3v, jnp.float32)

    def cbodyE(j, carry):
        s_in, c_in = carry
        v = cbuf[pl.ds(j * 16, 16)]
        valid = ofs > jnp.full((16,), j, jnp.int32)
        m = jnp.logical_and(valid, v > tvec)
        return s_in + jnp.where(m, v, 0.0), c_in + jnp.where(m, 1.0, 0.0)
    s_in, c_in = lax.fori_loop(0, jmax, cbodyE, (zeros_f, zeros_f))

    s_part = s_hi + s_in

    @pl.when(is_odd)
    def _():
        pair_sum[pl.ds(0, 16)] = s_part
        pair_sum[pl.ds(16, 16)] = c_in
        pltpu.sync_copy(pair_sum, sh_sum.at[sample])
    plsc.subcore_barrier()

    @pl.when(is_even)
    def _():
        pltpu.sync_copy(sh_sum.at[sample], pair_sum)
        psum = pair_sum[pl.ds(0, 16)]
        pcnt = pair_sum[pl.ds(16, 16)]
        sum_gt = jnp.sum(s_part + psum)
        cnt_gt = cnt1.astype(jnp.float32) + jnp.sum(c_in + pcnt)
        n_rem = jnp.float32(_K) - cnt_gt
        res = (jnp.full((16,), sum_gt, jnp.float32)
               + jnp.full((16,), n_rem, jnp.float32) * tvec)
        for j in range(4):
            rbuf[pl.ds(j * 16, 16)] = res
        pltpu.sync_copy(rbuf, out_hbm.at[sample])



@jax.jit
def kernel(pred, target):
    pred2 = pred.reshape(_B, 2048, 128)
    target2 = target.reshape(_B, 2048, 128)

    scalar_spec = pl.BlockSpec((1, 1, 1), lambda i: (i, 0, 0),
                               memory_space=pltpu.SMEM)
    focal, inter, ssig, st = pl.pallas_call(
        _tc_body,
        grid=(_B,),
        in_specs=[
            pl.BlockSpec((1, 2048, 128), lambda i: (i, 0, 0)),
            pl.BlockSpec((1, 2048, 128), lambda i: (i, 0, 0)),
        ],
        out_specs=[pl.BlockSpec((1, 2048, 128), lambda i: (i, 0, 0)),
                   scalar_spec, scalar_spec, scalar_spec],
        out_shape=[jax.ShapeDtypeStruct((_B, 2048, 128), jnp.float32)]
        + [jax.ShapeDtypeStruct((_B, 1, 1), jnp.float32)] * 3,
    )(pred2, target2)

    sc_fn = pl.kernel(
        _sc_body,
        out_type=jax.ShapeDtypeStruct((_B, 64), jnp.float32),
        mesh=plsc.VectorSubcoreMesh(core_axis_name="c", subcore_axis_name="s",
                                    num_cores=2, num_subcores=16),
        compiler_params=pltpu.CompilerParams(needs_layout_passes=False),
        scratch_types=[
            pltpu.VMEM((_CH,), jnp.float32),
            pltpu.VMEM((_CH,), jnp.float32),
            pltpu.SemaphoreType.DMA,
            pltpu.SemaphoreType.DMA,
            pltpu.VMEM((_L1B * 16,), jnp.int32),
            pltpu.VMEM((_CAP * 16,), jnp.float32),
            pltpu.VMEM((_L1B,), jnp.int32),
            pltpu.VMEM((_L1B,), jnp.int32),
            pltpu.VMEM((_L1B,), jnp.float32),
            pltpu.VMEM((64,), jnp.float32),
            pltpu.SMEM((_L1B // 16,), jnp.int32),
            pltpu.VMEM_SHARED((_B, _L1B), jnp.int32),
            pltpu.VMEM_SHARED((_B, _L1B), jnp.float32),
        ],
    )
    topk = sc_fn(focal.reshape(_B * _NPIX))[:, 0]

    hard_focal = jnp.sum(topk) / jnp.float32(_B * _K)
    dice = (2.0 * inter + 1.0) / (ssig + st + 1.0)
    dice_loss = jnp.mean(1.0 - dice)
    return _DICE_WEIGHT * dice_loss + _FOCAL_WEIGHT * hard_focal

# --- scband reference (transcript-rebuilt; emitter-appended) ---
"""Pipeline reference for scband-ohemloss-70231305224511 (READ-ONLY COPY).

The authoritative reference and input builder live on the scoring server;
editing this copy changes nothing except your own understanding.
"""

import jax, jax.numpy as jnp
import numpy as np

HARD_RATIO = 0.3
MIN_KEPT = 1000
FOCAL_ALPHA = 0.25
FOCAL_GAMMA = 2.0
DICE_WEIGHT = 0.5
FOCAL_WEIGHT = 0.5


def setup_inputs(seed: int = 0) -> dict:
    key = jax.random.key(seed)
    k1, k2 = jax.random.split(key)
    pred = jax.random.normal(k1, (16, 1, 512, 512), dtype=jnp.float32)
    target = jax.random.randint(k2, (16, 1, 512, 512), 0, 2, dtype=jnp.int32)
    return {"pred": pred, "target": target}


def _bce_with_logits(x, t):
    # numerically stable binary_cross_entropy_with_logits, reduction='none'
    return jnp.maximum(x, 0.0) - x * t + jnp.log1p(jnp.exp(-jnp.abs(x)))


def reference(pred, target):
    t = target.astype(jnp.float32)
    # pixel-wise focal loss
    bce = _bce_with_logits(pred, t)
    p_t = jnp.exp(-bce)
    focal_map = FOCAL_ALPHA * (1.0 - p_t) ** FOCAL_GAMMA * bce
    # hard mining: per-sample top-k over flattened pixels
    B = focal_map.shape[0]
    flat = focal_map.reshape(B, -1)
    n_pixels = flat.shape[1]
    n_keep = int(n_pixels * HARD_RATIO)
    n_keep = max(n_keep, MIN_KEPT)
    n_keep = min(n_keep, n_pixels)
    topk_loss, _ = jax.lax.top_k(flat, n_keep)
    hard_focal = jnp.mean(topk_loss)
    # dice loss
    pred_sig = jax.nn.sigmoid(pred).reshape(B, -1)
    target_flat = t.reshape(B, -1)
    inter = jnp.sum(pred_sig * target_flat, axis=1)
    dice = (2.0 * inter + 1.0) / (jnp.sum(pred_sig, axis=1) + jnp.sum(target_flat, axis=1) + 1.0)
    dice_loss = jnp.mean(1.0 - dice)
    return DICE_WEIGHT * dice_loss + FOCAL_WEIGHT * hard_focal

if __name__ == "__main__":
    import jax
    _d = setup_inputs()
    print(jax.jit(kernel)(*tuple(_d.values())))

</pallas_src>

<mosaic_0001>
#map = affine_map<(d0, d1) -> (0)>
#map1 = affine_map<(d0, d1) -> (0, 0)>
module attributes {stable_mosaic.version = 14 : i64} {
  func.func @_sc_body(%arg0: i32, %arg1: i32, %arg2: memref<4194304xf32, #tpu.memory_space<hbm>>, %arg3: memref<16x64xf32, #tpu.memory_space<hbm>>, %arg4: memref<16384xf32, #tpu.memory_space<vmem>>, %arg5: memref<16384xf32, #tpu.memory_space<vmem>>, %arg6: memref<!tpu.dma_semaphore, #tpu.memory_space<semaphore_mem>>, %arg7: memref<!tpu.dma_semaphore, #tpu.memory_space<semaphore_mem>>, %arg8: memref<32768xi32, #tpu.memory_space<vmem>>, %arg9: memref<32768xf32, #tpu.memory_space<vmem>>, %arg10: memref<2048xi32, #tpu.memory_space<vmem>>, %arg11: memref<2048xi32, #tpu.memory_space<vmem>>, %arg12: memref<2048xf32, #tpu.memory_space<vmem>>, %arg13: memref<64xf32, #tpu.memory_space<vmem>>, %arg14: memref<128xi32, #tpu.memory_space<smem>>, %arg15: memref<16x2048xi32, #tpu.memory_space<vmem_shared>>, %arg16: memref<16x2048xf32, #tpu.memory_space<vmem_shared>>) attributes {dimension_semantics = [#tpu.dimension_semantics<core_parallel>, #tpu.dimension_semantics<subcore_parallel>], iteration_bounds = array<i64: 2, 16>, scalar_prefetch = 0 : i64, scratch_operands = 13 : i64, tpu.core_type = #tpu.core_type<sc_vector_subcore>, window_params = [{transform_indices = #map}, {transform_indices = #map1}]} {
    %mul3A = arith.constant 8 : i32
    %mul3A_0 = arith.muli %arg0, %mul3A : i32
    %jit3A = arith.constant 2 : i32
    %div3A = arith.divsi %arg1, %jit3A : i32
    %sign3A = arith.constant 0 : i32
    %sign3A_1 = arith.cmpi sgt, %arg1, %sign3A : i32
    %sign3A_2 = arith.extui %sign3A_1 : i1 to i32
    %sign3A_3 = arith.constant 0 : i32
    %sign3A_4 = arith.cmpi slt, %arg1, %sign3A_3 : i32
    %sign3A_5 = arith.extui %sign3A_4 : i1 to i32
    %sign3A_6 = arith.subi %sign3A_2, %sign3A_5 : i32
    %sign3A_7 = arith.constant 0 : i32
    %sign3A_8 = arith.cmpi sgt, %jit3A, %sign3A_7 : i32
    %sign3A_9 = arith.extui %sign3A_8 : i1 to i32
    %sign3A_10 = arith.constant 0 : i32
    %sign3A_11 = arith.cmpi slt, %jit3A, %sign3A_10 : i32
    %sign3A_12 = arith.extui %sign3A_11 : i1 to i32
    %sign3A_13 = arith.subi %sign3A_9, %sign3A_12 : i32
    %ne3A = arith.cmpi ne, %sign3A_6, %sign3A_13 : i32
    %rem3A = arith.remsi %arg1, %jit3A : i32
    %ne3A_14 = arith.constant 0 : i32
    %ne3A_15 = arith.cmpi ne, %rem3A, %ne3A_14 : i32
    %and3A = arith.andi %ne3A, %ne3A_15 : i1
    %sub3A = arith.constant 1 : i32
    %sub3A_16 = arith.subi %div3A, %sub3A : i32
    %select_n3A = arith.select %and3A, %sub3A_16, %div3A : i32
    %add3A = arith.addi %mul3A_0, %select_n3A : i32
    %jit3A_17 = arith.constant 2 : i32
    %eq3A = arith.constant 0 : i32
    %eq3A_18 = arith.cmpi eq, %jit3A_17, %eq3A : i32
    %jit3A_19 = arith.constant 1 : i32
    %select_n3A_20 = arith.select %eq3A_18, %jit3A_19, %jit3A_17 : i32
    %rem3A_21 = arith.remsi %arg1, %select_n3A_20 : i32
    %ne3A_22 = arith.constant 0 : i32
    %ne3A_23 = arith.cmpi ne, %rem3A_21, %ne3A_22 : i32
    %lt3A = arith.constant 0 : i32
    %lt3A_24 = arith.cmpi slt, %rem3A_21, %lt3A : i32
    %lt3A_25 = arith.constant 0 : i32
    %lt3A_26 = arith.cmpi slt, %select_n3A_20, %lt3A_25 : i32
    %ne3A_27 = arith.xori %lt3A_24, %lt3A_26 : i1
    %and3A_28 = arith.andi %ne3A_27, %ne3A_23 : i1
    %add3A_29 = arith.addi %rem3A_21, %select_n3A_20 : i32
    %select_n3A_30 = arith.select %and3A_28, %add3A_29, %rem3A_21 : i32
    %eq3A_31 = arith.constant 1 : i32
    %eq3A_32 = arith.cmpi eq, %select_n3A_30, %eq3A_31 : i32
    %eq3A_33 = arith.constant 0 : i32
    %eq3A_34 = arith.cmpi eq, %select_n3A_30, %eq3A_33 : i32
    %mul3A_35 = arith.constant 262144 : i32
    %mul3A_36 = arith.muli %add3A, %mul3A_35 : i32
    %mul3A_37 = arith.constant 131072 : i32
    %mul3A_38 = arith.muli %select_n3A_30, %mul3A_37 : i32
    %add3A_39 = arith.addi %mul3A_36, %mul3A_38 : i32
    %iota3A = tpu.iota {dimensions = array<i32: 0>} : vector<16xi32>
    %broadcast_in_dim3A = arith.constant 1 : i32
    %broadcast_in_dim3A_40 = vector.broadcast %broadcast_in_dim3A : i32 to vector<16xi32>
    %broadcast_in_dim3A_41 = arith.constant 0 : i32
    %broadcast_in_dim3A_42 = vector.broadcast %broadcast_in_dim3A_41 : i32 to vector<16xi32>
    %broadcast_in_dim3A_43 = arith.constant 0.000000e+00 : f32
    %broadcast_in_dim3A_44 = vector.broadcast %broadcast_in_dim3A_43 : f32 to vector<16xf32>
    %scan3A = arith.constant 0 : i32
    %scan3A_45 = arith.constant 0 : i32
    %scan3A_46 = arith.constant 256 : i32
    %scan3A_47 = arith.addi %scan3A_45, %scan3A_46 : i32
    %scan3A_48 = arith.constant 1 : i32
    %scan3A_49 = scf.for %scan3A_550 = %scan3A_45 to %scan3A_47 step %scan3A_48 iter_args(%scan3A_551 = %scan3A) -> (i32)  : i32 {
      %mul3A_552 = arith.constant 8 : i32
      %mul3A_553 = arith.muli %scan3A_550, %mul3A_552 : i32
      %add3A_554 = arith.constant 0 : i32
      %add3A_555 = arith.addi %mul3A_553, %add3A_554 : i32
      %mul3A_556 = arith.constant 16 : i32
      %mul3A_557 = arith.muli %add3A_555, %mul3A_556 : i32
      %swap3A = arith.index_cast %mul3A_557 : i32 to index
      %swap3A_558 = tpu.vector_load %arg8[%swap3A] {strides = array<i32>} : memref<32768xi32, #tpu.memory_space<vmem>>, vector<16xi32>,
      tpu.vector_store %arg8[%swap3A], %broadcast_in_dim3A_42 {strides = array<i32>} : memref<32768xi32, #tpu.memory_space<vmem>>, vector<16xi32>,
      %mul3A_559 = arith.constant 8 : i32
      %mul3A_560 = arith.muli %scan3A_550, %mul3A_559 : i32
      %add3A_561 = arith.constant 1 : i32
      %add3A_562 = arith.addi %mul3A_560, %add3A_561 : i32
      %mul3A_563 = arith.constant 16 : i32
      %mul3A_564 = arith.muli %add3A_562, %mul3A_563 : i32
      %swap3A_565 = arith.index_cast %mul3A_564 : i32 to index
      %swap3A_566 = tpu.vector_load %arg8[%swap3A_565] {strides = array<i32>} : memref<32768xi32, #tpu.memory_space<vmem>>, vector<16xi32>,
      tpu.vector_store %arg8[%swap3A_565], %broadcast_in_dim3A_42 {strides = array<i32>} : memref<32768xi32, #tpu.memory_space<vmem>>, vector<16xi32>,
      %mul3A_567 = arith.constant 8 : i32
      %mul3A_568 = arith.muli %scan3A_550, %mul3A_567 : i32
      %add3A_569 = arith.constant 2 : i32
      %add3A_570 = arith.addi %mul3A_568, %add3A_569 : i32
      %mul3A_571 = arith.constant 16 : i32
      %mul3A_572 = arith.muli %add3A_570, %mul3A_571 : i32
      %swap3A_573 = arith.index_cast %mul3A_572 : i32 to index
      %swap3A_574 = tpu.vector_load %arg8[%swap3A_573] {strides = array<i32>} : memref<32768xi32, #tpu.memory_space<vmem>>, vector<16xi32>,
      tpu.vector_store %arg8[%swap3A_573], %broadcast_in_dim3A_42 {strides = array<i32>} : memref<32768xi32, #tpu.memory_space<vmem>>, vector<16xi32>,
      %mul3A_575 = arith.constant 8 : i32
      %mul3A_576 = arith.muli %scan3A_550, %mul3A_575 : i32
      %add3A_577 = arith.constant 3 : i32
      %add3A_578 = arith.addi %mul3A_576, %add3A_577 : i32
      %mul3A_579 = arith.constant 16 : i32
      %mul3A_580 = arith.muli %add3A_578, %mul3A_579 : i32
      %swap3A_581 = arith.index_cast %mul3A_580 : i32 to index
      %swap3A_582 = tpu.vector_load %arg8[%swap3A_581] {strides = array<i32>} : memref<32768xi32, #tpu.memory_space<vmem>>, vector<16xi32>,
      tpu.vector_store %arg8[%swap3A_581], %broadcast_in_dim3A_42 {strides = array<i32>} : memref<32768xi32, #tpu.memory_space<vmem>>, vector<16xi32>,
      %mul3A_583 = arith.constant 8 : i32
      %mul3A_584 = arith.muli %scan3A_550, %mul3A_583 : i32
      %add3A_585 = arith.constant 4 : i32
      %add3A_586 = arith.addi %mul3A_584, %add3A_585 : i32
      %mul3A_587 = arith.constant 16 : i32
      %mul3A_588 = arith.muli %add3A_586, %mul3A_587 : i32
      %swap3A_589 = arith.index_cast %mul3A_588 : i32 to index
      %swap3A_590 = tpu.vector_load %arg8[%swap3A_589] {strides = array<i32>} : memref<32768xi32, #tpu.memory_space<vmem>>, vector<16xi32>,
      tpu.vector_store %arg8[%swap3A_589], %broadcast_in_dim3A_42 {strides = array<i32>} : memref<32768xi32, #tpu.memory_space<vmem>>, vector<16xi32>,
      %mul3A_591 = arith.constant 8 : i32
      %mul3A_592 = arith.muli %scan3A_550, %mul3A_591 : i32
      %add3A_593 = arith.constant 5 : i32
      %add3A_594 = arith.addi %mul3A_592, %add3A_593 : i32
      %mul3A_595 = arith.constant 16 : i32
      %mul3A_596 = arith.muli %add3A_594, %mul3A_595 : i32
      %swap3A_597 = arith.index_cast %mul3A_596 : i32 to index
      %swap3A_598 = tpu.vector_load %arg8[%swap3A_597] {strides = array<i32>} : memref<32768xi32, #tpu.memory_space<vmem>>, vector<16xi32>,
      tpu.vector_store %arg8[%swap3A_597], %broadcast_in_dim3A_42 {strides = array<i32>} : memref<32768xi32, #tpu.memory_space<vmem>>, vector<16xi32>,
      %mul3A_599 = arith.constant 8 : i32
      %mul3A_600 = arith.muli %scan3A_550, %mul3A_599 : i32
      %add3A_601 = arith.constant 6 : i32
      %add3A_602 = arith.addi %mul3A_600, %add3A_601 : i32
      %mul3A_603 = arith.constant 16 : i32
      %mul3A_604 = arith.muli %add3A_602, %mul3A_603 : i32
      %swap3A_605 = arith.index_cast %mul3A_604 : i32 to index
      %swap3A_606 = tpu.vector_load %arg8[%swap3A_605] {strides = array<i32>} : memref<32768xi32, #tpu.memory_space<vmem>>, vector<16xi32>,
      tpu.vector_store %arg8[%swap3A_605], %broadcast_in_dim3A_42 {strides = array<i32>} : memref<32768xi32, #tpu.memory_space<vmem>>, vector<16xi32>,
      %mul3A_607 = arith.constant 8 : i32
      %mul3A_608 = arith.muli %scan3A_550, %mul3A_607 : i32
      %add3A_609 = arith.constant 7 : i32
      %add3A_610 = arith.addi %mul3A_608, %add3A_609 : i32
      %mul3A_611 = arith.constant 16 : i32
      %mul3A_612 = arith.muli %add3A_610, %mul3A_611 : i32
      %swap3A_613 = arith.index_cast %mul3A_612 : i32 to index
      %swap3A_614 = tpu.vector_load %arg8[%swap3A_613] {strides = array<i32>} : memref<32768xi32, #tpu.memory_space<vmem>>, vector<16xi32>,
      tpu.vector_store %arg8[%swap3A_613], %broadcast_in_dim3A_42 {strides = array<i32>} : memref<32768xi32, #tpu.memory_space<vmem>>, vector<16xi32>,
      %scan3A_615 = arith.constant 0 : i32
      scf.yield %scan3A_615 : i32
    }
    %scan3A_50 = arith.constant 256 : i32
    %mul3A_51 = arith.constant 2048 : i32
    %mul3A_52 = vector.broadcast %mul3A_51 : i32 to vector<16xi32>
    %mul3A_53 = arith.muli %iota3A, %mul3A_52 : vector<16xi32>
    %dma_start3A = tpu.memref_slice %arg2[%add3A_39] : memref<4194304xf32, #tpu.memory_space<hbm>> -> memref<16384xf32, #tpu.memory_space<hbm>>
    %dma_start3A_54 = tpu.memref_slice %arg2[%add3A_39] : memref<4194304xf32, #tpu.memory_space<hbm>> -> memref<16384xf32, #tpu.memory_space<hbm>>
    tpu.enqueue_dma source(%dma_start3A_54 : memref<16384xf32, #tpu.memory_space<hbm>>) target(%arg4 : memref<16384xf32, #tpu.memory_space<vmem>>) target_semaphore(%arg6 : memref<!tpu.dma_semaphore, #tpu.memory_space<semaphore_mem>>)
    %add3A_55 = arith.constant 16384 : i32
    %add3A_56 = arith.addi %add3A_39, %add3A_55 : i32
    %dma_start3A_57 = tpu.memref_slice %arg2[%add3A_56] : memref<4194304xf32, #tpu.memory_space<hbm>> -> memref<16384xf32, #tpu.memory_space<hbm>>
    %dma_start3A_58 = tpu.memref_slice %arg2[%add3A_56] : memref<4194304xf32, #tpu.memory_space<hbm>> -> memref<16384xf32, #tpu.memory_space<hbm>>
    tpu.enqueue_dma source(%dma_start3A_58 : memref<16384xf32, #tpu.memory_space<hbm>>) target(%arg5 : memref<16384xf32, #tpu.memory_space<vmem>>) target_semaphore(%arg7 : memref<!tpu.dma_semaphore, #tpu.memory_space<semaphore_mem>>)
    %dma_wait3A = tpu.memref_slice %arg2[%add3A_39] : memref<4194304xf32, #tpu.memory_space<hbm>> -> memref<16384xf32, #tpu.memory_space<hbm>>
    %dma_wait3A_59 = tpu.memref_slice %arg2[%add3A_39] : memref<4194304xf32, #tpu.memory_space<hbm>> -> memref<16384xf32, #tpu.memory_space<hbm>>
    tpu.wait_dma2 semaphore(%arg6 : memref<!tpu.dma_semaphore, #tpu.memory_space<semaphore_mem>>) src(%dma_wait3A_59 : memref<16384xf32, #tpu.memory_space<hbm>>) dst(%arg4 : memref<16384xf32, #tpu.memory_space<vmem>>)
    %scan3A_60 = arith.constant 0 : i32
    %scan3A_61 = arith.constant 0 : i32
    %scan3A_62 = arith.constant 128 : i32
    %scan3A_63 = arith.addi %scan3A_61, %scan3A_62 : i32
    %scan3A_64 = arith.constant 1 : i32
    %scan3A_65 = scf.for %scan3A_550 = %scan3A_61 to %scan3A_63 step %scan3A_64 iter_args(%scan3A_551 = %scan3A_60) -> (i32)  : i32 {
      %mul3A_552 = arith.constant 8 : i32
      %mul3A_553 = arith.muli %scan3A_550, %mul3A_552 : i32
      %add3A_554 = arith.constant 0 : i32
      %add3A_555 = arith.addi %mul3A_553, %add3A_554 : i32
      %mul3A_556 = arith.constant 16 : i32
      %mul3A_557 = arith.muli %add3A_555, %mul3A_556 : i32
      %get3A_558 = arith.index_cast %mul3A_557 : i32 to index
      %get3A_559 = tpu.vector_load %arg4[%get3A_558] {strides = array<i32>} : memref<16384xf32, #tpu.memory_space<vmem>>, vector<16xf32>,
      %bitcast3A_560 = vector.bitcast %get3A_559 : vector<16xf32> to vector<16xi32>
      %shift_right_arithmetic3A_561 = arith.constant 20 : i32
      %shift_right_arithmetic3A_562 = vector.broadcast %shift_right_arithmetic3A_561 : i32 to vector<16xi32>
      %shift_right_arithmetic3A_563 = arith.shrsi %bitcast3A_560, %shift_right_arithmetic3A_562 : vector<16xi32>
      %add3A_564 = arith.addi %shift_right_arithmetic3A_563, %mul3A_53 : vector<16xi32>
      tpu.vector_store_idx %arg8[%add3A_564], %broadcast_in_dim3A_40 {add = true} : memref<32768xi32, #tpu.memory_space<vmem>>[vector<16xi32>], vector<16xi32>,
      %mul3A_565 = arith.constant 8 : i32
      %mul3A_566 = arith.muli %scan3A_550, %mul3A_565 : i32
      %add3A_567 = arith.constant 1 : i32
      %add3A_568 = arith.addi %mul3A_566, %add3A_567 : i32
      %mul3A_569 = arith.constant 16 : i32
      %mul3A_570 = arith.muli %add3A_568, %mul3A_569 : i32
      %get3A_571 = arith.index_cast %mul3A_570 : i32 to index
      %get3A_572 = tpu.vector_load %arg4[%get3A_571] {strides = array<i32>} : memref<16384xf32, #tpu.memory_space<vmem>>, vector<16xf32>,
      %bitcast3A_573 = vector.bitcast %get3A_572 : vector<16xf32> to vector<16xi32>
      %shift_right_arithmetic3A_574 = arith.constant 20 : i32
      %shift_right_arithmetic3A_575 = vector.broadcast %shift_right_arithmetic3A_574 : i32 to vector<16xi32>
      %shift_right_arithmetic3A_576 = arith.shrsi %bitcast3A_573, %shift_right_arithmetic3A_575 : vector<16xi32>
      %add3A_577 = arith.addi %shift_right_arithmetic3A_576, %mul3A_53 : vector<16xi32>
      tpu.vector_store_idx %arg8[%add3A_577], %broadcast_in_dim3A_40 {add = true} : memref<32768xi32, #tpu.memory_space<vmem>>[vector<16xi32>], vector<16xi32>,
      %mul3A_578 = arith.constant 8 : i32
      %mul3A_579 = arith.muli %scan3A_550, %mul3A_578 : i32
      %add3A_580 = arith.constant 2 : i32
      %add3A_581 = arith.addi %mul3A_579, %add3A_580 : i32
      %mul3A_582 = arith.constant 16 : i32
      %mul3A_583 = arith.muli %add3A_581, %mul3A_582 : i32
      %get3A_584 = arith.index_cast %mul3A_583 : i32 to index
      %get3A_585 = tpu.vector_load %arg4[%get3A_584] {strides = array<i32>} : memref<16384xf32, #tpu.memory_space<vmem>>, vector<16xf32>,
      %bitcast3A_586 = vector.bitcast %get3A_585 : vector<16xf32> to vector<16xi32>
      %shift_right_arithmetic3A_587 = arith.constant 20 : i32
      %shift_right_arithmetic3A_588 = vector.broadcast %shift_right_arithmetic3A_587 : i32 to vector<16xi32>
      %shift_right_arithmetic3A_589 = arith.shrsi %bitcast3A_586, %shift_right_arithmetic3A_588 : vector<16xi32>
      %add3A_590 = arith.addi %shift_right_arithmetic3A_589, %mul3A_53 : vector<16xi32>
      tpu.vector_store_idx %arg8[%add3A_590], %broadcast_in_dim3A_40 {add = true} : memref<32768xi32, #tpu.memory_space<vmem>>[vector<16xi32>], vector<16xi32>,
      %mul3A_591 = arith.constant 8 : i32
      %mul3A_592 = arith.muli %scan3A_550, %mul3A_591 : i32
      %add3A_593 = arith.constant 3 : i32
      %add3A_594 = arith.addi %mul3A_592, %add3A_593 : i32
      %mul3A_595 = arith.constant 16 : i32
      %mul3A_596 = arith.muli %add3A_594, %mul3A_595 : i32
      %get3A_597 = arith.index_cast %mul3A_596 : i32 to index
      %get3A_598 = tpu.vector_load %arg4[%get3A_597] {strides = array<i32>} : memref<16384xf32, #tpu.memory_space<vmem>>, vector<16xf32>,
      %bitcast3A_599 = vector.bitcast %get3A_598 : vector<16xf32> to vector<16xi32>
      %shift_right_arithmetic3A_600 = arith.constant 20 : i32
      %shift_right_arithmetic3A_601 = vector.broadcast %shift_right_arithmetic3A_600 : i32 to vector<16xi32>
      %shift_right_arithmetic3A_602 = arith.shrsi %bitcast3A_599, %shift_right_arithmetic3A_601 : vector<16xi32>
      %add3A_603 = arith.addi %shift_right_arithmetic3A_602, %mul3A_53 : vector<16xi32>
      tpu.vector_store_idx %arg8[%add3A_603], %broadcast_in_dim3A_40 {add = true} : memref<32768xi32, #tpu.memory_space<vmem>>[vector<16xi32>], vector<16xi32>,
      %mul3A_604 = arith.constant 8 : i32
      %mul3A_605 = arith.muli %scan3A_550, %mul3A_604 : i32
      %add3A_606 = arith.constant 4 : i32
      %add3A_607 = arith.addi %mul3A_605, %add3A_606 : i32
      %mul3A_608 = arith.constant 16 : i32
      %mul3A_609 = arith.muli %add3A_607, %mul3A_608 : i32
      %get3A_610 = arith.index_cast %mul3A_609 : i32 to index
      %get3A_611 = tpu.vector_load %arg4[%get3A_610] {strides = array<i32>} : memref<16384xf32, #tpu.memory_space<vmem>>, vector<16xf32>,
      %bitcast3A_612 = vector.bitcast %get3A_611 : vector<16xf32> to vector<16xi32>
      %shift_right_arithmetic3A_613 = arith.constant 20 : i32
      %shift_right_arithmetic3A_614 = vector.broadcast %shift_right_arithmetic3A_613 : i32 to vector<16xi32>
      %shift_right_arithmetic3A_615 = arith.shrsi %bitcast3A_612, %shift_right_arithmetic3A_614 : vector<16xi32>
      %add3A_616 = arith.addi %shift_right_arithmetic3A_615, %mul3A_53 : vector<16xi32>
      tpu.vector_store_idx %arg8[%add3A_616], %broadcast_in_dim3A_40 {add = true} : memref<32768xi32, #tpu.memory_space<vmem>>[vector<16xi32>], vector<16xi32>,
      %mul3A_617 = arith.constant 8 : i32
      %mul3A_618 = arith.muli %scan3A_550, %mul3A_617 : i32
      %add3A_619 = arith.constant 5 : i32
      %add3A_620 = arith.addi %mul3A_618, %add3A_619 : i32
      %mul3A_621 = arith.constant 16 : i32
      %mul3A_622 = arith.muli %add3A_620, %mul3A_621 : i32
      %get3A_623 = arith.index_cast %mul3A_622 : i32 to index
      %get3A_624 = tpu.vector_load %arg4[%get3A_623] {strides = array<i32>} : memref<16384xf32, #tpu.memory_space<vmem>>, vector<16xf32>,
      %bitcast3A_625 = vector.bitcast %get3A_624 : vector<16xf32> to vector<16xi32>
      %shift_right_arithmetic3A_626 = arith.constant 20 : i32
      %shift_right_arithmetic3A_627 = vector.broadcast %shift_right_arithmetic3A_626 : i32 to vector<16xi32>
      %shift_right_arithmetic3A_628 = arith.shrsi %bitcast3A_625, %shift_right_arithmetic3A_627 : vector<16xi32>
      %add3A_629 = arith.addi %shift_right_arithmetic3A_628, %mul3A_53 : vector<16xi32>
      tpu.vector_store_idx %arg8[%add3A_629], %broadcast_in_dim3A_40 {add = true} : memref<32768xi32, #tpu.memory_space<vmem>>[vector<16xi32>], vector<16xi32>,
      %mul3A_630 = arith.constant 8 : i32
      %mul3A_631 = arith.muli %scan3A_550, %mul3A_630 : i32
      %add3A_632 = arith.constant 6 : i32
      %add3A_633 = arith.addi %mul3A_631, %add3A_632 : i32
      %mul3A_634 = arith.constant 16 : i32
      %mul3A_635 = arith.muli %add3A_633, %mul3A_634 : i32
      %get3A_636 = arith.index_cast %mul3A_635 : i32 to index
      %get3A_637 = tpu.vector_load %arg4[%get3A_636] {strides = array<i32>} : memref<16384xf32, #tpu.memory_space<vmem>>, vector<16xf32>,
      %bitcast3A_638 = vector.bitcast %get3A_637 : vector<16xf32> to vector<16xi32>
      %shift_right_arithmetic3A_639 = arith.constant 20 : i32
      %shift_right_arithmetic3A_640 = vector.broadcast %shift_right_arithmetic3A_639 : i32 to vector<16xi32>
      %shift_right_arithmetic3A_641 = arith.shrsi %bitcast3A_638, %shift_right_arithmetic3A_640 : vector<16xi32>
      %add3A_642 = arith.addi %shift_right_arithmetic3A_641, %mul3A_53 : vector<16xi32>
      tpu.vector_store_idx %arg8[%add3A_642], %broadcast_in_dim3A_40 {add = true} : memref<32768xi32, #tpu.memory_space<vmem>>[vector<16xi32>], vector<16xi32>,
      %mul3A_643 = arith.constant 8 : i32
      %mul3A_644 = arith.muli %scan3A_550, %mul3A_643 : i32
      %add3A_645 = arith.constant 7 : i32
      %add3A_646 = arith.addi %mul3A_644, %add3A_645 : i32
      %mul3A_647 = arith.constant 16 : i32
      %mul3A_648 = arith.muli %add3A_646, %mul3A_647 : i32
      %get3A_649 = arith.index_cast %mul3A_648 : i32 to index
      %get3A_650 = tpu.vector_load %arg4[%get3A_649] {strides = array<i32>} : memref<16384xf32, #tpu.memory_space<vmem>>, vector<16xf32>,
      %bitcast3A_651 = vector.bitcast %get3A_650 : vector<16xf32> to vector<16xi32>
      %shift_right_arithmetic3A_652 = arith.constant 20 : i32
      %shift_right_arithmetic3A_653 = vector.broadcast %shift_right_arithmetic3A_652 : i32 to vector<16xi32>
      %shift_right_arithmetic3A_654 = arith.shrsi %bitcast3A_651, %shift_right_arithmetic3A_653 : vector<16xi32>
      %add3A_655 = arith.addi %shift_right_arithmetic3A_654, %mul3A_53 : vector<16xi32>
      tpu.vector_store_idx %arg8[%add3A_655], %broadcast_in_dim3A_40 {add = true} : memref<32768xi32, #tpu.memory_space<vmem>>[vector<16xi32>], vector<16xi32>,
      %scan3A_656 = arith.constant 0 : i32
      scf.yield %scan3A_656 : i32
    }
    %scan3A_66 = arith.constant 128 : i32
    %add3A_67 = arith.constant 32768 : i32
    %add3A_68 = arith.addi %add3A_39, %add3A_67 : i32
    %dma_start3A_69 = tpu.memref_slice %arg2[%add3A_68] : memref<4194304xf32, #tpu.memory_space<hbm>> -> memref<16384xf32, #tpu.memory_space<hbm>>
    %dma_start3A_70 = tpu.memref_slice %arg2[%add3A_68] : memref<4194304xf32, #tpu.memory_space<hbm>> -> memref<16384xf32, #tpu.memory_space<hbm>>
    tpu.enqueue_dma source(%dma_start3A_70 : memref<16384xf32, #tpu.memory_space<hbm>>) target(%arg4 : memref<16384xf32, #tpu.memory_space<vmem>>) target_semaphore(%arg6 : memref<!tpu.dma_semaphore, #tpu.memory_space<semaphore_mem>>)
    %dma_wait3A_71 = tpu.memref_slice %arg2[%add3A_56] : memref<4194304xf32, #tpu.memory_space<hbm>> -> memref<16384xf32, #tpu.memory_space<hbm>>
    %dma_wait3A_72 = tpu.memref_slice %arg2[%add3A_56] : memref<4194304xf32, #tpu.memory_space<hbm>> -> memref<16384xf32, #tpu.memory_space<hbm>>
    tpu.wait_dma2 semaphore(%arg7 : memref<!tpu.dma_semaphore, #tpu.memory_space<semaphore_mem>>) src(%dma_wait3A_72 : memref<16384xf32, #tpu.memory_space<hbm>>) dst(%arg5 : memref<16384xf32, #tpu.memory_space<vmem>>)
    %scan3A_73 = arith.constant 0 : i32
    %scan3A_74 = arith.constant 0 : i32
    %scan3A_75 = arith.constant 128 : i32
    %scan3A_76 = arith.addi %scan3A_74, %scan3A_75 : i32
    %scan3A_77 = arith.constant 1 : i32
    %scan3A_78 = scf.for %scan3A_550 = %scan3A_74 to %scan3A_76 step %scan3A_77 iter_args(%scan3A_551 = %scan3A_73) -> (i32)  : i32 {
      %mul3A_552 = arith.constant 8 : i32
      %mul3A_553 = arith.muli %scan3A_550, %mul3A_552 : i32
      %add3A_554 = arith.constant 0 : i32
      %add3A_555 = arith.addi %mul3A_553, %add3A_554 : i32
      %mul3A_556 = arith.constant 16 : i32
      %mul3A_557 = arith.muli %add3A_555, %mul3A_556 : i32
      %get3A_558 = arith.index_cast %mul3A_557 : i32 to index
      %get3A_559 = tpu.vector_load %arg5[%get3A_558] {strides = array<i32>} : memref<16384xf32, #tpu.memory_space<vmem>>, vector<16xf32>,
      %bitcast3A_560 = vector.bitcast %get3A_559 : vector<16xf32> to vector<16xi32>
      %shift_right_arithmetic3A_561 = arith.constant 20 : i32
      %shift_right_arithmetic3A_562 = vector.broadcast %shift_right_arithmetic3A_561 : i32 to vector<16xi32>
      %shift_right_arithmetic3A_563 = arith.shrsi %bitcast3A_560, %shift_right_arithmetic3A_562 : vector<16xi32>
      %add3A_564 = arith.addi %shift_right_arithmetic3A_563, %mul3A_53 : vector<16xi32>
      tpu.vector_store_idx %arg8[%add3A_564], %broadcast_in_dim3A_40 {add = true} : memref<32768xi32, #tpu.memory_space<vmem>>[vector<16xi32>], vector<16xi32>,
      %mul3A_565 = arith.constant 8 : i32
      %mul3A_566 = arith.muli %scan3A_550, %mul3A_565 : i32
      %add3A_567 = arith.constant 1 : i32
      %add3A_568 = arith.addi %mul3A_566, %add3A_567 : i32
      %mul3A_569 = arith.constant 16 : i32
      %mul3A_570 = arith.muli %add3A_568, %mul3A_569 : i32
      %get3A_571 = arith.index_cast %mul3A_570 : i32 to index
      %get3A_572 = tpu.vector_load %arg5[%get3A_571] {strides = array<i32>} : memref<16384xf32, #tpu.memory_space<vmem>>, vector<16xf32>,
      %bitcast3A_573 = vector.bitcast %get3A_572 : vector<16xf32> to vector<16xi32>
      %shift_right_arithmetic3A_574 = arith.constant 20 : i32
      %shift_right_arithmetic3A_575 = vector.broadcast %shift_right_arithmetic3A_574 : i32 to vector<16xi32>
      %shift_right_arithmetic3A_576 = arith.shrsi %bitcast3A_573, %shift_right_arithmetic3A_575 : vector<16xi32>
      %add3A_577 = arith.addi %shift_right_arithmetic3A_576, %mul3A_53 : vector<16xi32>
      tpu.vector_store_idx %arg8[%add3A_577], %broadcast_in_dim3A_40 {add = true} : memref<32768xi32, #tpu.memory_space<vmem>>[vector<16xi32>], vector<16xi32>,
      %mul3A_578 = arith.constant 8 : i32
      %mul3A_579 = arith.muli %scan3A_550, %mul3A_578 : i32
      %add3A_580 = arith.constant 2 : i32
      %add3A_581 = arith.addi %mul3A_579, %add3A_580 : i32
      %mul3A_582 = arith.constant 16 : i32
      %mul3A_583 = arith.muli %add3A_581, %mul3A_582 : i32
      %get3A_584 = arith.index_cast %mul3A_583 : i32 to index
      %get3A_585 = tpu.vector_load %arg5[%get3A_584] {strides = array<i32>} : memref<16384xf32, #tpu.memory_space<vmem>>, vector<16xf32>,
      %bitcast3A_586 = vector.bitcast %get3A_585 : vector<16xf32> to vector<16xi32>
      %shift_right_arithmetic3A_587 = arith.constant 20 : i32
      %shift_right_arithmetic3A_588 = vector.broadcast %shift_right_arithmetic3A_587 : i32 to vector<16xi32>
      %shift_right_arithmetic3A_589 = arith.shrsi %bitcast3A_586, %shift_right_arithmetic3A_588 : vector<16xi32>
      %add3A_590 = arith.addi %shift_right_arithmetic3A_589, %mul3A_53 : vector<16xi32>
      tpu.vector_store_idx %arg8[%add3A_590], %broadcast_in_dim3A_40 {add = true} : memref<32768xi32, #tpu.memory_space<vmem>>[vector<16xi32>], vector<16xi32>,
      %mul3A_591 = arith.constant 8 : i32
      %mul3A_592 = arith.muli %scan3A_550, %mul3A_591 : i32
      %add3A_593 = arith.constant 3 : i32
      %add3A_594 = arith.addi %mul3A_592, %add3A_593 : i32
      %mul3A_595 = arith.constant 16 : i32
      %mul3A_596 = arith.muli %add3A_594, %mul3A_595 : i32
      %get3A_597 = arith.index_cast %mul3A_596 : i32 to index
      %get3A_598 = tpu.vector_load %arg5[%get3A_597] {strides = array<i32>} : memref<16384xf32, #tpu.memory_space<vmem>>, vector<16xf32>,
      %bitcast3A_599 = vector.bitcast %get3A_598 : vector<16xf32> to vector<16xi32>
      %shift_right_arithmetic3A_600 = arith.constant 20 : i32
      %shift_right_arithmetic3A_601 = vector.broadcast %shift_right_arithmetic3A_600 : i32 to vector<16xi32>
      %shift_right_arithmetic3A_602 = arith.shrsi %bitcast3A_599, %shift_right_arithmetic3A_601 : vector<16xi32>
      %add3A_603 = arith.addi %shift_right_arithmetic3A_602, %mul3A_53 : vector<16xi32>
      tpu.vector_store_idx %arg8[%add3A_603], %broadcast_in_dim3A_40 {add = true} : memref<32768xi32, #tpu.memory_space<vmem>>[vector<16xi32>], vector<16xi32>,
      %mul3A_604 = arith.constant 8 : i32
      %mul3A_605 = arith.muli %scan3A_550, %mul3A_604 : i32
      %add3A_606 = arith.constant 4 : i32
      %add3A_607 = arith.addi %mul3A_605, %add3A_606 : i32
      %mul3A_608 = arith.constant 16 : i32
      %mul3A_609 = arith.muli %add3A_607, %mul3A_608 : i32
      %get3A_610 = arith.index_cast %mul3A_609 : i32 to index
      %get3A_611 = tpu.vector_load %arg5[%get3A_610] {strides = array<i32>} : memref<16384xf32, #tpu.memory_space<vmem>>, vector<16xf32>,
      %bitcast3A_612 = vector.bitcast %get3A_611 : vector<16xf32> to vector<16xi32>
      %shift_right_arithmetic3A_613 = arith.constant 20 : i32
      %shift_right_arithmetic3A_614 = vector.broadcast %shift_right_arithmetic3A_613 : i32 to vector<16xi32>
      %shift_right_arithmetic3A_615 = arith.shrsi %bitcast3A_612, %shift_right_arithmetic3A_614 : vector<16xi32>
      %add3A_616 = arith.addi %shift_right_arithmetic3A_615, %mul3A_53 : vector<16xi32>
      tpu.vector_store_idx %arg8[%add3A_616], %broadcast_in_dim3A_40 {add = true} : memref<32768xi32, #tpu.memory_space<vmem>>[vector<16xi32>], vector<16xi32>,
      %mul3A_617 = arith.constant 8 : i32
      %mul3A_618 = arith.muli %scan3A_550, %mul3A_617 : i32
      %add3A_619 = arith.constant 5 : i32
      %add3A_620 = arith.addi %mul3A_618, %add3A_619 : i32
      %mul3A_621 = arith.constant 16 : i32
      %mul3A_622 = arith.muli %add3A_620, %mul3A_621 : i32
      %get3A_623 = arith.index_cast %mul3A_622 : i32 to index
      %get3A_624 = tpu.vector_load %arg5[%get3A_623] {strides = array<i32>} : memref<16384xf32, #tpu.memory_space<vmem>>, vector<16xf32>,
      %bitcast3A_625 = vector.bitcast %get3A_624 : vector<16xf32> to vector<16xi32>
      %shift_right_arithmetic3A_626 = arith.constant 20 : i32
      %shift_right_arithmetic3A_627 = vector.broadcast %shift_right_arithmetic3A_626 : i32 to vector<16xi32>
      %shift_right_arithmetic3A_628 = arith.shrsi %bitcast3A_625, %shift_right_arithmetic3A_627 : vector<16xi32>
      %add3A_629 = arith.addi %shift_right_arithmetic3A_628, %mul3A_53 : vector<16xi32>
      tpu.vector_store_idx %arg8[%add3A_629], %broadcast_in_dim3A_40 {add = true} : memref<32768xi32, #tpu.memory_space<vmem>>[vector<16xi32>], vector<16xi32>,
      %mul3A_630 = arith.constant 8 : i32
      %mul3A_631 = arith.muli %scan3A_550, %mul3A_630 : i32
      %add3A_632 = arith.constant 6 : i32
      %add3A_633 = arith.addi %mul3A_631, %add3A_632 : i32
      %mul3A_634 = arith.constant 16 : i32
      %mul3A_635 = arith.muli %add3A_633, %mul3A_634 : i32
      %get3A_636 = arith.index_cast %mul3A_635 : i32 to index
      %get3A_637 = tpu.vector_load %arg5[%get3A_636] {strides = array<i32>} : memref<16384xf32, #tpu.memory_space<vmem>>, vector<16xf32>,
      %bitcast3A_638 = vector.bitcast %get3A_637 : vector<16xf32> to vector<16xi32>
      %shift_right_arithmetic3A_639 = arith.constant 20 : i32
      %shift_right_arithmetic3A_640 = vector.broadcast %shift_right_arithmetic3A_639 : i32 to vector<16xi32>
      %shift_right_arithmetic3A_641 = arith.shrsi %bitcast3A_638, %shift_right_arithmetic3A_640 : vector<16xi32>
      %add3A_642 = arith.addi %shift_right_arithmetic3A_641, %mul3A_53 : vector<16xi32>
      tpu.vector_store_idx %arg8[%add3A_642], %broadcast_in_dim3A_40 {add = true} : memref<32768xi32, #tpu.memory_space<vmem>>[vector<16xi32>], vector<16xi32>,
      %mul3A_643 = arith.constant 8 : i32
      %mul3A_644 = arith.muli %scan3A_550, %mul3A_643 : i32
      %add3A_645 = arith.constant 7 : i32
      %add3A_646 = arith.addi %mul3A_644, %add3A_645 : i32
      %mul3A_647 = arith.constant 16 : i32
      %mul3A_648 = arith.muli %add3A_646, %mul3A_647 : i32
      %get3A_649 = arith.index_cast %mul3A_648 : i32 to index
      %get3A_650 = tpu.vector_load %arg5[%get3A_649] {strides = array<i32>} : memref<16384xf32, #tpu.memory_space<vmem>>, vector<16xf32>,
      %bitcast3A_651 = vector.bitcast %get3A_650 : vector<16xf32> to vector<16xi32>
      %shift_right_arithmetic3A_652 = arith.constant 20 : i32
      %shift_right_arithmetic3A_653 = vector.broadcast %shift_right_arithmetic3A_652 : i32 to vector<16xi32>
      %shift_right_arithmetic3A_654 = arith.shrsi %bitcast3A_651, %shift_right_arithmetic3A_653 : vector<16xi32>
      %add3A_655 = arith.addi %shift_right_arithmetic3A_654, %mul3A_53 : vector<16xi32>
      tpu.vector_store_idx %arg8[%add3A_655], %broadcast_in_dim3A_40 {add = true} : memref<32768xi32, #tpu.memory_space<vmem>>[vector<16xi32>], vector<16xi32>,
      %scan3A_656 = arith.constant 0 : i32
      scf.yield %scan3A_656 : i32
    }
    %scan3A_79 = arith.constant 128 : i32
    %add3A_80 = arith.constant 49152 : i32
    %add3A_81 = arith.addi %add3A_39, %add3A_80 : i32
    %dma_start3A_82 = tpu.memref_slice %arg2[%add3A_81] : memref<4194304xf32, #tpu.memory_space<hbm>> -> memref<16384xf32, #tpu.memory_space<hbm>>
    %dma_start3A_83 = tpu.memref_slice %arg2[%add3A_81] : memref<4194304xf32, #tpu.memory_space<hbm>> -> memref<16384xf32, #tpu.memory_space<hbm>>
    tpu.enqueue_dma source(%dma_start3A_83 : memref<16384xf32, #tpu.memory_space<hbm>>) target(%arg5 : memref<16384xf32, #tpu.memory_space<vmem>>) target_semaphore(%arg7 : memref<!tpu.dma_semaphore, #tpu.memory_space<semaphore_mem>>)
    %dma_wait3A_84 = tpu.memref_slice %arg2[%add3A_68] : memref<4194304xf32, #tpu.memory_space<hbm>> -> memref<16384xf32, #tpu.memory_space<hbm>>
    %dma_wait3A_85 = tpu.memref_slice %arg2[%add3A_68] : memref<4194304xf32, #tpu.memory_space<hbm>> -> memref<16384xf32, #tpu.memory_space<hbm>>
    tpu.wait_dma2 semaphore(%arg6 : memref<!tpu.dma_semaphore, #tpu.memory_space<semaphore_mem>>) src(%dma_wait3A_85 : memref<16384xf32, #tpu.memory_space<hbm>>) dst(%arg4 : memref<16384xf32, #tpu.memory_space<vmem>>)
    %scan3A_86 = arith.constant 0 : i32
    %scan3A_87 = arith.constant 0 : i32
    %scan3A_88 = arith.constant 128 : i32
    %scan3A_89 = arith.addi %scan3A_87, %scan3A_88 : i32
    %scan3A_90 = arith.constant 1 : i32
    %scan3A_91 = scf.for %scan3A_550 = %scan3A_87 to %scan3A_89 step %scan3A_90 iter_args(%scan3A_551 = %scan3A_86) -> (i32)  : i32 {
      %mul3A_552 = arith.constant 8 : i32
      %mul3A_553 = arith.muli %scan3A_550, %mul3A_552 : i32
      %add3A_554 = arith.constant 0 : i32
      %add3A_555 = arith.addi %mul3A_553, %add3A_554 : i32
      %mul3A_556 = arith.constant 16 : i32
      %mul3A_557 = arith.muli %add3A_555, %mul3A_556 : i32
      %get3A_558 = arith.index_cast %mul3A_557 : i32 to index
      %get3A_559 = tpu.vector_load %arg4[%get3A_558] {strides = array<i32>} : memref<16384xf32, #tpu.memory_space<vmem>>, vector<16xf32>,
      %bitcast3A_560 = vector.bitcast %get3A_559 : vector<16xf32> to vector<16xi32>
      %shift_right_arithmetic3A_561 = arith.constant 20 : i32
      %shift_right_arithmetic3A_562 = vector.broadcast %shift_right_arithmetic3A_561 : i32 to vector<16xi32>
      %shift_right_arithmetic3A_563 = arith.shrsi %bitcast3A_560, %shift_right_arithmetic3A_562 : vector<16xi32>
      %add3A_564 = arith.addi %shift_right_arithmetic3A_563, %mul3A_53 : vector<16xi32>
      tpu.vector_store_idx %arg8[%add3A_564], %broadcast_in_dim3A_40 {add = true} : memref<32768xi32, #tpu.memory_space<vmem>>[vector<16xi32>], vector<16xi32>,
      %mul3A_565 = arith.constant 8 : i32
      %mul3A_566 = arith.muli %scan3A_550, %mul3A_565 : i32
      %add3A_567 = arith.constant 1 : i32
      %add3A_568 = arith.addi %mul3A_566, %add3A_567 : i32
      %mul3A_569 = arith.constant 16 : i32
      %mul3A_570 = arith.muli %add3A_568, %mul3A_569 : i32
      %get3A_571 = arith.index_cast %mul3A_570 : i32 to index
      %get3A_572 = tpu.vector_load %arg4[%get3A_571] {strides = array<i32>} : memref<16384xf32, #tpu.memory_space<vmem>>, vector<16xf32>,
      %bitcast3A_573 = vector.bitcast %get3A_572 : vector<16xf32> to vector<16xi32>
      %shift_right_arithmetic3A_574 = arith.constant 20 : i32
      %shift_right_arithmetic3A_575 = vector.broadcast %shift_right_arithmetic3A_574 : i32 to vector<16xi32>
      %shift_right_arithmetic3A_576 = arith.shrsi %bitcast3A_573, %shift_right_arithmetic3A_575 : vector<16xi32>
      %add3A_577 = arith.addi %shift_right_arithmetic3A_576, %mul3A_53 : vector<16xi32>
      tpu.vector_store_idx %arg8[%add3A_577], %broadcast_in_dim3A_40 {add = true} : memref<32768xi32, #tpu.memory_space<vmem>>[vector<16xi32>], vector<16xi32>,
      %mul3A_578 = arith.constant 8 : i32
      %mul3A_579 = arith.muli %scan3A_550, %mul3A_578 : i32
      %add3A_580 = arith.constant 2 : i32
      %add3A_581 = arith.addi %mul3A_579, %add3A_580 : i32
      %mul3A_582 = arith.constant 16 : i32
      %mul3A_583 = arith.muli %add3A_581, %mul3A_582 : i32
      %get3A_584 = arith.index_cast %mul3A_583 : i32 to index
      %get3A_585 = tpu.vector_load %arg4[%get3A_584] {strides = array<i32>} : memref<16384xf32, #tpu.memory_space<vmem>>, vector<16xf32>,
      %bitcast3A_586 = vector.bitcast %get3A_585 : vector<16xf32> to vector<16xi32>
      %shift_right_arithmetic3A_587 = arith.constant 20 : i32
      %shift_right_arithmetic3A_588 = vector.broadcast %shift_right_arithmetic3A_587 : i32 to vector<16xi32>
      %shift_right_arithmetic3A_589 = arith.shrsi %bitcast3A_586, %shift_right_arithmetic3A_588 : vector<16xi32>
      %add3A_590 = arith.addi %shift_right_arithmetic3A_589, %mul3A_53 : vector<16xi32>
      tpu.vector_store_idx %arg8[%add3A_590], %broadcast_in_dim3A_40 {add = true} : memref<32768xi32, #tpu.memory_space<vmem>>[vector<16xi32>], vector<16xi32>,
      %mul3A_591 = arith.constant 8 : i32
      %mul3A_592 = arith.muli %scan3A_550, %mul3A_591 : i32
      %add3A_593 = arith.constant 3 : i32
      %add3A_594 = arith.addi %mul3A_592, %add3A_593 : i32
      %mul3A_595 = arith.constant 16 : i32
      %mul3A_596 = arith.muli %add3A_594, %mul3A_595 : i32
      %get3A_597 = arith.index_cast %mul3A_596 : i32 to index
      %get3A_598 = tpu.vector_load %arg4[%get3A_597] {strides = array<i32>} : memref<16384xf32, #tpu.memory_space<vmem>>, vector<16xf32>,
      %bitcast3A_599 = vector.bitcast %get3A_598 : vector<16xf32> to vector<16xi32>
      %shift_right_arithmetic3A_600 = arith.constant 20 : i32
      %shift_right_arithmetic3A_601 = vector.broadcast %shift_right_arithmetic3A_600 : i32 to vector<16xi32>
      %shift_right_arithmetic3A_602 = arith.shrsi %bitcast3A_599, %shift_right_arithmetic3A_601 : vector<16xi32>
      %add3A_603 = arith.addi %shift_right_arithmetic3A_602, %mul3A_53 : vector<16xi32>
      tpu.vector_store_idx %arg8[%add3A_603], %broadcast_in_dim3A_40 {add = true} : memref<32768xi32, #tpu.memory_space<vmem>>[vector<16xi32>], vector<16xi32>,
      %mul3A_604 = arith.constant 8 : i32
      %mul3A_605 = arith.muli %scan3A_550, %mul3A_604 : i32
      %add3A_606 = arith.constant 4 : i32
      %add3A_607 = arith.addi %mul3A_605, %add3A_606 : i32
      %mul3A_608 = arith.constant 16 : i32
      %mul3A_609 = arith.muli %add3A_607, %mul3A_608 : i32
      %get3A_610 = arith.index_cast %mul3A_609 : i32 to index
      %get3A_611 = tpu.vector_load %arg4[%get3A_610] {strides = array<i32>} : memref<16384xf32, #tpu.memory_space<vmem>>, vector<16xf32>,
      %bitcast3A_612 = vector.bitcast %get3A_611 : vector<16xf32> to vector<16xi32>
      %shift_right_arithmetic3A_613 = arith.constant 20 : i32
      %shift_right_arithmetic3A_614 = vector.broadcast %shift_right_arithmetic3A_613 : i32 to vector<16xi32>
      %shift_right_arithmetic3A_615 = arith.shrsi %bitcast3A_612, %shift_right_arithmetic3A_614 : vector<16xi32>
      %add3A_616 = arith.addi %shift_right_arithmetic3A_615, %mul3A_53 : vector<16xi32>
      tpu.vector_store_idx %arg8[%add3A_616], %broadcast_in_dim3A_40 {add = true} : memref<32768xi32, #tpu.memory_space<vmem>>[vector<16xi32>], vector<16xi32>,
      %mul3A_617 = arith.constant 8 : i32
      %mul3A_618 = arith.muli %scan3A_550, %mul3A_617 : i32
      %add3A_619 = arith.constant 5 : i32
      %add3A_620 = arith.addi %mul3A_618, %add3A_619 : i32
      %mul3A_621 = arith.constant 16 : i32
      %mul3A_622 = arith.muli %add3A_620, %mul3A_621 : i32
      %get3A_623 = arith.index_cast %mul3A_622 : i32 to index
      %get3A_624 = tpu.vector_load %arg4[%get3A_623] {strides = array<i32>} : memref<16384xf32, #tpu.memory_space<vmem>>, vector<16xf32>,
      %bitcast3A_625 = vector.bitcast %get3A_624 : vector<16xf32> to vector<16xi32>
      %shift_right_arithmetic3A_626 = arith.constant 20 : i32
      %shift_right_arithmetic3A_627 = vector.broadcast %shift_right_arithmetic3A_626 : i32 to vector<16xi32>
      %shift_right_arithmetic3A_628 = arith.shrsi %bitcast3A_625, %shift_right_arithmetic3A_627 : vector<16xi32>
      %add3A_629 = arith.addi %shift_right_arithmetic3A_628, %mul3A_53 : vector<16xi32>
      tpu.vector_store_idx %arg8[%add3A_629], %broadcast_in_dim3A_40 {add = true} : memref<32768xi32, #tpu.memory_space<vmem>>[vector<16xi32>], vector<16xi32>,
      %mul3A_630 = arith.constant 8 : i32
      %mul3A_631 = arith.muli %scan3A_550, %mul3A_630 : i32
      %add3A_632 = arith.constant 6 : i32
      %add3A_633 = arith.addi %mul3A_631, %add3A_632 : i32
      %mul3A_634 = arith.constant 16 : i32
      %mul3A_635 = arith.muli %add3A_633, %mul3A_634 : i32
      %get3A_636 = arith.index_cast %mul3A_635 : i32 to index
      %get3A_637 = tpu.vector_load %arg4[%get3A_636] {strides = array<i32>} : memref<16384xf32, #tpu.memory_space<vmem>>, vector<16xf32>,
      %bitcast3A_638 = vector.bitcast %get3A_637 : vector<16xf32> to vector<16xi32>
      %shift_right_arithmetic3A_639 = arith.constant 20 : i32
      %shift_right_arithmetic3A_640 = vector.broadcast %shift_right_arithmetic3A_639 : i32 to vector<16xi32>
      %shift_right_arithmetic3A_641 = arith.shrsi %bitcast3A_638, %shift_right_arithmetic3A_640 : vector<16xi32>
      %add3A_642 = arith.addi %shift_right_arithmetic3A_641, %mul3A_53 : vector<16xi32>
      tpu.vector_store_idx %arg8[%add3A_642], %broadcast_in_dim3A_40 {add = true} : memref<32768xi32, #tpu.memory_space<vmem>>[vector<16xi32>], vector<16xi32>,
      %mul3A_643 = arith.constant 8 : i32
      %mul3A_644 = arith.muli %scan3A_550, %mul3A_643 : i32
      %add3A_645 = arith.constant 7 : i32
      %add3A_646 = arith.addi %mul3A_644, %add3A_645 : i32
      %mul3A_647 = arith.constant 16 : i32
      %mul3A_648 = arith.muli %add3A_646, %mul3A_647 : i32
      %get3A_649 = arith.index_cast %mul3A_648 : i32 to index
      %get3A_650 = tpu.vector_load %arg4[%get3A_649] {strides = array<i32>} : memref<16384xf32, #tpu.memory_space<vmem>>, vector<16xf32>,
      %bitcast3A_651 = vector.bitcast %get3A_650 : vector<16xf32> to vector<16xi32>
      %shift_right_arithmetic3A_652 = arith.constant 20 : i32
      %shift_right_arithmetic3A_653 = vector.broadcast %shift_right_arithmetic3A_652 : i32 to vector<16xi32>
      %shift_right_arithmetic3A_654 = arith.shrsi %bitcast3A_651, %shift_right_arithmetic3A_653 : vector<16xi32>
      %add3A_655 = arith.addi %shift_right_arithmetic3A_654, %mul3A_53 : vector<16xi32>
      tpu.vector_store_idx %arg8[%add3A_655], %broadcast_in_dim3A_40 {add = true} : memref<32768xi32, #tpu.memory_space<vmem>>[vector<16xi32>], vector<16xi32>,
      %scan3A_656 = arith.constant 0 : i32
      scf.yield %scan3A_656 : i32
    }
    %scan3A_92 = arith.constant 128 : i32
    %add3A_93 = arith.constant 65536 : i32
    %add3A_94 = arith.addi %add3A_39, %add3A_93 : i32
    %dma_start3A_95 = tpu.memref_slice %arg2[%add3A_94] : memref<4194304xf32, #tpu.memory_space<hbm>> -> memref<16384xf32, #tpu.memory_space<hbm>>
    %dma_start3A_96 = tpu.memref_slice %arg2[%add3A_94] : memref<4194304xf32, #tpu.memory_space<hbm>> -> memref<16384xf32, #tpu.memory_space<hbm>>
    tpu.enqueue_dma source(%dma_start3A_96 : memref<16384xf32, #tpu.memory_space<hbm>>) target(%arg4 : memref<16384xf32, #tpu.memory_space<vmem>>) target_semaphore(%arg6 : memref<!tpu.dma_semaphore, #tpu.memory_space<semaphore_mem>>)
    %dma_wait3A_97 = tpu.memref_slice %arg2[%add3A_81] : memref<4194304xf32, #tpu.memory_space<hbm>> -> memref<16384xf32, #tpu.memory_space<hbm>>
    %dma_wait3A_98 = tpu.memref_slice %arg2[%add3A_81] : memref<4194304xf32, #tpu.memory_space<hbm>> -> memref<16384xf32, #tpu.memory_space<hbm>>
    tpu.wait_dma2 semaphore(%arg7 : memref<!tpu.dma_semaphore, #tpu.memory_space<semaphore_mem>>) src(%dma_wait3A_98 : memref<16384xf32, #tpu.memory_space<hbm>>) dst(%arg5 : memref<16384xf32, #tpu.memory_space<vmem>>)
    %scan3A_99 = arith.constant 0 : i32
    %scan3A_100 = arith.constant 0 : i32
    %scan3A_101 = arith.constant 128 : i32
    %scan3A_102 = arith.addi %scan3A_100, %scan3A_101 : i32
    %scan3A_103 = arith.constant 1 : i32
    %scan3A_104 = scf.for %scan3A_550 = %scan3A_100 to %scan3A_102 step %scan3A_103 iter_args(%scan3A_551 = %scan3A_99) -> (i32)  : i32 {
      %mul3A_552 = arith.constant 8 : i32
      %mul3A_553 = arith.muli %scan3A_550, %mul3A_552 : i32
      %add3A_554 = arith.constant 0 : i32
      %add3A_555 = arith.addi %mul3A_553, %add3A_554 : i32
      %mul3A_556 = arith.constant 16 : i32
      %mul3A_557 = arith.muli %add3A_555, %mul3A_556 : i32
      %get3A_558 = arith.index_cast %mul3A_557 : i32 to index
      %get3A_559 = tpu.vector_load %arg5[%get3A_558] {strides = array<i32>} : memref<16384xf32, #tpu.memory_space<vmem>>, vector<16xf32>,
      %bitcast3A_560 = vector.bitcast %get3A_559 : vector<16xf32> to vector<16xi32>
      %shift_right_arithmetic3A_561 = arith.constant 20 : i32
      %shift_right_arithmetic3A_562 = vector.broadcast %shift_right_arithmetic3A_561 : i32 to vector<16xi32>
      %shift_right_arithmetic3A_563 = arith.shrsi %bitcast3A_560, %shift_right_arithmetic3A_562 : vector<16xi32>
      %add3A_564 = arith.addi %shift_right_arithmetic3A_563, %mul3A_53 : vector<16xi32>
      tpu.vector_store_idx %arg8[%add3A_564], %broadcast_in_dim3A_40 {add = true} : memref<32768xi32, #tpu.memory_space<vmem>>[vector<16xi32>], vector<16xi32>,
      %mul3A_565 = arith.constant 8 : i32
      %mul3A_566 = arith.muli %scan3A_550, %mul3A_565 : i32
      %add3A_567 = arith.constant 1 : i32
      %add3A_568 = arith.addi %mul3A_566, %add3A_567 : i32
      %mul3A_569 = arith.constant 16 : i32
      %mul3A_570 = arith.muli %add3A_568, %mul3A_569 : i32
      %get3A_571 = arith.index_cast %mul3A_570 : i32 to index
      %get3A_572 = tpu.vector_load %arg5[%get3A_571] {strides = array<i32>} : memref<16384xf32, #tpu.memory_space<vmem>>, vector<16xf32>,
      %bitcast3A_573 = vector.bitcast %get3A_572 : vector<16xf32> to vector<16xi32>
      %shift_right_arithmetic3A_574 = arith.constant 20 : i32
      %shift_right_arithmetic3A_575 = vector.broadcast %shift_right_arithmetic3A_574 : i32 to vector<16xi32>
      %shift_right_arithmetic3A_576 = arith.shrsi %bitcast3A_573, %shift_right_arithmetic3A_575 : vector<16xi32>
      %add3A_577 = arith.addi %shift_right_arithmetic3A_576, %mul3A_53 : vector<16xi32>
      tpu.vector_store_idx %arg8[%add3A_577], %broadcast_in_dim3A_40 {add = true} : memref<32768xi32, #tpu.memory_space<vmem>>[vector<16xi32>], vector<16xi32>,
      %mul3A_578 = arith.constant 8 : i32
      %mul3A_579 = arith.muli %scan3A_550, %mul3A_578 : i32
      %add3A_580 = arith.constant 2 : i32
      %add3A_581 = arith.addi %mul3A_579, %add3A_580 : i32
      %mul3A_582 = arith.constant 16 : i32
      %mul3A_583 = arith.muli %add3A_581, %mul3A_582 : i32
      %get3A_584 = arith.index_cast %mul3A_583 : i32 to index
      %get3A_585 = tpu.vector_load %arg5[%get3A_584] {strides = array<i32>} : memref<16384xf32, #tpu.memory_space<vmem>>, vector<16xf32>,
      %bitcast3A_586 = vector.bitcast %get3A_585 : vector<16xf32> to vector<16xi32>
      %shift_right_arithmetic3A_587 = arith.constant 20 : i32
      %shift_right_arithmetic3A_588 = vector.broadcast %shift_right_arithmetic3A_587 : i32 to vector<16xi32>
      %shift_right_arithmetic3A_589 = arith.shrsi %bitcast3A_586, %shift_right_arithmetic3A_588 : vector<16xi32>
      %add3A_590 = arith.addi %shift_right_arithmetic3A_589, %mul3A_53 : vector<16xi32>
      tpu.vector_store_idx %arg8[%add3A_590], %broadcast_in_dim3A_40 {add = true} : memref<32768xi32, #tpu.memory_space<vmem>>[vector<16xi32>], vector<16xi32>,
      %mul3A_591 = arith.constant 8 : i32
      %mul3A_592 = arith.muli %scan3A_550, %mul3A_591 : i32
      %add3A_593 = arith.constant 3 : i32
      %add3A_594 = arith.addi %mul3A_592, %add3A_593 : i32
      %mul3A_595 = arith.constant 16 : i32
      %mul3A_596 = arith.muli %add3A_594, %mul3A_595 : i32
      %get3A_597 = arith.index_cast %mul3A_596 : i32 to index
      %get3A_598 = tpu.vector_load %arg5[%get3A_597] {strides = array<i32>} : memref<16384xf32, #tpu.memory_space<vmem>>, vector<16xf32>,
      %bitcast3A_599 = vector.bitcast %get3A_598 : vector<16xf32> to vector<16xi32>
      %shift_right_arithmetic3A_600 = arith.constant 20 : i32
      %shift_right_arithmetic3A_601 = vector.broadcast %shift_right_arithmetic3A_600 : i32 to vector<16xi32>
      %shift_right_arithmetic3A_602 = arith.shrsi %bitcast3A_599, %shift_right_arithmetic3A_601 : vector<16xi32>
      %add3A_603 = arith.addi %shift_right_arithmetic3A_602, %mul3A_53 : vector<16xi32>
      tpu.vector_store_idx %arg8[%add3A_603], %broadcast_in_dim3A_40 {add = true} : memref<32768xi32, #tpu.memory_space<vmem>>[vector<16xi32>], vector<16xi32>,
      %mul3A_604 = arith.constant 8 : i32
      %mul3A_605 = arith.muli %scan3A_550, %mul3A_604 : i32
      %add3A_606 = arith.constant 4 : i32
      %add3A_607 = arith.addi %mul3A_605, %add3A_606 : i32
      %mul3A_608 = arith.constant 16 : i32
      %mul3A_609 = arith.muli %add3A_607, %mul3A_608 : i32
      %get3A_610 = arith.index_cast %mul3A_609 : i32 to index
      %get3A_611 = tpu.vector_load %arg5[%get3A_610] {strides = array<i32>} : memref<16384xf32, #tpu.memory_space<vmem>>, vector<16xf32>,
      %bitcast3A_612 = vector.bitcast %get3A_611 : vector<16xf32> to vector<16xi32>
      %shift_right_arithmetic3A_613 = arith.constant 20 : i32
      %shift_right_arithmetic3A_614 = vector.broadcast %shift_right_arithmetic3A_613 : i32 to vector<16xi32>
      %shift_right_arithmetic3A_615 = arith.shrsi %bitcast3A_612, %shift_right_arithmetic3A_614 : vector<16xi32>
      %add3A_616 = arith.addi %shift_right_arithmetic3A_615, %mul3A_53 : vector<16xi32>
      tpu.vector_store_idx %arg8[%add3A_616], %broadcast_in_dim3A_40 {add = true} : memref<32768xi32, #tpu.memory_space<vmem>>[vector<16xi32>], vector<16xi32>,
      %mul3A_617 = arith.constant 8 : i32
      %mul3A_618 = arith.muli %scan3A_550, %mul3A_617 : i32
      %add3A_619 = arith.constant 5 : i32
      %add3A_620 = arith.addi %mul3A_618, %add3A_619 : i32
      %mul3A_621 = arith.constant 16 : i32
      %mul3A_622 = arith.muli %add3A_620, %mul3A_621 : i32
      %get3A_623 = arith.index_cast %mul3A_622 : i32 to index
      %get3A_624 = tpu.vector_load %arg5[%get3A_623] {strides = array<i32>} : memref<16384xf32, #tpu.memory_space<vmem>>, vector<16xf32>,
      %bitcast3A_625 = vector.bitcast %get3A_624 : vector<16xf32> to vector<16xi32>
      %shift_right_arithmetic3A_626 = arith.constant 20 : i32
      %shift_right_arithmetic3A_627 = vector.broadcast %shift_right_arithmetic3A_626 : i32 to vector<16xi32>
      %shift_right_arithmetic3A_628 = arith.shrsi %bitcast3A_625, %shift_right_arithmetic3A_627 : vector<16xi32>
      %add3A_629 = arith.addi %shift_right_arithmetic3A_628, %mul3A_53 : vector<16xi32>
      tpu.vector_store_idx %arg8[%add3A_629], %broadcast_in_dim3A_40 {add = true} : memref<32768xi32, #tpu.memory_space<vmem>>[vector<16xi32>], vector<16xi32>,
      %mul3A_630 = arith.constant 8 : i32
      %mul3A_631 = arith.muli %scan3A_550, %mul3A_630 : i32
      %add3A_632 = arith.constant 6 : i32
      %add3A_633 = arith.addi %mul3A_631, %add3A_632 : i32
      %mul3A_634 = arith.constant 16 : i32
      %mul3A_635 = arith.muli %add3A_633, %mul3A_634 : i32
      %get3A_636 = arith.index_cast %mul3A_635 : i32 to index
      %get3A_637 = tpu.vector_load %arg5[%get3A_636] {strides = array<i32>} : memref<16384xf32, #tpu.memory_space<vmem>>, vector<16xf32>,
      %bitcast3A_638 = vector.bitcast %get3A_637 : vector<16xf32> to vector<16xi32>
      %shift_right_arithmetic3A_639 = arith.constant 20 : i32
      %shift_right_arithmetic3A_640 = vector.broadcast %shift_right_arithmetic3A_639 : i32 to vector<16xi32>
      %shift_right_arithmetic3A_641 = arith.shrsi %bitcast3A_638, %shift_right_arithmetic3A_640 : vector<16xi32>
      %add3A_642 = arith.addi %shift_right_arithmetic3A_641, %mul3A_53 : vector<16xi32>
      tpu.vector_store_idx %arg8[%add3A_642], %broadcast_in_dim3A_40 {add = true} : memref<32768xi32, #tpu.memory_space<vmem>>[vector<16xi32>], vector<16xi32>,
      %mul3A_643 = arith.constant 8 : i32
      %mul3A_644 = arith.muli %scan3A_550, %mul3A_643 : i32
      %add3A_645 = arith.constant 7 : i32
      %add3A_646 = arith.addi %mul3A_644, %add3A_645 : i32
      %mul3A_647 = arith.constant 16 : i32
      %mul3A_648 = arith.muli %add3A_646, %mul3A_647 : i32
      %get3A_649 = arith.index_cast %mul3A_648 : i32 to index
      %get3A_650 = tpu.vector_load %arg5[%get3A_649] {strides = array<i32>} : memref<16384xf32, #tpu.memory_space<vmem>>, vector<16xf32>,
      %bitcast3A_651 = vector.bitcast %get3A_650 : vector<16xf32> to vector<16xi32>
      %shift_right_arithmetic3A_652 = arith.constant 20 : i32
      %shift_right_arithmetic3A_653 = vector.broadcast %shift_right_arithmetic3A_652 : i32 to vector<16xi32>
      %shift_right_arithmetic3A_654 = arith.shrsi %bitcast3A_651, %shift_right_arithmetic3A_653 : vector<16xi32>
      %add3A_655 = arith.addi %shift_right_arithmetic3A_654, %mul3A_53 : vector<16xi32>
      tpu.vector_store_idx %arg8[%add3A_655], %broadcast_in_dim3A_40 {add = true} : memref<32768xi32, #tpu.memory_space<vmem>>[vector<16xi32>], vector<16xi32>,
      %scan3A_656 = arith.constant 0 : i32
      scf.yield %scan3A_656 : i32
    }
    %scan3A_105 = arith.constant 128 : i32
    %add3A_106 = arith.constant 81920 : i32
    %add3A_107 = arith.addi %add3A_39, %add3A_106 : i32
    %dma_start3A_108 = tpu.memref_slice %arg2[%add3A_107] : memref<4194304xf32, #tpu.memory_space<hbm>> -> memref<16384xf32, #tpu.memory_space<hbm>>
    %dma_start3A_109 = tpu.memref_slice %arg2[%add3A_107] : memref<4194304xf32, #tpu.memory_space<hbm>> -> memref<16384xf32, #tpu.memory_space<hbm>>
    tpu.enqueue_dma source(%dma_start3A_109 : memref<16384xf32, #tpu.memory_space<hbm>>) target(%arg5 : memref<16384xf32, #tpu.memory_space<vmem>>) target_semaphore(%arg7 : memref<!tpu.dma_semaphore, #tpu.memory_space<semaphore_mem>>)
    %dma_wait3A_110 = tpu.memref_slice %arg2[%add3A_94] : memref<4194304xf32, #tpu.memory_space<hbm>> -> memref<16384xf32, #tpu.memory_space<hbm>>
    %dma_wait3A_111 = tpu.memref_slice %arg2[%add3A_94] : memref<4194304xf32, #tpu.memory_space<hbm>> -> memref<16384xf32, #tpu.memory_space<hbm>>
    tpu.wait_dma2 semaphore(%arg6 : memref<!tpu.dma_semaphore, #tpu.memory_space<semaphore_mem>>) src(%dma_wait3A_111 : memref<16384xf32, #tpu.memory_space<hbm>>) dst(%arg4 : memref<16384xf32, #tpu.memory_space<vmem>>)
    %scan3A_112 = arith.constant 0 : i32
    %scan3A_113 = arith.constant 0 : i32
    %scan3A_114 = arith.constant 128 : i32
    %scan3A_115 = arith.addi %scan3A_113, %scan3A_114 : i32
    %scan3A_116 = arith.constant 1 : i32
    %scan3A_117 = scf.for %scan3A_550 = %scan3A_113 to %scan3A_115 step %scan3A_116 iter_args(%scan3A_551 = %scan3A_112) -> (i32)  : i32 {
      %mul3A_552 = arith.constant 8 : i32
      %mul3A_553 = arith.muli %scan3A_550, %mul3A_552 : i32
      %add3A_554 = arith.constant 0 : i32
      %add3A_555 = arith.addi %mul3A_553, %add3A_554 : i32
      %mul3A_556 = arith.constant 16 : i32
      %mul3A_557 = arith.muli %add3A_555, %mul3A_556 : i32
      %get3A_558 = arith.index_cast %mul3A_557 : i32 to index
      %get3A_559 = tpu.vector_load %arg4[%get3A_558] {strides = array<i32>} : memref<16384xf32, #tpu.memory_space<vmem>>, vector<16xf32>,
      %bitcast3A_560 = vector.bitcast %get3A_559 : vector<16xf32> to vector<16xi32>
      %shift_right_arithmetic3A_561 = arith.constant 20 : i32
      %shift_right_arithmetic3A_562 = vector.broadcast %shift_right_arithmetic3A_561 : i32 to vector<16xi32>
      %shift_right_arithmetic3A_563 = arith.shrsi %bitcast3A_560, %shift_right_arithmetic3A_562 : vector<16xi32>
      %add3A_564 = arith.addi %shift_right_arithmetic3A_563, %mul3A_53 : vector<16xi32>
      tpu.vector_store_idx %arg8[%add3A_564], %broadcast_in_dim3A_40 {add = true} : memref<32768xi32, #tpu.memory_space<vmem>>[vector<16xi32>], vector<16xi32>,
      %mul3A_565 = arith.constant 8 : i32
      %mul3A_566 = arith.muli %scan3A_550, %mul3A_565 : i32
      %add3A_567 = arith.constant 1 : i32
      %add3A_568 = arith.addi %mul3A_566, %add3A_567 : i32
      %mul3A_569 = arith.constant 16 : i32
      %mul3A_570 = arith.muli %add3A_568, %mul3A_569 : i32
      %get3A_571 = arith.index_cast %mul3A_570 : i32 to index
      %get3A_572 = tpu.vector_load %arg4[%get3A_571] {strides = array<i32>} : memref<16384xf32, #tpu.memory_space<vmem>>, vector<16xf32>,
      %bitcast3A_573 = vector.bitcast %get3A_572 : vector<16xf32> to vector<16xi32>
      %shift_right_arithmetic3A_574 = arith.constant 20 : i32
      %shift_right_arithmetic3A_575 = vector.broadcast %shift_right_arithmetic3A_574 : i32 to vector<16xi32>
      %shift_right_arithmetic3A_576 = arith.shrsi %bitcast3A_573, %shift_right_arithmetic3A_575 : vector<16xi32>
      %add3A_577 = arith.addi %shift_right_arithmetic3A_576, %mul3A_53 : vector<16xi32>
      tpu.vector_store_idx %arg8[%add3A_577], %broadcast_in_dim3A_40 {add = true} : memref<32768xi32, #tpu.memory_space<vmem>>[vector<16xi32>], vector<16xi32>,
      %mul3A_578 = arith.constant 8 : i32
      %mul3A_579 = arith.muli %scan3A_550, %mul3A_578 : i32
      %add3A_580 = arith.constant 2 : i32
      %add3A_581 = arith.addi %mul3A_579, %add3A_580 : i32
      %mul3A_582 = arith.constant 16 : i32
      %mul3A_583 = arith.muli %add3A_581, %mul3A_582 : i32
      %get3A_584 = arith.index_cast %mul3A_583 : i32 to index
      %get3A_585 = tpu.vector_load %arg4[%get3A_584] {strides = array<i32>} : memref<16384xf32, #tpu.memory_space<vmem>>, vector<16xf32>,
      %bitcast3A_586 = vector.bitcast %get3A_585 : vector<16xf32> to vector<16xi32>
      %shift_right_arithmetic3A_587 = arith.constant 20 : i32
      %shift_right_arithmetic3A_588 = vector.broadcast %shift_right_arithmetic3A_587 : i32 to vector<16xi32>
      %shift_right_arithmetic3A_589 = arith.shrsi %bitcast3A_586, %shift_right_arithmetic3A_588 : vector<16xi32>
      %add3A_590 = arith.addi %shift_right_arithmetic3A_589, %mul3A_53 : vector<16xi32>
      tpu.vector_store_idx %arg8[%add3A_590], %broadcast_in_dim3A_40 {add = true} : memref<32768xi32, #tpu.memory_space<vmem>>[vector<16xi32>], vector<16xi32>,
      %mul3A_591 = arith.constant 8 : i32
      %mul3A_592 = arith.muli %scan3A_550, %mul3A_591 : i32
      %add3A_593 = arith.constant 3 : i32
      %add3A_594 = arith.addi %mul3A_592, %add3A_593 : i32
      %mul3A_595 = arith.constant 16 : i32
      %mul3A_596 = arith.muli %add3A_594, %mul3A_595 : i32
      %get3A_597 = arith.index_cast %mul3A_596 : i32 to index
      %get3A_598 = tpu.vector_load %arg4[%get3A_597] {strides = array<i32>} : memref<16384xf32, #tpu.memory_space<vmem>>, vector<16xf32>,
      %bitcast3A_599 = vector.bitcast %get3A_598 : vector<16xf32> to vector<16xi32>
      %shift_right_arithmetic3A_600 = arith.constant 20 : i32
      %shift_right_arithmetic3A_601 = vector.broadcast %shift_right_arithmetic3A_600 : i32 to vector<16xi32>
      %shift_right_arithmetic3A_602 = arith.shrsi %bitcast3A_599, %shift_right_arithmetic3A_601 : vector<16xi32>
      %add3A_603 = arith.addi %shift_right_arithmetic3A_602, %mul3A_53 : vector<16xi32>
      tpu.vector_store_idx %arg8[%add3A_603], %broadcast_in_dim3A_40 {add = true} : memref<32768xi32, #tpu.memory_space<vmem>>[vector<16xi32>], vector<16xi32>,
      %mul3A_604 = arith.constant 8 : i32
      %mul3A_605 = arith.muli %scan3A_550, %mul3A_604 : i32
      %add3A_606 = arith.constant 4 : i32
      %add3A_607 = arith.addi %mul3A_605, %add3A_606 : i32
      %mul3A_608 = arith.constant 16 : i32
      %mul3A_609 = arith.muli %add3A_607, %mul3A_608 : i32
      %get3A_610 = arith.index_cast %mul3A_609 : i32 to index
      %get3A_611 = tpu.vector_load %arg4[%get3A_610] {strides = array<i32>} : memref<16384xf32, #tpu.memory_space<vmem>>, vector<16xf32>,
      %bitcast3A_612 = vector.bitcast %get3A_611 : vector<16xf32> to vector<16xi32>
      %shift_right_arithmetic3A_613 = arith.constant 20 : i32
      %shift_right_arithmetic3A_614 = vector.broadcast %shift_right_arithmetic3A_613 : i32 to vector<16xi32>
      %shift_right_arithmetic3A_615 = arith.shrsi %bitcast3A_612, %shift_right_arithmetic3A_614 : vector<16xi32>
      %add3A_616 = arith.addi %shift_right_arithmetic3A_615, %mul3A_53 : vector<16xi32>
      tpu.vector_store_idx %arg8[%add3A_616], %broadcast_in_dim3A_40 {add = true} : memref<32768xi32, #tpu.memory_space<vmem>>[vector<16xi32>], vector<16xi32>,
      %mul3A_617 = arith.constant 8 : i32
      %mul3A_618 = arith.muli %scan3A_550, %mul3A_617 : i32
      %add3A_619 = arith.constant 5 : i32
      %add3A_620 = arith.addi %mul3A_618, %add3A_619 : i32
      %mul3A_621 = arith.constant 16 : i32
      %mul3A_622 = arith.muli %add3A_620, %mul3A_621 : i32
      %get3A_623 = arith.index_cast %mul3A_622 : i32 to index
      %get3A_624 = tpu.vector_load %arg4[%get3A_623] {strides = array<i32>} : memref<16384xf32, #tpu.memory_space<vmem>>, vector<16xf32>,
      %bitcast3A_625 = vector.bitcast %get3A_624 : vector<16xf32> to vector<16xi32>
      %shift_right_arithmetic3A_626 = arith.constant 20 : i32
      %shift_right_arithmetic3A_627 = vector.broadcast %shift_right_arithmetic3A_626 : i32 to vector<16xi32>
      %shift_right_arithmetic3A_628 = arith.shrsi %bitcast3A_625, %shift_right_arithmetic3A_627 : vector<16xi32>
      %add3A_629 = arith.addi %shift_right_arithmetic3A_628, %mul3A_53 : vector<16xi32>
      tpu.vector_store_idx %arg8[%add3A_629], %broadcast_in_dim3A_40 {add = true} : memref<32768xi32, #tpu.memory_space<vmem>>[vector<16xi32>], vector<16xi32>,
      %mul3A_630 = arith.constant 8 : i32
      %mul3A_631 = arith.muli %scan3A_550, %mul3A_630 : i32
      %add3A_632 = arith.constant 6 : i32
      %add3A_633 = arith.addi %mul3A_631, %add3A_632 : i32
      %mul3A_634 = arith.constant 16 : i32
      %mul3A_635 = arith.muli %add3A_633, %mul3A_634 : i32
      %get3A_636 = arith.index_cast %mul3A_635 : i32 to index
      %get3A_637 = tpu.vector_load %arg4[%get3A_636] {strides = array<i32>} : memref<16384xf32, #tpu.memory_space<vmem>>, vector<16xf32>,
      %bitcast3A_638 = vector.bitcast %get3A_637 : vector<16xf32> to vector<16xi32>
      %shift_right_arithmetic3A_639 = arith.constant 20 : i32
      %shift_right_arithmetic3A_640 = vector.broadcast %shift_right_arithmetic3A_639 : i32 to vector<16xi32>
      %shift_right_arithmetic3A_641 = arith.shrsi %bitcast3A_638, %shift_right_arithmetic3A_640 : vector<16xi32>
      %add3A_642 = arith.addi %shift_right_arithmetic3A_641, %mul3A_53 : vector<16xi32>
      tpu.vector_store_idx %arg8[%add3A_642], %broadcast_in_dim3A_40 {add = true} : memref<32768xi32, #tpu.memory_space<vmem>>[vector<16xi32>], vector<16xi32>,
      %mul3A_643 = arith.constant 8 : i32
      %mul3A_644 = arith.muli %scan3A_550, %mul3A_643 : i32
      %add3A_645 = arith.constant 7 : i32
      %add3A_646 = arith.addi %mul3A_644, %add3A_645 : i32
      %mul3A_647 = arith.constant 16 : i32
      %mul3A_648 = arith.muli %add3A_646, %mul3A_647 : i32
      %get3A_649 = arith.index_cast %mul3A_648 : i32 to index
      %get3A_650 = tpu.vector_load %arg4[%get3A_649] {strides = array<i32>} : memref<16384xf32, #tpu.memory_space<vmem>>, vector<16xf32>,
      %bitcast3A_651 = vector.bitcast %get3A_650 : vector<16xf32> to vector<16xi32>
      %shift_right_arithmetic3A_652 = arith.constant 20 : i32
      %shift_right_arithmetic3A_653 = vector.broadcast %shift_right_arithmetic3A_652 : i32 to vector<16xi32>
      %shift_right_arithmetic3A_654 = arith.shrsi %bitcast3A_651, %shift_right_arithmetic3A_653 : vector<16xi32>
      %add3A_655 = arith.addi %shift_right_arithmetic3A_654, %mul3A_53 : vector<16xi32>
      tpu.vector_store_idx %arg8[%add3A_655], %broadcast_in_dim3A_40 {add = true} : memref<32768xi32, #tpu.memory_space<vmem>>[vector<16xi32>], vector<16xi32>,
      %scan3A_656 = arith.constant 0 : i32
      scf.yield %scan3A_656 : i32
    }
    %scan3A_118 = arith.constant 128 : i32
    %add3A_119 = arith.constant 98304 : i32
    %add3A_120 = arith.addi %add3A_39, %add3A_119 : i32
    %dma_start3A_121 = tpu.memref_slice %arg2[%add3A_120] : memref<4194304xf32, #tpu.memory_space<hbm>> -> memref<16384xf32, #tpu.memory_space<hbm>>
    %dma_start3A_122 = tpu.memref_slice %arg2[%add3A_120] : memref<4194304xf32, #tpu.memory_space<hbm>> -> memref<16384xf32, #tpu.memory_space<hbm>>
    tpu.enqueue_dma source(%dma_start3A_122 : memref<16384xf32, #tpu.memory_space<hbm>>) target(%arg4 : memref<16384xf32, #tpu.memory_space<vmem>>) target_semaphore(%arg6 : memref<!tpu.dma_semaphore, #tpu.memory_space<semaphore_mem>>)
    %dma_wait3A_123 = tpu.memref_slice %arg2[%add3A_107] : memref<4194304xf32, #tpu.memory_space<hbm>> -> memref<16384xf32, #tpu.memory_space<hbm>>
    %dma_wait3A_124 = tpu.memref_slice %arg2[%add3A_107] : memref<4194304xf32, #tpu.memory_space<hbm>> -> memref<16384xf32, #tpu.memory_space<hbm>>
    tpu.wait_dma2 semaphore(%arg7 : memref<!tpu.dma_semaphore, #tpu.memory_space<semaphore_mem>>) src(%dma_wait3A_124 : memref<16384xf32, #tpu.memory_space<hbm>>) dst(%arg5 : memref<16384xf32, #tpu.memory_space<vmem>>)
    %scan3A_125 = arith.constant 0 : i32
    %scan3A_126 = arith.constant 0 : i32
    %scan3A_127 = arith.constant 128 : i32
    %scan3A_128 = arith.addi %scan3A_126, %scan3A_127 : i32
    %scan3A_129 = arith.constant 1 : i32
    %scan3A_130 = scf.for %scan3A_550 = %scan3A_126 to %scan3A_128 step %scan3A_129 iter_args(%scan3A_551 = %scan3A_125) -> (i32)  : i32 {
      %mul3A_552 = arith.constant 8 : i32
      %mul3A_553 = arith.muli %scan3A_550, %mul3A_552 : i32
      %add3A_554 = arith.constant 0 : i32
      %add3A_555 = arith.addi %mul3A_553, %add3A_554 : i32
      %mul3A_556 = arith.constant 16 : i32
      %mul3A_557 = arith.muli %add3A_555, %mul3A_556 : i32
      %get3A_558 = arith.index_cast %mul3A_557 : i32 to index
      %get3A_559 = tpu.vector_load %arg5[%get3A_558] {strides = array<i32>} : memref<16384xf32, #tpu.memory_space<vmem>>, vector<16xf32>,
      %bitcast3A_560 = vector.bitcast %get3A_559 : vector<16xf32> to vector<16xi32>
      %shift_right_arithmetic3A_561 = arith.constant 20 : i32
      %shift_right_arithmetic3A_562 = vector.broadcast %shift_right_arithmetic3A_561 : i32 to vector<16xi32>
      %shift_right_arithmetic3A_563 = arith.shrsi %bitcast3A_560, %shift_right_arithmetic3A_562 : vector<16xi32>
      %add3A_564 = arith.addi %shift_right_arithmetic3A_563, %mul3A_53 : vector<16xi32>
      tpu.vector_store_idx %arg8[%add3A_564], %broadcast_in_dim3A_40 {add = true} : memref<32768xi32, #tpu.memory_space<vmem>>[vector<16xi32>], vector<16xi32>,
      %mul3A_565 = arith.constant 8 : i32
      %mul3A_566 = arith.muli %scan3A_550, %mul3A_565 : i32
      %add3A_567 = arith.constant 1 : i32
      %add3A_568 = arith.addi %mul3A_566, %add3A_567 : i32
      %mul3A_569 = arith.constant 16 : i32
      %mul3A_570 = arith.muli %add3A_568, %mul3A_569 : i32
      %get3A_571 = arith.index_cast %mul3A_570 : i32 to index
      %get3A_572 = tpu.vector_load %arg5[%get3A_571] {strides = array<i32>} : memref<16384xf32, #tpu.memory_space<vmem>>, vector<16xf32>,
      %bitcast3A_573 = vector.bitcast %get3A_572 : vector<16xf32> to vector<16xi32>
      %shift_right_arithmetic3A_574 = arith.constant 20 : i32
      %shift_right_arithmetic3A_575 = vector.broadcast %shift_right_arithmetic3A_574 : i32 to vector<16xi32>
      %shift_right_arithmetic3A_576 = arith.shrsi %bitcast3A_573, %shift_right_arithmetic3A_575 : vector<16xi32>
      %add3A_577 = arith.addi %shift_right_arithmetic3A_576, %mul3A_53 : vector<16xi32>
      tpu.vector_store_idx %arg8[%add3A_577], %broadcast_in_dim3A_40 {add = true} : memref<32768xi32, #tpu.memory_space<vmem>>[vector<16xi32>], vector<16xi32>,
      %mul3A_578 = arith.constant 8 : i32
      %mul3A_579 = arith.muli %scan3A_550, %mul3A_578 : i32
      %add3A_580 = arith.constant 2 : i32
      %add3A_581 = arith.addi %mul3A_579, %add3A_580 : i32
      %mul3A_582 = arith.constant 16 : i32
      %mul3A_583 = arith.muli %add3A_581, %mul3A_582 : i32
      %get3A_584 = arith.index_cast %mul3A_583 : i32 to index
      %get3A_585 = tpu.vector_load %arg5[%get3A_584] {strides = array<i32>} : memref<16384xf32, #tpu.memory_space<vmem>>, vector<16xf32>,
      %bitcast3A_586 = vector.bitcast %get3A_585 : vector<16xf32> to vector<16xi32>
      %shift_right_arithmetic3A_587 = arith.constant 20 : i32
      %shift_right_arithmetic3A_588 = vector.broadcast %shift_right_arithmetic3A_587 : i32 to vector<16xi32>
      %shift_right_arithmetic3A_589 = arith.shrsi %bitcast3A_586, %shift_right_arithmetic3A_588 : vector<16xi32>
      %add3A_590 = arith.addi %shift_right_arithmetic3A_589, %mul3A_53 : vector<16xi32>
      tpu.vector_store_idx %arg8[%add3A_590], %broadcast_in_dim3A_40 {add = true} : memref<32768xi32, #tpu.memory_space<vmem>>[vector<16xi32>], vector<16xi32>,
      %mul3A_591 = arith.constant 8 : i32
      %mul3A_592 = arith.muli %scan3A_550, %mul3A_591 : i32
      %add3A_593 = arith.constant 3 : i32
      %add3A_594 = arith.addi %mul3A_592, %add3A_593 : i32
      %mul3A_595 = arith.constant 16 : i32
      %mul3A_596 = arith.muli %add3A_594, %mul3A_595 : i32
      %get3A_597 = arith.index_cast %mul3A_596 : i32 to index
      %get3A_598 = tpu.vector_load %arg5[%get3A_597] {strides = array<i32>} : memref<16384xf32, #tpu.memory_space<vmem>>, vector<16xf32>,
      %bitcast3A_599 = vector.bitcast %get3A_598 : vector<16xf32> to vector<16xi32>
      %shift_right_arithmetic3A_600 = arith.constant 20 : i32
      %shift_right_arithmetic3A_601 = vector.broadcast %shift_right_arithmetic3A_600 : i32 to vector<16xi32>
      %shift_right_arithmetic3A_602 = arith.shrsi %bitcast3A_599, %shift_right_arithmetic3A_601 : vector<16xi32>
      %add3A_603 = arith.addi %shift_right_arithmetic3A_602, %mul3A_53 : vector<16xi32>
      tpu.vector_store_idx %arg8[%add3A_603], %broadcast_in_dim3A_40 {add = true} : memref<32768xi32, #tpu.memory_space<vmem>>[vector<16xi32>], vector<16xi32>,
      %mul3A_604 = arith.constant 8 : i32
      %mul3A_605 = arith.muli %scan3A_550, %mul3A_604 : i32
      %add3A_606 = arith.constant 4 : i32
      %add3A_607 = arith.addi %mul3A_605, %add3A_606 : i32
      %mul3A_608 = arith.constant 16 : i32
      %mul3A_609 = arith.muli %add3A_607, %mul3A_608 : i32
      %get3A_610 = arith.index_cast %mul3A_609 : i32 to index
      %get3A_611 = tpu.vector_load %arg5[%get3A_610] {strides = array<i32>} : memref<16384xf32, #tpu.memory_space<vmem>>, vector<16xf32>,
      %bitcast3A_612 = vector.bitcast %get3A_611 : vector<16xf32> to vector<16xi32>
      %shift_right_arithmetic3A_613 = arith.constant 20 : i32
      %shift_right_arithmetic3A_614 = vector.broadcast %shift_right_arithmetic3A_613 : i32 to vector<16xi32>
      %shift_right_arithmetic3A_615 = arith.shrsi %bitcast3A_612, %shift_right_arithmetic3A_614 : vector<16xi32>
      %add3A_616 = arith.addi %shift_right_arithmetic3A_615, %mul3A_53 : vector<16xi32>
      tpu.vector_store_idx %arg8[%add3A_616], %broadcast_in_dim3A_40 {add = true} : memref<32768xi32, #tpu.memory_space<vmem>>[vector<16xi32>], vector<16xi32>,
      %mul3A_617 = arith.constant 8 : i32
      %mul3A_618 = arith.muli %scan3A_550, %mul3A_617 : i32
      %add3A_619 = arith.constant 5 : i32
      %add3A_620 = arith.addi %mul3A_618, %add3A_619 : i32
      %mul3A_621 = arith.constant 16 : i32
      %mul3A_622 = arith.muli %add3A_620, %mul3A_621 : i32
      %get3A_623 = arith.index_cast %mul3A_622 : i32 to index
      %get3A_624 = tpu.vector_load %arg5[%get3A_623] {strides = array<i32>} : memref<16384xf32, #tpu.memory_space<vmem>>, vector<16xf32>,
      %bitcast3A_625 = vector.bitcast %get3A_624 : vector<16xf32> to vector<16xi32>
      %shift_right_arithmetic3A_626 = arith.constant 20 : i32
      %shift_right_arithmetic3A_627 = vector.broadcast %shift_right_arithmetic3A_626 : i32 to vector<16xi32>
      %shift_right_arithmetic3A_628 = arith.shrsi %bitcast3A_625, %shift_right_arithmetic3A_627 : vector<16xi32>
      %add3A_629 = arith.addi %shift_right_arithmetic3A_628, %mul3A_53 : vector<16xi32>
      tpu.vector_store_idx %arg8[%add3A_629], %broadcast_in_dim3A_40 {add = true} : memref<32768xi32, #tpu.memory_space<vmem>>[vector<16xi32>], vector<16xi32>,
      %mul3A_630 = arith.constant 8 : i32
      %mul3A_631 = arith.muli %scan3A_550, %mul3A_630 : i32
      %add3A_632 = arith.constant 6 : i32
      %add3A_633 = arith.addi %mul3A_631, %add3A_632 : i32
      %mul3A_634 = arith.constant 16 : i32
      %mul3A_635 = arith.muli %add3A_633, %mul3A_634 : i32
      %get3A_636 = arith.index_cast %mul3A_635 : i32 to index
      %get3A_637 = tpu.vector_load %arg5[%get3A_636] {strides = array<i32>} : memref<16384xf32, #tpu.memory_space<vmem>>, vector<16xf32>,
      %bitcast3A_638 = vector.bitcast %get3A_637 : vector<16xf32> to vector<16xi32>
      %shift_right_arithmetic3A_639 = arith.constant 20 : i32
      %shift_right_arithmetic3A_640 = vector.broadcast %shift_right_arithmetic3A_639 : i32 to vector<16xi32>
      %shift_right_arithmetic3A_641 = arith.shrsi %bitcast3A_638, %shift_right_arithmetic3A_640 : vector<16xi32>
      %add3A_642 = arith.addi %shift_right_arithmetic3A_641, %mul3A_53 : vector<16xi32>
      tpu.vector_store_idx %arg8[%add3A_642], %broadcast_in_dim3A_40 {add = true} : memref<32768xi32, #tpu.memory_space<vmem>>[vector<16xi32>], vector<16xi32>,
      %mul3A_643 = arith.constant 8 : i32
      %mul3A_644 = arith.muli %scan3A_550, %mul3A_643 : i32
      %add3A_645 = arith.constant 7 : i32
      %add3A_646 = arith.addi %mul3A_644, %add3A_645 : i32
      %mul3A_647 = arith.constant 16 : i32
      %mul3A_648 = arith.muli %add3A_646, %mul3A_647 : i32
      %get3A_649 = arith.index_cast %mul3A_648 : i32 to index
      %get3A_650 = tpu.vector_load %arg5[%get3A_649] {strides = array<i32>} : memref<16384xf32, #tpu.memory_space<vmem>>, vector<16xf32>,
      %bitcast3A_651 = vector.bitcast %get3A_650 : vector<16xf32> to vector<16xi32>
      %shift_right_arithmetic3A_652 = arith.constant 20 : i32
      %shift_right_arithmetic3A_653 = vector.broadcast %shift_right_arithmetic3A_652 : i32 to vector<16xi32>
      %shift_right_arithmetic3A_654 = arith.shrsi %bitcast3A_651, %shift_right_arithmetic3A_653 : vector<16xi32>
      %add3A_655 = arith.addi %shift_right_arithmetic3A_654, %mul3A_53 : vector<16xi32>
      tpu.vector_store_idx %arg8[%add3A_655], %broadcast_in_dim3A_40 {add = true} : memref<32768xi32, #tpu.memory_space<vmem>>[vector<16xi32>], vector<16xi32>,
      %scan3A_656 = arith.constant 0 : i32
      scf.yield %scan3A_656 : i32
    }
    %scan3A_131 = arith.constant 128 : i32
    %add3A_132 = arith.constant 114688 : i32
    %add3A_133 = arith.addi %add3A_39, %add3A_132 : i32
    %dma_start3A_134 = tpu.memref_slice %arg2[%add3A_133] : memref<4194304xf32, #tpu.memory_space<hbm>> -> memref<16384xf32, #tpu.memory_space<hbm>>
    %dma_start3A_135 = tpu.memref_slice %arg2[%add3A_133] : memref<4194304xf32, #tpu.memory_space<hbm>> -> memref<16384xf32, #tpu.memory_space<hbm>>
    tpu.enqueue_dma source(%dma_start3A_135 : memref<16384xf32, #tpu.memory_space<hbm>>) target(%arg5 : memref<16384xf32, #tpu.memory_space<vmem>>) target_semaphore(%arg7 : memref<!tpu.dma_semaphore, #tpu.memory_space<semaphore_mem>>)
    %dma_wait3A_136 = tpu.memref_slice %arg2[%add3A_120] : memref<4194304xf32, #tpu.memory_space<hbm>> -> memref<16384xf32, #tpu.memory_space<hbm>>
    %dma_wait3A_137 = tpu.memref_slice %arg2[%add3A_120] : memref<4194304xf32, #tpu.memory_space<hbm>> -> memref<16384xf32, #tpu.memory_space<hbm>>
    tpu.wait_dma2 semaphore(%arg6 : memref<!tpu.dma_semaphore, #tpu.memory_space<semaphore_mem>>) src(%dma_wait3A_137 : memref<16384xf32, #tpu.memory_space<hbm>>) dst(%arg4 : memref<16384xf32, #tpu.memory_space<vmem>>)
    %scan3A_138 = arith.constant 0 : i32
    %scan3A_139 = arith.constant 0 : i32
    %scan3A_140 = arith.constant 128 : i32
    %scan3A_141 = arith.addi %scan3A_139, %scan3A_140 : i32
    %scan3A_142 = arith.constant 1 : i32
    %scan3A_143 = scf.for %scan3A_550 = %scan3A_139 to %scan3A_141 step %scan3A_142 iter_args(%scan3A_551 = %scan3A_138) -> (i32)  : i32 {
      %mul3A_552 = arith.constant 8 : i32
      %mul3A_553 = arith.muli %scan3A_550, %mul3A_552 : i32
      %add3A_554 = arith.constant 0 : i32
      %add3A_555 = arith.addi %mul3A_553, %add3A_554 : i32
      %mul3A_556 = arith.constant 16 : i32
      %mul3A_557 = arith.muli %add3A_555, %mul3A_556 : i32
      %get3A_558 = arith.index_cast %mul3A_557 : i32 to index
      %get3A_559 = tpu.vector_load %arg4[%get3A_558] {strides = array<i32>} : memref<16384xf32, #tpu.memory_space<vmem>>, vector<16xf32>,
      %bitcast3A_560 = vector.bitcast %get3A_559 : vector<16xf32> to vector<16xi32>
      %shift_right_arithmetic3A_561 = arith.constant 20 : i32
      %shift_right_arithmetic3A_562 = vector.broadcast %shift_right_arithmetic3A_561 : i32 to vector<16xi32>
      %shift_right_arithmetic3A_563 = arith.shrsi %bitcast3A_560, %shift_right_arithmetic3A_562 : vector<16xi32>
      %add3A_564 = arith.addi %shift_right_arithmetic3A_563, %mul3A_53 : vector<16xi32>
      tpu.vector_store_idx %arg8[%add3A_564], %broadcast_in_dim3A_40 {add = true} : memref<32768xi32, #tpu.memory_space<vmem>>[vector<16xi32>], vector<16xi32>,
      %mul3A_565 = arith.constant 8 : i32
      %mul3A_566 = arith.muli %scan3A_550, %mul3A_565 : i32
      %add3A_567 = arith.constant 1 : i32
      %add3A_568 = arith.addi %mul3A_566, %add3A_567 : i32
      %mul3A_569 = arith.constant 16 : i32
      %mul3A_570 = arith.muli %add3A_568, %mul3A_569 : i32
      %get3A_571 = arith.index_cast %mul3A_570 : i32 to index
      %get3A_572 = tpu.vector_load %arg4[%get3A_571] {strides = array<i32>} : memref<16384xf32, #tpu.memory_space<vmem>>, vector<16xf32>,
      %bitcast3A_573 = vector.bitcast %get3A_572 : vector<16xf32> to vector<16xi32>
      %shift_right_arithmetic3A_574 = arith.constant 20 : i32
      %shift_right_arithmetic3A_575 = vector.broadcast %shift_right_arithmetic3A_574 : i32 to vector<16xi32>
      %shift_right_arithmetic3A_576 = arith.shrsi %bitcast3A_573, %shift_right_arithmetic3A_575 : vector<16xi32>
      %add3A_577 = arith.addi %shift_right_arithmetic3A_576, %mul3A_53 : vector<16xi32>
      tpu.vector_store_idx %arg8[%add3A_577], %broadcast_in_dim3A_40 {add = true} : memref<32768xi32, #tpu.memory_space<vmem>>[vector<16xi32>], vector<16xi32>,
      %mul3A_578 = arith.constant 8 : i32
      %mul3A_579 = arith.muli %scan3A_550, %mul3A_578 : i32
      %add3A_580 = arith.constant 2 : i32
      %add3A_581 = arith.addi %mul3A_579, %add3A_580 : i32
      %mul3A_582 = arith.constant 16 : i32
      %mul3A_583 = arith.muli %add3A_581, %mul3A_582 : i32
      %get3A_584 = arith.index_cast %mul3A_583 : i32 to index
      %get3A_585 = tpu.vector_load %arg4[%get3A_584] {strides = array<i32>} : memref<16384xf32, #tpu.memory_space<vmem>>, vector<16xf32>,
      %bitcast3A_586 = vector.bitcast %get3A_585 : vector<16xf32> to vector<16xi32>
      %shift_right_arithmetic3A_587 = arith.constant 20 : i32
      %shift_right_arithmetic3A_588 = vector.broadcast %shift_right_arithmetic3A_587 : i32 to vector<16xi32>
      %shift_right_arithmetic3A_589 = arith.shrsi %bitcast3A_586, %shift_right_arithmetic3A_588 : vector<16xi32>
      %add3A_590 = arith.addi %shift_right_arithmetic3A_589, %mul3A_53 : vector<16xi32>
      tpu.vector_store_idx %arg8[%add3A_590], %broadcast_in_dim3A_40 {add = true} : memref<32768xi32, #tpu.memory_space<vmem>>[vector<16xi32>], vector<16xi32>,
      %mul3A_591 = arith.constant 8 : i32
      %mul3A_592 = arith.muli %scan3A_550, %mul3A_591 : i32
      %add3A_593 = arith.constant 3 : i32
      %add3A_594 = arith.addi %mul3A_592, %add3A_593 : i32
      %mul3A_595 = arith.constant 16 : i32
      %mul3A_596 = arith.muli %add3A_594, %mul3A_595 : i32
      %get3A_597 = arith.index_cast %mul3A_596 : i32 to index
      %get3A_598 = tpu.vector_load %arg4[%get3A_597] {strides = array<i32>} : memref<16384xf32, #tpu.memory_space<vmem>>, vector<16xf32>,
      %bitcast3A_599 = vector.bitcast %get3A_598 : vector<16xf32> to vector<16xi32>
      %shift_right_arithmetic3A_600 = arith.constant 20 : i32
      %shift_right_arithmetic3A_601 = vector.broadcast %shift_right_arithmetic3A_600 : i32 to vector<16xi32>
      %shift_right_arithmetic3A_602 = arith.shrsi %bitcast3A_599, %shift_right_arithmetic3A_601 : vector<16xi32>
      %add3A_603 = arith.addi %shift_right_arithmetic3A_602, %mul3A_53 : vector<16xi32>
      tpu.vector_store_idx %arg8[%add3A_603], %broadcast_in_dim3A_40 {add = true} : memref<32768xi32, #tpu.memory_space<vmem>>[vector<16xi32>], vector<16xi32>,
      %mul3A_604 = arith.constant 8 : i32
      %mul3A_605 = arith.muli %scan3A_550, %mul3A_604 : i32
      %add3A_606 = arith.constant 4 : i32
      %add3A_607 = arith.addi %mul3A_605, %add3A_606 : i32
      %mul3A_608 = arith.constant 16 : i32
      %mul3A_609 = arith.muli %add3A_607, %mul3A_608 : i32
      %get3A_610 = arith.index_cast %mul3A_609 : i32 to index
      %get3A_611 = tpu.vector_load %arg4[%get3A_610] {strides = array<i32>} : memref<16384xf32, #tpu.memory_space<vmem>>, vector<16xf32>,
      %bitcast3A_612 = vector.bitcast %get3A_611 : vector<16xf32> to vector<16xi32>
      %shift_right_arithmetic3A_613 = arith.constant 20 : i32
      %shift_right_arithmetic3A_614 = vector.broadcast %shift_right_arithmetic3A_613 : i32 to vector<16xi32>
      %shift_right_arithmetic3A_615 = arith.shrsi %bitcast3A_612, %shift_right_arithmetic3A_614 : vector<16xi32>
      %add3A_616 = arith.addi %shift_right_arithmetic3A_615, %mul3A_53 : vector<16xi32>
      tpu.vector_store_idx %arg8[%add3A_616], %broadcast_in_dim3A_40 {add = true} : memref<32768xi32, #tpu.memory_space<vmem>>[vector<16xi32>], vector<16xi32>,
      %mul3A_617 = arith.constant 8 : i32
      %mul3A_618 = arith.muli %scan3A_550, %mul3A_617 : i32
      %add3A_619 = arith.constant 5 : i32
      %add3A_620 = arith.addi %mul3A_618, %add3A_619 : i32
      %mul3A_621 = arith.constant 16 : i32
      %mul3A_622 = arith.muli %add3A_620, %mul3A_621 : i32
      %get3A_623 = arith.index_cast %mul3A_622 : i32 to index
      %get3A_624 = tpu.vector_load %arg4[%get3A_623] {strides = array<i32>} : memref<16384xf32, #tpu.memory_space<vmem>>, vector<16xf32>,
      %bitcast3A_625 = vector.bitcast %get3A_624 : vector<16xf32> to vector<16xi32>
      %shift_right_arithmetic3A_626 = arith.constant 20 : i32
      %shift_right_arithmetic3A_627 = vector.broadcast %shift_right_arithmetic3A_626 : i32 to vector<16xi32>
      %shift_right_arithmetic3A_628 = arith.shrsi %bitcast3A_625, %shift_right_arithmetic3A_627 : vector<16xi32>
      %add3A_629 = arith.addi %shift_right_arithmetic3A_628, %mul3A_53 : vector<16xi32>
      tpu.vector_store_idx %arg8[%add3A_629], %broadcast_in_dim3A_40 {add = true} : memref<32768xi32, #tpu.memory_space<vmem>>[vector<16xi32>], vector<16xi32>,
      %mul3A_630 = arith.constant 8 : i32
      %mul3A_631 = arith.muli %scan3A_550, %mul3A_630 : i32
      %add3A_632 = arith.constant 6 : i32
      %add3A_633 = arith.addi %mul3A_631, %add3A_632 : i32
      %mul3A_634 = arith.constant 16 : i32
      %mul3A_635 = arith.muli %add3A_633, %mul3A_634 : i32
      %get3A_636 = arith.index_cast %mul3A_635 : i32 to index
      %get3A_637 = tpu.vector_load %arg4[%get3A_636] {strides = array<i32>} : memref<16384xf32, #tpu.memory_space<vmem>>, vector<16xf32>,
      %bitcast3A_638 = vector.bitcast %get3A_637 : vector<16xf32> to vector<16xi32>
      %shift_right_arithmetic3A_639 = arith.constant 20 : i32
      %shift_right_arithmetic3A_640 = vector.broadcast %shift_right_arithmetic3A_639 : i32 to vector<16xi32>
      %shift_right_arithmetic3A_641 = arith.shrsi %bitcast3A_638, %shift_right_arithmetic3A_640 : vector<16xi32>
      %add3A_642 = arith.addi %shift_right_arithmetic3A_641, %mul3A_53 : vector<16xi32>
      tpu.vector_store_idx %arg8[%add3A_642], %broadcast_in_dim3A_40 {add = true} : memref<32768xi32, #tpu.memory_space<vmem>>[vector<16xi32>], vector<16xi32>,
      %mul3A_643 = arith.constant 8 : i32
      %mul3A_644 = arith.muli %scan3A_550, %mul3A_643 : i32
      %add3A_645 = arith.constant 7 : i32
      %add3A_646 = arith.addi %mul3A_644, %add3A_645 : i32
      %mul3A_647 = arith.constant 16 : i32
      %mul3A_648 = arith.muli %add3A_646, %mul3A_647 : i32
      %get3A_649 = arith.index_cast %mul3A_648 : i32 to index
      %get3A_650 = tpu.vector_load %arg4[%get3A_649] {strides = array<i32>} : memref<16384xf32, #tpu.memory_space<vmem>>, vector<16xf32>,
      %bitcast3A_651 = vector.bitcast %get3A_650 : vector<16xf32> to vector<16xi32>
      %shift_right_arithmetic3A_652 = arith.constant 20 : i32
      %shift_right_arithmetic3A_653 = vector.broadcast %shift_right_arithmetic3A_652 : i32 to vector<16xi32>
      %shift_right_arithmetic3A_654 = arith.shrsi %bitcast3A_651, %shift_right_arithmetic3A_653 : vector<16xi32>
      %add3A_655 = arith.addi %shift_right_arithmetic3A_654, %mul3A_53 : vector<16xi32>
      tpu.vector_store_idx %arg8[%add3A_655], %broadcast_in_dim3A_40 {add = true} : memref<32768xi32, #tpu.memory_space<vmem>>[vector<16xi32>], vector<16xi32>,
      %scan3A_656 = arith.constant 0 : i32
      scf.yield %scan3A_656 : i32
    }
    %scan3A_144 = arith.constant 128 : i32
    %dma_wait3A_145 = tpu.memref_slice %arg2[%add3A_133] : memref<4194304xf32, #tpu.memory_space<hbm>> -> memref<16384xf32, #tpu.memory_space<hbm>>
    %dma_wait3A_146 = tpu.memref_slice %arg2[%add3A_133] : memref<4194304xf32, #tpu.memory_space<hbm>> -> memref<16384xf32, #tpu.memory_space<hbm>>
    tpu.wait_dma2 semaphore(%arg7 : memref<!tpu.dma_semaphore, #tpu.memory_space<semaphore_mem>>) src(%dma_wait3A_146 : memref<16384xf32, #tpu.memory_space<hbm>>) dst(%arg5 : memref<16384xf32, #tpu.memory_space<vmem>>)
    %scan3A_147 = arith.constant 0 : i32
    %scan3A_148 = arith.constant 0 : i32
    %scan3A_149 = arith.constant 128 : i32
    %scan3A_150 = arith.addi %scan3A_148, %scan3A_149 : i32
    %scan3A_151 = arith.constant 1 : i32
    %scan3A_152 = scf.for %scan3A_550 = %scan3A_148 to %scan3A_150 step %scan3A_151 iter_args(%scan3A_551 = %scan3A_147) -> (i32)  : i32 {
      %mul3A_552 = arith.constant 8 : i32
      %mul3A_553 = arith.muli %scan3A_550, %mul3A_552 : i32
      %add3A_554 = arith.constant 0 : i32
      %add3A_555 = arith.addi %mul3A_553, %add3A_554 : i32
      %mul3A_556 = arith.constant 16 : i32
      %mul3A_557 = arith.muli %add3A_555, %mul3A_556 : i32
      %get3A_558 = arith.index_cast %mul3A_557 : i32 to index
      %get3A_559 = tpu.vector_load %arg5[%get3A_558] {strides = array<i32>} : memref<16384xf32, #tpu.memory_space<vmem>>, vector<16xf32>,
      %bitcast3A_560 = vector.bitcast %get3A_559 : vector<16xf32> to vector<16xi32>
      %shift_right_arithmetic3A_561 = arith.constant 20 : i32
      %shift_right_arithmetic3A_562 = vector.broadcast %shift_right_arithmetic3A_561 : i32 to vector<16xi32>
      %shift_right_arithmetic3A_563 = arith.shrsi %bitcast3A_560, %shift_right_arithmetic3A_562 : vector<16xi32>
      %add3A_564 = arith.addi %shift_right_arithmetic3A_563, %mul3A_53 : vector<16xi32>
      tpu.vector_store_idx %arg8[%add3A_564], %broadcast_in_dim3A_40 {add = true} : memref<32768xi32, #tpu.memory_space<vmem>>[vector<16xi32>], vector<16xi32>,
      %mul3A_565 = arith.constant 8 : i32
      %mul3A_566 = arith.muli %scan3A_550, %mul3A_565 : i32
      %add3A_567 = arith.constant 1 : i32
      %add3A_568 = arith.addi %mul3A_566, %add3A_567 : i32
      %mul3A_569 = arith.constant 16 : i32
      %mul3A_570 = arith.muli %add3A_568, %mul3A_569 : i32
      %get3A_571 = arith.index_cast %mul3A_570 : i32 to index
      %get3A_572 = tpu.vector_load %arg5[%get3A_571] {strides = array<i32>} : memref<16384xf32, #tpu.memory_space<vmem>>, vector<16xf32>,
      %bitcast3A_573 = vector.bitcast %get3A_572 : vector<16xf32> to vector<16xi32>
      %shift_right_arithmetic3A_574 = arith.constant 20 : i32
      %shift_right_arithmetic3A_575 = vector.broadcast %shift_right_arithmetic3A_574 : i32 to vector<16xi32>
      %shift_right_arithmetic3A_576 = arith.shrsi %bitcast3A_573, %shift_right_arithmetic3A_575 : vector<16xi32>
      %add3A_577 = arith.addi %shift_right_arithmetic3A_576, %mul3A_53 : vector<16xi32>
      tpu.vector_store_idx %arg8[%add3A_577], %broadcast_in_dim3A_40 {add = true} : memref<32768xi32, #tpu.memory_space<vmem>>[vector<16xi32>], vector<16xi32>,
      %mul3A_578 = arith.constant 8 : i32
      %mul3A_579 = arith.muli %scan3A_550, %mul3A_578 : i32
      %add3A_580 = arith.constant 2 : i32
      %add3A_581 = arith.addi %mul3A_579, %add3A_580 : i32
      %mul3A_582 = arith.constant 16 : i32
      %mul3A_583 = arith.muli %add3A_581, %mul3A_582 : i32
      %get3A_584 = arith.index_cast %mul3A_583 : i32 to index
      %get3A_585 = tpu.vector_load %arg5[%get3A_584] {strides = array<i32>} : memref<16384xf32, #tpu.memory_space<vmem>>, vector<16xf32>,
      %bitcast3A_586 = vector.bitcast %get3A_585 : vector<16xf32> to vector<16xi32>
      %shift_right_arithmetic3A_587 = arith.constant 20 : i32
      %shift_right_arithmetic3A_588 = vector.broadcast %shift_right_arithmetic3A_587 : i32 to vector<16xi32>
      %shift_right_arithmetic3A_589 = arith.shrsi %bitcast3A_586, %shift_right_arithmetic3A_588 : vector<16xi32>
      %add3A_590 = arith.addi %shift_right_arithmetic3A_589, %mul3A_53 : vector<16xi32>
      tpu.vector_store_idx %arg8[%add3A_590], %broadcast_in_dim3A_40 {add = true} : memref<32768xi32, #tpu.memory_space<vmem>>[vector<16xi32>], vector<16xi32>,
      %mul3A_591 = arith.constant 8 : i32
      %mul3A_592 = arith.muli %scan3A_550, %mul3A_591 : i32
      %add3A_593 = arith.constant 3 : i32
      %add3A_594 = arith.addi %mul3A_592, %add3A_593 : i32
      %mul3A_595 = arith.constant 16 : i32
      %mul3A_596 = arith.muli %add3A_594, %mul3A_595 : i32
      %get3A_597 = arith.index_cast %mul3A_596 : i32 to index
      %get3A_598 = tpu.vector_load %arg5[%get3A_597] {strides = array<i32>} : memref<16384xf32, #tpu.memory_space<vmem>>, vector<16xf32>,
      %bitcast3A_599 = vector.bitcast %get3A_598 : vector<16xf32> to vector<16xi32>
      %shift_right_arithmetic3A_600 = arith.constant 20 : i32
      %shift_right_arithmetic3A_601 = vector.broadcast %shift_right_arithmetic3A_600 : i32 to vector<16xi32>
      %shift_right_arithmetic3A_602 = arith.shrsi %bitcast3A_599, %shift_right_arithmetic3A_601 : vector<16xi32>
      %add3A_603 = arith.addi %shift_right_arithmetic3A_602, %mul3A_53 : vector<16xi32>
      tpu.vector_store_idx %arg8[%add3A_603], %broadcast_in_dim3A_40 {add = true} : memref<32768xi32, #tpu.memory_space<vmem>>[vector<16xi32>], vector<16xi32>,
      %mul3A_604 = arith.constant 8 : i32
      %mul3A_605 = arith.muli %scan3A_550, %mul3A_604 : i32
      %add3A_606 = arith.constant 4 : i32
      %add3A_607 = arith.addi %mul3A_605, %add3A_606 : i32
      %mul3A_608 = arith.constant 16 : i32
      %mul3A_609 = arith.muli %add3A_607, %mul3A_608 : i32
      %get3A_610 = arith.index_cast %mul3A_609 : i32 to index
      %get3A_611 = tpu.vector_load %arg5[%get3A_610] {strides = array<i32>} : memref<16384xf32, #tpu.memory_space<vmem>>, vector<16xf32>,
      %bitcast3A_612 = vector.bitcast %get3A_611 : vector<16xf32> to vector<16xi32>
      %shift_right_arithmetic3A_613 = arith.constant 20 : i32
      %shift_right_arithmetic3A_614 = vector.broadcast %shift_right_arithmetic3A_613 : i32 to vector<16xi32>
      %shift_right_arithmetic3A_615 = arith.shrsi %bitcast3A_612, %shift_right_arithmetic3A_614 : vector<16xi32>
      %add3A_616 = arith.addi %shift_right_arithmetic3A_615, %mul3A_53 : vector<16xi32>
      tpu.vector_store_idx %arg8[%add3A_616], %broadcast_in_dim3A_40 {add = true} : memref<32768xi32, #tpu.memory_space<vmem>>[vector<16xi32>], vector<16xi32>,
      %mul3A_617 = arith.constant 8 : i32
      %mul3A_618 = arith.muli %scan3A_550, %mul3A_617 : i32
      %add3A_619 = arith.constant 5 : i32
      %add3A_620 = arith.addi %mul3A_618, %add3A_619 : i32
      %mul3A_621 = arith.constant 16 : i32
      %mul3A_622 = arith.muli %add3A_620, %mul3A_621 : i32
      %get3A_623 = arith.index_cast %mul3A_622 : i32 to index
      %get3A_624 = tpu.vector_load %arg5[%get3A_623] {strides = array<i32>} : memref<16384xf32, #tpu.memory_space<vmem>>, vector<16xf32>,
      %bitcast3A_625 = vector.bitcast %get3A_624 : vector<16xf32> to vector<16xi32>
      %shift_right_arithmetic3A_626 = arith.constant 20 : i32
      %shift_right_arithmetic3A_627 = vector.broadcast %shift_right_arithmetic3A_626 : i32 to vector<16xi32>
      %shift_right_arithmetic3A_628 = arith.shrsi %bitcast3A_625, %shift_right_arithmetic3A_627 : vector<16xi32>
      %add3A_629 = arith.addi %shift_right_arithmetic3A_628, %mul3A_53 : vector<16xi32>
      tpu.vector_store_idx %arg8[%add3A_629], %broadcast_in_dim3A_40 {add = true} : memref<32768xi32, #tpu.memory_space<vmem>>[vector<16xi32>], vector<16xi32>,
      %mul3A_630 = arith.constant 8 : i32
      %mul3A_631 = arith.muli %scan3A_550, %mul3A_630 : i32
      %add3A_632 = arith.constant 6 : i32
      %add3A_633 = arith.addi %mul3A_631, %add3A_632 : i32
      %mul3A_634 = arith.constant 16 : i32
      %mul3A_635 = arith.muli %add3A_633, %mul3A_634 : i32
      %get3A_636 = arith.index_cast %mul3A_635 : i32 to index
      %get3A_637 = tpu.vector_load %arg5[%get3A_636] {strides = array<i32>} : memref<16384xf32, #tpu.memory_space<vmem>>, vector<16xf32>,
      %bitcast3A_638 = vector.bitcast %get3A_637 : vector<16xf32> to vector<16xi32>
      %shift_right_arithmetic3A_639 = arith.constant 20 : i32
      %shift_right_arithmetic3A_640 = vector.broadcast %shift_right_arithmetic3A_639 : i32 to vector<16xi32>
      %shift_right_arithmetic3A_641 = arith.shrsi %bitcast3A_638, %shift_right_arithmetic3A_640 : vector<16xi32>
      %add3A_642 = arith.addi %shift_right_arithmetic3A_641, %mul3A_53 : vector<16xi32>
      tpu.vector_store_idx %arg8[%add3A_642], %broadcast_in_dim3A_40 {add = true} : memref<32768xi32, #tpu.memory_space<vmem>>[vector<16xi32>], vector<16xi32>,
      %mul3A_643 = arith.constant 8 : i32
      %mul3A_644 = arith.muli %scan3A_550, %mul3A_643 : i32
      %add3A_645 = arith.constant 7 : i32
      %add3A_646 = arith.addi %mul3A_644, %add3A_645 : i32
      %mul3A_647 = arith.constant 16 : i32
      %mul3A_648 = arith.muli %add3A_646, %mul3A_647 : i32
      %get3A_649 = arith.index_cast %mul3A_648 : i32 to index
      %get3A_650 = tpu.vector_load %arg5[%get3A_649] {strides = array<i32>} : memref<16384xf32, #tpu.memory_space<vmem>>, vector<16xf32>,
      %bitcast3A_651 = vector.bitcast %get3A_650 : vector<16xf32> to vector<16xi32>
      %shift_right_arithmetic3A_652 = arith.constant 20 : i32
      %shift_right_arithmetic3A_653 = vector.broadcast %shift_right_arithmetic3A_652 : i32 to vector<16xi32>
      %shift_right_arithmetic3A_654 = arith.shrsi %bitcast3A_651, %shift_right_arithmetic3A_653 : vector<16xi32>
      %add3A_655 = arith.addi %shift_right_arithmetic3A_654, %mul3A_53 : vector<16xi32>
      tpu.vector_store_idx %arg8[%add3A_655], %broadcast_in_dim3A_40 {add = true} : memref<32768xi32, #tpu.memory_space<vmem>>[vector<16xi32>], vector<16xi32>,
      %scan3A_656 = arith.constant 0 : i32
      scf.yield %scan3A_656 : i32
    }
    %scan3A_153 = arith.constant 128 : i32
    %scan3A_154 = arith.constant 0 : i32
    %scan3A_155 = arith.constant 0 : i32
    %scan3A_156 = arith.constant 128 : i32
    %scan3A_157 = arith.addi %scan3A_155, %scan3A_156 : i32
    %scan3A_158 = arith.constant 1 : i32
    %scan3A_159 = scf.for %scan3A_550 = %scan3A_155 to %scan3A_157 step %scan3A_158 iter_args(%scan3A_551 = %scan3A_154) -> (i32)  : i32 {
      %mul3A_552 = arith.constant 16 : i32
      %mul3A_553 = arith.muli %scan3A_550, %mul3A_552 : i32
      %get3A_554 = arith.index_cast %mul3A_553 : i32 to index
      %get3A_555 = tpu.vector_load %arg8[%get3A_554] {strides = array<i32>} : memref<32768xi32, #tpu.memory_space<vmem>>, vector<16xi32>,
      %mul3A_556 = arith.constant 16 : i32
      %mul3A_557 = arith.muli %scan3A_550, %mul3A_556 : i32
      %add3A_558 = arith.constant 2048 : i32
      %add3A_559 = arith.addi %add3A_558, %mul3A_557 : i32
      %get3A_560 = arith.index_cast %add3A_559 : i32 to index
      %get3A_561 = tpu.vector_load %arg8[%get3A_560] {strides = array<i32>} : memref<32768xi32, #tpu.memory_space<vmem>>, vector<16xi32>,
      %add3A_562 = arith.addi %get3A_555, %get3A_561 : vector<16xi32>
      %mul3A_563 = arith.constant 16 : i32
      %mul3A_564 = arith.muli %scan3A_550, %mul3A_563 : i32
      %add3A_565 = arith.constant 4096 : i32
      %add3A_566 = arith.addi %add3A_565, %mul3A_564 : i32
      %get3A_567 = arith.index_cast %add3A_566 : i32 to index
      %get3A_568 = tpu.vector_load %arg8[%get3A_567] {strides = array<i32>} : memref<32768xi32, #tpu.memory_space<vmem>>, vector<16xi32>,
      %add3A_569 = arith.addi %add3A_562, %get3A_568 : vector<16xi32>
      %mul3A_570 = arith.constant 16 : i32
      %mul3A_571 = arith.muli %scan3A_550, %mul3A_570 : i32
      %add3A_572 = arith.constant 6144 : i32
      %add3A_573 = arith.addi %add3A_572, %mul3A_571 : i32
      %get3A_574 = arith.index_cast %add3A_573 : i32 to index
      %get3A_575 = tpu.vector_load %arg8[%get3A_574] {strides = array<i32>} : memref<32768xi32, #tpu.memory_space<vmem>>, vector<16xi32>,
      %add3A_576 = arith.addi %add3A_569, %get3A_575 : vector<16xi32>
      %mul3A_577 = arith.constant 16 : i32
      %mul3A_578 = arith.muli %scan3A_550, %mul3A_577 : i32
      %add3A_579 = arith.constant 8192 : i32
      %add3A_580 = arith.addi %add3A_579, %mul3A_578 : i32
      %get3A_581 = arith.index_cast %add3A_580 : i32 to index
      %get3A_582 = tpu.vector_load %arg8[%get3A_581] {strides = array<i32>} : memref<32768xi32, #tpu.memory_space<vmem>>, vector<16xi32>,
      %add3A_583 = arith.addi %add3A_576, %get3A_582 : vector<16xi32>
      %mul3A_584 = arith.constant 16 : i32
      %mul3A_585 = arith.muli %scan3A_550, %mul3A_584 : i32
      %add3A_586 = arith.constant 10240 : i32
      %add3A_587 = arith.addi %add3A_586, %mul3A_585 : i32
      %get3A_588 = arith.index_cast %add3A_587 : i32 to index
      %get3A_589 = tpu.vector_load %arg8[%get3A_588] {strides = array<i32>} : memref<32768xi32, #tpu.memory_space<vmem>>, vector<16xi32>,
      %add3A_590 = arith.addi %add3A_583, %get3A_589 : vector<16xi32>
      %mul3A_591 = arith.constant 16 : i32
      %mul3A_592 = arith.muli %scan3A_550, %mul3A_591 : i32
      %add3A_593 = arith.constant 12288 : i32
      %add3A_594 = arith.addi %add3A_593, %mul3A_592 : i32
      %get3A_595 = arith.index_cast %add3A_594 : i32 to index
      %get3A_596 = tpu.vector_load %arg8[%get3A_595] {strides = array<i32>} : memref<32768xi32, #tpu.memory_space<vmem>>, vector<16xi32>,
      %add3A_597 = arith.addi %add3A_590, %get3A_596 : vector<16xi32>
      %mul3A_598 = arith.constant 16 : i32
      %mul3A_599 = arith.muli %scan3A_550, %mul3A_598 : i32
      %add3A_600 = arith.constant 14336 : i32
      %add3A_601 = arith.addi %add3A_600, %mul3A_599 : i32
      %get3A_602 = arith.index_cast %add3A_601 : i32 to index
      %get3A_603 = tpu.vector_load %arg8[%get3A_602] {strides = array<i32>} : memref<32768xi32, #tpu.memory_space<vmem>>, vector<16xi32>,
      %add3A_604 = arith.addi %add3A_597, %get3A_603 : vector<16xi32>
      %mul3A_605 = arith.constant 16 : i32
      %mul3A_606 = arith.muli %scan3A_550, %mul3A_605 : i32
      %add3A_607 = arith.constant 16384 : i32
      %add3A_608 = arith.addi %add3A_607, %mul3A_606 : i32
      %get3A_609 = arith.index_cast %add3A_608 : i32 to index
      %get3A_610 = tpu.vector_load %arg8[%get3A_609] {strides = array<i32>} : memref<32768xi32, #tpu.memory_space<vmem>>, vector<16xi32>,
      %add3A_611 = arith.addi %add3A_604, %get3A_610 : vector<16xi32>
      %mul3A_612 = arith.constant 16 : i32
      %mul3A_613 = arith.muli %scan3A_550, %mul3A_612 : i32
      %add3A_614 = arith.constant 18432 : i32
      %add3A_615 = arith.addi %add3A_614, %mul3A_613 : i32
      %get3A_616 = arith.index_cast %add3A_615 : i32 to index
      %get3A_617 = tpu.vector_load %arg8[%get3A_616] {strides = array<i32>} : memref<32768xi32, #tpu.memory_space<vmem>>, vector<16xi32>,
      %add3A_618 = arith.addi %add3A_611, %get3A_617 : vector<16xi32>
      %mul3A_619 = arith.constant 16 : i32
      %mul3A_620 = arith.muli %scan3A_550, %mul3A_619 : i32
      %add3A_621 = arith.constant 20480 : i32
      %add3A_622 = arith.addi %add3A_621, %mul3A_620 : i32
      %get3A_623 = arith.index_cast %add3A_622 : i32 to index
      %get3A_624 = tpu.vector_load %arg8[%get3A_623] {strides = array<i32>} : memref<32768xi32, #tpu.memory_space<vmem>>, vector<16xi32>,
      %add3A_625 = arith.addi %add3A_618, %get3A_624 : vector<16xi32>
      %mul3A_626 = arith.constant 16 : i32
      %mul3A_627 = arith.muli %scan3A_550, %mul3A_626 : i32
      %add3A_628 = arith.constant 22528 : i32
      %add3A_629 = arith.addi %add3A_628, %mul3A_627 : i32
      %get3A_630 = arith.index_cast %add3A_629 : i32 to index
      %get3A_631 = tpu.vector_load %arg8[%get3A_630] {strides = array<i32>} : memref<32768xi32, #tpu.memory_space<vmem>>, vector<16xi32>,
      %add3A_632 = arith.addi %add3A_625, %get3A_631 : vector<16xi32>
      %mul3A_633 = arith.constant 16 : i32
      %mul3A_634 = arith.muli %scan3A_550, %mul3A_633 : i32
      %add3A_635 = arith.constant 24576 : i32
      %add3A_636 = arith.addi %add3A_635, %mul3A_634 : i32
      %get3A_637 = arith.index_cast %add3A_636 : i32 to index
      %get3A_638 = tpu.vector_load %arg8[%get3A_637] {strides = array<i32>} : memref<32768xi32, #tpu.memory_space<vmem>>, vector<16xi32>,
      %add3A_639 = arith.addi %add3A_632, %get3A_638 : vector<16xi32>
      %mul3A_640 = arith.constant 16 : i32
      %mul3A_641 = arith.muli %scan3A_550, %mul3A_640 : i32
      %add3A_642 = arith.constant 26624 : i32
      %add3A_643 = arith.addi %add3A_642, %mul3A_641 : i32
      %get3A_644 = arith.index_cast %add3A_643 : i32 to index
      %get3A_645 = tpu.vector_load %arg8[%get3A_644] {strides = array<i32>} : memref<32768xi32, #tpu.memory_space<vmem>>, vector<16xi32>,
      %add3A_646 = arith.addi %add3A_639, %get3A_645 : vector<16xi32>
      %mul3A_647 = arith.constant 16 : i32
      %mul3A_648 = arith.muli %scan3A_550, %mul3A_647 : i32
      %add3A_649 = arith.constant 28672 : i32
      %add3A_650 = arith.addi %add3A_649, %mul3A_648 : i32
      %get3A_651 = arith.index_cast %add3A_650 : i32 to index
      %get3A_652 = tpu.vector_load %arg8[%get3A_651] {strides = array<i32>} : memref<32768xi32, #tpu.memory_space<vmem>>, vector<16xi32>,
      %add3A_653 = arith.addi %add3A_646, %get3A_652 : vector<16xi32>
      %mul3A_654 = arith.constant 16 : i32
      %mul3A_655 = arith.muli %scan3A_550, %mul3A_654 : i32
      %add3A_656 = arith.constant 30720 : i32
      %add3A_657 = arith.addi %add3A_656, %mul3A_655 : i32
      %get3A_658 = arith.index_cast %add3A_657 : i32 to index
      %get3A_659 = tpu.vector_load %arg8[%get3A_658] {strides = array<i32>} : memref<32768xi32, #tpu.memory_space<vmem>>, vector<16xi32>,
      %add3A_660 = arith.addi %add3A_653, %get3A_659 : vector<16xi32>
      %mul3A_661 = arith.constant 16 : i32
      %mul3A_662 = arith.muli %scan3A_550, %mul3A_661 : i32
      %swap3A = arith.index_cast %mul3A_662 : i32 to index
      %swap3A_663 = tpu.vector_load %arg10[%swap3A] {strides = array<i32>} : memref<2048xi32, #tpu.memory_space<vmem>>, vector<16xi32>,
      tpu.vector_store %arg10[%swap3A], %add3A_660 {strides = array<i32>} : memref<2048xi32, #tpu.memory_space<vmem>>, vector<16xi32>,
      %scan3A_664 = arith.constant 0 : i32
      scf.yield %scan3A_664 : i32
    }
    %scan3A_160 = arith.constant 128 : i32
    %convert_element_type3A = arith.extui %eq3A_32 : i1 to i32
    %cond3A = arith.constant 0 : i32
    %cond3A_161 = arith.cmpi ne, %convert_element_type3A, %cond3A : i32
    scf.if %cond3A_161 {
      "tpu.region"() ({
        %run_scoped3A = tpu.sem_alloc : memref<!tpu.dma_semaphore, #tpu.memory_space<semaphore_mem>>
        %dma_start3A_550 = arith.constant 0 : i32
        %dma_start3A_551 = tpu.memref_slice %arg15[%add3A, %dma_start3A_550] : memref<16x2048xi32, #tpu.memory_space<vmem_shared>> -> memref<1x2048xi32, #tpu.memory_space<vmem_shared>>
        %dma_start3A_552 = tpu.memref_squeeze %dma_start3A_551 : memref<1x2048xi32, #tpu.memory_space<vmem_shared>> -> memref<2048xi32, #tpu.memory_space<vmem_shared>>
        %dma_start3A_553 = arith.constant 0 : i32
        %dma_start3A_554 = tpu.memref_slice %arg15[%add3A, %dma_start3A_553] : memref<16x2048xi32, #tpu.memory_space<vmem_shared>> -> memref<1x2048xi32, #tpu.memory_space<vmem_shared>>
        %dma_start3A_555 = tpu.memref_squeeze %dma_start3A_554 : memref<1x2048xi32, #tpu.memory_space<vmem_shared>> -> memref<2048xi32, #tpu.memory_space<vmem_shared>>
        tpu.enqueue_dma source(%arg10 : memref<2048xi32, #tpu.memory_space<vmem>>) target(%dma_start3A_555 : memref<2048xi32, #tpu.memory_space<vmem_shared>>) target_semaphore(%run_scoped3A : memref<!tpu.dma_semaphore, #tpu.memory_space<semaphore_mem>>)
        %dma_wait3A_556 = arith.constant 0 : i32
        %dma_wait3A_557 = tpu.memref_slice %arg15[%add3A, %dma_wait3A_556] : memref<16x2048xi32, #tpu.memory_space<vmem_shared>> -> memref<1x2048xi32, #tpu.memory_space<vmem_shared>>
        %dma_wait3A_558 = tpu.memref_squeeze %dma_wait3A_557 : memref<1x2048xi32, #tpu.memory_space<vmem_shared>> -> memref<2048xi32, #tpu.memory_space<vmem_shared>>
        %dma_wait3A_559 = arith.constant 0 : i32
        %dma_wait3A_560 = tpu.memref_slice %arg15[%add3A, %dma_wait3A_559] : memref<16x2048xi32, #tpu.memory_space<vmem_shared>> -> memref<1x2048xi32, #tpu.memory_space<vmem_shared>>
        %dma_wait3A_561 = tpu.memref_squeeze %dma_wait3A_560 : memref<1x2048xi32, #tpu.memory_space<vmem_shared>> -> memref<2048xi32, #tpu.memory_space<vmem_shared>>
        tpu.wait_dma2 semaphore(%run_scoped3A : memref<!tpu.dma_semaphore, #tpu.memory_space<semaphore_mem>>) src(%arg10 : memref<2048xi32, #tpu.memory_space<vmem>>) dst(%dma_wait3A_561 : memref<2048xi32, #tpu.memory_space<vmem_shared>>)
        tpu.yield
      }) : () -> ()
    } else {
    }
    %barrier3A = arith.constant 0 : index
    tpu.barrier barrier_id(%barrier3A)
    %convert_element_type3A_162 = arith.extui %eq3A_34 : i1 to i32
    %cond3A_163 = arith.constant 0 : i32
    %cond3A_164 = arith.cmpi ne, %convert_element_type3A_162, %cond3A_163 : i32
    scf.if %cond3A_164 {
      "tpu.region"() ({
        %run_scoped3A = tpu.sem_alloc : memref<!tpu.dma_semaphore, #tpu.memory_space<semaphore_mem>>
        %dma_start3A_557 = arith.constant 0 : i32
        %dma_start3A_558 = tpu.memref_slice %arg15[%add3A, %dma_start3A_557] : memref<16x2048xi32, #tpu.memory_space<vmem_shared>> -> memref<1x2048xi32, #tpu.memory_space<vmem_shared>>
        %dma_start3A_559 = tpu.memref_squeeze %dma_start3A_558 : memref<1x2048xi32, #tpu.memory_space<vmem_shared>> -> memref<2048xi32, #tpu.memory_space<vmem_shared>>
        %dma_start3A_560 = arith.constant 0 : i32
        %dma_start3A_561 = tpu.memref_slice %arg15[%add3A, %dma_start3A_560] : memref<16x2048xi32, #tpu.memory_space<vmem_shared>> -> memref<1x2048xi32, #tpu.memory_space<vmem_shared>>
        %dma_start3A_562 = tpu.memref_squeeze %dma_start3A_561 : memref<1x2048xi32, #tpu.memory_space<vmem_shared>> -> memref<2048xi32, #tpu.memory_space<vmem_shared>>
        tpu.enqueue_dma source(%dma_start3A_562 : memref<2048xi32, #tpu.memory_space<vmem_shared>>) target(%arg11 : memref<2048xi32, #tpu.memory_space<vmem>>) target_semaphore(%run_scoped3A : memref<!tpu.dma_semaphore, #tpu.memory_space<semaphore_mem>>)
        %dma_wait3A_563 = arith.constant 0 : i32
        %dma_wait3A_564 = tpu.memref_slice %arg15[%add3A, %dma_wait3A_563] : memref<16x2048xi32, #tpu.memory_space<vmem_shared>> -> memref<1x2048xi32, #tpu.memory_space<vmem_shared>>
        %dma_wait3A_565 = tpu.memref_squeeze %dma_wait3A_564 : memref<1x2048xi32, #tpu.memory_space<vmem_shared>> -> memref<2048xi32, #tpu.memory_space<vmem_shared>>
        %dma_wait3A_566 = arith.constant 0 : i32
        %dma_wait3A_567 = tpu.memref_slice %arg15[%add3A, %dma_wait3A_566] : memref<16x2048xi32, #tpu.memory_space<vmem_shared>> -> memref<1x2048xi32, #tpu.memory_space<vmem_shared>>
        %dma_wait3A_568 = tpu.memref_squeeze %dma_wait3A_567 : memref<1x2048xi32, #tpu.memory_space<vmem_shared>> -> memref<2048xi32, #tpu.memory_space<vmem_shared>>
        tpu.wait_dma2 semaphore(%run_scoped3A : memref<!tpu.dma_semaphore, #tpu.memory_space<semaphore_mem>>) src(%dma_wait3A_568 : memref<2048xi32, #tpu.memory_space<vmem_shared>>) dst(%arg11 : memref<2048xi32, #tpu.memory_space<vmem>>)
        tpu.yield
      }) : () -> ()
      %scan3A_550 = arith.constant 0 : i32
      %scan3A_551 = arith.constant 0 : i32
      %scan3A_552 = arith.constant 128 : i32
      %scan3A_553 = arith.addi %scan3A_551, %scan3A_552 : i32
      %scan3A_554 = arith.constant 1 : i32
      %scan3A_555 = scf.for %scan3A_557 = %scan3A_551 to %scan3A_553 step %scan3A_554 iter_args(%scan3A_558 = %scan3A_550) -> (i32)  : i32 {
        %mul3A_559 = arith.constant 16 : i32
        %mul3A_560 = arith.muli %scan3A_557, %mul3A_559 : i32
        %get3A_561 = arith.index_cast %mul3A_560 : i32 to index
        %get3A_562 = tpu.vector_load %arg10[%get3A_561] {strides = array<i32>} : memref<2048xi32, #tpu.memory_space<vmem>>, vector<16xi32>,
        %mul3A_563 = arith.constant 16 : i32
        %mul3A_564 = arith.muli %scan3A_557, %mul3A_563 : i32
        %get3A_565 = arith.index_cast %mul3A_564 : i32 to index
        %get3A_566 = tpu.vector_load %arg11[%get3A_565] {strides = array<i32>} : memref<2048xi32, #tpu.memory_space<vmem>>, vector<16xi32>,
        %add3A_567 = arith.addi %get3A_562, %get3A_566 : vector<16xi32>
        %mul3A_568 = arith.constant 16 : i32
        %mul3A_569 = arith.muli %scan3A_557, %mul3A_568 : i32
        %swap3A = arith.index_cast %mul3A_569 : i32 to index
        %swap3A_570 = tpu.vector_load %arg10[%swap3A] {strides = array<i32>} : memref<2048xi32, #tpu.memory_space<vmem>>, vector<16xi32>,
        tpu.vector_store %arg10[%swap3A], %add3A_567 {strides = array<i32>} : memref<2048xi32, #tpu.memory_space<vmem>>, vector<16xi32>,
        %scan3A_571 = arith.constant 0 : i32
        scf.yield %scan3A_571 : i32
      }
      %scan3A_556 = arith.constant 128 : i32
    } else {
    }
    %scan3A_165 = arith.constant 0 : i32
    %scan3A_166 = arith.constant 0 : i32
    %scan3A_167 = arith.constant 128 : i32
    %scan3A_168 = arith.addi %scan3A_166, %scan3A_167 : i32
    %scan3A_169 = arith.constant 1 : i32
    %scan3A_170 = scf.for %scan3A_550 = %scan3A_166 to %scan3A_168 step %scan3A_169 iter_args(%scan3A_551 = %scan3A_165) -> (i32)  : i32 {
      %mul3A_552 = arith.constant 16 : i32
      %mul3A_553 = arith.muli %scan3A_550, %mul3A_552 : i32
      %get3A_554 = arith.index_cast %mul3A_553 : i32 to index
      %get3A_555 = tpu.vector_load %arg10[%get3A_554] {strides = array<i32>} : memref<2048xi32, #tpu.memory_space<vmem>>, vector<16xi32>,
      %reduce_sum3A_556 = arith.constant true
      %reduce_sum3A_557 = vector.broadcast %reduce_sum3A_556 : i1 to vector<16xi1>
      %reduce_sum3A_558 = tpu.scan <sum>, %get3A_555 masked %reduce_sum3A_557 : vector<16xi32>, vector<16xi1> -> vector<16xi32>
      %reduce_sum3A_559 = vector.extract %reduce_sum3A_558[15] : i32 from vector<16xi32>
      %swap3A = arith.index_cast %scan3A_550 : i32 to index
      %swap3A_560 = memref.load %arg14[%swap3A] : memref<128xi32, #tpu.memory_space<smem>>
      memref.store %reduce_sum3A_559, %arg14[%swap3A] : memref<128xi32, #tpu.memory_space<smem>>
      %scan3A_561 = arith.constant 0 : i32
      scf.yield %scan3A_561 : i32
    }
    %scan3A_171 = arith.constant 128 : i32
    %scan3A_172 = arith.constant 78643 : i32
    %scan3A_173 = arith.constant 0 : i32
    %scan3A_174 = arith.constant 0 : i32
    %scan3A_175 = arith.constant 0 : i32
    %scan3A_176 = arith.constant 0 : i32
    %scan3A_177 = arith.constant 128 : i32
    %scan3A_178 = arith.addi %scan3A_176, %scan3A_177 : i32
    %scan3A_179 = arith.constant 1 : i32
    %scan3A_180:3 = scf.for %scan3A_550 = %scan3A_176 to %scan3A_178 step %scan3A_179 iter_args(%scan3A_551 = %scan3A_173, %scan3A_552 = %scan3A_174, %scan3A_553 = %scan3A_175) -> (i32, i32, i32)  : i32 {
      %sub3A_554 = arith.constant 127 : i32
      %sub3A_555 = arith.subi %sub3A_554, %scan3A_550 : i32
      %get3A_556 = arith.index_cast %sub3A_555 : i32 to index
      %get3A_557 = memref.load %arg14[%get3A_556] : memref<128xi32, #tpu.memory_space<smem>>
      %add3A_558 = arith.addi %scan3A_551, %get3A_557 : i32
      %ge3A_559 = arith.cmpi sge, %add3A_558, %scan3A_172 : i32
      %lt3A_560 = arith.cmpi slt, %scan3A_551, %scan3A_172 : i32
      %and3A_561 = arith.andi %ge3A_559, %lt3A_560 : i1
      %select_n3A_562 = arith.select %and3A_561, %sub3A_555, %scan3A_552 : i32
      %select_n3A_563 = arith.select %and3A_561, %scan3A_551, %scan3A_553 : i32
      scf.yield %add3A_558, %select_n3A_562, %select_n3A_563 : i32, i32, i32
    }
    %scan3A_181 = arith.constant 128 : i32
    %jit3A_182 = arith.constant 0 : i32
    %jit3A_183 = arith.constant 127 : i32
    %max3A = arith.maxsi %jit3A_182, %scan3A_180#1 : i32
    %min3A = arith.minsi %jit3A_183, %max3A : i32
    %mul3A_184 = arith.constant 16 : i32
    %mul3A_185 = arith.muli %min3A, %mul3A_184 : i32
    %get3A = arith.index_cast %mul3A_185 : i32 to index
    %get3A_186 = tpu.vector_load %arg10[%get3A] {strides = array<i32>} : memref<2048xi32, #tpu.memory_space<vmem>>, vector<16xi32>,
    %rev3A = arith.constant 15 : i32
    %rev3A_187 = vector.broadcast %rev3A : i32 to vector<16xi32>
    %rev3A_188 = tpu.iota {dimensions = array<i32: 0>} : vector<16xi32>
    %rev3A_189 = arith.subi %rev3A_187, %rev3A_188 : vector<16xi32>
    %rev3A_190 = tpu.dynamic_gather %get3A_186[%rev3A_189] in [0] : vector<16xi32>, vector<16xi32> -> vector<16xi32>
    %broadcast_in_dim3A_191 = arith.constant true
    %broadcast_in_dim3A_192 = vector.broadcast %broadcast_in_dim3A_191 : i1 to vector<16xi1>
    %masked_cumsum3A = tpu.scan <sum>, %rev3A_190 masked %broadcast_in_dim3A_192 : vector<16xi32>, vector<16xi1> -> vector<16xi32>
    %broadcast_in_dim3A_193 = vector.broadcast %scan3A_180#2 : i32 to vector<16xi32>
    %add3A_194 = arith.addi %broadcast_in_dim3A_193, %masked_cumsum3A : vector<16xi32>
    %broadcast_in_dim3A_195 = arith.constant 78643 : i32
    %broadcast_in_dim3A_196 = vector.broadcast %broadcast_in_dim3A_195 : i32 to vector<16xi32>
    %ge3A = arith.cmpi sge, %add3A_194, %broadcast_in_dim3A_196 : vector<16xi32>
    %all_reduce_population_count3A = tpu.all_reduce %ge3A {dim = 0 : i64, kind = #tpu.reduction_kind<sum>} : vector<16xi1> -> vector<16xi32>
    %sub3A_197 = arith.constant 1 : i32
    %sub3A_198 = vector.broadcast %sub3A_197 : i32 to vector<16xi32>
    %sub3A_199 = arith.subi %all_reduce_population_count3A, %sub3A_198 : vector<16xi32>
    %mul3A_200 = arith.constant 16 : i32
    %mul3A_201 = arith.muli %min3A, %mul3A_200 : i32
    %broadcast_in_dim3A_202 = vector.broadcast %mul3A_201 : i32 to vector<16xi32>
    %add3A_203 = arith.addi %broadcast_in_dim3A_202, %sub3A_199 : vector<16xi32>
    %gt3A = arith.cmpi sgt, %iota3A, %sub3A_199 : vector<16xi32>
    %jit3A_204 = arith.constant 0 : i32
    %broadcast_in_dim3A_205 = vector.broadcast %jit3A_204 : i32 to vector<16xi32>
    %select_n3A_206 = arith.select %gt3A, %get3A_186, %broadcast_in_dim3A_205 : vector<16xi1>, vector<16xi32>
    %reduce_sum3A = arith.constant true
    %reduce_sum3A_207 = vector.broadcast %reduce_sum3A : i1 to vector<16xi1>
    %reduce_sum3A_208 = tpu.scan <sum>, %select_n3A_206 masked %reduce_sum3A_207 : vector<16xi32>, vector<16xi1> -> vector<16xi32>
    %reduce_sum3A_209 = vector.extract %reduce_sum3A_208[15] : i32 from vector<16xi32>
    %add3A_210 = arith.addi %scan3A_180#2, %reduce_sum3A_209 : i32
    %convert_element_type3A_211 = arith.extui %eq3A_34 : i1 to i32
    %cond3A_212 = arith.constant 0 : i32
    %cond3A_213 = arith.cmpi ne, %convert_element_type3A_211, %cond3A_212 : i32
    scf.if %cond3A_213 {
      %swap3A = arith.constant 0 : index
      %swap3A_550 = tpu.vector_load %arg11[%swap3A] {strides = array<i32>} : memref<2048xi32, #tpu.memory_space<vmem>>, vector<16xi32>,
      tpu.vector_store %arg11[%swap3A], %add3A_203 {strides = array<i32>} : memref<2048xi32, #tpu.memory_space<vmem>>, vector<16xi32>,
      "tpu.region"() ({
        %run_scoped3A = tpu.sem_alloc : memref<!tpu.dma_semaphore, #tpu.memory_space<semaphore_mem>>
        %dma_start3A_551 = arith.constant 0 : i32
        %dma_start3A_552 = tpu.memref_slice %arg15[%add3A, %dma_start3A_551] : memref<16x2048xi32, #tpu.memory_space<vmem_shared>> -> memref<1x2048xi32, #tpu.memory_space<vmem_shared>>
        %dma_start3A_553 = tpu.memref_squeeze %dma_start3A_552 : memref<1x2048xi32, #tpu.memory_space<vmem_shared>> -> memref<2048xi32, #tpu.memory_space<vmem_shared>>
        %dma_start3A_554 = arith.constant 0 : i32
        %dma_start3A_555 = tpu.memref_slice %arg15[%add3A, %dma_start3A_554] : memref<16x2048xi32, #tpu.memory_space<vmem_shared>> -> memref<1x2048xi32, #tpu.memory_space<vmem_shared>>
        %dma_start3A_556 = tpu.memref_squeeze %dma_start3A_555 : memref<1x2048xi32, #tpu.memory_space<vmem_shared>> -> memref<2048xi32, #tpu.memory_space<vmem_shared>>
        tpu.enqueue_dma source(%arg11 : memref<2048xi32, #tpu.memory_space<vmem>>) target(%dma_start3A_556 : memref<2048xi32, #tpu.memory_space<vmem_shared>>) target_semaphore(%run_scoped3A : memref<!tpu.dma_semaphore, #tpu.memory_space<semaphore_mem>>)
        %dma_wait3A_557 = arith.constant 0 : i32
        %dma_wait3A_558 = tpu.memref_slice %arg15[%add3A, %dma_wait3A_557] : memref<16x2048xi32, #tpu.memory_space<vmem_shared>> -> memref<1x2048xi32, #tpu.memory_space<vmem_shared>>
        %dma_wait3A_559 = tpu.memref_squeeze %dma_wait3A_558 : memref<1x2048xi32, #tpu.memory_space<vmem_shared>> -> memref<2048xi32, #tpu.memory_space<vmem_shared>>
        %dma_wait3A_560 = arith.constant 0 : i32
        %dma_wait3A_561 = tpu.memref_slice %arg15[%add3A, %dma_wait3A_560] : memref<16x2048xi32, #tpu.memory_space<vmem_shared>> -> memref<1x2048xi32, #tpu.memory_space<vmem_shared>>
        %dma_wait3A_562 = tpu.memref_squeeze %dma_wait3A_561 : memref<1x2048xi32, #tpu.memory_space<vmem_shared>> -> memref<2048xi32, #tpu.memory_space<vmem_shared>>
        tpu.wait_dma2 semaphore(%run_scoped3A : memref<!tpu.dma_semaphore, #tpu.memory_space<semaphore_mem>>) src(%arg11 : memref<2048xi32, #tpu.memory_space<vmem>>) dst(%dma_wait3A_562 : memref<2048xi32, #tpu.memory_space<vmem_shared>>)
        tpu.yield
      }) : () -> ()
    } else {
    }
    %barrier3A_214 = arith.constant 0 : index
    tpu.barrier barrier_id(%barrier3A_214)
    "tpu.region"() ({
      %run_scoped3A = tpu.sem_alloc : memref<!tpu.dma_semaphore, #tpu.memory_space<semaphore_mem>>
      %dma_start3A_550 = arith.constant 0 : i32
      %dma_start3A_551 = tpu.memref_slice %arg15[%add3A, %dma_start3A_550] : memref<16x2048xi32, #tpu.memory_space<vmem_shared>> -> memref<1x2048xi32, #tpu.memory_space<vmem_shared>>
      %dma_start3A_552 = tpu.memref_squeeze %dma_start3A_551 : memref<1x2048xi32, #tpu.memory_space<vmem_shared>> -> memref<2048xi32, #tpu.memory_space<vmem_shared>>
      %dma_start3A_553 = arith.constant 0 : i32
      %dma_start3A_554 = tpu.memref_slice %arg15[%add3A, %dma_start3A_553] : memref<16x2048xi32, #tpu.memory_space<vmem_shared>> -> memref<1x2048xi32, #tpu.memory_space<vmem_shared>>
      %dma_start3A_555 = tpu.memref_squeeze %dma_start3A_554 : memref<1x2048xi32, #tpu.memory_space<vmem_shared>> -> memref<2048xi32, #tpu.memory_space<vmem_shared>>
      tpu.enqueue_dma source(%dma_start3A_555 : memref<2048xi32, #tpu.memory_space<vmem_shared>>) target(%arg11 : memref<2048xi32, #tpu.memory_space<vmem>>) target_semaphore(%run_scoped3A : memref<!tpu.dma_semaphore, #tpu.memory_space<semaphore_mem>>)
      %dma_wait3A_556 = arith.constant 0 : i32
      %dma_wait3A_557 = tpu.memref_slice %arg15[%add3A, %dma_wait3A_556] : memref<16x2048xi32, #tpu.memory_space<vmem_shared>> -> memref<1x2048xi32, #tpu.memory_space<vmem_shared>>
      %dma_wait3A_558 = tpu.memref_squeeze %dma_wait3A_557 : memref<1x2048xi32, #tpu.memory_space<vmem_shared>> -> memref<2048xi32, #tpu.memory_space<vmem_shared>>
      %dma_wait3A_559 = arith.constant 0 : i32
      %dma_wait3A_560 = tpu.memref_slice %arg15[%add3A, %dma_wait3A_559] : memref<16x2048xi32, #tpu.memory_space<vmem_shared>> -> memref<1x2048xi32, #tpu.memory_space<vmem_shared>>
      %dma_wait3A_561 = tpu.memref_squeeze %dma_wait3A_560 : memref<1x2048xi32, #tpu.memory_space<vmem_shared>> -> memref<2048xi32, #tpu.memory_space<vmem_shared>>
      tpu.wait_dma2 semaphore(%run_scoped3A : memref<!tpu.dma_semaphore, #tpu.memory_space<semaphore_mem>>) src(%dma_wait3A_561 : memref<2048xi32, #tpu.memory_space<vmem_shared>>) dst(%arg11 : memref<2048xi32, #tpu.memory_space<vmem>>)
      tpu.yield
    }) : () -> ()
    %get3A_215 = arith.constant 0 : index
    %get3A_216 = tpu.vector_load %arg11[%get3A_215] {strides = array<i32>} : memref<2048xi32, #tpu.memory_space<vmem>>, vector<16xi32>,
    %dma_start3A_217 = tpu.memref_slice %arg2[%add3A_39] : memref<4194304xf32, #tpu.memory_space<hbm>> -> memref<16384xf32, #tpu.memory_space<hbm>>
    %dma_start3A_218 = tpu.memref_slice %arg2[%add3A_39] : memref<4194304xf32, #tpu.memory_space<hbm>> -> memref<16384xf32, #tpu.memory_space<hbm>>
    tpu.enqueue_dma source(%dma_start3A_218 : memref<16384xf32, #tpu.memory_space<hbm>>) target(%arg4 : memref<16384xf32, #tpu.memory_space<vmem>>) target_semaphore(%arg6 : memref<!tpu.dma_semaphore, #tpu.memory_space<semaphore_mem>>)
    %add3A_219 = arith.constant 16384 : i32
    %add3A_220 = arith.addi %add3A_39, %add3A_219 : i32
    %dma_start3A_221 = tpu.memref_slice %arg2[%add3A_220] : memref<4194304xf32, #tpu.memory_space<hbm>> -> memref<16384xf32, #tpu.memory_space<hbm>>
    %dma_start3A_222 = tpu.memref_slice %arg2[%add3A_220] : memref<4194304xf32, #tpu.memory_space<hbm>> -> memref<16384xf32, #tpu.memory_space<hbm>>
    tpu.enqueue_dma source(%dma_start3A_222 : memref<16384xf32, #tpu.memory_space<hbm>>) target(%arg5 : memref<16384xf32, #tpu.memory_space<vmem>>) target_semaphore(%arg7 : memref<!tpu.dma_semaphore, #tpu.memory_space<semaphore_mem>>)
    %dma_wait3A_223 = tpu.memref_slice %arg2[%add3A_39] : memref<4194304xf32, #tpu.memory_space<hbm>> -> memref<16384xf32, #tpu.memory_space<hbm>>
    %dma_wait3A_224 = tpu.memref_slice %arg2[%add3A_39] : memref<4194304xf32, #tpu.memory_space<hbm>> -> memref<16384xf32, #tpu.memory_space<hbm>>
    tpu.wait_dma2 semaphore(%arg6 : memref<!tpu.dma_semaphore, #tpu.memory_space<semaphore_mem>>) src(%dma_wait3A_224 : memref<16384xf32, #tpu.memory_space<hbm>>) dst(%arg4 : memref<16384xf32, #tpu.memory_space<vmem>>)
    %scan3A_225 = arith.constant 0 : i32
    %scan3A_226 = arith.constant 128 : i32
    %scan3A_227 = arith.addi %scan3A_225, %scan3A_226 : i32
    %scan3A_228 = arith.constant 1 : i32
    %scan3A_229:9 = scf.for %scan3A_550 = %scan3A_225 to %scan3A_227 step %scan3A_228 iter_args(%scan3A_551 = %broadcast_in_dim3A_44, %scan3A_552 = %broadcast_in_dim3A_44, %scan3A_553 = %broadcast_in_dim3A_44, %scan3A_554 = %broadcast_in_dim3A_44, %scan3A_555 = %broadcast_in_dim3A_44, %scan3A_556 = %broadcast_in_dim3A_44, %scan3A_557 = %broadcast_in_dim3A_44, %scan3A_558 = %broadcast_in_dim3A_44, %scan3A_559 = %broadcast_in_dim3A_42) -> (vector<16xf32>, vector<16xf32>, vector<16xf32>, vector<16xf32>, vector<16xf32>, vector<16xf32>, vector<16xf32>, vector<16xf32>, vector<16xi32>)  : i32 {
      %mul3A_560 = arith.constant 8 : i32
      %mul3A_561 = arith.muli %scan3A_550, %mul3A_560 : i32
      %add3A_562 = arith.constant 0 : i32
      %add3A_563 = arith.addi %mul3A_561, %add3A_562 : i32
      %mul3A_564 = arith.constant 16 : i32
      %mul3A_565 = arith.muli %add3A_563, %mul3A_564 : i32
      %get3A_566 = arith.index_cast %mul3A_565 : i32 to index
      %get3A_567 = tpu.vector_load %arg4[%get3A_566] {strides = array<i32>} : memref<16384xf32, #tpu.memory_space<vmem>>, vector<16xf32>,
      %bitcast3A_568 = vector.bitcast %get3A_567 : vector<16xf32> to vector<16xi32>
      %shift_right_arithmetic3A_569 = arith.constant 20 : i32
      %shift_right_arithmetic3A_570 = vector.broadcast %shift_right_arithmetic3A_569 : i32 to vector<16xi32>
      %shift_right_arithmetic3A_571 = arith.shrsi %bitcast3A_568, %shift_right_arithmetic3A_570 : vector<16xi32>
      %gt3A_572 = arith.cmpi sgt, %shift_right_arithmetic3A_571, %get3A_216 : vector<16xi32>
      %eq3A_573 = arith.cmpi eq, %shift_right_arithmetic3A_571, %get3A_216 : vector<16xi32>
      %jit3A_574 = arith.constant 0.000000e+00 : f32
      %broadcast_in_dim3A_575 = vector.broadcast %jit3A_574 : f32 to vector<16xf32>
      %select_n3A_576 = arith.select %gt3A_572, %get3A_567, %broadcast_in_dim3A_575 : vector<16xi1>, vector<16xf32>
      %add3A_577 = arith.addf %scan3A_551, %select_n3A_576 : vector<16xf32>
      %min3A_578 = arith.constant 32752 : i32
      %min3A_579 = vector.broadcast %min3A_578 : i32 to vector<16xi32>
      %min3A_580 = arith.minsi %scan3A_559, %min3A_579 : vector<16xi32>
      %add3A_581 = arith.addi %min3A_580, %iota3A : vector<16xi32>
      tpu.vector_store_idx %arg9[%add3A_581], %get3A_567 masked %eq3A_573 : memref<32768xf32, #tpu.memory_space<vmem>>[vector<16xi32>], vector<16xf32>, vector<16xi1>
      %jit3A_582 = arith.constant 16 : i32
      %jit3A_583 = arith.constant 0 : i32
      %broadcast_in_dim3A_584 = vector.broadcast %jit3A_582 : i32 to vector<16xi32>
      %broadcast_in_dim3A_585 = vector.broadcast %jit3A_583 : i32 to vector<16xi32>
      %select_n3A_586 = arith.select %eq3A_573, %broadcast_in_dim3A_584, %broadcast_in_dim3A_585 : vector<16xi1>, vector<16xi32>
      %add3A_587 = arith.addi %scan3A_559, %select_n3A_586 : vector<16xi32>
      %mul3A_588 = arith.constant 8 : i32
      %mul3A_589 = arith.muli %scan3A_550, %mul3A_588 : i32
      %add3A_590 = arith.constant 1 : i32
      %add3A_591 = arith.addi %mul3A_589, %add3A_590 : i32
      %mul3A_592 = arith.constant 16 : i32
      %mul3A_593 = arith.muli %add3A_591, %mul3A_592 : i32
      %get3A_594 = arith.index_cast %mul3A_593 : i32 to index
      %get3A_595 = tpu.vector_load %arg4[%get3A_594] {strides = array<i32>} : memref<16384xf32, #tpu.memory_space<vmem>>, vector<16xf32>,
      %bitcast3A_596 = vector.bitcast %get3A_595 : vector<16xf32> to vector<16xi32>
      %shift_right_arithmetic3A_597 = arith.constant 20 : i32
      %shift_right_arithmetic3A_598 = vector.broadcast %shift_right_arithmetic3A_597 : i32 to vector<16xi32>
      %shift_right_arithmetic3A_599 = arith.shrsi %bitcast3A_596, %shift_right_arithmetic3A_598 : vector<16xi32>
      %gt3A_600 = arith.cmpi sgt, %shift_right_arithmetic3A_599, %get3A_216 : vector<16xi32>
      %eq3A_601 = arith.cmpi eq, %shift_right_arithmetic3A_599, %get3A_216 : vector<16xi32>
      %jit3A_602 = arith.constant 0.000000e+00 : f32
      %broadcast_in_dim3A_603 = vector.broadcast %jit3A_602 : f32 to vector<16xf32>
      %select_n3A_604 = arith.select %gt3A_600, %get3A_595, %broadcast_in_dim3A_603 : vector<16xi1>, vector<16xf32>
      %add3A_605 = arith.addf %scan3A_552, %select_n3A_604 : vector<16xf32>
      %min3A_606 = arith.constant 32752 : i32
      %min3A_607 = vector.broadcast %min3A_606 : i32 to vector<16xi32>
      %min3A_608 = arith.minsi %add3A_587, %min3A_607 : vector<16xi32>
      %add3A_609 = arith.addi %min3A_608, %iota3A : vector<16xi32>
      tpu.vector_store_idx %arg9[%add3A_609], %get3A_595 masked %eq3A_601 : memref<32768xf32, #tpu.memory_space<vmem>>[vector<16xi32>], vector<16xf32>, vector<16xi1>
      %jit3A_610 = arith.constant 16 : i32
      %jit3A_611 = arith.constant 0 : i32
      %broadcast_in_dim3A_612 = vector.broadcast %jit3A_610 : i32 to vector<16xi32>
      %broadcast_in_dim3A_613 = vector.broadcast %jit3A_611 : i32 to vector<16xi32>
      %select_n3A_614 = arith.select %eq3A_601, %broadcast_in_dim3A_612, %broadcast_in_dim3A_613 : vector<16xi1>, vector<16xi32>
      %add3A_615 = arith.addi %add3A_587, %select_n3A_614 : vector<16xi32>
      %mul3A_616 = arith.constant 8 : i32
      %mul3A_617 = arith.muli %scan3A_550, %mul3A_616 : i32
      %add3A_618 = arith.constant 2 : i32
      %add3A_619 = arith.addi %mul3A_617, %add3A_618 : i32
      %mul3A_620 = arith.constant 16 : i32
      %mul3A_621 = arith.muli %add3A_619, %mul3A_620 : i32
      %get3A_622 = arith.index_cast %mul3A_621 : i32 to index
      %get3A_623 = tpu.vector_load %arg4[%get3A_622] {strides = array<i32>} : memref<16384xf32, #tpu.memory_space<vmem>>, vector<16xf32>,
      %bitcast3A_624 = vector.bitcast %get3A_623 : vector<16xf32> to vector<16xi32>
      %shift_right_arithmetic3A_625 = arith.constant 20 : i32
      %shift_right_arithmetic3A_626 = vector.broadcast %shift_right_arithmetic3A_625 : i32 to vector<16xi32>
      %shift_right_arithmetic3A_627 = arith.shrsi %bitcast3A_624, %shift_right_arithmetic3A_626 : vector<16xi32>
      %gt3A_628 = arith.cmpi sgt, %shift_right_arithmetic3A_627, %get3A_216 : vector<16xi32>
      %eq3A_629 = arith.cmpi eq, %shift_right_arithmetic3A_627, %get3A_216 : vector<16xi32>
      %jit3A_630 = arith.constant 0.000000e+00 : f32
      %broadcast_in_dim3A_631 = vector.broadcast %jit3A_630 : f32 to vector<16xf32>
      %select_n3A_632 = arith.select %gt3A_628, %get3A_623, %broadcast_in_dim3A_631 : vector<16xi1>, vector<16xf32>
      %add3A_633 = arith.addf %scan3A_553, %select_n3A_632 : vector<16xf32>
      %min3A_634 = arith.constant 32752 : i32
      %min3A_635 = vector.broadcast %min3A_634 : i32 to vector<16xi32>
      %min3A_636 = arith.minsi %add3A_615, %min3A_635 : vector<16xi32>
      %add3A_637 = arith.addi %min3A_636, %iota3A : vector<16xi32>
      tpu.vector_store_idx %arg9[%add3A_637], %get3A_623 masked %eq3A_629 : memref<32768xf32, #tpu.memory_space<vmem>>[vector<16xi32>], vector<16xf32>, vector<16xi1>
      %jit3A_638 = arith.constant 16 : i32
      %jit3A_639 = arith.constant 0 : i32
      %broadcast_in_dim3A_640 = vector.broadcast %jit3A_638 : i32 to vector<16xi32>
      %broadcast_in_dim3A_641 = vector.broadcast %jit3A_639 : i32 to vector<16xi32>
      %select_n3A_642 = arith.select %eq3A_629, %broadcast_in_dim3A_640, %broadcast_in_dim3A_641 : vector<16xi1>, vector<16xi32>
      %add3A_643 = arith.addi %add3A_615, %select_n3A_642 : vector<16xi32>
      %mul3A_644 = arith.constant 8 : i32
      %mul3A_645 = arith.muli %scan3A_550, %mul3A_644 : i32
      %add3A_646 = arith.constant 3 : i32
      %add3A_647 = arith.addi %mul3A_645, %add3A_646 : i32
      %mul3A_648 = arith.constant 16 : i32
      %mul3A_649 = arith.muli %add3A_647, %mul3A_648 : i32
      %get3A_650 = arith.index_cast %mul3A_649 : i32 to index
      %get3A_651 = tpu.vector_load %arg4[%get3A_650] {strides = array<i32>} : memref<16384xf32, #tpu.memory_space<vmem>>, vector<16xf32>,
      %bitcast3A_652 = vector.bitcast %get3A_651 : vector<16xf32> to vector<16xi32>
      %shift_right_arithmetic3A_653 = arith.constant 20 : i32
      %shift_right_arithmetic3A_654 = vector.broadcast %shift_right_arithmetic3A_653 : i32 to vector<16xi32>
      %shift_right_arithmetic3A_655 = arith.shrsi %bitcast3A_652, %shift_right_arithmetic3A_654 : vector<16xi32>
      %gt3A_656 = arith.cmpi sgt, %shift_right_arithmetic3A_655, %get3A_216 : vector<16xi32>
      %eq3A_657 = arith.cmpi eq, %shift_right_arithmetic3A_655, %get3A_216 : vector<16xi32>
      %jit3A_658 = arith.constant 0.000000e+00 : f32
      %broadcast_in_dim3A_659 = vector.broadcast %jit3A_658 : f32 to vector<16xf32>
      %select_n3A_660 = arith.select %gt3A_656, %get3A_651, %broadcast_in_dim3A_659 : vector<16xi1>, vector<16xf32>
      %add3A_661 = arith.addf %scan3A_554, %select_n3A_660 : vector<16xf32>
      %min3A_662 = arith.constant 32752 : i32
      %min3A_663 = vector.broadcast %min3A_662 : i32 to vector<16xi32>
      %min3A_664 = arith.minsi %add3A_643, %min3A_663 : vector<16xi32>
      %add3A_665 = arith.addi %min3A_664, %iota3A : vector<16xi32>
      tpu.vector_store_idx %arg9[%add3A_665], %get3A_651 masked %eq3A_657 : memref<32768xf32, #tpu.memory_space<vmem>>[vector<16xi32>], vector<16xf32>, vector<16xi1>
      %jit3A_666 = arith.constant 16 : i32
      %jit3A_667 = arith.constant 0 : i32
      %broadcast_in_dim3A_668 = vector.broadcast %jit3A_666 : i32 to vector<16xi32>
      %broadcast_in_dim3A_669 = vector.broadcast %jit3A_667 : i32 to vector<16xi32>
      %select_n3A_670 = arith.select %eq3A_657, %broadcast_in_dim3A_668, %broadcast_in_dim3A_669 : vector<16xi1>, vector<16xi32>
      %add3A_671 = arith.addi %add3A_643, %select_n3A_670 : vector<16xi32>
      %mul3A_672 = arith.constant 8 : i32
      %mul3A_673 = arith.muli %scan3A_550, %mul3A_672 : i32
      %add3A_674 = arith.constant 4 : i32
      %add3A_675 = arith.addi %mul3A_673, %add3A_674 : i32
      %mul3A_676 = arith.constant 16 : i32
      %mul3A_677 = arith.muli %add3A_675, %mul3A_676 : i32
      %get3A_678 = arith.index_cast %mul3A_677 : i32 to index
      %get3A_679 = tpu.vector_load %arg4[%get3A_678] {strides = array<i32>} : memref<16384xf32, #tpu.memory_space<vmem>>, vector<16xf32>,
      %bitcast3A_680 = vector.bitcast %get3A_679 : vector<16xf32> to vector<16xi32>
      %shift_right_arithmetic3A_681 = arith.constant 20 : i32
      %shift_right_arithmetic3A_682 = vector.broadcast %shift_right_arithmetic3A_681 : i32 to vector<16xi32>
      %shift_right_arithmetic3A_683 = arith.shrsi %bitcast3A_680, %shift_right_arithmetic3A_682 : vector<16xi32>
      %gt3A_684 = arith.cmpi sgt, %shift_right_arithmetic3A_683, %get3A_216 : vector<16xi32>
      %eq3A_685 = arith.cmpi eq, %shift_right_arithmetic3A_683, %get3A_216 : vector<16xi32>
      %jit3A_686 = arith.constant 0.000000e+00 : f32
      %broadcast_in_dim3A_687 = vector.broadcast %jit3A_686 : f32 to vector<16xf32>
      %select_n3A_688 = arith.select %gt3A_684, %get3A_679, %broadcast_in_dim3A_687 : vector<16xi1>, vector<16xf32>
      %add3A_689 = arith.addf %scan3A_555, %select_n3A_688 : vector<16xf32>
      %min3A_690 = arith.constant 32752 : i32
      %min3A_691 = vector.broadcast %min3A_690 : i32 to vector<16xi32>
      %min3A_692 = arith.minsi %add3A_671, %min3A_691 : vector<16xi32>
      %add3A_693 = arith.addi %min3A_692, %iota3A : vector<16xi32>
      tpu.vector_store_idx %arg9[%add3A_693], %get3A_679 masked %eq3A_685 : memref<32768xf32, #tpu.memory_space<vmem>>[vector<16xi32>], vector<16xf32>, vector<16xi1>
      %jit3A_694 = arith.constant 16 : i32
      %jit3A_695 = arith.constant 0 : i32
      %broadcast_in_dim3A_696 = vector.broadcast %jit3A_694 : i32 to vector<16xi32>
      %broadcast_in_dim3A_697 = vector.broadcast %jit3A_695 : i32 to vector<16xi32>
      %select_n3A_698 = arith.select %eq3A_685, %broadcast_in_dim3A_696, %broadcast_in_dim3A_697 : vector<16xi1>, vector<16xi32>
      %add3A_699 = arith.addi %add3A_671, %select_n3A_698 : vector<16xi32>
      %mul3A_700 = arith.constant 8 : i32
      %mul3A_701 = arith.muli %scan3A_550, %mul3A_700 : i32
      %add3A_702 = arith.constant 5 : i32
      %add3A_703 = arith.addi %mul3A_701, %add3A_702 : i32
      %mul3A_704 = arith.constant 16 : i32
      %mul3A_705 = arith.muli %add3A_703, %mul3A_704 : i32
      %get3A_706 = arith.index_cast %mul3A_705 : i32 to index
      %get3A_707 = tpu.vector_load %arg4[%get3A_706] {strides = array<i32>} : memref<16384xf32, #tpu.memory_space<vmem>>, vector<16xf32>,
      %bitcast3A_708 = vector.bitcast %get3A_707 : vector<16xf32> to vector<16xi32>
      %shift_right_arithmetic3A_709 = arith.constant 20 : i32
      %shift_right_arithmetic3A_710 = vector.broadcast %shift_right_arithmetic3A_709 : i32 to vector<16xi32>
      %shift_right_arithmetic3A_711 = arith.shrsi %bitcast3A_708, %shift_right_arithmetic3A_710 : vector<16xi32>
      %gt3A_712 = arith.cmpi sgt, %shift_right_arithmetic3A_711, %get3A_216 : vector<16xi32>
      %eq3A_713 = arith.cmpi eq, %shift_right_arithmetic3A_711, %get3A_216 : vector<16xi32>
      %jit3A_714 = arith.constant 0.000000e+00 : f32
      %broadcast_in_dim3A_715 = vector.broadcast %jit3A_714 : f32 to vector<16xf32>
      %select_n3A_716 = arith.select %gt3A_712, %get3A_707, %broadcast_in_dim3A_715 : vector<16xi1>, vector<16xf32>
      %add3A_717 = arith.addf %scan3A_556, %select_n3A_716 : vector<16xf32>
      %min3A_718 = arith.constant 32752 : i32
      %min3A_719 = vector.broadcast %min3A_718 : i32 to vector<16xi32>
      %min3A_720 = arith.minsi %add3A_699, %min3A_719 : vector<16xi32>
      %add3A_721 = arith.addi %min3A_720, %iota3A : vector<16xi32>
      tpu.vector_store_idx %arg9[%add3A_721], %get3A_707 masked %eq3A_713 : memref<32768xf32, #tpu.memory_space<vmem>>[vector<16xi32>], vector<16xf32>, vector<16xi1>
      %jit3A_722 = arith.constant 16 : i32
      %jit3A_723 = arith.constant 0 : i32
      %broadcast_in_dim3A_724 = vector.broadcast %jit3A_722 : i32 to vector<16xi32>
      %broadcast_in_dim3A_725 = vector.broadcast %jit3A_723 : i32 to vector<16xi32>
      %select_n3A_726 = arith.select %eq3A_713, %broadcast_in_dim3A_724, %broadcast_in_dim3A_725 : vector<16xi1>, vector<16xi32>
      %add3A_727 = arith.addi %add3A_699, %select_n3A_726 : vector<16xi32>
      %mul3A_728 = arith.constant 8 : i32
      %mul3A_729 = arith.muli %scan3A_550, %mul3A_728 : i32
      %add3A_730 = arith.constant 6 : i32
      %add3A_731 = arith.addi %mul3A_729, %add3A_730 : i32
      %mul3A_732 = arith.constant 16 : i32
      %mul3A_733 = arith.muli %add3A_731, %mul3A_732 : i32
      %get3A_734 = arith.index_cast %mul3A_733 : i32 to index
      %get3A_735 = tpu.vector_load %arg4[%get3A_734] {strides = array<i32>} : memref<16384xf32, #tpu.memory_space<vmem>>, vector<16xf32>,
      %bitcast3A_736 = vector.bitcast %get3A_735 : vector<16xf32> to vector<16xi32>
      %shift_right_arithmetic3A_737 = arith.constant 20 : i32
      %shift_right_arithmetic3A_738 = vector.broadcast %shift_right_arithmetic3A_737 : i32 to vector<16xi32>
      %shift_right_arithmetic3A_739 = arith.shrsi %bitcast3A_736, %shift_right_arithmetic3A_738 : vector<16xi32>
      %gt3A_740 = arith.cmpi sgt, %shift_right_arithmetic3A_739, %get3A_216 : vector<16xi32>
      %eq3A_741 = arith.cmpi eq, %shift_right_arithmetic3A_739, %get3A_216 : vector<16xi32>
      %jit3A_742 = arith.constant 0.000000e+00 : f32
      %broadcast_in_dim3A_743 = vector.broadcast %jit3A_742 : f32 to vector<16xf32>
      %select_n3A_744 = arith.select %gt3A_740, %get3A_735, %broadcast_in_dim3A_743 : vector<16xi1>, vector<16xf32>
      %add3A_745 = arith.addf %scan3A_557, %select_n3A_744 : vector<16xf32>
      %min3A_746 = arith.constant 32752 : i32
      %min3A_747 = vector.broadcast %min3A_746 : i32 to vector<16xi32>
      %min3A_748 = arith.minsi %add3A_727, %min3A_747 : vector<16xi32>
      %add3A_749 = arith.addi %min3A_748, %iota3A : vector<16xi32>
      tpu.vector_store_idx %arg9[%add3A_749], %get3A_735 masked %eq3A_741 : memref<32768xf32, #tpu.memory_space<vmem>>[vector<16xi32>], vector<16xf32>, vector<16xi1>
      %jit3A_750 = arith.constant 16 : i32
      %jit3A_751 = arith.constant 0 : i32
      %broadcast_in_dim3A_752 = vector.broadcast %jit3A_750 : i32 to vector<16xi32>
      %broadcast_in_dim3A_753 = vector.broadcast %jit3A_751 : i32 to vector<16xi32>
      %select_n3A_754 = arith.select %eq3A_741, %broadcast_in_dim3A_752, %broadcast_in_dim3A_753 : vector<16xi1>, vector<16xi32>
      %add3A_755 = arith.addi %add3A_727, %select_n3A_754 : vector<16xi32>
      %mul3A_756 = arith.constant 8 : i32
      %mul3A_757 = arith.muli %scan3A_550, %mul3A_756 : i32
      %add3A_758 = arith.constant 7 : i32
      %add3A_759 = arith.addi %mul3A_757, %add3A_758 : i32
      %mul3A_760 = arith.constant 16 : i32
      %mul3A_761 = arith.muli %add3A_759, %mul3A_760 : i32
      %get3A_762 = arith.index_cast %mul3A_761 : i32 to index
      %get3A_763 = tpu.vector_load %arg4[%get3A_762] {strides = array<i32>} : memref<16384xf32, #tpu.memory_space<vmem>>, vector<16xf32>,
      %bitcast3A_764 = vector.bitcast %get3A_763 : vector<16xf32> to vector<16xi32>
      %shift_right_arithmetic3A_765 = arith.constant 20 : i32
      %shift_right_arithmetic3A_766 = vector.broadcast %shift_right_arithmetic3A_765 : i32 to vector<16xi32>
      %shift_right_arithmetic3A_767 = arith.shrsi %bitcast3A_764, %shift_right_arithmetic3A_766 : vector<16xi32>
      %gt3A_768 = arith.cmpi sgt, %shift_right_arithmetic3A_767, %get3A_216 : vector<16xi32>
      %eq3A_769 = arith.cmpi eq, %shift_right_arithmetic3A_767, %get3A_216 : vector<16xi32>
      %jit3A_770 = arith.constant 0.000000e+00 : f32
      %broadcast_in_dim3A_771 = vector.broadcast %jit3A_770 : f32 to vector<16xf32>
      %select_n3A_772 = arith.select %gt3A_768, %get3A_763, %broadcast_in_dim3A_771 : vector<16xi1>, vector<16xf32>
      %add3A_773 = arith.addf %scan3A_558, %select_n3A_772 : vector<16xf32>
      %min3A_774 = arith.constant 32752 : i32
      %min3A_775 = vector.broadcast %min3A_774 : i32 to vector<16xi32>
      %min3A_776 = arith.minsi %add3A_755, %min3A_775 : vector<16xi32>
      %add3A_777 = arith.addi %min3A_776, %iota3A : vector<16xi32>
      tpu.vector_store_idx %arg9[%add3A_777], %get3A_763 masked %eq3A_769 : memref<32768xf32, #tpu.memory_space<vmem>>[vector<16xi32>], vector<16xf32>, vector<16xi1>
      %jit3A_778 = arith.constant 16 : i32
      %jit3A_779 = arith.constant 0 : i32
      %broadcast_in_dim3A_780 = vector.broadcast %jit3A_778 : i32 to vector<16xi32>
      %broadcast_in_dim3A_781 = vector.broadcast %jit3A_779 : i32 to vector<16xi32>
      %select_n3A_782 = arith.select %eq3A_769, %broadcast_in_dim3A_780, %broadcast_in_dim3A_781 : vector<16xi1>, vector<16xi32>
      %add3A_783 = arith.addi %add3A_755, %select_n3A_782 : vector<16xi32>
      scf.yield %add3A_577, %add3A_605, %add3A_633, %add3A_661, %add3A_689, %add3A_717, %add3A_745, %add3A_773, %add3A_783 : vector<16xf32>, vector<16xf32>, vector<16xf32>, vector<16xf32>, vector<16xf32>, vector<16xf32>, vector<16xf32>, vector<16xf32>, vector<16xi32>
    }
    %scan3A_230 = arith.constant 128 : i32
    %add3A_231 = arith.constant 32768 : i32
    %add3A_232 = arith.addi %add3A_39, %add3A_231 : i32
    %dma_start3A_233 = tpu.memref_slice %arg2[%add3A_232] : memref<4194304xf32, #tpu.memory_space<hbm>> -> memref<16384xf32, #tpu.memory_space<hbm>>
    %dma_start3A_234 = tpu.memref_slice %arg2[%add3A_232] : memref<4194304xf32, #tpu.memory_space<hbm>> -> memref<16384xf32, #tpu.memory_space<hbm>>
    tpu.enqueue_dma source(%dma_start3A_234 : memref<16384xf32, #tpu.memory_space<hbm>>) target(%arg4 : memref<16384xf32, #tpu.memory_space<vmem>>) target_semaphore(%arg6 : memref<!tpu.dma_semaphore, #tpu.memory_space<semaphore_mem>>)
    %dma_wait3A_235 = tpu.memref_slice %arg2[%add3A_220] : memref<4194304xf32, #tpu.memory_space<hbm>> -> memref<16384xf32, #tpu.memory_space<hbm>>
    %dma_wait3A_236 = tpu.memref_slice %arg2[%add3A_220] : memref<4194304xf32, #tpu.memory_space<hbm>> -> memref<16384xf32, #tpu.memory_space<hbm>>
    tpu.wait_dma2 semaphore(%arg7 : memref<!tpu.dma_semaphore, #tpu.memory_space<semaphore_mem>>) src(%dma_wait3A_236 : memref<16384xf32, #tpu.memory_space<hbm>>) dst(%arg5 : memref<16384xf32, #tpu.memory_space<vmem>>)
    %scan3A_237 = arith.constant 0 : i32
    %scan3A_238 = arith.constant 128 : i32
    %scan3A_239 = arith.addi %scan3A_237, %scan3A_238 : i32
    %scan3A_240 = arith.constant 1 : i32
    %scan3A_241:9 = scf.for %scan3A_550 = %scan3A_237 to %scan3A_239 step %scan3A_240 iter_args(%scan3A_551 = %scan3A_229#0, %scan3A_552 = %scan3A_229#1, %scan3A_553 = %scan3A_229#2, %scan3A_554 = %scan3A_229#3, %scan3A_555 = %scan3A_229#4, %scan3A_556 = %scan3A_229#5, %scan3A_557 = %scan3A_229#6, %scan3A_558 = %scan3A_229#7, %scan3A_559 = %scan3A_229#8) -> (vector<16xf32>, vector<16xf32>, vector<16xf32>, vector<16xf32>, vector<16xf32>, vector<16xf32>, vector<16xf32>, vector<16xf32>, vector<16xi32>)  : i32 {
      %mul3A_560 = arith.constant 8 : i32
      %mul3A_561 = arith.muli %scan3A_550, %mul3A_560 : i32
      %add3A_562 = arith.constant 0 : i32
      %add3A_563 = arith.addi %mul3A_561, %add3A_562 : i32
      %mul3A_564 = arith.constant 16 : i32
      %mul3A_565 = arith.muli %add3A_563, %mul3A_564 : i32
      %get3A_566 = arith.index_cast %mul3A_565 : i32 to index
      %get3A_567 = tpu.vector_load %arg5[%get3A_566] {strides = array<i32>} : memref<16384xf32, #tpu.memory_space<vmem>>, vector<16xf32>,
      %bitcast3A_568 = vector.bitcast %get3A_567 : vector<16xf32> to vector<16xi32>
      %shift_right_arithmetic3A_569 = arith.constant 20 : i32
      %shift_right_arithmetic3A_570 = vector.broadcast %shift_right_arithmetic3A_569 : i32 to vector<16xi32>
      %shift_right_arithmetic3A_571 = arith.shrsi %bitcast3A_568, %shift_right_arithmetic3A_570 : vector<16xi32>
      %gt3A_572 = arith.cmpi sgt, %shift_right_arithmetic3A_571, %get3A_216 : vector<16xi32>
      %eq3A_573 = arith.cmpi eq, %shift_right_arithmetic3A_571, %get3A_216 : vector<16xi32>
      %jit3A_574 = arith.constant 0.000000e+00 : f32
      %broadcast_in_dim3A_575 = vector.broadcast %jit3A_574 : f32 to vector<16xf32>
      %select_n3A_576 = arith.select %gt3A_572, %get3A_567, %broadcast_in_dim3A_575 : vector<16xi1>, vector<16xf32>
      %add3A_577 = arith.addf %scan3A_551, %select_n3A_576 : vector<16xf32>
      %min3A_578 = arith.constant 32752 : i32
      %min3A_579 = vector.broadcast %min3A_578 : i32 to vector<16xi32>
      %min3A_580 = arith.minsi %scan3A_559, %min3A_579 : vector<16xi32>
      %add3A_581 = arith.addi %min3A_580, %iota3A : vector<16xi32>
      tpu.vector_store_idx %arg9[%add3A_581], %get3A_567 masked %eq3A_573 : memref<32768xf32, #tpu.memory_space<vmem>>[vector<16xi32>], vector<16xf32>, vector<16xi1>
      %jit3A_582 = arith.constant 16 : i32
      %jit3A_583 = arith.constant 0 : i32
      %broadcast_in_dim3A_584 = vector.broadcast %jit3A_582 : i32 to vector<16xi32>
      %broadcast_in_dim3A_585 = vector.broadcast %jit3A_583 : i32 to vector<16xi32>
      %select_n3A_586 = arith.select %eq3A_573, %broadcast_in_dim3A_584, %broadcast_in_dim3A_585 : vector<16xi1>, vector<16xi32>
      %add3A_587 = arith.addi %scan3A_559, %select_n3A_586 : vector<16xi32>
      %mul3A_588 = arith.constant 8 : i32
      %mul3A_589 = arith.muli %scan3A_550, %mul3A_588 : i32
      %add3A_590 = arith.constant 1 : i32
      %add3A_591 = arith.addi %mul3A_589, %add3A_590 : i32
      %mul3A_592 = arith.constant 16 : i32
      %mul3A_593 = arith.muli %add3A_591, %mul3A_592 : i32
      %get3A_594 = arith.index_cast %mul3A_593 : i32 to index
      %get3A_595 = tpu.vector_load %arg5[%get3A_594] {strides = array<i32>} : memref<16384xf32, #tpu.memory_space<vmem>>, vector<16xf32>,
      %bitcast3A_596 = vector.bitcast %get3A_595 : vector<16xf32> to vector<16xi32>
      %shift_right_arithmetic3A_597 = arith.constant 20 : i32
      %shift_right_arithmetic3A_598 = vector.broadcast %shift_right_arithmetic3A_597 : i32 to vector<16xi32>
      %shift_right_arithmetic3A_599 = arith.shrsi %bitcast3A_596, %shift_right_arithmetic3A_598 : vector<16xi32>
      %gt3A_600 = arith.cmpi sgt, %shift_right_arithmetic3A_599, %get3A_216 : vector<16xi32>
      %eq3A_601 = arith.cmpi eq, %shift_right_arithmetic3A_599, %get3A_216 : vector<16xi32>
      %jit3A_602 = arith.constant 0.000000e+00 : f32
      %broadcast_in_dim3A_603 = vector.broadcast %jit3A_602 : f32 to vector<16xf32>
      %select_n3A_604 = arith.select %gt3A_600, %get3A_595, %broadcast_in_dim3A_603 : vector<16xi1>, vector<16xf32>
      %add3A_605 = arith.addf %scan3A_552, %select_n3A_604 : vector<16xf32>
      %min3A_606 = arith.constant 32752 : i32
      %min3A_607 = vector.broadcast %min3A_606 : i32 to vector<16xi32>
      %min3A_608 = arith.minsi %add3A_587, %min3A_607 : vector<16xi32>
      %add3A_609 = arith.addi %min3A_608, %iota3A : vector<16xi32>
      tpu.vector_store_idx %arg9[%add3A_609], %get3A_595 masked %eq3A_601 : memref<32768xf32, #tpu.memory_space<vmem>>[vector<16xi32>], vector<16xf32>, vector<16xi1>
      %jit3A_610 = arith.constant 16 : i32
      %jit3A_611 = arith.constant 0 : i32
      %broadcast_in_dim3A_612 = vector.broadcast %jit3A_610 : i32 to vector<16xi32>
      %broadcast_in_dim3A_613 = vector.broadcast %jit3A_611 : i32 to vector<16xi32>
      %select_n3A_614 = arith.select %eq3A_601, %broadcast_in_dim3A_612, %broadcast_in_dim3A_613 : vector<16xi1>, vector<16xi32>
      %add3A_615 = arith.addi %add3A_587, %select_n3A_614 : vector<16xi32>
      %mul3A_616 = arith.constant 8 : i32
      %mul3A_617 = arith.muli %scan3A_550, %mul3A_616 : i32
      %add3A_618 = arith.constant 2 : i32
      %add3A_619 = arith.addi %mul3A_617, %add3A_618 : i32
      %mul3A_620 = arith.constant 16 : i32
      %mul3A_621 = arith.muli %add3A_619, %mul3A_620 : i32
      %get3A_622 = arith.index_cast %mul3A_621 : i32 to index
      %get3A_623 = tpu.vector_load %arg5[%get3A_622] {strides = array<i32>} : memref<16384xf32, #tpu.memory_space<vmem>>, vector<16xf32>,
      %bitcast3A_624 = vector.bitcast %get3A_623 : vector<16xf32> to vector<16xi32>
      %shift_right_arithmetic3A_625 = arith.constant 20 : i32
      %shift_right_arithmetic3A_626 = vector.broadcast %shift_right_arithmetic3A_625 : i32 to vector<16xi32>
      %shift_right_arithmetic3A_627 = arith.shrsi %bitcast3A_624, %shift_right_arithmetic3A_626 : vector<16xi32>
      %gt3A_628 = arith.cmpi sgt, %shift_right_arithmetic3A_627, %get3A_216 : vector<16xi32>
      %eq3A_629 = arith.cmpi eq, %shift_right_arithmetic3A_627, %get3A_216 : vector<16xi32>
      %jit3A_630 = arith.constant 0.000000e+00 : f32
      %broadcast_in_dim3A_631 = vector.broadcast %jit3A_630 : f32 to vector<16xf32>
      %select_n3A_632 = arith.select %gt3A_628, %get3A_623, %broadcast_in_dim3A_631 : vector<16xi1>, vector<16xf32>
      %add3A_633 = arith.addf %scan3A_553, %select_n3A_632 : vector<16xf32>
      %min3A_634 = arith.constant 32752 : i32
      %min3A_635 = vector.broadcast %min3A_634 : i32 to vector<16xi32>
      %min3A_636 = arith.minsi %add3A_615, %min3A_635 : vector<16xi32>
      %add3A_637 = arith.addi %min3A_636, %iota3A : vector<16xi32>
      tpu.vector_store_idx %arg9[%add3A_637], %get3A_623 masked %eq3A_629 : memref<32768xf32, #tpu.memory_space<vmem>>[vector<16xi32>], vector<16xf32>, vector<16xi1>
      %jit3A_638 = arith.constant 16 : i32
      %jit3A_639 = arith.constant 0 : i32
      %broadcast_in_dim3A_640 = vector.broadcast %jit3A_638 : i32 to vector<16xi32>
      %broadcast_in_dim3A_641 = vector.broadcast %jit3A_639 : i32 to vector<16xi32>
      %select_n3A_642 = arith.select %eq3A_629, %broadcast_in_dim3A_640, %broadcast_in_dim3A_641 : vector<16xi1>, vector<16xi32>
      %add3A_643 = arith.addi %add3A_615, %select_n3A_642 : vector<16xi32>
      %mul3A_644 = arith.constant 8 : i32
      %mul3A_645 = arith.muli %scan3A_550, %mul3A_644 : i32
      %add3A_646 = arith.constant 3 : i32
      %add3A_647 = arith.addi %mul3A_645, %add3A_646 : i32
      %mul3A_648 = arith.constant 16 : i32
      %mul3A_649 = arith.muli %add3A_647, %mul3A_648 : i32
      %get3A_650 = arith.index_cast %mul3A_649 : i32 to index
      %get3A_651 = tpu.vector_load %arg5[%get3A_650] {strides = array<i32>} : memref<16384xf32, #tpu.memory_space<vmem>>, vector<16xf32>,
      %bitcast3A_652 = vector.bitcast %get3A_651 : vector<16xf32> to vector<16xi32>
      %shift_right_arithmetic3A_653 = arith.constant 20 : i32
      %shift_right_arithmetic3A_654 = vector.broadcast %shift_right_arithmetic3A_653 : i32 to vector<16xi32>
      %shift_right_arithmetic3A_655 = arith.shrsi %bitcast3A_652, %shift_right_arithmetic3A_654 : vector<16xi32>
      %gt3A_656 = arith.cmpi sgt, %shift_right_arithmetic3A_655, %get3A_216 : vector<16xi32>
      %eq3A_657 = arith.cmpi eq, %shift_right_arithmetic3A_655, %get3A_216 : vector<16xi32>
      %jit3A_658 = arith.constant 0.000000e+00 : f32
      %broadcast_in_dim3A_659 = vector.broadcast %jit3A_658 : f32 to vector<16xf32>
      %select_n3A_660 = arith.select %gt3A_656, %get3A_651, %broadcast_in_dim3A_659 : vector<16xi1>, vector<16xf32>
      %add3A_661 = arith.addf %scan3A_554, %select_n3A_660 : vector<16xf32>
      %min3A_662 = arith.constant 32752 : i32
      %min3A_663 = vector.broadcast %min3A_662 : i32 to vector<16xi32>
      %min3A_664 = arith.minsi %add3A_643, %min3A_663 : vector<16xi32>
      %add3A_665 = arith.addi %min3A_664, %iota3A : vector<16xi32>
      tpu.vector_store_idx %arg9[%add3A_665], %get3A_651 masked %eq3A_657 : memref<32768xf32, #tpu.memory_space<vmem>>[vector<16xi32>], vector<16xf32>, vector<16xi1>
      %jit3A_666 = arith.constant 16 : i32
      %jit3A_667 = arith.constant 0 : i32
      %broadcast_in_dim3A_668 = vector.broadcast %jit3A_666 : i32 to vector<16xi32>
      %broadcast_in_dim3A_669 = vector.broadcast %jit3A_667 : i32 to vector<16xi32>
      %select_n3A_670 = arith.select %eq3A_657, %broadcast_in_dim3A_668, %broadcast_in_dim3A_669 : vector<16xi1>, vector<16xi32>
      %add3A_671 = arith.addi %add3A_643, %select_n3A_670 : vector<16xi32>
      %mul3A_672 = arith.constant 8 : i32
      %mul3A_673 = arith.muli %scan3A_550, %mul3A_672 : i32
      %add3A_674 = arith.constant 4 : i32
      %add3A_675 = arith.addi %mul3A_673, %add3A_674 : i32
      %mul3A_676 = arith.constant 16 : i32
      %mul3A_677 = arith.muli %add3A_675, %mul3A_676 : i32
      %get3A_678 = arith.index_cast %mul3A_677 : i32 to index
      %get3A_679 = tpu.vector_load %arg5[%get3A_678] {strides = array<i32>} : memref<16384xf32, #tpu.memory_space<vmem>>, vector<16xf32>,
      %bitcast3A_680 = vector.bitcast %get3A_679 : vector<16xf32> to vector<16xi32>
      %shift_right_arithmetic3A_681 = arith.constant 20 : i32
      %shift_right_arithmetic3A_682 = vector.broadcast %shift_right_arithmetic3A_681 : i32 to vector<16xi32>
      %shift_right_arithmetic3A_683 = arith.shrsi %bitcast3A_680, %shift_right_arithmetic3A_682 : vector<16xi32>
      %gt3A_684 = arith.cmpi sgt, %shift_right_arithmetic3A_683, %get3A_216 : vector<16xi32>
      %eq3A_685 = arith.cmpi eq, %shift_right_arithmetic3A_683, %get3A_216 : vector<16xi32>
      %jit3A_686 = arith.constant 0.000000e+00 : f32
      %broadcast_in_dim3A_687 = vector.broadcast %jit3A_686 : f32 to vector<16xf32>
      %select_n3A_688 = arith.select %gt3A_684, %get3A_679, %broadcast_in_dim3A_687 : vector<16xi1>, vector<16xf32>
      %add3A_689 = arith.addf %scan3A_555, %select_n3A_688 : vector<16xf32>
      %min3A_690 = arith.constant 32752 : i32
      %min3A_691 = vector.broadcast %min3A_690 : i32 to vector<16xi32>
      %min3A_692 = arith.minsi %add3A_671, %min3A_691 : vector<16xi32>
      %add3A_693 = arith.addi %min3A_692, %iota3A : vector<16xi32>
      tpu.vector_store_idx %arg9[%add3A_693], %get3A_679 masked %eq3A_685 : memref<32768xf32, #tpu.memory_space<vmem>>[vector<16xi32>], vector<16xf32>, vector<16xi1>
      %jit3A_694 = arith.constant 16 : i32
      %jit3A_695 = arith.constant 0 : i32
      %broadcast_in_dim3A_696 = vector.broadcast %jit3A_694 : i32 to vector<16xi32>
      %broadcast_in_dim3A_697 = vector.broadcast %jit3A_695 : i32 to vector<16xi32>
      %select_n3A_698 = arith.select %eq3A_685, %broadcast_in_dim3A_696, %broadcast_in_dim3A_697 : vector<16xi1>, vector<16xi32>
      %add3A_699 = arith.addi %add3A_671, %select_n3A_698 : vector<16xi32>
      %mul3A_700 = arith.constant 8 : i32
      %mul3A_701 = arith.muli %scan3A_550, %mul3A_700 : i32
      %add3A_702 = arith.constant 5 : i32
      %add3A_703 = arith.addi %mul3A_701, %add3A_702 : i32
      %mul3A_704 = arith.constant 16 : i32
      %mul3A_705 = arith.muli %add3A_703, %mul3A_704 : i32
      %get3A_706 = arith.index_cast %mul3A_705 : i32 to index
      %get3A_707 = tpu.vector_load %arg5[%get3A_706] {strides = array<i32>} : memref<16384xf32, #tpu.memory_space<vmem>>, vector<16xf32>,
      %bitcast3A_708 = vector.bitcast %get3A_707 : vector<16xf32> to vector<16xi32>
      %shift_right_arithmetic3A_709 = arith.constant 20 : i32
      %shift_right_arithmetic3A_710 = vector.broadcast %shift_right_arithmetic3A_709 : i32 to vector<16xi32>
      %shift_right_arithmetic3A_711 = arith.shrsi %bitcast3A_708, %shift_right_arithmetic3A_710 : vector<16xi32>
      %gt3A_712 = arith.cmpi sgt, %shift_right_arithmetic3A_711, %get3A_216 : vector<16xi32>
      %eq3A_713 = arith.cmpi eq, %shift_right_arithmetic3A_711, %get3A_216 : vector<16xi32>
      %jit3A_714 = arith.constant 0.000000e+00 : f32
      %broadcast_in_dim3A_715 = vector.broadcast %jit3A_714 : f32 to vector<16xf32>
      %select_n3A_716 = arith.select %gt3A_712, %get3A_707, %broadcast_in_dim3A_715 : vector<16xi1>, vector<16xf32>
      %add3A_717 = arith.addf %scan3A_556, %select_n3A_716 : vector<16xf32>
      %min3A_718 = arith.constant 32752 : i32
      %min3A_719 = vector.broadcast %min3A_718 : i32 to vector<16xi32>
      %min3A_720 = arith.minsi %add3A_699, %min3A_719 : vector<16xi32>
      %add3A_721 = arith.addi %min3A_720, %iota3A : vector<16xi32>
      tpu.vector_store_idx %arg9[%add3A_721], %get3A_707 masked %eq3A_713 : memref<32768xf32, #tpu.memory_space<vmem>>[vector<16xi32>], vector<16xf32>, vector<16xi1>
      %jit3A_722 = arith.constant 16 : i32
      %jit3A_723 = arith.constant 0 : i32
      %broadcast_in_dim3A_724 = vector.broadcast %jit3A_722 : i32 to vector<16xi32>
      %broadcast_in_dim3A_725 = vector.broadcast %jit3A_723 : i32 to vector<16xi32>
      %select_n3A_726 = arith.select %eq3A_713, %broadcast_in_dim3A_724, %broadcast_in_dim3A_725 : vector<16xi1>, vector<16xi32>
      %add3A_727 = arith.addi %add3A_699, %select_n3A_726 : vector<16xi32>
      %mul3A_728 = arith.constant 8 : i32
      %mul3A_729 = arith.muli %scan3A_550, %mul3A_728 : i32
      %add3A_730 = arith.constant 6 : i32
      %add3A_731 = arith.addi %mul3A_729, %add3A_730 : i32
      %mul3A_732 = arith.constant 16 : i32
      %mul3A_733 = arith.muli %add3A_731, %mul3A_732 : i32
      %get3A_734 = arith.index_cast %mul3A_733 : i32 to index
      %get3A_735 = tpu.vector_load %arg5[%get3A_734] {strides = array<i32>} : memref<16384xf32, #tpu.memory_space<vmem>>, vector<16xf32>,
      %bitcast3A_736 = vector.bitcast %get3A_735 : vector<16xf32> to vector<16xi32>
      %shift_right_arithmetic3A_737 = arith.constant 20 : i32
      %shift_right_arithmetic3A_738 = vector.broadcast %shift_right_arithmetic3A_737 : i32 to vector<16xi32>
      %shift_right_arithmetic3A_739 = arith.shrsi %bitcast3A_736, %shift_right_arithmetic3A_738 : vector<16xi32>
      %gt3A_740 = arith.cmpi sgt, %shift_right_arithmetic3A_739, %get3A_216 : vector<16xi32>
      %eq3A_741 = arith.cmpi eq, %shift_right_arithmetic3A_739, %get3A_216 : vector<16xi32>
      %jit3A_742 = arith.constant 0.000000e+00 : f32
      %broadcast_in_dim3A_743 = vector.broadcast %jit3A_742 : f32 to vector<16xf32>
      %select_n3A_744 = arith.select %gt3A_740, %get3A_735, %broadcast_in_dim3A_743 : vector<16xi1>, vector<16xf32>
      %add3A_745 = arith.addf %scan3A_557, %select_n3A_744 : vector<16xf32>
      %min3A_746 = arith.constant 32752 : i32
      %min3A_747 = vector.broadcast %min3A_746 : i32 to vector<16xi32>
      %min3A_748 = arith.minsi %add3A_727, %min3A_747 : vector<16xi32>
      %add3A_749 = arith.addi %min3A_748, %iota3A : vector<16xi32>
      tpu.vector_store_idx %arg9[%add3A_749], %get3A_735 masked %eq3A_741 : memref<32768xf32, #tpu.memory_space<vmem>>[vector<16xi32>], vector<16xf32>, vector<16xi1>
      %jit3A_750 = arith.constant 16 : i32
      %jit3A_751 = arith.constant 0 : i32
      %broadcast_in_dim3A_752 = vector.broadcast %jit3A_750 : i32 to vector<16xi32>
      %broadcast_in_dim3A_753 = vector.broadcast %jit3A_751 : i32 to vector<16xi32>
      %select_n3A_754 = arith.select %eq3A_741, %broadcast_in_dim3A_752, %broadcast_in_dim3A_753 : vector<16xi1>, vector<16xi32>
      %add3A_755 = arith.addi %add3A_727, %select_n3A_754 : vector<16xi32>
      %mul3A_756 = arith.constant 8 : i32
      %mul3A_757 = arith.muli %scan3A_550, %mul3A_756 : i32
      %add3A_758 = arith.constant 7 : i32
      %add3A_759 = arith.addi %mul3A_757, %add3A_758 : i32
      %mul3A_760 = arith.constant 16 : i32
      %mul3A_761 = arith.muli %add3A_759, %mul3A_760 : i32
      %get3A_762 = arith.index_cast %mul3A_761 : i32 to index
      %get3A_763 = tpu.vector_load %arg5[%get3A_762] {strides = array<i32>} : memref<16384xf32, #tpu.memory_space<vmem>>, vector<16xf32>,
      %bitcast3A_764 = vector.bitcast %get3A_763 : vector<16xf32> to vector<16xi32>
      %shift_right_arithmetic3A_765 = arith.constant 20 : i32
      %shift_right_arithmetic3A_766 = vector.broadcast %shift_right_arithmetic3A_765 : i32 to vector<16xi32>
      %shift_right_arithmetic3A_767 = arith.shrsi %bitcast3A_764, %shift_right_arithmetic3A_766 : vector<16xi32>
      %gt3A_768 = arith.cmpi sgt, %shift_right_arithmetic3A_767, %get3A_216 : vector<16xi32>
      %eq3A_769 = arith.cmpi eq, %shift_right_arithmetic3A_767, %get3A_216 : vector<16xi32>
      %jit3A_770 = arith.constant 0.000000e+00 : f32
      %broadcast_in_dim3A_771 = vector.broadcast %jit3A_770 : f32 to vector<16xf32>
      %select_n3A_772 = arith.select %gt3A_768, %get3A_763, %broadcast_in_dim3A_771 : vector<16xi1>, vector<16xf32>
      %add3A_773 = arith.addf %scan3A_558, %select_n3A_772 : vector<16xf32>
      %min3A_774 = arith.constant 32752 : i32
      %min3A_775 = vector.broadcast %min3A_774 : i32 to vector<16xi32>
      %min3A_776 = arith.minsi %add3A_755, %min3A_775 : vector<16xi32>
      %add3A_777 = arith.addi %min3A_776, %iota3A : vector<16xi32>
      tpu.vector_store_idx %arg9[%add3A_777], %get3A_763 masked %eq3A_769 : memref<32768xf32, #tpu.memory_space<vmem>>[vector<16xi32>], vector<16xf32>, vector<16xi1>
      %jit3A_778 = arith.constant 16 : i32
      %jit3A_779 = arith.constant 0 : i32
      %broadcast_in_dim3A_780 = vector.broadcast %jit3A_778 : i32 to vector<16xi32>
      %broadcast_in_dim3A_781 = vector.broadcast %jit3A_779 : i32 to vector<16xi32>
      %select_n3A_782 = arith.select %eq3A_769, %broadcast_in_dim3A_780, %broadcast_in_dim3A_781 : vector<16xi1>, vector<16xi32>
      %add3A_783 = arith.addi %add3A_755, %select_n3A_782 : vector<16xi32>
      scf.yield %add3A_577, %add3A_605, %add3A_633, %add3A_661, %add3A_689, %add3A_717, %add3A_745, %add3A_773, %add3A_783 : vector<16xf32>, vector<16xf32>, vector<16xf32>, vector<16xf32>, vector<16xf32>, vector<16xf32>, vector<16xf32>, vector<16xf32>, vector<16xi32>
    }
    %scan3A_242 = arith.constant 128 : i32
    %add3A_243 = arith.constant 49152 : i32
    %add3A_244 = arith.addi %add3A_39, %add3A_243 : i32
    %dma_start3A_245 = tpu.memref_slice %arg2[%add3A_244] : memref<4194304xf32, #tpu.memory_space<hbm>> -> memref<16384xf32, #tpu.memory_space<hbm>>
    %dma_start3A_246 = tpu.memref_slice %arg2[%add3A_244] : memref<4194304xf32, #tpu.memory_space<hbm>> -> memref<16384xf32, #tpu.memory_space<hbm>>
    tpu.enqueue_dma source(%dma_start3A_246 : memref<16384xf32, #tpu.memory_space<hbm>>) target(%arg5 : memref<16384xf32, #tpu.memory_space<vmem>>) target_semaphore(%arg7 : memref<!tpu.dma_semaphore, #tpu.memory_space<semaphore_mem>>)
    %dma_wait3A_247 = tpu.memref_slice %arg2[%add3A_232] : memref<4194304xf32, #tpu.memory_space<hbm>> -> memref<16384xf32, #tpu.memory_space<hbm>>
    %dma_wait3A_248 = tpu.memref_slice %arg2[%add3A_232] : memref<4194304xf32, #tpu.memory_space<hbm>> -> memref<16384xf32, #tpu.memory_space<hbm>>
    tpu.wait_dma2 semaphore(%arg6 : memref<!tpu.dma_semaphore, #tpu.memory_space<semaphore_mem>>) src(%dma_wait3A_248 : memref<16384xf32, #tpu.memory_space<hbm>>) dst(%arg4 : memref<16384xf32, #tpu.memory_space<vmem>>)
    %scan3A_249 = arith.constant 0 : i32
    %scan3A_250 = arith.constant 128 : i32
    %scan3A_251 = arith.addi %scan3A_249, %scan3A_250 : i32
    %scan3A_252 = arith.constant 1 : i32
    %scan3A_253:9 = scf.for %scan3A_550 = %scan3A_249 to %scan3A_251 step %scan3A_252 iter_args(%scan3A_551 = %scan3A_241#0, %scan3A_552 = %scan3A_241#1, %scan3A_553 = %scan3A_241#2, %scan3A_554 = %scan3A_241#3, %scan3A_555 = %scan3A_241#4, %scan3A_556 = %scan3A_241#5, %scan3A_557 = %scan3A_241#6, %scan3A_558 = %scan3A_241#7, %scan3A_559 = %scan3A_241#8) -> (vector<16xf32>, vector<16xf32>, vector<16xf32>, vector<16xf32>, vector<16xf32>, vector<16xf32>, vector<16xf32>, vector<16xf32>, vector<16xi32>)  : i32 {
      %mul3A_560 = arith.constant 8 : i32
      %mul3A_561 = arith.muli %scan3A_550, %mul3A_560 : i32
      %add3A_562 = arith.constant 0 : i32
      %add3A_563 = arith.addi %mul3A_561, %add3A_562 : i32
      %mul3A_564 = arith.constant 16 : i32
      %mul3A_565 = arith.muli %add3A_563, %mul3A_564 : i32
      %get3A_566 = arith.index_cast %mul3A_565 : i32 to index
      %get3A_567 = tpu.vector_load %arg4[%get3A_566] {strides = array<i32>} : memref<16384xf32, #tpu.memory_space<vmem>>, vector<16xf32>,
      %bitcast3A_568 = vector.bitcast %get3A_567 : vector<16xf32> to vector<16xi32>
      %shift_right_arithmetic3A_569 = arith.constant 20 : i32
      %shift_right_arithmetic3A_570 = vector.broadcast %shift_right_arithmetic3A_569 : i32 to vector<16xi32>
      %shift_right_arithmetic3A_571 = arith.shrsi %bitcast3A_568, %shift_right_arithmetic3A_570 : vector<16xi32>
      %gt3A_572 = arith.cmpi sgt, %shift_right_arithmetic3A_571, %get3A_216 : vector<16xi32>
      %eq3A_573 = arith.cmpi eq, %shift_right_arithmetic3A_571, %get3A_216 : vector<16xi32>
      %jit3A_574 = arith.constant 0.000000e+00 : f32
      %broadcast_in_dim3A_575 = vector.broadcast %jit3A_574 : f32 to vector<16xf32>
      %select_n3A_576 = arith.select %gt3A_572, %get3A_567, %broadcast_in_dim3A_575 : vector<16xi1>, vector<16xf32>
      %add3A_577 = arith.addf %scan3A_551, %select_n3A_576 : vector<16xf32>
      %min3A_578 = arith.constant 32752 : i32
      %min3A_579 = vector.broadcast %min3A_578 : i32 to vector<16xi32>
      %min3A_580 = arith.minsi %scan3A_559, %min3A_579 : vector<16xi32>
      %add3A_581 = arith.addi %min3A_580, %iota3A : vector<16xi32>
      tpu.vector_store_idx %arg9[%add3A_581], %get3A_567 masked %eq3A_573 : memref<32768xf32, #tpu.memory_space<vmem>>[vector<16xi32>], vector<16xf32>, vector<16xi1>
      %jit3A_582 = arith.constant 16 : i32
      %jit3A_583 = arith.constant 0 : i32
      %broadcast_in_dim3A_584 = vector.broadcast %jit3A_582 : i32 to vector<16xi32>
      %broadcast_in_dim3A_585 = vector.broadcast %jit3A_583 : i32 to vector<16xi32>
      %select_n3A_586 = arith.select %eq3A_573, %broadcast_in_dim3A_584, %broadcast_in_dim3A_585 : vector<16xi1>, vector<16xi32>
      %add3A_587 = arith.addi %scan3A_559, %select_n3A_586 : vector<16xi32>
      %mul3A_588 = arith.constant 8 : i32
      %mul3A_589 = arith.muli %scan3A_550, %mul3A_588 : i32
      %add3A_590 = arith.constant 1 : i32
      %add3A_591 = arith.addi %mul3A_589, %add3A_590 : i32
      %mul3A_592 = arith.constant 16 : i32
      %mul3A_593 = arith.muli %add3A_591, %mul3A_592 : i32
      %get3A_594 = arith.index_cast %mul3A_593 : i32 to index
      %get3A_595 = tpu.vector_load %arg4[%get3A_594] {strides = array<i32>} : memref<16384xf32, #tpu.memory_space<vmem>>, vector<16xf32>,
      %bitcast3A_596 = vector.bitcast %get3A_595 : vector<16xf32> to vector<16xi32>
      %shift_right_arithmetic3A_597 = arith.constant 20 : i32
      %shift_right_arithmetic3A_598 = vector.broadcast %shift_right_arithmetic3A_597 : i32 to vector<16xi32>
      %shift_right_arithmetic3A_599 = arith.shrsi %bitcast3A_596, %shift_right_arithmetic3A_598 : vector<16xi32>
      %gt3A_600 = arith.cmpi sgt, %shift_right_arithmetic3A_599, %get3A_216 : vector<16xi32>
      %eq3A_601 = arith.cmpi eq, %shift_right_arithmetic3A_599, %get3A_216 : vector<16xi32>
      %jit3A_602 = arith.constant 0.000000e+00 : f32
      %broadcast_in_dim3A_603 = vector.broadcast %jit3A_602 : f32 to vector<16xf32>
      %select_n3A_604 = arith.select %gt3A_600, %get3A_595, %broadcast_in_dim3A_603 : vector<16xi1>, vector<16xf32>
      %add3A_605 = arith.addf %scan3A_552, %select_n3A_604 : vector<16xf32>
      %min3A_606 = arith.constant 32752 : i32
      %min3A_607 = vector.broadcast %min3A_606 : i32 to vector<16xi32>
      %min3A_608 = arith.minsi %add3A_587, %min3A_607 : vector<16xi32>
      %add3A_609 = arith.addi %min3A_608, %iota3A : vector<16xi32>
      tpu.vector_store_idx %arg9[%add3A_609], %get3A_595 masked %eq3A_601 : memref<32768xf32, #tpu.memory_space<vmem>>[vector<16xi32>], vector<16xf32>, vector<16xi1>
      %jit3A_610 = arith.constant 16 : i32
      %jit3A_611 = arith.constant 0 : i32
      %broadcast_in_dim3A_612 = vector.broadcast %jit3A_610 : i32 to vector<16xi32>
      %broadcast_in_dim3A_613 = vector.broadcast %jit3A_611 : i32 to vector<16xi32>
      %select_n3A_614 = arith.select %eq3A_601, %broadcast_in_dim3A_612, %broadcast_in_dim3A_613 : vector<16xi1>, vector<16xi32>
      %add3A_615 = arith.addi %add3A_587, %select_n3A_614 : vector<16xi32>
      %mul3A_616 = arith.constant 8 : i32
      %mul3A_617 = arith.muli %scan3A_550, %mul3A_616 : i32
      %add3A_618 = arith.constant 2 : i32
      %add3A_619 = arith.addi %mul3A_617, %add3A_618 : i32
      %mul3A_620 = arith.constant 16 : i32
      %mul3A_621 = arith.muli %add3A_619, %mul3A_620 : i32
      %get3A_622 = arith.index_cast %mul3A_621 : i32 to index
      %get3A_623 = tpu.vector_load %arg4[%get3A_622] {strides = array<i32>} : memref<16384xf32, #tpu.memory_space<vmem>>, vector<16xf32>,
      %bitcast3A_624 = vector.bitcast %get3A_623 : vector<16xf32> to vector<16xi32>
      %shift_right_arithmetic3A_625 = arith.constant 20 : i32
      %shift_right_arithmetic3A_626 = vector.broadcast %shift_right_arithmetic3A_625 : i32 to vector<16xi32>
      %shift_right_arithmetic3A_627 = arith.shrsi %bitcast3A_624, %shift_right_arithmetic3A_626 : vector<16xi32>
      %gt3A_628 = arith.cmpi sgt, %shift_right_arithmetic3A_627, %get3A_216 : vector<16xi32>
      %eq3A_629 = arith.cmpi eq, %shift_right_arithmetic3A_627, %get3A_216 : vector<16xi32>
      %jit3A_630 = arith.constant 0.000000e+00 : f32
      %broadcast_in_dim3A_631 = vector.broadcast %jit3A_630 : f32 to vector<16xf32>
      %select_n3A_632 = arith.select %gt3A_628, %get3A_623, %broadcast_in_dim3A_631 : vector<16xi1>, vector<16xf32>
      %add3A_633 = arith.addf %scan3A_553, %select_n3A_632 : vector<16xf32>
      %min3A_634 = arith.constant 32752 : i32
      %min3A_635 = vector.broadcast %min3A_634 : i32 to vector<16xi32>
      %min3A_636 = arith.minsi %add3A_615, %min3A_635 : vector<16xi32>
      %add3A_637 = arith.addi %min3A_636, %iota3A : vector<16xi32>
      tpu.vector_store_idx %arg9[%add3A_637], %get3A_623 masked %eq3A_629 : memref<32768xf32, #tpu.memory_space<vmem>>[vector<16xi32>], vector<16xf32>, vector<16xi1>
      %jit3A_638 = arith.constant 16 : i32
      %jit3A_639 = arith.constant 0 : i32
      %broadcast_in_dim3A_640 = vector.broadcast %jit3A_638 : i32 to vector<16xi32>
      %broadcast_in_dim3A_641 = vector.broadcast %jit3A_639 : i32 to vector<16xi32>
      %select_n3A_642 = arith.select %eq3A_629, %broadcast_in_dim3A_640, %broadcast_in_dim3A_641 : vector<16xi1>, vector<16xi32>
      %add3A_643 = arith.addi %add3A_615, %select_n3A_642 : vector<16xi32>
      %mul3A_644 = arith.constant 8 : i32
      %mul3A_645 = arith.muli %scan3A_550, %mul3A_644 : i32
      %add3A_646 = arith.constant 3 : i32
      %add3A_647 = arith.addi %mul3A_645, %add3A_646 : i32
      %mul3A_648 = arith.constant 16 : i32
      %mul3A_649 = arith.muli %add3A_647, %mul3A_648 : i32
      %get3A_650 = arith.index_cast %mul3A_649 : i32 to index
      %get3A_651 = tpu.vector_load %arg4[%get3A_650] {strides = array<i32>} : memref<16384xf32, #tpu.memory_space<vmem>>, vector<16xf32>,
      %bitcast3A_652 = vector.bitcast %get3A_651 : vector<16xf32> to vector<16xi32>
      %shift_right_arithmetic3A_653 = arith.constant 20 : i32
      %shift_right_arithmetic3A_654 = vector.broadcast %shift_right_arithmetic3A_653 : i32 to vector<16xi32>
      %shift_right_arithmetic3A_655 = arith.shrsi %bitcast3A_652, %shift_right_arithmetic3A_654 : vector<16xi32>
      %gt3A_656 = arith.cmpi sgt, %shift_right_arithmetic3A_655, %get3A_216 : vector<16xi32>
      %eq3A_657 = arith.cmpi eq, %shift_right_arithmetic3A_655, %get3A_216 : vector<16xi32>
      %jit3A_658 = arith.constant 0.000000e+00 : f32
      %broadcast_in_dim3A_659 = vector.broadcast %jit3A_658 : f32 to vector<16xf32>
      %select_n3A_660 = arith.select %gt3A_656, %get3A_651, %broadcast_in_dim3A_659 : vector<16xi1>, vector<16xf32>
      %add3A_661 = arith.addf %scan3A_554, %select_n3A_660 : vector<16xf32>
      %min3A_662 = arith.constant 32752 : i32
      %min3A_663 = vector.broadcast %min3A_662 : i32 to vector<16xi32>
      %min3A_664 = arith.minsi %add3A_643, %min3A_663 : vector<16xi32>
      %add3A_665 = arith.addi %min3A_664, %iota3A : vector<16xi32>
      tpu.vector_store_idx %arg9[%add3A_665], %get3A_651 masked %eq3A_657 : memref<32768xf32, #tpu.memory_space<vmem>>[vector<16xi32>], vector<16xf32>, vector<16xi1>
      %jit3A_666 = arith.constant 16 : i32
      %jit3A_667 = arith.constant 0 : i32
      %broadcast_in_dim3A_668 = vector.broadcast %jit3A_666 : i32 to vector<16xi32>
      %broadcast_in_dim3A_669 = vector.broadcast %jit3A_667 : i32 to vector<16xi32>
      %select_n3A_670 = arith.select %eq3A_657, %broadcast_in_dim3A_668, %broadcast_in_dim3A_669 : vector<16xi1>, vector<16xi32>
      %add3A_671 = arith.addi %add3A_643, %select_n3A_670 : vector<16xi32>
      %mul3A_672 = arith.constant 8 : i32
      %mul3A_673 = arith.muli %scan3A_550, %mul3A_672 : i32
      %add3A_674 = arith.constant 4 : i32
      %add3A_675 = arith.addi %mul3A_673, %add3A_674 : i32
      %mul3A_676 = arith.constant 16 : i32
      %mul3A_677 = arith.muli %add3A_675, %mul3A_676 : i32
      %get3A_678 = arith.index_cast %mul3A_677 : i32 to index
      %get3A_679 = tpu.vector_load %arg4[%get3A_678] {strides = array<i32>} : memref<16384xf32, #tpu.memory_space<vmem>>, vector<16xf32>,
      %bitcast3A_680 = vector.bitcast %get3A_679 : vector<16xf32> to vector<16xi32>
      %shift_right_arithmetic3A_681 = arith.constant 20 : i32
      %shift_right_arithmetic3A_682 = vector.broadcast %shift_right_arithmetic3A_681 : i32 to vector<16xi32>
      %shift_right_arithmetic3A_683 = arith.shrsi %bitcast3A_680, %shift_right_arithmetic3A_682 : vector<16xi32>
      %gt3A_684 = arith.cmpi sgt, %shift_right_arithmetic3A_683, %get3A_216 : vector<16xi32>
      %eq3A_685 = arith.cmpi eq, %shift_right_arithmetic3A_683, %get3A_216 : vector<16xi32>
      %jit3A_686 = arith.constant 0.000000e+00 : f32
      %broadcast_in_dim3A_687 = vector.broadcast %jit3A_686 : f32 to vector<16xf32>
      %select_n3A_688 = arith.select %gt3A_684, %get3A_679, %broadcast_in_dim3A_687 : vector<16xi1>, vector<16xf32>
      %add3A_689 = arith.addf %scan3A_555, %select_n3A_688 : vector<16xf32>
      %min3A_690 = arith.constant 32752 : i32
      %min3A_691 = vector.broadcast %min3A_690 : i32 to vector<16xi32>
      %min3A_692 = arith.minsi %add3A_671, %min3A_691 : vector<16xi32>
      %add3A_693 = arith.addi %min3A_692, %iota3A : vector<16xi32>
      tpu.vector_store_idx %arg9[%add3A_693], %get3A_679 masked %eq3A_685 : memref<32768xf32, #tpu.memory_space<vmem>>[vector<16xi32>], vector<16xf32>, vector<16xi1>
      %jit3A_694 = arith.constant 16 : i32
      %jit3A_695 = arith.constant 0 : i32
      %broadcast_in_dim3A_696 = vector.broadcast %jit3A_694 : i32 to vector<16xi32>
      %broadcast_in_dim3A_697 = vector.broadcast %jit3A_695 : i32 to vector<16xi32>
      %select_n3A_698 = arith.select %eq3A_685, %broadcast_in_dim3A_696, %broadcast_in_dim3A_697 : vector<16xi1>, vector<16xi32>
      %add3A_699 = arith.addi %add3A_671, %select_n3A_698 : vector<16xi32>
      %mul3A_700 = arith.constant 8 : i32
      %mul3A_701 = arith.muli %scan3A_550, %mul3A_700 : i32
      %add3A_702 = arith.constant 5 : i32
      %add3A_703 = arith.addi %mul3A_701, %add3A_702 : i32
      %mul3A_704 = arith.constant 16 : i32
      %mul3A_705 = arith.muli %add3A_703, %mul3A_704 : i32
      %get3A_706 = arith.index_cast %mul3A_705 : i32 to index
      %get3A_707 = tpu.vector_load %arg4[%get3A_706] {strides = array<i32>} : memref<16384xf32, #tpu.memory_space<vmem>>, vector<16xf32>,
      %bitcast3A_708 = vector.bitcast %get3A_707 : vector<16xf32> to vector<16xi32>
      %shift_right_arithmetic3A_709 = arith.constant 20 : i32
      %shift_right_arithmetic3A_710 = vector.broadcast %shift_right_arithmetic3A_709 : i32 to vector<16xi32>
      %shift_right_arithmetic3A_711 = arith.shrsi %bitcast3A_708, %shift_right_arithmetic3A_710 : vector<16xi32>
      %gt3A_712 = arith.cmpi sgt, %shift_right_arithmetic3A_711, %get3A_216 : vector<16xi32>
      %eq3A_713 = arith.cmpi eq, %shift_right_arithmetic3A_711, %get3A_216 : vector<16xi32>
      %jit3A_714 = arith.constant 0.000000e+00 : f32
      %broadcast_in_dim3A_715 = vector.broadcast %jit3A_714 : f32 to vector<16xf32>
      %select_n3A_716 = arith.select %gt3A_712, %get3A_707, %broadcast_in_dim3A_715 : vector<16xi1>, vector<16xf32>
      %add3A_717 = arith.addf %scan3A_556, %select_n3A_716 : vector<16xf32>
      %min3A_718 = arith.constant 32752 : i32
      %min3A_719 = vector.broadcast %min3A_718 : i32 to vector<16xi32>
      %min3A_720 = arith.minsi %add3A_699, %min3A_719 : vector<16xi32>
      %add3A_721 = arith.addi %min3A_720, %iota3A : vector<16xi32>
      tpu.vector_store_idx %arg9[%add3A_721], %get3A_707 masked %eq3A_713 : memref<32768xf32, #tpu.memory_space<vmem>>[vector<16xi32>], vector<16xf32>, vector<16xi1>
      %jit3A_722 = arith.constant 16 : i32
      %jit3A_723 = arith.constant 0 : i32
      %broadcast_in_dim3A_724 = vector.broadcast %jit3A_722 : i32 to vector<16xi32>
      %broadcast_in_dim3A_725 = vector.broadcast %jit3A_723 : i32 to vector<16xi32>
      %select_n3A_726 = arith.select %eq3A_713, %broadcast_in_dim3A_724, %broadcast_in_dim3A_725 : vector<16xi1>, vector<16xi32>
      %add3A_727 = arith.addi %add3A_699, %select_n3A_726 : vector<16xi32>
      %mul3A_728 = arith.constant 8 : i32
      %mul3A_729 = arith.muli %scan3A_550, %mul3A_728 : i32
      %add3A_730 = arith.constant 6 : i32
      %add3A_731 = arith.addi %mul3A_729, %add3A_730 : i32
      %mul3A_732 = arith.constant 16 : i32
      %mul3A_733 = arith.muli %add3A_731, %mul3A_732 : i32
      %get3A_734 = arith.index_cast %mul3A_733 : i32 to index
      %get3A_735 = tpu.vector_load %arg4[%get3A_734] {strides = array<i32>} : memref<16384xf32, #tpu.memory_space<vmem>>, vector<16xf32>,
      %bitcast3A_736 = vector.bitcast %get3A_735 : vector<16xf32> to vector<16xi32>
      %shift_right_arithmetic3A_737 = arith.constant 20 : i32
      %shift_right_arithmetic3A_738 = vector.broadcast %shift_right_arithmetic3A_737 : i32 to vector<16xi32>
      %shift_right_arithmetic3A_739 = arith.shrsi %bitcast3A_736, %shift_right_arithmetic3A_738 : vector<16xi32>
      %gt3A_740 = arith.cmpi sgt, %shift_right_arithmetic3A_739, %get3A_216 : vector<16xi32>
      %eq3A_741 = arith.cmpi eq, %shift_right_arithmetic3A_739, %get3A_216 : vector<16xi32>
      %jit3A_742 = arith.constant 0.000000e+00 : f32
      %broadcast_in_dim3A_743 = vector.broadcast %jit3A_742 : f32 to vector<16xf32>
      %select_n3A_744 = arith.select %gt3A_740, %get3A_735, %broadcast_in_dim3A_743 : vector<16xi1>, vector<16xf32>
      %add3A_745 = arith.addf %scan3A_557, %select_n3A_744 : vector<16xf32>
      %min3A_746 = arith.constant 32752 : i32
      %min3A_747 = vector.broadcast %min3A_746 : i32 to vector<16xi32>
      %min3A_748 = arith.minsi %add3A_727, %min3A_747 : vector<16xi32>
      %add3A_749 = arith.addi %min3A_748, %iota3A : vector<16xi32>
      tpu.vector_store_idx %arg9[%add3A_749], %get3A_735 masked %eq3A_741 : memref<32768xf32, #tpu.memory_space<vmem>>[vector<16xi32>], vector<16xf32>, vector<16xi1>
      %jit3A_750 = arith.constant 16 : i32
      %jit3A_751 = arith.constant 0 : i32
      %broadcast_in_dim3A_752 = vector.broadcast %jit3A_750 : i32 to vector<16xi32>
      %broadcast_in_dim3A_753 = vector.broadcast %jit3A_751 : i32 to vector<16xi32>
      %select_n3A_754 = arith.select %eq3A_741, %broadcast_in_dim3A_752, %broadcast_in_dim3A_753 : vector<16xi1>, vector<16xi32>
      %add3A_755 = arith.addi %add3A_727, %select_n3A_754 : vector<16xi32>
      %mul3A_756 = arith.constant 8 : i32
      %mul3A_757 = arith.muli %scan3A_550, %mul3A_756 : i32
      %add3A_758 = arith.constant 7 : i32
      %add3A_759 = arith.addi %mul3A_757, %add3A_758 : i32
      %mul3A_760 = arith.constant 16 : i32
      %mul3A_761 = arith.muli %add3A_759, %mul3A_760 : i32
      %get3A_762 = arith.index_cast %mul3A_761 : i32 to index
      %get3A_763 = tpu.vector_load %arg4[%get3A_762] {strides = array<i32>} : memref<16384xf32, #tpu.memory_space<vmem>>, vector<16xf32>,
      %bitcast3A_764 = vector.bitcast %get3A_763 : vector<16xf32> to vector<16xi32>
      %shift_right_arithmetic3A_765 = arith.constant 20 : i32
      %shift_right_arithmetic3A_766 = vector.broadcast %shift_right_arithmetic3A_765 : i32 to vector<16xi32>
      %shift_right_arithmetic3A_767 = arith.shrsi %bitcast3A_764, %shift_right_arithmetic3A_766 : vector<16xi32>
      %gt3A_768 = arith.cmpi sgt, %shift_right_arithmetic3A_767, %get3A_216 : vector<16xi32>
      %eq3A_769 = arith.cmpi eq, %shift_right_arithmetic3A_767, %get3A_216 : vector<16xi32>
      %jit3A_770 = arith.constant 0.000000e+00 : f32
      %broadcast_in_dim3A_771 = vector.broadcast %jit3A_770 : f32 to vector<16xf32>
      %select_n3A_772 = arith.select %gt3A_768, %get3A_763, %broadcast_in_dim3A_771 : vector<16xi1>, vector<16xf32>
      %add3A_773 = arith.addf %scan3A_558, %select_n3A_772 : vector<16xf32>
      %min3A_774 = arith.constant 32752 : i32
      %min3A_775 = vector.broadcast %min3A_774 : i32 to vector<16xi32>
      %min3A_776 = arith.minsi %add3A_755, %min3A_775 : vector<16xi32>
      %add3A_777 = arith.addi %min3A_776, %iota3A : vector<16xi32>
      tpu.vector_store_idx %arg9[%add3A_777], %get3A_763 masked %eq3A_769 : memref<32768xf32, #tpu.memory_space<vmem>>[vector<16xi32>], vector<16xf32>, vector<16xi1>
      %jit3A_778 = arith.constant 16 : i32
      %jit3A_779 = arith.constant 0 : i32
      %broadcast_in_dim3A_780 = vector.broadcast %jit3A_778 : i32 to vector<16xi32>
      %broadcast_in_dim3A_781 = vector.broadcast %jit3A_779 : i32 to vector<16xi32>
      %select_n3A_782 = arith.select %eq3A_769, %broadcast_in_dim3A_780, %broadcast_in_dim3A_781 : vector<16xi1>, vector<16xi32>
      %add3A_783 = arith.addi %add3A_755, %select_n3A_782 : vector<16xi32>
      scf.yield %add3A_577, %add3A_605, %add3A_633, %add3A_661, %add3A_689, %add3A_717, %add3A_745, %add3A_773, %add3A_783 : vector<16xf32>, vector<16xf32>, vector<16xf32>, vector<16xf32>, vector<16xf32>, vector<16xf32>, vector<16xf32>, vector<16xf32>, vector<16xi32>
    }
    %scan3A_254 = arith.constant 128 : i32
    %add3A_255 = arith.constant 65536 : i32
    %add3A_256 = arith.addi %add3A_39, %add3A_255 : i32
    %dma_start3A_257 = tpu.memref_slice %arg2[%add3A_256] : memref<4194304xf32, #tpu.memory_space<hbm>> -> memref<16384xf32, #tpu.memory_space<hbm>>
    %dma_start3A_258 = tpu.memref_slice %arg2[%add3A_256] : memref<4194304xf32, #tpu.memory_space<hbm>> -> memref<16384xf32, #tpu.memory_space<hbm>>
    tpu.enqueue_dma source(%dma_start3A_258 : memref<16384xf32, #tpu.memory_space<hbm>>) target(%arg4 : memref<16384xf32, #tpu.memory_space<vmem>>) target_semaphore(%arg6 : memref<!tpu.dma_semaphore, #tpu.memory_space<semaphore_mem>>)
    %dma_wait3A_259 = tpu.memref_slice %arg2[%add3A_244] : memref<4194304xf32, #tpu.memory_space<hbm>> -> memref<16384xf32, #tpu.memory_space<hbm>>
    %dma_wait3A_260 = tpu.memref_slice %arg2[%add3A_244] : memref<4194304xf32, #tpu.memory_space<hbm>> -> memref<16384xf32, #tpu.memory_space<hbm>>
    tpu.wait_dma2 semaphore(%arg7 : memref<!tpu.dma_semaphore, #tpu.memory_space<semaphore_mem>>) src(%dma_wait3A_260 : memref<16384xf32, #tpu.memory_space<hbm>>) dst(%arg5 : memref<16384xf32, #tpu.memory_space<vmem>>)
    %scan3A_261 = arith.constant 0 : i32
    %scan3A_262 = arith.constant 128 : i32
    %scan3A_263 = arith.addi %scan3A_261, %scan3A_262 : i32
    %scan3A_264 = arith.constant 1 : i32
    %scan3A_265:9 = scf.for %scan3A_550 = %scan3A_261 to %scan3A_263 step %scan3A_264 iter_args(%scan3A_551 = %scan3A_253#0, %scan3A_552 = %scan3A_253#1, %scan3A_553 = %scan3A_253#2, %scan3A_554 = %scan3A_253#3, %scan3A_555 = %scan3A_253#4, %scan3A_556 = %scan3A_253#5, %scan3A_557 = %scan3A_253#6, %scan3A_558 = %scan3A_253#7, %scan3A_559 = %scan3A_253#8) -> (vector<16xf32>, vector<16xf32>, vector<16xf32>, vector<16xf32>, vector<16xf32>, vector<16xf32>, vector<16xf32>, vector<16xf32>, vector<16xi32>)  : i32 {
      %mul3A_560 = arith.constant 8 : i32
      %mul3A_561 = arith.muli %scan3A_550, %mul3A_560 : i32
      %add3A_562 = arith.constant 0 : i32
      %add3A_563 = arith.addi %mul3A_561, %add3A_562 : i32
      %mul3A_564 = arith.constant 16 : i32
      %mul3A_565 = arith.muli %add3A_563, %mul3A_564 : i32
      %get3A_566 = arith.index_cast %mul3A_565 : i32 to index
      %get3A_567 = tpu.vector_load %arg5[%get3A_566] {strides = array<i32>} : memref<16384xf32, #tpu.memory_space<vmem>>, vector<16xf32>,
      %bitcast3A_568 = vector.bitcast %get3A_567 : vector<16xf32> to vector<16xi32>
      %shift_right_arithmetic3A_569 = arith.constant 20 : i32
      %shift_right_arithmetic3A_570 = vector.broadcast %shift_right_arithmetic3A_569 : i32 to vector<16xi32>
      %shift_right_arithmetic3A_571 = arith.shrsi %bitcast3A_568, %shift_right_arithmetic3A_570 : vector<16xi32>
      %gt3A_572 = arith.cmpi sgt, %shift_right_arithmetic3A_571, %get3A_216 : vector<16xi32>
      %eq3A_573 = arith.cmpi eq, %shift_right_arithmetic3A_571, %get3A_216 : vector<16xi32>
      %jit3A_574 = arith.constant 0.000000e+00 : f32
      %broadcast_in_dim3A_575 = vector.broadcast %jit3A_574 : f32 to vector<16xf32>
      %select_n3A_576 = arith.select %gt3A_572, %get3A_567, %broadcast_in_dim3A_575 : vector<16xi1>, vector<16xf32>
      %add3A_577 = arith.addf %scan3A_551, %select_n3A_576 : vector<16xf32>
      %min3A_578 = arith.constant 32752 : i32
      %min3A_579 = vector.broadcast %min3A_578 : i32 to vector<16xi32>
      %min3A_580 = arith.minsi %scan3A_559, %min3A_579 : vector<16xi32>
      %add3A_581 = arith.addi %min3A_580, %iota3A : vector<16xi32>
      tpu.vector_store_idx %arg9[%add3A_581], %get3A_567 masked %eq3A_573 : memref<32768xf32, #tpu.memory_space<vmem>>[vector<16xi32>], vector<16xf32>, vector<16xi1>
      %jit3A_582 = arith.constant 16 : i32
      %jit3A_583 = arith.constant 0 : i32
      %broadcast_in_dim3A_584 = vector.broadcast %jit3A_582 : i32 to vector<16xi32>
      %broadcast_in_dim3A_585 = vector.broadcast %jit3A_583 : i32 to vector<16xi32>
      %select_n3A_586 = arith.select %eq3A_573, %broadcast_in_dim3A_584, %broadcast_in_dim3A_585 : vector<16xi1>, vector<16xi32>
      %add3A_587 = arith.addi %scan3A_559, %select_n3A_586 : vector<16xi32>
      %mul3A_588 = arith.constant 8 : i32
      %mul3A_589 = arith.muli %scan3A_550, %mul3A_588 : i32
      %add3A_590 = arith.constant 1 : i32
      %add3A_591 = arith.addi %mul3A_589, %add3A_590 : i32
      %mul3A_592 = arith.constant 16 : i32
      %mul3A_593 = arith.muli %add3A_591, %mul3A_592 : i32
      %get3A_594 = arith.index_cast %mul3A_593 : i32 to index
      %get3A_595 = tpu.vector_load %arg5[%get3A_594] {strides = array<i32>} : memref<16384xf32, #tpu.memory_space<vmem>>, vector<16xf32>,
      %bitcast3A_596 = vector.bitcast %get3A_595 : vector<16xf32> to vector<16xi32>
      %shift_right_arithmetic3A_597 = arith.constant 20 : i32
      %shift_right_arithmetic3A_598 = vector.broadcast %shift_right_arithmetic3A_597 : i32 to vector<16xi32>
      %shift_right_arithmetic3A_599 = arith.shrsi %bitcast3A_596, %shift_right_arithmetic3A_598 : vector<16xi32>
      %gt3A_600 = arith.cmpi sgt, %shift_right_arithmetic3A_599, %get3A_216 : vector<16xi32>
      %eq3A_601 = arith.cmpi eq, %shift_right_arithmetic3A_599, %get3A_216 : vector<16xi32>
      %jit3A_602 = arith.constant 0.000000e+00 : f32
      %broadcast_in_dim3A_603 = vector.broadcast %jit3A_602 : f32 to vector<16xf32>
      %select_n3A_604 = arith.select %gt3A_600, %get3A_595, %broadcast_in_dim3A_603 : vector<16xi1>, vector<16xf32>
      %add3A_605 = arith.addf %scan3A_552, %select_n3A_604 : vector<16xf32>
      %min3A_606 = arith.constant 32752 : i32
      %min3A_607 = vector.broadcast %min3A_606 : i32 to vector<16xi32>
      %min3A_608 = arith.minsi %add3A_587, %min3A_607 : vector<16xi32>
      %add3A_609 = arith.addi %min3A_608, %iota3A : vector<16xi32>
      tpu.vector_store_idx %arg9[%add3A_609], %get3A_595 masked %eq3A_601 : memref<32768xf32, #tpu.memory_space<vmem>>[vector<16xi32>], vector<16xf32>, vector<16xi1>
      %jit3A_610 = arith.constant 16 : i32
      %jit3A_611 = arith.constant 0 : i32
      %broadcast_in_dim3A_612 = vector.broadcast %jit3A_610 : i32 to vector<16xi32>
      %broadcast_in_dim3A_613 = vector.broadcast %jit3A_611 : i32 to vector<16xi32>
      %select_n3A_614 = arith.select %eq3A_601, %broadcast_in_dim3A_612, %broadcast_in_dim3A_613 : vector<16xi1>, vector<16xi32>
      %add3A_615 = arith.addi %add3A_587, %select_n3A_614 : vector<16xi32>
      %mul3A_616 = arith.constant 8 : i32
      %mul3A_617 = arith.muli %scan3A_550, %mul3A_616 : i32
      %add3A_618 = arith.constant 2 : i32
      %add3A_619 = arith.addi %mul3A_617, %add3A_618 : i32
      %mul3A_620 = arith.constant 16 : i32
      %mul3A_621 = arith.muli %add3A_619, %mul3A_620 : i32
      %get3A_622 = arith.index_cast %mul3A_621 : i32 to index
      %get3A_623 = tpu.vector_load %arg5[%get3A_622] {strides = array<i32>} : memref<16384xf32, #tpu.memory_space<vmem>>, vector<16xf32>,
      %bitcast3A_624 = vector.bitcast %get3A_623 : vector<16xf32> to vector<16xi32>
      %shift_right_arithmetic3A_625 = arith.constant 20 : i32
      %shift_right_arithmetic3A_626 = vector.broadcast %shift_right_arithmetic3A_625 : i32 to vector<16xi32>
      %shift_right_arithmetic3A_627 = arith.shrsi %bitcast3A_624, %shift_right_arithmetic3A_626 : vector<16xi32>
      %gt3A_628 = arith.cmpi sgt, %shift_right_arithmetic3A_627, %get3A_216 : vector<16xi32>
      %eq3A_629 = arith.cmpi eq, %shift_right_arithmetic3A_627, %get3A_216 : vector<16xi32>
      %jit3A_630 = arith.constant 0.000000e+00 : f32
      %broadcast_in_dim3A_631 = vector.broadcast %jit3A_630 : f32 to vector<16xf32>
      %select_n3A_632 = arith.select %gt3A_628, %get3A_623, %broadcast_in_dim3A_631 : vector<16xi1>, vector<16xf32>
      %add3A_633 = arith.addf %scan3A_553, %select_n3A_632 : vector<16xf32>
      %min3A_634 = arith.constant 32752 : i32
      %min3A_635 = vector.broadcast %min3A_634 : i32 to vector<16xi32>
      %min3A_636 = arith.minsi %add3A_615, %min3A_635 : vector<16xi32>
      %add3A_637 = arith.addi %min3A_636, %iota3A : vector<16xi32>
      tpu.vector_store_idx %arg9[%add3A_637], %get3A_623 masked %eq3A_629 : memref<32768xf32, #tpu.memory_space<vmem>>[vector<16xi32>], vector<16xf32>, vector<16xi1>
      %jit3A_638 = arith.constant 16 : i32
      %jit3A_639 = arith.constant 0 : i32
      %broadcast_in_dim3A_640 = vector.broadcast %jit3A_638 : i32 to vector<16xi32>
      %broadcast_in_dim3A_641 = vector.broadcast %jit3A_639 : i32 to vector<16xi32>
      %select_n3A_642 = arith.select %eq3A_629, %broadcast_in_dim3A_640, %broadcast_in_dim3A_641 : vector<16xi1>, vector<16xi32>
      %add3A_643 = arith.addi %add3A_615, %select_n3A_642 : vector<16xi32>
      %mul3A_644 = arith.constant 8 : i32
      %mul3A_645 = arith.muli %scan3A_550, %mul3A_644 : i32
      %add3A_646 = arith.constant 3 : i32
      %add3A_647 = arith.addi %mul3A_645, %add3A_646 : i32
      %mul3A_648 = arith.constant 16 : i32
      %mul3A_649 = arith.muli %add3A_647, %mul3A_648 : i32
      %get3A_650 = arith.index_cast %mul3A_649 : i32 to index
      %get3A_651 = tpu.vector_load %arg5[%get3A_650] {strides = array<i32>} : memref<16384xf32, #tpu.memory_space<vmem>>, vector<16xf32>,
      %bitcast3A_652 = vector.bitcast %get3A_651 : vector<16xf32> to vector<16xi32>
      %shift_right_arithmetic3A_653 = arith.constant 20 : i32
      %shift_right_arithmetic3A_654 = vector.broadcast %shift_right_arithmetic3A_653 : i32 to vector<16xi32>
      %shift_right_arithmetic3A_655 = arith.shrsi %bitcast3A_652, %shift_right_arithmetic3A_654 : vector<16xi32>
      %gt3A_656 = arith.cmpi sgt, %shift_right_arithmetic3A_655, %get3A_216 : vector<16xi32>
      %eq3A_657 = arith.cmpi eq, %shift_right_arithmetic3A_655, %get3A_216 : vector<16xi32>
      %jit3A_658 = arith.constant 0.000000e+00 : f32
      %broadcast_in_dim3A_659 = vector.broadcast %jit3A_658 : f32 to vector<16xf32>
      %select_n3A_660 = arith.select %gt3A_656, %get3A_651, %broadcast_in_dim3A_659 : vector<16xi1>, vector<16xf32>
      %add3A_661 = arith.addf %scan3A_554, %select_n3A_660 : vector<16xf32>
      %min3A_662 = arith.constant 32752 : i32
      %min3A_663 = vector.broadcast %min3A_662 : i32 to vector<16xi32>
      %min3A_664 = arith.minsi %add3A_643, %min3A_663 : vector<16xi32>
      %add3A_665 = arith.addi %min3A_664, %iota3A : vector<16xi32>
      tpu.vector_store_idx %arg9[%add3A_665], %get3A_651 masked %eq3A_657 : memref<32768xf32, #tpu.memory_space<vmem>>[vector<16xi32>], vector<16xf32>, vector<16xi1>
      %jit3A_666 = arith.constant 16 : i32
      %jit3A_667 = arith.constant 0 : i32
      %broadcast_in_dim3A_668 = vector.broadcast %jit3A_666 : i32 to vector<16xi32>
      %broadcast_in_dim3A_669 = vector.broadcast %jit3A_667 : i32 to vector<16xi32>
      %select_n3A_670 = arith.select %eq3A_657, %broadcast_in_dim3A_668, %broadcast_in_dim3A_669 : vector<16xi1>, vector<16xi32>
      %add3A_671 = arith.addi %add3A_643, %select_n3A_670 : vector<16xi32>
      %mul3A_672 = arith.constant 8 : i32
      %mul3A_673 = arith.muli %scan3A_550, %mul3A_672 : i32
      %add3A_674 = arith.constant 4 : i32
      %add3A_675 = arith.addi %mul3A_673, %add3A_674 : i32
      %mul3A_676 = arith.constant 16 : i32
      %mul3A_677 = arith.muli %add3A_675, %mul3A_676 : i32
      %get3A_678 = arith.index_cast %mul3A_677 : i32 to index
      %get3A_679 = tpu.vector_load %arg5[%get3A_678] {strides = array<i32>} : memref<16384xf32, #tpu.memory_space<vmem>>, vector<16xf32>,
      %bitcast3A_680 = vector.bitcast %get3A_679 : vector<16xf32> to vector<16xi32>
      %shift_right_arithmetic3A_681 = arith.constant 20 : i32
      %shift_right_arithmetic3A_682 = vector.broadcast %shift_right_arithmetic3A_681 : i32 to vector<16xi32>
      %shift_right_arithmetic3A_683 = arith.shrsi %bitcast3A_680, %shift_right_arithmetic3A_682 : vector<16xi32>
      %gt3A_684 = arith.cmpi sgt, %shift_right_arithmetic3A_683, %get3A_216 : vector<16xi32>
      %eq3A_685 = arith.cmpi eq, %shift_right_arithmetic3A_683, %get3A_216 : vector<16xi32>
      %jit3A_686 = arith.constant 0.000000e+00 : f32
      %broadcast_in_dim3A_687 = vector.broadcast %jit3A_686 : f32 to vector<16xf32>
      %select_n3A_688 = arith.select %gt3A_684, %get3A_679, %broadcast_in_dim3A_687 : vector<16xi1>, vector<16xf32>
      %add3A_689 = arith.addf %scan3A_555, %select_n3A_688 : vector<16xf32>
      %min3A_690 = arith.constant 32752 : i32
      %min3A_691 = vector.broadcast %min3A_690 : i32 to vector<16xi32>
      %min3A_692 = arith.minsi %add3A_671, %min3A_691 : vector<16xi32>
      %add3A_693 = arith.addi %min3A_692, %iota3A : vector<16xi32>
      tpu.vector_store_idx %arg9[%add3A_693], %get3A_679 masked %eq3A_685 : memref<32768xf32, #tpu.memory_space<vmem>>[vector<16xi32>], vector<16xf32>, vector<16xi1>
      %jit3A_694 = arith.constant 16 : i32
      %jit3A_695 = arith.constant 0 : i32
      %broadcast_in_dim3A_696 = vector.broadcast %jit3A_694 : i32 to vector<16xi32>
      %broadcast_in_dim3A_697 = vector.broadcast %jit3A_695 : i32 to vector<16xi32>
      %select_n3A_698 = arith.select %eq3A_685, %broadcast_in_dim3A_696, %broadcast_in_dim3A_697 : vector<16xi1>, vector<16xi32>
      %add3A_699 = arith.addi %add3A_671, %select_n3A_698 : vector<16xi32>
      %mul3A_700 = arith.constant 8 : i32
      %mul3A_701 = arith.muli %scan3A_550, %mul3A_700 : i32
      %add3A_702 = arith.constant 5 : i32
      %add3A_703 = arith.addi %mul3A_701, %add3A_702 : i32
      %mul3A_704 = arith.constant 16 : i32
      %mul3A_705 = arith.muli %add3A_703, %mul3A_704 : i32
      %get3A_706 = arith.index_cast %mul3A_705 : i32 to index
      %get3A_707 = tpu.vector_load %arg5[%get3A_706] {strides = array<i32>} : memref<16384xf32, #tpu.memory_space<vmem>>, vector<16xf32>,
      %bitcast3A_708 = vector.bitcast %get3A_707 : vector<16xf32> to vector<16xi32>
      %shift_right_arithmetic3A_709 = arith.constant 20 : i32
      %shift_right_arithmetic3A_710 = vector.broadcast %shift_right_arithmetic3A_709 : i32 to vector<16xi32>
      %shift_right_arithmetic3A_711 = arith.shrsi %bitcast3A_708, %shift_right_arithmetic3A_710 : vector<16xi32>
      %gt3A_712 = arith.cmpi sgt, %shift_right_arithmetic3A_711, %get3A_216 : vector<16xi32>
      %eq3A_713 = arith.cmpi eq, %shift_right_arithmetic3A_711, %get3A_216 : vector<16xi32>
      %jit3A_714 = arith.constant 0.000000e+00 : f32
      %broadcast_in_dim3A_715 = vector.broadcast %jit3A_714 : f32 to vector<16xf32>
      %select_n3A_716 = arith.select %gt3A_712, %get3A_707, %broadcast_in_dim3A_715 : vector<16xi1>, vector<16xf32>
      %add3A_717 = arith.addf %scan3A_556, %select_n3A_716 : vector<16xf32>
      %min3A_718 = arith.constant 32752 : i32
      %min3A_719 = vector.broadcast %min3A_718 : i32 to vector<16xi32>
      %min3A_720 = arith.minsi %add3A_699, %min3A_719 : vector<16xi32>
      %add3A_721 = arith.addi %min3A_720, %iota3A : vector<16xi32>
      tpu.vector_store_idx %arg9[%add3A_721], %get3A_707 masked %eq3A_713 : memref<32768xf32, #tpu.memory_space<vmem>>[vector<16xi32>], vector<16xf32>, vector<16xi1>
      %jit3A_722 = arith.constant 16 : i32
      %jit3A_723 = arith.constant 0 : i32
      %broadcast_in_dim3A_724 = vector.broadcast %jit3A_722 : i32 to vector<16xi32>
      %broadcast_in_dim3A_725 = vector.broadcast %jit3A_723 : i32 to vector<16xi32>
      %select_n3A_726 = arith.select %eq3A_713, %broadcast_in_dim3A_724, %broadcast_in_dim3A_725 : vector<16xi1>, vector<16xi32>
      %add3A_727 = arith.addi %add3A_699, %select_n3A_726 : vector<16xi32>
      %mul3A_728 = arith.constant 8 : i32
      %mul3A_729 = arith.muli %scan3A_550, %mul3A_728 : i32
      %add3A_730 = arith.constant 6 : i32
      %add3A_731 = arith.addi %mul3A_729, %add3A_730 : i32
      %mul3A_732 = arith.constant 16 : i32
      %mul3A_733 = arith.muli %add3A_731, %mul3A_732 : i32
      %get3A_734 = arith.index_cast %mul3A_733 : i32 to index
      %get3A_735 = tpu.vector_load %arg5[%get3A_734] {strides = array<i32>} : memref<16384xf32, #tpu.memory_space<vmem>>, vector<16xf32>,
      %bitcast3A_736 = vector.bitcast %get3A_735 : vector<16xf32> to vector<16xi32>
      %shift_right_arithmetic3A_737 = arith.constant 20 : i32
      %shift_right_arithmetic3A_738 = vector.broadcast %shift_right_arithmetic3A_737 : i32 to vector<16xi32>
      %shift_right_arithmetic3A_739 = arith.shrsi %bitcast3A_736, %shift_right_arithmetic3A_738 : vector<16xi32>
      %gt3A_740 = arith.cmpi sgt, %shift_right_arithmetic3A_739, %get3A_216 : vector<16xi32>
      %eq3A_741 = arith.cmpi eq, %shift_right_arithmetic3A_739, %get3A_216 : vector<16xi32>
      %jit3A_742 = arith.constant 0.000000e+00 : f32
      %broadcast_in_dim3A_743 = vector.broadcast %jit3A_742 : f32 to vector<16xf32>
      %select_n3A_744 = arith.select %gt3A_740, %get3A_735, %broadcast_in_dim3A_743 : vector<16xi1>, vector<16xf32>
      %add3A_745 = arith.addf %scan3A_557, %select_n3A_744 : vector<16xf32>
      %min3A_746 = arith.constant 32752 : i32
      %min3A_747 = vector.broadcast %min3A_746 : i32 to vector<16xi32>
      %min3A_748 = arith.minsi %add3A_727, %min3A_747 : vector<16xi32>
      %add3A_749 = arith.addi %min3A_748, %iota3A : vector<16xi32>
      tpu.vector_store_idx %arg9[%add3A_749], %get3A_735 masked %eq3A_741 : memref<32768xf32, #tpu.memory_space<vmem>>[vector<16xi32>], vector<16xf32>, vector<16xi1>
      %jit3A_750 = arith.constant 16 : i32
      %jit3A_751 = arith.constant 0 : i32
      %broadcast_in_dim3A_752 = vector.broadcast %jit3A_750 : i32 to vector<16xi32>
      %broadcast_in_dim3A_753 = vector.broadcast %jit3A_751 : i32 to vector<16xi32>
      %select_n3A_754 = arith.select %eq3A_741, %broadcast_in_dim3A_752, %broadcast_in_dim3A_753 : vector<16xi1>, vector<16xi32>
      %add3A_755 = arith.addi %add3A_727, %select_n3A_754 : vector<16xi32>
      %mul3A_756 = arith.constant 8 : i32
      %mul3A_757 = arith.muli %scan3A_550, %mul3A_756 : i32
      %add3A_758 = arith.constant 7 : i32
      %add3A_759 = arith.addi %mul3A_757, %add3A_758 : i32
      %mul3A_760 = arith.constant 16 : i32
      %mul3A_761 = arith.muli %add3A_759, %mul3A_760 : i32
      %get3A_762 = arith.index_cast %mul3A_761 : i32 to index
      %get3A_763 = tpu.vector_load %arg5[%get3A_762] {strides = array<i32>} : memref<16384xf32, #tpu.memory_space<vmem>>, vector<16xf32>,
      %bitcast3A_764 = vector.bitcast %get3A_763 : vector<16xf32> to vector<16xi32>
      %shift_right_arithmetic3A_765 = arith.constant 20 : i32
      %shift_right_arithmetic3A_766 = vector.broadcast %shift_right_arithmetic3A_765 : i32 to vector<16xi32>
      %shift_right_arithmetic3A_767 = arith.shrsi %bitcast3A_764, %shift_right_arithmetic3A_766 : vector<16xi32>
      %gt3A_768 = arith.cmpi sgt, %shift_right_arithmetic3A_767, %get3A_216 : vector<16xi32>
      %eq3A_769 = arith.cmpi eq, %shift_right_arithmetic3A_767, %get3A_216 : vector<16xi32>
      %jit3A_770 = arith.constant 0.000000e+00 : f32
      %broadcast_in_dim3A_771 = vector.broadcast %jit3A_770 : f32 to vector<16xf32>
      %select_n3A_772 = arith.select %gt3A_768, %get3A_763, %broadcast_in_dim3A_771 : vector<16xi1>, vector<16xf32>
      %add3A_773 = arith.addf %scan3A_558, %select_n3A_772 : vector<16xf32>
      %min3A_774 = arith.constant 32752 : i32
      %min3A_775 = vector.broadcast %min3A_774 : i32 to vector<16xi32>
      %min3A_776 = arith.minsi %add3A_755, %min3A_775 : vector<16xi32>
      %add3A_777 = arith.addi %min3A_776, %iota3A : vector<16xi32>
      tpu.vector_store_idx %arg9[%add3A_777], %get3A_763 masked %eq3A_769 : memref<32768xf32, #tpu.memory_space<vmem>>[vector<16xi32>], vector<16xf32>, vector<16xi1>
      %jit3A_778 = arith.constant 16 : i32
      %jit3A_779 = arith.constant 0 : i32
      %broadcast_in_dim3A_780 = vector.broadcast %jit3A_778 : i32 to vector<16xi32>
      %broadcast_in_dim3A_781 = vector.broadcast %jit3A_779 : i32 to vector<16xi32>
      %select_n3A_782 = arith.select %eq3A_769, %broadcast_in_dim3A_780, %broadcast_in_dim3A_781 : vector<16xi1>, vector<16xi32>
      %add3A_783 = arith.addi %add3A_755, %select_n3A_782 : vector<16xi32>
      scf.yield %add3A_577, %add3A_605, %add3A_633, %add3A_661, %add3A_689, %add3A_717, %add3A_745, %add3A_773, %add3A_783 : vector<16xf32>, vector<16xf32>, vector<16xf32>, vector<16xf32>, vector<16xf32>, vector<16xf32>, vector<16xf32>, vector<16xf32>, vector<16xi32>
    }
    %scan3A_266 = arith.constant 128 : i32
    %add3A_267 = arith.constant 81920 : i32
    %add3A_268 = arith.addi %add3A_39, %add3A_267 : i32
    %dma_start3A_269 = tpu.memref_slice %arg2[%add3A_268] : memref<4194304xf32, #tpu.memory_space<hbm>> -> memref<16384xf32, #tpu.memory_space<hbm>>
    %dma_start3A_270 = tpu.memref_slice %arg2[%add3A_268] : memref<4194304xf32, #tpu.memory_space<hbm>> -> memref<16384xf32, #tpu.memory_space<hbm>>
    tpu.enqueue_dma source(%dma_start3A_270 : memref<16384xf32, #tpu.memory_space<hbm>>) target(%arg5 : memref<16384xf32, #tpu.memory_space<vmem>>) target_semaphore(%arg7 : memref<!tpu.dma_semaphore, #tpu.memory_space<semaphore_mem>>)
    %dma_wait3A_271 = tpu.memref_slice %arg2[%add3A_256] : memref<4194304xf32, #tpu.memory_space<hbm>> -> memref<16384xf32, #tpu.memory_space<hbm>>
    %dma_wait3A_272 = tpu.memref_slice %arg2[%add3A_256] : memref<4194304xf32, #tpu.memory_space<hbm>> -> memref<16384xf32, #tpu.memory_space<hbm>>
    tpu.wait_dma2 semaphore(%arg6 : memref<!tpu.dma_semaphore, #tpu.memory_space<semaphore_mem>>) src(%dma_wait3A_272 : memref<16384xf32, #tpu.memory_space<hbm>>) dst(%arg4 : memref<16384xf32, #tpu.memory_space<vmem>>)
    %scan3A_273 = arith.constant 0 : i32
    %scan3A_274 = arith.constant 128 : i32
    %scan3A_275 = arith.addi %scan3A_273, %scan3A_274 : i32
    %scan3A_276 = arith.constant 1 : i32
    %scan3A_277:9 = scf.for %scan3A_550 = %scan3A_273 to %scan3A_275 step %scan3A_276 iter_args(%scan3A_551 = %scan3A_265#0, %scan3A_552 = %scan3A_265#1, %scan3A_553 = %scan3A_265#2, %scan3A_554 = %scan3A_265#3, %scan3A_555 = %scan3A_265#4, %scan3A_556 = %scan3A_265#5, %scan3A_557 = %scan3A_265#6, %scan3A_558 = %scan3A_265#7, %scan3A_559 = %scan3A_265#8) -> (vector<16xf32>, vector<16xf32>, vector<16xf32>, vector<16xf32>, vector<16xf32>, vector<16xf32>, vector<16xf32>, vector<16xf32>, vector<16xi32>)  : i32 {
      %mul3A_560 = arith.constant 8 : i32
      %mul3A_561 = arith.muli %scan3A_550, %mul3A_560 : i32
      %add3A_562 = arith.constant 0 : i32
      %add3A_563 = arith.addi %mul3A_561, %add3A_562 : i32
      %mul3A_564 = arith.constant 16 : i32
      %mul3A_565 = arith.muli %add3A_563, %mul3A_564 : i32
      %get3A_566 = arith.index_cast %mul3A_565 : i32 to index
      %get3A_567 = tpu.vector_load %arg4[%get3A_566] {strides = array<i32>} : memref<16384xf32, #tpu.memory_space<vmem>>, vector<16xf32>,
      %bitcast3A_568 = vector.bitcast %get3A_567 : vector<16xf32> to vector<16xi32>
      %shift_right_arithmetic3A_569 = arith.constant 20 : i32
      %shift_right_arithmetic3A_570 = vector.broadcast %shift_right_arithmetic3A_569 : i32 to vector<16xi32>
      %shift_right_arithmetic3A_571 = arith.shrsi %bitcast3A_568, %shift_right_arithmetic3A_570 : vector<16xi32>
      %gt3A_572 = arith.cmpi sgt, %shift_right_arithmetic3A_571, %get3A_216 : vector<16xi32>
      %eq3A_573 = arith.cmpi eq, %shift_right_arithmetic3A_571, %get3A_216 : vector<16xi32>
      %jit3A_574 = arith.constant 0.000000e+00 : f32
      %broadcast_in_dim3A_575 = vector.broadcast %jit3A_574 : f32 to vector<16xf32>
      %select_n3A_576 = arith.select %gt3A_572, %get3A_567, %broadcast_in_dim3A_575 : vector<16xi1>, vector<16xf32>
      %add3A_577 = arith.addf %scan3A_551, %select_n3A_576 : vector<16xf32>
      %min3A_578 = arith.constant 32752 : i32
      %min3A_579 = vector.broadcast %min3A_578 : i32 to vector<16xi32>
      %min3A_580 = arith.minsi %scan3A_559, %min3A_579 : vector<16xi32>
      %add3A_581 = arith.addi %min3A_580, %iota3A : vector<16xi32>
      tpu.vector_store_idx %arg9[%add3A_581], %get3A_567 masked %eq3A_573 : memref<32768xf32, #tpu.memory_space<vmem>>[vector<16xi32>], vector<16xf32>, vector<16xi1>
      %jit3A_582 = arith.constant 16 : i32
      %jit3A_583 = arith.constant 0 : i32
      %broadcast_in_dim3A_584 = vector.broadcast %jit3A_582 : i32 to vector<16xi32>
      %broadcast_in_dim3A_585 = vector.broadcast %jit3A_583 : i32 to vector<16xi32>
      %select_n3A_586 = arith.select %eq3A_573, %broadcast_in_dim3A_584, %broadcast_in_dim3A_585 : vector<16xi1>, vector<16xi32>
      %add3A_587 = arith.addi %scan3A_559, %select_n3A_586 : vector<16xi32>
      %mul3A_588 = arith.constant 8 : i32
      %mul3A_589 = arith.muli %scan3A_550, %mul3A_588 : i32
      %add3A_590 = arith.constant 1 : i32
      %add3A_591 = arith.addi %mul3A_589, %add3A_590 : i32
      %mul3A_592 = arith.constant 16 : i32
      %mul3A_593 = arith.muli %add3A_591, %mul3A_592 : i32
      %get3A_594 = arith.index_cast %mul3A_593 : i32 to index
      %get3A_595 = tpu.vector_load %arg4[%get3A_594] {strides = array<i32>} : memref<16384xf32, #tpu.memory_space<vmem>>, vector<16xf32>,
      %bitcast3A_596 = vector.bitcast %get3A_595 : vector<16xf32> to vector<16xi32>
      %shift_right_arithmetic3A_597 = arith.constant 20 : i32
      %shift_right_arithmetic3A_598 = vector.broadcast %shift_right_arithmetic3A_597 : i32 to vector<16xi32>
      %shift_right_arithmetic3A_599 = arith.shrsi %bitcast3A_596, %shift_right_arithmetic3A_598 : vector<16xi32>
      %gt3A_600 = arith.cmpi sgt, %shift_right_arithmetic3A_599, %get3A_216 : vector<16xi32>
      %eq3A_601 = arith.cmpi eq, %shift_right_arithmetic3A_599, %get3A_216 : vector<16xi32>
      %jit3A_602 = arith.constant 0.000000e+00 : f32
      %broadcast_in_dim3A_603 = vector.broadcast %jit3A_602 : f32 to vector<16xf32>
      %select_n3A_604 = arith.select %gt3A_600, %get3A_595, %broadcast_in_dim3A_603 : vector<16xi1>, vector<16xf32>
      %add3A_605 = arith.addf %scan3A_552, %select_n3A_604 : vector<16xf32>
      %min3A_606 = arith.constant 32752 : i32
      %min3A_607 = vector.broadcast %min3A_606 : i32 to vector<16xi32>
      %min3A_608 = arith.minsi %add3A_587, %min3A_607 : vector<16xi32>
      %add3A_609 = arith.addi %min3A_608, %iota3A : vector<16xi32>
      tpu.vector_store_idx %arg9[%add3A_609], %get3A_595 masked %eq3A_601 : memref<32768xf32, #tpu.memory_space<vmem>>[vector<16xi32>], vector<16xf32>, vector<16xi1>
      %jit3A_610 = arith.constant 16 : i32
      %jit3A_611 = arith.constant 0 : i32
      %broadcast_in_dim3A_612 = vector.broadcast %jit3A_610 : i32 to vector<16xi32>
      %broadcast_in_dim3A_613 = vector.broadcast %jit3A_611 : i32 to vector<16xi32>
      %select_n3A_614 = arith.select %eq3A_601, %broadcast_in_dim3A_612, %broadcast_in_dim3A_613 : vector<16xi1>, vector<16xi32>
      %add3A_615 = arith.addi %add3A_587, %select_n3A_614 : vector<16xi32>
      %mul3A_616 = arith.constant 8 : i32
      %mul3A_617 = arith.muli %scan3A_550, %mul3A_616 : i32
      %add3A_618 = arith.constant 2 : i32
      %add3A_619 = arith.addi %mul3A_617, %add3A_618 : i32
      %mul3A_620 = arith.constant 16 : i32
      %mul3A_621 = arith.muli %add3A_619, %mul3A_620 : i32
      %get3A_622 = arith.index_cast %mul3A_621 : i32 to index
      %get3A_623 = tpu.vector_load %arg4[%get3A_622] {strides = array<i32>} : memref<16384xf32, #tpu.memory_space<vmem>>, vector<16xf32>,
      %bitcast3A_624 = vector.bitcast %get3A_623 : vector<16xf32> to vector<16xi32>
      %shift_right_arithmetic3A_625 = arith.constant 20 : i32
      %shift_right_arithmetic3A_626 = vector.broadcast %shift_right_arithmetic3A_625 : i32 to vector<16xi32>
      %shift_right_arithmetic3A_627 = arith.shrsi %bitcast3A_624, %shift_right_arithmetic3A_626 : vector<16xi32>
      %gt3A_628 = arith.cmpi sgt, %shift_right_arithmetic3A_627, %get3A_216 : vector<16xi32>
      %eq3A_629 = arith.cmpi eq, %shift_right_arithmetic3A_627, %get3A_216 : vector<16xi32>
      %jit3A_630 = arith.constant 0.000000e+00 : f32
      %broadcast_in_dim3A_631 = vector.broadcast %jit3A_630 : f32 to vector<16xf32>
      %select_n3A_632 = arith.select %gt3A_628, %get3A_623, %broadcast_in_dim3A_631 : vector<16xi1>, vector<16xf32>
      %add3A_633 = arith.addf %scan3A_553, %select_n3A_632 : vector<16xf32>
      %min3A_634 = arith.constant 32752 : i32
      %min3A_635 = vector.broadcast %min3A_634 : i32 to vector<16xi32>
      %min3A_636 = arith.minsi %add3A_615, %min3A_635 : vector<16xi32>
      %add3A_637 = arith.addi %min3A_636, %iota3A : vector<16xi32>
      tpu.vector_store_idx %arg9[%add3A_637], %get3A_623 masked %eq3A_629 : memref<32768xf32, #tpu.memory_space<vmem>>[vector<16xi32>], vector<16xf32>, vector<16xi1>
      %jit3A_638 = arith.constant 16 : i32
      %jit3A_639 = arith.constant 0 : i32
      %broadcast_in_dim3A_640 = vector.broadcast %jit3A_638 : i32 to vector<16xi32>
      %broadcast_in_dim3A_641 = vector.broadcast %jit3A_639 : i32 to vector<16xi32>
      %select_n3A_642 = arith.select %eq3A_629, %broadcast_in_dim3A_640, %broadcast_in_dim3A_641 : vector<16xi1>, vector<16xi32>
      %add3A_643 = arith.addi %add3A_615, %select_n3A_642 : vector<16xi32>
      %mul3A_644 = arith.constant 8 : i32
      %mul3A_645 = arith.muli %scan3A_550, %mul3A_644 : i32
      %add3A_646 = arith.constant 3 : i32
      %add3A_647 = arith.addi %mul3A_645, %add3A_646 : i32
      %mul3A_648 = arith.constant 16 : i32
      %mul3A_649 = arith.muli %add3A_647, %mul3A_648 : i32
      %get3A_650 = arith.index_cast %mul3A_649 : i32 to index
      %get3A_651 = tpu.vector_load %arg4[%get3A_650] {strides = array<i32>} : memref<16384xf32, #tpu.memory_space<vmem>>, vector<16xf32>,
      %bitcast3A_652 = vector.bitcast %get3A_651 : vector<16xf32> to vector<16xi32>
      %shift_right_arithmetic3A_653 = arith.constant 20 : i32
      %shift_right_arithmetic3A_654 = vector.broadcast %shift_right_arithmetic3A_653 : i32 to vector<16xi32>
      %shift_right_arithmetic3A_655 = arith.shrsi %bitcast3A_652, %shift_right_arithmetic3A_654 : vector<16xi32>
      %gt3A_656 = arith.cmpi sgt, %shift_right_arithmetic3A_655, %get3A_216 : vector<16xi32>
      %eq3A_657 = arith.cmpi eq, %shift_right_arithmetic3A_655, %get3A_216 : vector<16xi32>
      %jit3A_658 = arith.constant 0.000000e+00 : f32
      %broadcast_in_dim3A_659 = vector.broadcast %jit3A_658 : f32 to vector<16xf32>
      %select_n3A_660 = arith.select %gt3A_656, %get3A_651, %broadcast_in_dim3A_659 : vector<16xi1>, vector<16xf32>
      %add3A_661 = arith.addf %scan3A_554, %select_n3A_660 : vector<16xf32>
      %min3A_662 = arith.constant 32752 : i32
      %min3A_663 = vector.broadcast %min3A_662 : i32 to vector<16xi32>
      %min3A_664 = arith.minsi %add3A_643, %min3A_663 : vector<16xi32>
      %add3A_665 = arith.addi %min3A_664, %iota3A : vector<16xi32>
      tpu.vector_store_idx %arg9[%add3A_665], %get3A_651 masked %eq3A_657 : memref<32768xf32, #tpu.memory_space<vmem>>[vector<16xi32>], vector<16xf32>, vector<16xi1>
      %jit3A_666 = arith.constant 16 : i32
      %jit3A_667 = arith.constant 0 : i32
      %broadcast_in_dim3A_668 = vector.broadcast %jit3A_666 : i32 to vector<16xi32>
      %broadcast_in_dim3A_669 = vector.broadcast %jit3A_667 : i32 to vector<16xi32>
      %select_n3A_670 = arith.select %eq3A_657, %broadcast_in_dim3A_668, %broadcast_in_dim3A_669 : vector<16xi1>, vector<16xi32>
      %add3A_671 = arith.addi %add3A_643, %select_n3A_670 : vector<16xi32>
      %mul3A_672 = arith.constant 8 : i32
      %mul3A_673 = arith.muli %scan3A_550, %mul3A_672 : i32
      %add3A_674 = arith.constant 4 : i32
      %add3A_675 = arith.addi %mul3A_673, %add3A_674 : i32
      %mul3A_676 = arith.constant 16 : i32
      %mul3A_677 = arith.muli %add3A_675, %mul3A_676 : i32
      %get3A_678 = arith.index_cast %mul3A_677 : i32 to index
      %get3A_679 = tpu.vector_load %arg4[%get3A_678] {strides = array<i32>} : memref<16384xf32, #tpu.memory_space<vmem>>, vector<16xf32>,
      %bitcast3A_680 = vector.bitcast %get3A_679 : vector<16xf32> to vector<16xi32>
      %shift_right_arithmetic3A_681 = arith.constant 20 : i32
      %shift_right_arithmetic3A_682 = vector.broadcast %shift_right_arithmetic3A_681 : i32 to vector<16xi32>
      %shift_right_arithmetic3A_683 = arith.shrsi %bitcast3A_680, %shift_right_arithmetic3A_682 : vector<16xi32>
      %gt3A_684 = arith.cmpi sgt, %shift_right_arithmetic3A_683, %get3A_216 : vector<16xi32>
      %eq3A_685 = arith.cmpi eq, %shift_right_arithmetic3A_683, %get3A_216 : vector<16xi32>
      %jit3A_686 = arith.constant 0.000000e+00 : f32
      %broadcast_in_dim3A_687 = vector.broadcast %jit3A_686 : f32 to vector<16xf32>
      %select_n3A_688 = arith.select %gt3A_684, %get3A_679, %broadcast_in_dim3A_687 : vector<16xi1>, vector<16xf32>
      %add3A_689 = arith.addf %scan3A_555, %select_n3A_688 : vector<16xf32>
      %min3A_690 = arith.constant 32752 : i32
      %min3A_691 = vector.broadcast %min3A_690 : i32 to vector<16xi32>
      %min3A_692 = arith.minsi %add3A_671, %min3A_691 : vector<16xi32>
      %add3A_693 = arith.addi %min3A_692, %iota3A : vector<16xi32>
      tpu.vector_store_idx %arg9[%add3A_693], %get3A_679 masked %eq3A_685 : memref<32768xf32, #tpu.memory_space<vmem>>[vector<16xi32>], vector<16xf32>, vector<16xi1>
      %jit3A_694 = arith.constant 16 : i32
      %jit3A_695 = arith.constant 0 : i32
      %broadcast_in_dim3A_696 = vector.broadcast %jit3A_694 : i32 to vector<16xi32>
      %broadcast_in_dim3A_697 = vector.broadcast %jit3A_695 : i32 to vector<16xi32>
      %select_n3A_698 = arith.select %eq3A_685, %broadcast_in_dim3A_696, %broadcast_in_dim3A_697 : vector<16xi1>, vector<16xi32>
      %add3A_699 = arith.addi %add3A_671, %select_n3A_698 : vector<16xi32>
      %mul3A_700 = arith.constant 8 : i32
      %mul3A_701 = arith.muli %scan3A_550, %mul3A_700 : i32
      %add3A_702 = arith.constant 5 : i32
      %add3A_703 = arith.addi %mul3A_701, %add3A_702 : i32
      %mul3A_704 = arith.constant 16 : i32
      %mul3A_705 = arith.muli %add3A_703, %mul3A_704 : i32
      %get3A_706 = arith.index_cast %mul3A_705 : i32 to index
      %get3A_707 = tpu.vector_load %arg4[%get3A_706] {strides = array<i32>} : memref<16384xf32, #tpu.memory_space<vmem>>, vector<16xf32>,
      %bitcast3A_708 = vector.bitcast %get3A_707 : vector<16xf32> to vector<16xi32>
      %shift_right_arithmetic3A_709 = arith.constant 20 : i32
      %shift_right_arithmetic3A_710 = vector.broadcast %shift_right_arithmetic3A_709 : i32 to vector<16xi32>
      %shift_right_arithmetic3A_711 = arith.shrsi %bitcast3A_708, %shift_right_arithmetic3A_710 : vector<16xi32>
      %gt3A_712 = arith.cmpi sgt, %shift_right_arithmetic3A_711, %get3A_216 : vector<16xi32>
      %eq3A_713 = arith.cmpi eq, %shift_right_arithmetic3A_711, %get3A_216 : vector<16xi32>
      %jit3A_714 = arith.constant 0.000000e+00 : f32
      %broadcast_in_dim3A_715 = vector.broadcast %jit3A_714 : f32 to vector<16xf32>
      %select_n3A_716 = arith.select %gt3A_712, %get3A_707, %broadcast_in_dim3A_715 : vector<16xi1>, vector<16xf32>
      %add3A_717 = arith.addf %scan3A_556, %select_n3A_716 : vector<16xf32>
      %min3A_718 = arith.constant 32752 : i32
      %min3A_719 = vector.broadcast %min3A_718 : i32 to vector<16xi32>
      %min3A_720 = arith.minsi %add3A_699, %min3A_719 : vector<16xi32>
      %add3A_721 = arith.addi %min3A_720, %iota3A : vector<16xi32>
      tpu.vector_store_idx %arg9[%add3A_721], %get3A_707 masked %eq3A_713 : memref<32768xf32, #tpu.memory_space<vmem>>[vector<16xi32>], vector<16xf32>, vector<16xi1>
      %jit3A_722 = arith.constant 16 : i32
      %jit3A_723 = arith.constant 0 : i32
      %broadcast_in_dim3A_724 = vector.broadcast %jit3A_722 : i32 to vector<16xi32>
      %broadcast_in_dim3A_725 = vector.broadcast %jit3A_723 : i32 to vector<16xi32>
      %select_n3A_726 = arith.select %eq3A_713, %broadcast_in_dim3A_724, %broadcast_in_dim3A_725 : vector<16xi1>, vector<16xi32>
      %add3A_727 = arith.addi %add3A_699, %select_n3A_726 : vector<16xi32>
      %mul3A_728 = arith.constant 8 : i32
      %mul3A_729 = arith.muli %scan3A_550, %mul3A_728 : i32
      %add3A_730 = arith.constant 6 : i32
      %add3A_731 = arith.addi %mul3A_729, %add3A_730 : i32
      %mul3A_732 = arith.constant 16 : i32
      %mul3A_733 = arith.muli %add3A_731, %mul3A_732 : i32
      %get3A_734 = arith.index_cast %mul3A_733 : i32 to index
      %get3A_735 = tpu.vector_load %arg4[%get3A_734] {strides = array<i32>} : memref<16384xf32, #tpu.memory_space<vmem>>, vector<16xf32>,
      %bitcast3A_736 = vector.bitcast %get3A_735 : vector<16xf32> to vector<16xi32>
      %shift_right_arithmetic3A_737 = arith.constant 20 : i32
      %shift_right_arithmetic3A_738 = vector.broadcast %shift_right_arithmetic3A_737 : i32 to vector<16xi32>
      %shift_right_arithmetic3A_739 = arith.shrsi %bitcast3A_736, %shift_right_arithmetic3A_738 : vector<16xi32>
      %gt3A_740 = arith.cmpi sgt, %shift_right_arithmetic3A_739, %get3A_216 : vector<16xi32>
      %eq3A_741 = arith.cmpi eq, %shift_right_arithmetic3A_739, %get3A_216 : vector<16xi32>
      %jit3A_742 = arith.constant 0.000000e+00 : f32
      %broadcast_in_dim3A_743 = vector.broadcast %jit3A_742 : f32 to vector<16xf32>
      %select_n3A_744 = arith.select %gt3A_740, %get3A_735, %broadcast_in_dim3A_743 : vector<16xi1>, vector<16xf32>
      %add3A_745 = arith.addf %scan3A_557, %select_n3A_744 : vector<16xf32>
      %min3A_746 = arith.constant 32752 : i32
      %min3A_747 = vector.broadcast %min3A_746 : i32 to vector<16xi32>
      %min3A_748 = arith.minsi %add3A_727, %min3A_747 : vector<16xi32>
      %add3A_749 = arith.addi %min3A_748, %iota3A : vector<16xi32>
      tpu.vector_store_idx %arg9[%add3A_749], %get3A_735 masked %eq3A_741 : memref<32768xf32, #tpu.memory_space<vmem>>[vector<16xi32>], vector<16xf32>, vector<16xi1>
      %jit3A_750 = arith.constant 16 : i32
      %jit3A_751 = arith.constant 0 : i32
      %broadcast_in_dim3A_752 = vector.broadcast %jit3A_750 : i32 to vector<16xi32>
      %broadcast_in_dim3A_753 = vector.broadcast %jit3A_751 : i32 to vector<16xi32>
      %select_n3A_754 = arith.select %eq3A_741, %broadcast_in_dim3A_752, %broadcast_in_dim3A_753 : vector<16xi1>, vector<16xi32>
      %add3A_755 = arith.addi %add3A_727, %select_n3A_754 : vector<16xi32>
      %mul3A_756 = arith.constant 8 : i32
      %mul3A_757 = arith.muli %scan3A_550, %mul3A_756 : i32
      %add3A_758 = arith.constant 7 : i32
      %add3A_759 = arith.addi %mul3A_757, %add3A_758 : i32
      %mul3A_760 = arith.constant 16 : i32
      %mul3A_761 = arith.muli %add3A_759, %mul3A_760 : i32
      %get3A_762 = arith.index_cast %mul3A_761 : i32 to index
      %get3A_763 = tpu.vector_load %arg4[%get3A_762] {strides = array<i32>} : memref<16384xf32, #tpu.memory_space<vmem>>, vector<16xf32>,
      %bitcast3A_764 = vector.bitcast %get3A_763 : vector<16xf32> to vector<16xi32>
      %shift_right_arithmetic3A_765 = arith.constant 20 : i32
      %shift_right_arithmetic3A_766 = vector.broadcast %shift_right_arithmetic3A_765 : i32 to vector<16xi32>
      %shift_right_arithmetic3A_767 = arith.shrsi %bitcast3A_764, %shift_right_arithmetic3A_766 : vector<16xi32>
      %gt3A_768 = arith.cmpi sgt, %shift_right_arithmetic3A_767, %get3A_216 : vector<16xi32>
      %eq3A_769 = arith.cmpi eq, %shift_right_arithmetic3A_767, %get3A_216 : vector<16xi32>
      %jit3A_770 = arith.constant 0.000000e+00 : f32
      %broadcast_in_dim3A_771 = vector.broadcast %jit3A_770 : f32 to vector<16xf32>
      %select_n3A_772 = arith.select %gt3A_768, %get3A_763, %broadcast_in_dim3A_771 : vector<16xi1>, vector<16xf32>
      %add3A_773 = arith.addf %scan3A_558, %select_n3A_772 : vector<16xf32>
      %min3A_774 = arith.constant 32752 : i32
      %min3A_775 = vector.broadcast %min3A_774 : i32 to vector<16xi32>
      %min3A_776 = arith.minsi %add3A_755, %min3A_775 : vector<16xi32>
      %add3A_777 = arith.addi %min3A_776, %iota3A : vector<16xi32>
      tpu.vector_store_idx %arg9[%add3A_777], %get3A_763 masked %eq3A_769 : memref<32768xf32, #tpu.memory_space<vmem>>[vector<16xi32>], vector<16xf32>, vector<16xi1>
      %jit3A_778 = arith.constant 16 : i32
      %jit3A_779 = arith.constant 0 : i32
      %broadcast_in_dim3A_780 = vector.broadcast %jit3A_778 : i32 to vector<16xi32>
      %broadcast_in_dim3A_781 = vector.broadcast %jit3A_779 : i32 to vector<16xi32>
      %select_n3A_782 = arith.select %eq3A_769, %broadcast_in_dim3A_780, %broadcast_in_dim3A_781 : vector<16xi1>, vector<16xi32>
      %add3A_783 = arith.addi %add3A_755, %select_n3A_782 : vector<16xi32>
      scf.yield %add3A_577, %add3A_605, %add3A_633, %add3A_661, %add3A_689, %add3A_717, %add3A_745, %add3A_773, %add3A_783 : vector<16xf32>, vector<16xf32>, vector<16xf32>, vector<16xf32>, vector<16xf32>, vector<16xf32>, vector<16xf32>, vector<16xf32>, vector<16xi32>
    }
    %scan3A_278 = arith.constant 128 : i32
    %add3A_279 = arith.constant 98304 : i32
    %add3A_280 = arith.addi %add3A_39, %add3A_279 : i32
    %dma_start3A_281 = tpu.memref_slice %arg2[%add3A_280] : memref<4194304xf32, #tpu.memory_space<hbm>> -> memref<16384xf32, #tpu.memory_space<hbm>>
    %dma_start3A_282 = tpu.memref_slice %arg2[%add3A_280] : memref<4194304xf32, #tpu.memory_space<hbm>> -> memref<16384xf32, #tpu.memory_space<hbm>>
    tpu.enqueue_dma source(%dma_start3A_282 : memref<16384xf32, #tpu.memory_space<hbm>>) target(%arg4 : memref<16384xf32, #tpu.memory_space<vmem>>) target_semaphore(%arg6 : memref<!tpu.dma_semaphore, #tpu.memory_space<semaphore_mem>>)
    %dma_wait3A_283 = tpu.memref_slice %arg2[%add3A_268] : memref<4194304xf32, #tpu.memory_space<hbm>> -> memref<16384xf32, #tpu.memory_space<hbm>>
    %dma_wait3A_284 = tpu.memref_slice %arg2[%add3A_268] : memref<4194304xf32, #tpu.memory_space<hbm>> -> memref<16384xf32, #tpu.memory_space<hbm>>
    tpu.wait_dma2 semaphore(%arg7 : memref<!tpu.dma_semaphore, #tpu.memory_space<semaphore_mem>>) src(%dma_wait3A_284 : memref<16384xf32, #tpu.memory_space<hbm>>) dst(%arg5 : memref<16384xf32, #tpu.memory_space<vmem>>)
    %scan3A_285 = arith.constant 0 : i32
    %scan3A_286 = arith.constant 128 : i32
    %scan3A_287 = arith.addi %scan3A_285, %scan3A_286 : i32
    %scan3A_288 = arith.constant 1 : i32
    %scan3A_289:9 = scf.for %scan3A_550 = %scan3A_285 to %scan3A_287 step %scan3A_288 iter_args(%scan3A_551 = %scan3A_277#0, %scan3A_552 = %scan3A_277#1, %scan3A_553 = %scan3A_277#2, %scan3A_554 = %scan3A_277#3, %scan3A_555 = %scan3A_277#4, %scan3A_556 = %scan3A_277#5, %scan3A_557 = %scan3A_277#6, %scan3A_558 = %scan3A_277#7, %scan3A_559 = %scan3A_277#8) -> (vector<16xf32>, vector<16xf32>, vector<16xf32>, vector<16xf32>, vector<16xf32>, vector<16xf32>, vector<16xf32>, vector<16xf32>, vector<16xi32>)  : i32 {
      %mul3A_560 = arith.constant 8 : i32
      %mul3A_561 = arith.muli %scan3A_550, %mul3A_560 : i32
      %add3A_562 = arith.constant 0 : i32
      %add3A_563 = arith.addi %mul3A_561, %add3A_562 : i32
      %mul3A_564 = arith.constant 16 : i32
      %mul3A_565 = arith.muli %add3A_563, %mul3A_564 : i32
      %get3A_566 = arith.index_cast %mul3A_565 : i32 to index
      %get3A_567 = tpu.vector_load %arg5[%get3A_566] {strides = array<i32>} : memref<16384xf32, #tpu.memory_space<vmem>>, vector<16xf32>,
      %bitcast3A_568 = vector.bitcast %get3A_567 : vector<16xf32> to vector<16xi32>
      %shift_right_arithmetic3A_569 = arith.constant 20 : i32
      %shift_right_arithmetic3A_570 = vector.broadcast %shift_right_arithmetic3A_569 : i32 to vector<16xi32>
      %shift_right_arithmetic3A_571 = arith.shrsi %bitcast3A_568, %shift_right_arithmetic3A_570 : vector<16xi32>
      %gt3A_572 = arith.cmpi sgt, %shift_right_arithmetic3A_571, %get3A_216 : vector<16xi32>
      %eq3A_573 = arith.cmpi eq, %shift_right_arithmetic3A_571, %get3A_216 : vector<16xi32>
      %jit3A_574 = arith.constant 0.000000e+00 : f32
      %broadcast_in_dim3A_575 = vector.broadcast %jit3A_574 : f32 to vector<16xf32>
      %select_n3A_576 = arith.select %gt3A_572, %get3A_567, %broadcast_in_dim3A_575 : vector<16xi1>, vector<16xf32>
      %add3A_577 = arith.addf %scan3A_551, %select_n3A_576 : vector<16xf32>
      %min3A_578 = arith.constant 32752 : i32
      %min3A_579 = vector.broadcast %min3A_578 : i32 to vector<16xi32>
      %min3A_580 = arith.minsi %scan3A_559, %min3A_579 : vector<16xi32>
      %add3A_581 = arith.addi %min3A_580, %iota3A : vector<16xi32>
      tpu.vector_store_idx %arg9[%add3A_581], %get3A_567 masked %eq3A_573 : memref<32768xf32, #tpu.memory_space<vmem>>[vector<16xi32>], vector<16xf32>, vector<16xi1>
      %jit3A_582 = arith.constant 16 : i32
      %jit3A_583 = arith.constant 0 : i32
      %broadcast_in_dim3A_584 = vector.broadcast %jit3A_582 : i32 to vector<16xi32>
      %broadcast_in_dim3A_585 = vector.broadcast %jit3A_583 : i32 to vector<16xi32>
      %select_n3A_586 = arith.select %eq3A_573, %broadcast_in_dim3A_584, %broadcast_in_dim3A_585 : vector<16xi1>, vector<16xi32>
      %add3A_587 = arith.addi %scan3A_559, %select_n3A_586 : vector<16xi32>
      %mul3A_588 = arith.constant 8 : i32
      %mul3A_589 = arith.muli %scan3A_550, %mul3A_588 : i32
      %add3A_590 = arith.constant 1 : i32
      %add3A_591 = arith.addi %mul3A_589, %add3A_590 : i32
      %mul3A_592 = arith.constant 16 : i32
      %mul3A_593 = arith.muli %add3A_591, %mul3A_592 : i32
      %get3A_594 = arith.index_cast %mul3A_593 : i32 to index
      %get3A_595 = tpu.vector_load %arg5[%get3A_594] {strides = array<i32>} : memref<16384xf32, #tpu.memory_space<vmem>>, vector<16xf32>,
      %bitcast3A_596 = vector.bitcast %get3A_595 : vector<16xf32> to vector<16xi32>
      %shift_right_arithmetic3A_597 = arith.constant 20 : i32
      %shift_right_arithmetic3A_598 = vector.broadcast %shift_right_arithmetic3A_597 : i32 to vector<16xi32>
      %shift_right_arithmetic3A_599 = arith.shrsi %bitcast3A_596, %shift_right_arithmetic3A_598 : vector<16xi32>
      %gt3A_600 = arith.cmpi sgt, %shift_right_arithmetic3A_599, %get3A_216 : vector<16xi32>
      %eq3A_601 = arith.cmpi eq, %shift_right_arithmetic3A_599, %get3A_216 : vector<16xi32>
      %jit3A_602 = arith.constant 0.000000e+00 : f32
      %broadcast_in_dim3A_603 = vector.broadcast %jit3A_602 : f32 to vector<16xf32>
      %select_n3A_604 = arith.select %gt3A_600, %get3A_595, %broadcast_in_dim3A_603 : vector<16xi1>, vector<16xf32>
      %add3A_605 = arith.addf %scan3A_552, %select_n3A_604 : vector<16xf32>
      %min3A_606 = arith.constant 32752 : i32
      %min3A_607 = vector.broadcast %min3A_606 : i32 to vector<16xi32>
      %min3A_608 = arith.minsi %add3A_587, %min3A_607 : vector<16xi32>
      %add3A_609 = arith.addi %min3A_608, %iota3A : vector<16xi32>
      tpu.vector_store_idx %arg9[%add3A_609], %get3A_595 masked %eq3A_601 : memref<32768xf32, #tpu.memory_space<vmem>>[vector<16xi32>], vector<16xf32>, vector<16xi1>
      %jit3A_610 = arith.constant 16 : i32
      %jit3A_611 = arith.constant 0 : i32
      %broadcast_in_dim3A_612 = vector.broadcast %jit3A_610 : i32 to vector<16xi32>
      %broadcast_in_dim3A_613 = vector.broadcast %jit3A_611 : i32 to vector<16xi32>
      %select_n3A_614 = arith.select %eq3A_601, %broadcast_in_dim3A_612, %broadcast_in_dim3A_613 : vector<16xi1>, vector<16xi32>
      %add3A_615 = arith.addi %add3A_587, %select_n3A_614 : vector<16xi32>
      %mul3A_616 = arith.constant 8 : i32
      %mul3A_617 = arith.muli %scan3A_550, %mul3A_616 : i32
      %add3A_618 = arith.constant 2 : i32
      %add3A_619 = arith.addi %mul3A_617, %add3A_618 : i32
      %mul3A_620 = arith.constant 16 : i32
      %mul3A_621 = arith.muli %add3A_619, %mul3A_620 : i32
      %get3A_622 = arith.index_cast %mul3A_621 : i32 to index
      %get3A_623 = tpu.vector_load %arg5[%get3A_622] {strides = array<i32>} : memref<16384xf32, #tpu.memory_space<vmem>>, vector<16xf32>,
      %bitcast3A_624 = vector.bitcast %get3A_623 : vector<16xf32> to vector<16xi32>
      %shift_right_arithmetic3A_625 = arith.constant 20 : i32
      %shift_right_arithmetic3A_626 = vector.broadcast %shift_right_arithmetic3A_625 : i32 to vector<16xi32>
      %shift_right_arithmetic3A_627 = arith.shrsi %bitcast3A_624, %shift_right_arithmetic3A_626 : vector<16xi32>
      %gt3A_628 = arith.cmpi sgt, %shift_right_arithmetic3A_627, %get3A_216 : vector<16xi32>
      %eq3A_629 = arith.cmpi eq, %shift_right_arithmetic3A_627, %get3A_216 : vector<16xi32>
      %jit3A_630 = arith.constant 0.000000e+00 : f32
      %broadcast_in_dim3A_631 = vector.broadcast %jit3A_630 : f32 to vector<16xf32>
      %select_n3A_632 = arith.select %gt3A_628, %get3A_623, %broadcast_in_dim3A_631 : vector<16xi1>, vector<16xf32>
      %add3A_633 = arith.addf %scan3A_553, %select_n3A_632 : vector<16xf32>
      %min3A_634 = arith.constant 32752 : i32
      %min3A_635 = vector.broadcast %min3A_634 : i32 to vector<16xi32>
      %min3A_636 = arith.minsi %add3A_615, %min3A_635 : vector<16xi32>
      %add3A_637 = arith.addi %min3A_636, %iota3A : vector<16xi32>
      tpu.vector_store_idx %arg9[%add3A_637], %get3A_623 masked %eq3A_629 : memref<32768xf32, #tpu.memory_space<vmem>>[vector<16xi32>], vector<16xf32>, vector<16xi1>
      %jit3A_638 = arith.constant 16 : i32
      %jit3A_639 = arith.constant 0 : i32
      %broadcast_in_dim3A_640 = vector.broadcast %jit3A_638 : i32 to vector<16xi32>
      %broadcast_in_dim3A_641 = vector.broadcast %jit3A_639 : i32 to vector<16xi32>
      %select_n3A_642 = arith.select %eq3A_629, %broadcast_in_dim3A_640, %broadcast_in_dim3A_641 : vector<16xi1>, vector<16xi32>
      %add3A_643 = arith.addi %add3A_615, %select_n3A_642 : vector<16xi32>
      %mul3A_644 = arith.constant 8 : i32
      %mul3A_645 = arith.muli %scan3A_550, %mul3A_644 : i32
      %add3A_646 = arith.constant 3 : i32
      %add3A_647 = arith.addi %mul3A_645, %add3A_646 : i32
      %mul3A_648 = arith.constant 16 : i32
      %mul3A_649 = arith.muli %add3A_647, %mul3A_648 : i32
      %get3A_650 = arith.index_cast %mul3A_649 : i32 to index
      %get3A_651 = tpu.vector_load %arg5[%get3A_650] {strides = array<i32>} : memref<16384xf32, #tpu.memory_space<vmem>>, vector<16xf32>,
      %bitcast3A_652 = vector.bitcast %get3A_651 : vector<16xf32> to vector<16xi32>
      %shift_right_arithmetic3A_653 = arith.constant 20 : i32
      %shift_right_arithmetic3A_654 = vector.broadcast %shift_right_arithmetic3A_653 : i32 to vector<16xi32>
      %shift_right_arithmetic3A_655 = arith.shrsi %bitcast3A_652, %shift_right_arithmetic3A_654 : vector<16xi32>
      %gt3A_656 = arith.cmpi sgt, %shift_right_arithmetic3A_655, %get3A_216 : vector<16xi32>
      %eq3A_657 = arith.cmpi eq, %shift_right_arithmetic3A_655, %get3A_216 : vector<16xi32>
      %jit3A_658 = arith.constant 0.000000e+00 : f32
      %broadcast_in_dim3A_659 = vector.broadcast %jit3A_658 : f32 to vector<16xf32>
      %select_n3A_660 = arith.select %gt3A_656, %get3A_651, %broadcast_in_dim3A_659 : vector<16xi1>, vector<16xf32>
      %add3A_661 = arith.addf %scan3A_554, %select_n3A_660 : vector<16xf32>
      %min3A_662 = arith.constant 32752 : i32
      %min3A_663 = vector.broadcast %min3A_662 : i32 to vector<16xi32>
      %min3A_664 = arith.minsi %add3A_643, %min3A_663 : vector<16xi32>
      %add3A_665 = arith.addi %min3A_664, %iota3A : vector<16xi32>
      tpu.vector_store_idx %arg9[%add3A_665], %get3A_651 masked %eq3A_657 : memref<32768xf32, #tpu.memory_space<vmem>>[vector<16xi32>], vector<16xf32>, vector<16xi1>
      %jit3A_666 = arith.constant 16 : i32
      %jit3A_667 = arith.constant 0 : i32
      %broadcast_in_dim3A_668 = vector.broadcast %jit3A_666 : i32 to vector<16xi32>
      %broadcast_in_dim3A_669 = vector.broadcast %jit3A_667 : i32 to vector<16xi32>
      %select_n3A_670 = arith.select %eq3A_657, %broadcast_in_dim3A_668, %broadcast_in_dim3A_669 : vector<16xi1>, vector<16xi32>
      %add3A_671 = arith.addi %add3A_643, %select_n3A_670 : vector<16xi32>
      %mul3A_672 = arith.constant 8 : i32
      %mul3A_673 = arith.muli %scan3A_550, %mul3A_672 : i32
      %add3A_674 = arith.constant 4 : i32
      %add3A_675 = arith.addi %mul3A_673, %add3A_674 : i32
      %mul3A_676 = arith.constant 16 : i32
      %mul3A_677 = arith.muli %add3A_675, %mul3A_676 : i32
      %get3A_678 = arith.index_cast %mul3A_677 : i32 to index
      %get3A_679 = tpu.vector_load %arg5[%get3A_678] {strides = array<i32>} : memref<16384xf32, #tpu.memory_space<vmem>>, vector<16xf32>,
      %bitcast3A_680 = vector.bitcast %get3A_679 : vector<16xf32> to vector<16xi32>
      %shift_right_arithmetic3A_681 = arith.constant 20 : i32
      %shift_right_arithmetic3A_682 = vector.broadcast %shift_right_arithmetic3A_681 : i32 to vector<16xi32>
      %shift_right_arithmetic3A_683 = arith.shrsi %bitcast3A_680, %shift_right_arithmetic3A_682 : vector<16xi32>
      %gt3A_684 = arith.cmpi sgt, %shift_right_arithmetic3A_683, %get3A_216 : vector<16xi32>
      %eq3A_685 = arith.cmpi eq, %shift_right_arithmetic3A_683, %get3A_216 : vector<16xi32>
      %jit3A_686 = arith.constant 0.000000e+00 : f32
      %broadcast_in_dim3A_687 = vector.broadcast %jit3A_686 : f32 to vector<16xf32>
      %select_n3A_688 = arith.select %gt3A_684, %get3A_679, %broadcast_in_dim3A_687 : vector<16xi1>, vector<16xf32>
      %add3A_689 = arith.addf %scan3A_555, %select_n3A_688 : vector<16xf32>
      %min3A_690 = arith.constant 32752 : i32
      %min3A_691 = vector.broadcast %min3A_690 : i32 to vector<16xi32>
      %min3A_692 = arith.minsi %add3A_671, %min3A_691 : vector<16xi32>
      %add3A_693 = arith.addi %min3A_692, %iota3A : vector<16xi32>
      tpu.vector_store_idx %arg9[%add3A_693], %get3A_679 masked %eq3A_685 : memref<32768xf32, #tpu.memory_space<vmem>>[vector<16xi32>], vector<16xf32>, vector<16xi1>
      %jit3A_694 = arith.constant 16 : i32
      %jit3A_695 = arith.constant 0 : i32
      %broadcast_in_dim3A_696 = vector.broadcast %jit3A_694 : i32 to vector<16xi32>
      %broadcast_in_dim3A_697 = vector.broadcast %jit3A_695 : i32 to vector<16xi32>
      %select_n3A_698 = arith.select %eq3A_685, %broadcast_in_dim3A_696, %broadcast_in_dim3A_697 : vector<16xi1>, vector<16xi32>
      %add3A_699 = arith.addi %add3A_671, %select_n3A_698 : vector<16xi32>
      %mul3A_700 = arith.constant 8 : i32
      %mul3A_701 = arith.muli %scan3A_550, %mul3A_700 : i32
      %add3A_702 = arith.constant 5 : i32
      %add3A_703 = arith.addi %mul3A_701, %add3A_702 : i32
      %mul3A_704 = arith.constant 16 : i32
      %mul3A_705 = arith.muli %add3A_703, %mul3A_704 : i32
      %get3A_706 = arith.index_cast %mul3A_705 : i32 to index
      %get3A_707 = tpu.vector_load %arg5[%get3A_706] {strides = array<i32>} : memref<16384xf32, #tpu.memory_space<vmem>>, vector<16xf32>,
      %bitcast3A_708 = vector.bitcast %get3A_707 : vector<16xf32> to vector<16xi32>
      %shift_right_arithmetic3A_709 = arith.constant 20 : i32
      %shift_right_arithmetic3A_710 = vector.broadcast %shift_right_arithmetic3A_709 : i32 to vector<16xi32>
      %shift_right_arithmetic3A_711 = arith.shrsi %bitcast3A_708, %shift_right_arithmetic3A_710 : vector<16xi32>
      %gt3A_712 = arith.cmpi sgt, %shift_right_arithmetic3A_711, %get3A_216 : vector<16xi32>
      %eq3A_713 = arith.cmpi eq, %shift_right_arithmetic3A_711, %get3A_216 : vector<16xi32>
      %jit3A_714 = arith.constant 0.000000e+00 : f32
      %broadcast_in_dim3A_715 = vector.broadcast %jit3A_714 : f32 to vector<16xf32>
      %select_n3A_716 = arith.select %gt3A_712, %get3A_707, %broadcast_in_dim3A_715 : vector<16xi1>, vector<16xf32>
      %add3A_717 = arith.addf %scan3A_556, %select_n3A_716 : vector<16xf32>
      %min3A_718 = arith.constant 32752 : i32
      %min3A_719 = vector.broadcast %min3A_718 : i32 to vector<16xi32>
      %min3A_720 = arith.minsi %add3A_699, %min3A_719 : vector<16xi32>
      %add3A_721 = arith.addi %min3A_720, %iota3A : vector<16xi32>
      tpu.vector_store_idx %arg9[%add3A_721], %get3A_707 masked %eq3A_713 : memref<32768xf32, #tpu.memory_space<vmem>>[vector<16xi32>], vector<16xf32>, vector<16xi1>
      %jit3A_722 = arith.constant 16 : i32
      %jit3A_723 = arith.constant 0 : i32
      %broadcast_in_dim3A_724 = vector.broadcast %jit3A_722 : i32 to vector<16xi32>
      %broadcast_in_dim3A_725 = vector.broadcast %jit3A_723 : i32 to vector<16xi32>
      %select_n3A_726 = arith.select %eq3A_713, %broadcast_in_dim3A_724, %broadcast_in_dim3A_725 : vector<16xi1>, vector<16xi32>
      %add3A_727 = arith.addi %add3A_699, %select_n3A_726 : vector<16xi32>
      %mul3A_728 = arith.constant 8 : i32
      %mul3A_729 = arith.muli %scan3A_550, %mul3A_728 : i32
      %add3A_730 = arith.constant 6 : i32
      %add3A_731 = arith.addi %mul3A_729, %add3A_730 : i32
      %mul3A_732 = arith.constant 16 : i32
      %mul3A_733 = arith.muli %add3A_731, %mul3A_732 : i32
      %get3A_734 = arith.index_cast %mul3A_733 : i32 to index
      %get3A_735 = tpu.vector_load %arg5[%get3A_734] {strides = array<i32>} : memref<16384xf32, #tpu.memory_space<vmem>>, vector<16xf32>,
      %bitcast3A_736 = vector.bitcast %get3A_735 : vector<16xf32> to vector<16xi32>
      %shift_right_arithmetic3A_737 = arith.constant 20 : i32
      %shift_right_arithmetic3A_738 = vector.broadcast %shift_right_arithmetic3A_737 : i32 to vector<16xi32>
      %shift_right_arithmetic3A_739 = arith.shrsi %bitcast3A_736, %shift_right_arithmetic3A_738 : vector<16xi32>
      %gt3A_740 = arith.cmpi sgt, %shift_right_arithmetic3A_739, %get3A_216 : vector<16xi32>
      %eq3A_741 = arith.cmpi eq, %shift_right_arithmetic3A_739, %get3A_216 : vector<16xi32>
      %jit3A_742 = arith.constant 0.000000e+00 : f32
      %broadcast_in_dim3A_743 = vector.broadcast %jit3A_742 : f32 to vector<16xf32>
      %select_n3A_744 = arith.select %gt3A_740, %get3A_735, %broadcast_in_dim3A_743 : vector<16xi1>, vector<16xf32>
      %add3A_745 = arith.addf %scan3A_557, %select_n3A_744 : vector<16xf32>
      %min3A_746 = arith.constant 32752 : i32
      %min3A_747 = vector.broadcast %min3A_746 : i32 to vector<16xi32>
      %min3A_748 = arith.minsi %add3A_727, %min3A_747 : vector<16xi32>
      %add3A_749 = arith.addi %min3A_748, %iota3A : vector<16xi32>
      tpu.vector_store_idx %arg9[%add3A_749], %get3A_735 masked %eq3A_741 : memref<32768xf32, #tpu.memory_space<vmem>>[vector<16xi32>], vector<16xf32>, vector<16xi1>
      %jit3A_750 = arith.constant 16 : i32
      %jit3A_751 = arith.constant 0 : i32
      %broadcast_in_dim3A_752 = vector.broadcast %jit3A_750 : i32 to vector<16xi32>
      %broadcast_in_dim3A_753 = vector.broadcast %jit3A_751 : i32 to vector<16xi32>
      %select_n3A_754 = arith.select %eq3A_741, %broadcast_in_dim3A_752, %broadcast_in_dim3A_753 : vector<16xi1>, vector<16xi32>
      %add3A_755 = arith.addi %add3A_727, %select_n3A_754 : vector<16xi32>
      %mul3A_756 = arith.constant 8 : i32
      %mul3A_757 = arith.muli %scan3A_550, %mul3A_756 : i32
      %add3A_758 = arith.constant 7 : i32
      %add3A_759 = arith.addi %mul3A_757, %add3A_758 : i32
      %mul3A_760 = arith.constant 16 : i32
      %mul3A_761 = arith.muli %add3A_759, %mul3A_760 : i32
      %get3A_762 = arith.index_cast %mul3A_761 : i32 to index
      %get3A_763 = tpu.vector_load %arg5[%get3A_762] {strides = array<i32>} : memref<16384xf32, #tpu.memory_space<vmem>>, vector<16xf32>,
      %bitcast3A_764 = vector.bitcast %get3A_763 : vector<16xf32> to vector<16xi32>
      %shift_right_arithmetic3A_765 = arith.constant 20 : i32
      %shift_right_arithmetic3A_766 = vector.broadcast %shift_right_arithmetic3A_765 : i32 to vector<16xi32>
      %shift_right_arithmetic3A_767 = arith.shrsi %bitcast3A_764, %shift_right_arithmetic3A_766 : vector<16xi32>
      %gt3A_768 = arith.cmpi sgt, %shift_right_arithmetic3A_767, %get3A_216 : vector<16xi32>
      %eq3A_769 = arith.cmpi eq, %shift_right_arithmetic3A_767, %get3A_216 : vector<16xi32>
      %jit3A_770 = arith.constant 0.000000e+00 : f32
      %broadcast_in_dim3A_771 = vector.broadcast %jit3A_770 : f32 to vector<16xf32>
      %select_n3A_772 = arith.select %gt3A_768, %get3A_763, %broadcast_in_dim3A_771 : vector<16xi1>, vector<16xf32>
      %add3A_773 = arith.addf %scan3A_558, %select_n3A_772 : vector<16xf32>
      %min3A_774 = arith.constant 32752 : i32
      %min3A_775 = vector.broadcast %min3A_774 : i32 to vector<16xi32>
      %min3A_776 = arith.minsi %add3A_755, %min3A_775 : vector<16xi32>
      %add3A_777 = arith.addi %min3A_776, %iota3A : vector<16xi32>
      tpu.vector_store_idx %arg9[%add3A_777], %get3A_763 masked %eq3A_769 : memref<32768xf32, #tpu.memory_space<vmem>>[vector<16xi32>], vector<16xf32>, vector<16xi1>
      %jit3A_778 = arith.constant 16 : i32
      %jit3A_779 = arith.constant 0 : i32
      %broadcast_in_dim3A_780 = vector.broadcast %jit3A_778 : i32 to vector<16xi32>
      %broadcast_in_dim3A_781 = vector.broadcast %jit3A_779 : i32 to vector<16xi32>
      %select_n3A_782 = arith.select %eq3A_769, %broadcast_in_dim3A_780, %broadcast_in_dim3A_781 : vector<16xi1>, vector<16xi32>
      %add3A_783 = arith.addi %add3A_755, %select_n3A_782 : vector<16xi32>
      scf.yield %add3A_577, %add3A_605, %add3A_633, %add3A_661, %add3A_689, %add3A_717, %add3A_745, %add3A_773, %add3A_783 : vector<16xf32>, vector<16xf32>, vector<16xf32>, vector<16xf32>, vector<16xf32>, vector<16xf32>, vector<16xf32>, vector<16xf32>, vector<16xi32>
    }
    %scan3A_290 = arith.constant 128 : i32
    %add3A_291 = arith.constant 114688 : i32
    %add3A_292 = arith.addi %add3A_39, %add3A_291 : i32
    %dma_start3A_293 = tpu.memref_slice %arg2[%add3A_292] : memref<4194304xf32, #tpu.memory_space<hbm>> -> memref<16384xf32, #tpu.memory_space<hbm>>
    %dma_start3A_294 = tpu.memref_slice %arg2[%add3A_292] : memref<4194304xf32, #tpu.memory_space<hbm>> -> memref<16384xf32, #tpu.memory_space<hbm>>
    tpu.enqueue_dma source(%dma_start3A_294 : memref<16384xf32, #tpu.memory_space<hbm>>) target(%arg5 : memref<16384xf32, #tpu.memory_space<vmem>>) target_semaphore(%arg7 : memref<!tpu.dma_semaphore, #tpu.memory_space<semaphore_mem>>)
    %dma_wait3A_295 = tpu.memref_slice %arg2[%add3A_280] : memref<4194304xf32, #tpu.memory_space<hbm>> -> memref<16384xf32, #tpu.memory_space<hbm>>
    %dma_wait3A_296 = tpu.memref_slice %arg2[%add3A_280] : memref<4194304xf32, #tpu.memory_space<hbm>> -> memref<16384xf32, #tpu.memory_space<hbm>>
    tpu.wait_dma2 semaphore(%arg6 : memref<!tpu.dma_semaphore, #tpu.memory_space<semaphore_mem>>) src(%dma_wait3A_296 : memref<16384xf32, #tpu.memory_space<hbm>>) dst(%arg4 : memref<16384xf32, #tpu.memory_space<vmem>>)
    %scan3A_297 = arith.constant 0 : i32
    %scan3A_298 = arith.constant 128 : i32
    %scan3A_299 = arith.addi %scan3A_297, %scan3A_298 : i32
    %scan3A_300 = arith.constant 1 : i32
    %scan3A_301:9 = scf.for %scan3A_550 = %scan3A_297 to %scan3A_299 step %scan3A_300 iter_args(%scan3A_551 = %scan3A_289#0, %scan3A_552 = %scan3A_289#1, %scan3A_553 = %scan3A_289#2, %scan3A_554 = %scan3A_289#3, %scan3A_555 = %scan3A_289#4, %scan3A_556 = %scan3A_289#5, %scan3A_557 = %scan3A_289#6, %scan3A_558 = %scan3A_289#7, %scan3A_559 = %scan3A_289#8) -> (vector<16xf32>, vector<16xf32>, vector<16xf32>, vector<16xf32>, vector<16xf32>, vector<16xf32>, vector<16xf32>, vector<16xf32>, vector<16xi32>)  : i32 {
      %mul3A_560 = arith.constant 8 : i32
      %mul3A_561 = arith.muli %scan3A_550, %mul3A_560 : i32
      %add3A_562 = arith.constant 0 : i32
      %add3A_563 = arith.addi %mul3A_561, %add3A_562 : i32
      %mul3A_564 = arith.constant 16 : i32
      %mul3A_565 = arith.muli %add3A_563, %mul3A_564 : i32
      %get3A_566 = arith.index_cast %mul3A_565 : i32 to index
      %get3A_567 = tpu.vector_load %arg4[%get3A_566] {strides = array<i32>} : memref<16384xf32, #tpu.memory_space<vmem>>, vector<16xf32>,
      %bitcast3A_568 = vector.bitcast %get3A_567 : vector<16xf32> to vector<16xi32>
      %shift_right_arithmetic3A_569 = arith.constant 20 : i32
      %shift_right_arithmetic3A_570 = vector.broadcast %shift_right_arithmetic3A_569 : i32 to vector<16xi32>
      %shift_right_arithmetic3A_571 = arith.shrsi %bitcast3A_568, %shift_right_arithmetic3A_570 : vector<16xi32>
      %gt3A_572 = arith.cmpi sgt, %shift_right_arithmetic3A_571, %get3A_216 : vector<16xi32>
      %eq3A_573 = arith.cmpi eq, %shift_right_arithmetic3A_571, %get3A_216 : vector<16xi32>
      %jit3A_574 = arith.constant 0.000000e+00 : f32
      %broadcast_in_dim3A_575 = vector.broadcast %jit3A_574 : f32 to vector<16xf32>
      %select_n3A_576 = arith.select %gt3A_572, %get3A_567, %broadcast_in_dim3A_575 : vector<16xi1>, vector<16xf32>
      %add3A_577 = arith.addf %scan3A_551, %select_n3A_576 : vector<16xf32>
      %min3A_578 = arith.constant 32752 : i32
      %min3A_579 = vector.broadcast %min3A_578 : i32 to vector<16xi32>
      %min3A_580 = arith.minsi %scan3A_559, %min3A_579 : vector<16xi32>
      %add3A_581 = arith.addi %min3A_580, %iota3A : vector<16xi32>
      tpu.vector_store_idx %arg9[%add3A_581], %get3A_567 masked %eq3A_573 : memref<32768xf32, #tpu.memory_space<vmem>>[vector<16xi32>], vector<16xf32>, vector<16xi1>
      %jit3A_582 = arith.constant 16 : i32
      %jit3A_583 = arith.constant 0 : i32
      %broadcast_in_dim3A_584 = vector.broadcast %jit3A_582 : i32 to vector<16xi32>
      %broadcast_in_dim3A_585 = vector.broadcast %jit3A_583 : i32 to vector<16xi32>
      %select_n3A_586 = arith.select %eq3A_573, %broadcast_in_dim3A_584, %broadcast_in_dim3A_585 : vector<16xi1>, vector<16xi32>
      %add3A_587 = arith.addi %scan3A_559, %select_n3A_586 : vector<16xi32>
      %mul3A_588 = arith.constant 8 : i32
      %mul3A_589 = arith.muli %scan3A_550, %mul3A_588 : i32
      %add3A_590 = arith.constant 1 : i32
      %add3A_591 = arith.addi %mul3A_589, %add3A_590 : i32
      %mul3A_592 = arith.constant 16 : i32
      %mul3A_593 = arith.muli %add3A_591, %mul3A_592 : i32
      %get3A_594 = arith.index_cast %mul3A_593 : i32 to index
      %get3A_595 = tpu.vector_load %arg4[%get3A_594] {strides = array<i32>} : memref<16384xf32, #tpu.memory_space<vmem>>, vector<16xf32>,
      %bitcast3A_596 = vector.bitcast %get3A_595 : vector<16xf32> to vector<16xi32>
      %shift_right_arithmetic3A_597 = arith.constant 20 : i32
      %shift_right_arithmetic3A_598 = vector.broadcast %shift_right_arithmetic3A_597 : i32 to vector<16xi32>
      %shift_right_arithmetic3A_599 = arith.shrsi %bitcast3A_596, %shift_right_arithmetic3A_598 : vector<16xi32>
      %gt3A_600 = arith.cmpi sgt, %shift_right_arithmetic3A_599, %get3A_216 : vector<16xi32>
      %eq3A_601 = arith.cmpi eq, %shift_right_arithmetic3A_599, %get3A_216 : vector<16xi32>
      %jit3A_602 = arith.constant 0.000000e+00 : f32
      %broadcast_in_dim3A_603 = vector.broadcast %jit3A_602 : f32 to vector<16xf32>
      %select_n3A_604 = arith.select %gt3A_600, %get3A_595, %broadcast_in_dim3A_603 : vector<16xi1>, vector<16xf32>
      %add3A_605 = arith.addf %scan3A_552, %select_n3A_604 : vector<16xf32>
      %min3A_606 = arith.constant 32752 : i32
      %min3A_607 = vector.broadcast %min3A_606 : i32 to vector<16xi32>
      %min3A_608 = arith.minsi %add3A_587, %min3A_607 : vector<16xi32>
      %add3A_609 = arith.addi %min3A_608, %iota3A : vector<16xi32>
      tpu.vector_store_idx %arg9[%add3A_609], %get3A_595 masked %eq3A_601 : memref<32768xf32, #tpu.memory_space<vmem>>[vector<16xi32>], vector<16xf32>, vector<16xi1>
      %jit3A_610 = arith.constant 16 : i32
      %jit3A_611 = arith.constant 0 : i32
      %broadcast_in_dim3A_612 = vector.broadcast %jit3A_610 : i32 to vector<16xi32>
      %broadcast_in_dim3A_613 = vector.broadcast %jit3A_611 : i32 to vector<16xi32>
      %select_n3A_614 = arith.select %eq3A_601, %broadcast_in_dim3A_612, %broadcast_in_dim3A_613 : vector<16xi1>, vector<16xi32>
      %add3A_615 = arith.addi %add3A_587, %select_n3A_614 : vector<16xi32>
      %mul3A_616 = arith.constant 8 : i32
      %mul3A_617 = arith.muli %scan3A_550, %mul3A_616 : i32
      %add3A_618 = arith.constant 2 : i32
      %add3A_619 = arith.addi %mul3A_617, %add3A_618 : i32
      %mul3A_620 = arith.constant 16 : i32
      %mul3A_621 = arith.muli %add3A_619, %mul3A_620 : i32
      %get3A_622 = arith.index_cast %mul3A_621 : i32 to index
      %get3A_623 = tpu.vector_load %arg4[%get3A_622] {strides = array<i32>} : memref<16384xf32, #tpu.memory_space<vmem>>, vector<16xf32>,
      %bitcast3A_624 = vector.bitcast %get3A_623 : vector<16xf32> to vector<16xi32>
      %shift_right_arithmetic3A_625 = arith.constant 20 : i32
      %shift_right_arithmetic3A_626 = vector.broadcast %shift_right_arithmetic3A_625 : i32 to vector<16xi32>
      %shift_right_arithmetic3A_627 = arith.shrsi %bitcast3A_624, %shift_right_arithmetic3A_626 : vector<16xi32>
      %gt3A_628 = arith.cmpi sgt, %shift_right_arithmetic3A_627, %get3A_216 : vector<16xi32>
      %eq3A_629 = arith.cmpi eq, %shift_right_arithmetic3A_627, %get3A_216 : vector<16xi32>
      %jit3A_630 = arith.constant 0.000000e+00 : f32
      %broadcast_in_dim3A_631 = vector.broadcast %jit3A_630 : f32 to vector<16xf32>
      %select_n3A_632 = arith.select %gt3A_628, %get3A_623, %broadcast_in_dim3A_631 : vector<16xi1>, vector<16xf32>
      %add3A_633 = arith.addf %scan3A_553, %select_n3A_632 : vector<16xf32>
      %min3A_634 = arith.constant 32752 : i32
      %min3A_635 = vector.broadcast %min3A_634 : i32 to vector<16xi32>
      %min3A_636 = arith.minsi %add3A_615, %min3A_635 : vector<16xi32>
      %add3A_637 = arith.addi %min3A_636, %iota3A : vector<16xi32>
      tpu.vector_store_idx %arg9[%add3A_637], %get3A_623 masked %eq3A_629 : memref<32768xf32, #tpu.memory_space<vmem>>[vector<16xi32>], vector<16xf32>, vector<16xi1>
      %jit3A_638 = arith.constant 16 : i32
      %jit3A_639 = arith.constant 0 : i32
      %broadcast_in_dim3A_640 = vector.broadcast %jit3A_638 : i32 to vector<16xi32>
      %broadcast_in_dim3A_641 = vector.broadcast %jit3A_639 : i32 to vector<16xi32>
      %select_n3A_642 = arith.select %eq3A_629, %broadcast_in_dim3A_640, %broadcast_in_dim3A_641 : vector<16xi1>, vector<16xi32>
      %add3A_643 = arith.addi %add3A_615, %select_n3A_642 : vector<16xi32>
      %mul3A_644 = arith.constant 8 : i32
      %mul3A_645 = arith.muli %scan3A_550, %mul3A_644 : i32
      %add3A_646 = arith.constant 3 : i32
      %add3A_647 = arith.addi %mul3A_645, %add3A_646 : i32
      %mul3A_648 = arith.constant 16 : i32
      %mul3A_649 = arith.muli %add3A_647, %mul3A_648 : i32
      %get3A_650 = arith.index_cast %mul3A_649 : i32 to index
      %get3A_651 = tpu.vector_load %arg4[%get3A_650] {strides = array<i32>} : memref<16384xf32, #tpu.memory_space<vmem>>, vector<16xf32>,
      %bitcast3A_652 = vector.bitcast %get3A_651 : vector<16xf32> to vector<16xi32>
      %shift_right_arithmetic3A_653 = arith.constant 20 : i32
      %shift_right_arithmetic3A_654 = vector.broadcast %shift_right_arithmetic3A_653 : i32 to vector<16xi32>
      %shift_right_arithmetic3A_655 = arith.shrsi %bitcast3A_652, %shift_right_arithmetic3A_654 : vector<16xi32>
      %gt3A_656 = arith.cmpi sgt, %shift_right_arithmetic3A_655, %get3A_216 : vector<16xi32>
      %eq3A_657 = arith.cmpi eq, %shift_right_arithmetic3A_655, %get3A_216 : vector<16xi32>
      %jit3A_658 = arith.constant 0.000000e+00 : f32
      %broadcast_in_dim3A_659 = vector.broadcast %jit3A_658 : f32 to vector<16xf32>
      %select_n3A_660 = arith.select %gt3A_656, %get3A_651, %broadcast_in_dim3A_659 : vector<16xi1>, vector<16xf32>
      %add3A_661 = arith.addf %scan3A_554, %select_n3A_660 : vector<16xf32>
      %min3A_662 = arith.constant 32752 : i32
      %min3A_663 = vector.broadcast %min3A_662 : i32 to vector<16xi32>
      %min3A_664 = arith.minsi %add3A_643, %min3A_663 : vector<16xi32>
      %add3A_665 = arith.addi %min3A_664, %iota3A : vector<16xi32>
      tpu.vector_store_idx %arg9[%add3A_665], %get3A_651 masked %eq3A_657 : memref<32768xf32, #tpu.memory_space<vmem>>[vector<16xi32>], vector<16xf32>, vector<16xi1>
      %jit3A_666 = arith.constant 16 : i32
      %jit3A_667 = arith.constant 0 : i32
      %broadcast_in_dim3A_668 = vector.broadcast %jit3A_666 : i32 to vector<16xi32>
      %broadcast_in_dim3A_669 = vector.broadcast %jit3A_667 : i32 to vector<16xi32>
      %select_n3A_670 = arith.select %eq3A_657, %broadcast_in_dim3A_668, %broadcast_in_dim3A_669 : vector<16xi1>, vector<16xi32>
      %add3A_671 = arith.addi %add3A_643, %select_n3A_670 : vector<16xi32>
      %mul3A_672 = arith.constant 8 : i32
      %mul3A_673 = arith.muli %scan3A_550, %mul3A_672 : i32
      %add3A_674 = arith.constant 4 : i32
      %add3A_675 = arith.addi %mul3A_673, %add3A_674 : i32
      %mul3A_676 = arith.constant 16 : i32
      %mul3A_677 = arith.muli %add3A_675, %mul3A_676 : i32
      %get3A_678 = arith.index_cast %mul3A_677 : i32 to index
      %get3A_679 = tpu.vector_load %arg4[%get3A_678] {strides = array<i32>} : memref<16384xf32, #tpu.memory_space<vmem>>, vector<16xf32>,
      %bitcast3A_680 = vector.bitcast %get3A_679 : vector<16xf32> to vector<16xi32>
      %shift_right_arithmetic3A_681 = arith.constant 20 : i32
      %shift_right_arithmetic3A_682 = vector.broadcast %shift_right_arithmetic3A_681 : i32 to vector<16xi32>
      %shift_right_arithmetic3A_683 = arith.shrsi %bitcast3A_680, %shift_right_arithmetic3A_682 : vector<16xi32>
      %gt3A_684 = arith.cmpi sgt, %shift_right_arithmetic3A_683, %get3A_216 : vector<16xi32>
      %eq3A_685 = arith.cmpi eq, %shift_right_arithmetic3A_683, %get3A_216 : vector<16xi32>
      %jit3A_686 = arith.constant 0.000000e+00 : f32
      %broadcast_in_dim3A_687 = vector.broadcast %jit3A_686 : f32 to vector<16xf32>
      %select_n3A_688 = arith.select %gt3A_684, %get3A_679, %broadcast_in_dim3A_687 : vector<16xi1>, vector<16xf32>
      %add3A_689 = arith.addf %scan3A_555, %select_n3A_688 : vector<16xf32>
      %min3A_690 = arith.constant 32752 : i32
      %min3A_691 = vector.broadcast %min3A_690 : i32 to vector<16xi32>
      %min3A_692 = arith.minsi %add3A_671, %min3A_691 : vector<16xi32>
      %add3A_693 = arith.addi %min3A_692, %iota3A : vector<16xi32>
      tpu.vector_store_idx %arg9[%add3A_693], %get3A_679 masked %eq3A_685 : memref<32768xf32, #tpu.memory_space<vmem>>[vector<16xi32>], vector<16xf32>, vector<16xi1>
      %jit3A_694 = arith.constant 16 : i32
      %jit3A_695 = arith.constant 0 : i32
      %broadcast_in_dim3A_696 = vector.broadcast %jit3A_694 : i32 to vector<16xi32>
      %broadcast_in_dim3A_697 = vector.broadcast %jit3A_695 : i32 to vector<16xi32>
      %select_n3A_698 = arith.select %eq3A_685, %broadcast_in_dim3A_696, %broadcast_in_dim3A_697 : vector<16xi1>, vector<16xi32>
      %add3A_699 = arith.addi %add3A_671, %select_n3A_698 : vector<16xi32>
      %mul3A_700 = arith.constant 8 : i32
      %mul3A_701 = arith.muli %scan3A_550, %mul3A_700 : i32
      %add3A_702 = arith.constant 5 : i32
      %add3A_703 = arith.addi %mul3A_701, %add3A_702 : i32
      %mul3A_704 = arith.constant 16 : i32
      %mul3A_705 = arith.muli %add3A_703, %mul3A_704 : i32
      %get3A_706 = arith.index_cast %mul3A_705 : i32 to index
      %get3A_707 = tpu.vector_load %arg4[%get3A_706] {strides = array<i32>} : memref<16384xf32, #tpu.memory_space<vmem>>, vector<16xf32>,
      %bitcast3A_708 = vector.bitcast %get3A_707 : vector<16xf32> to vector<16xi32>
      %shift_right_arithmetic3A_709 = arith.constant 20 : i32
      %shift_right_arithmetic3A_710 = vector.broadcast %shift_right_arithmetic3A_709 : i32 to vector<16xi32>
      %shift_right_arithmetic3A_711 = arith.shrsi %bitcast3A_708, %shift_right_arithmetic3A_710 : vector<16xi32>
      %gt3A_712 = arith.cmpi sgt, %shift_right_arithmetic3A_711, %get3A_216 : vector<16xi32>
      %eq3A_713 = arith.cmpi eq, %shift_right_arithmetic3A_711, %get3A_216 : vector<16xi32>
      %jit3A_714 = arith.constant 0.000000e+00 : f32
      %broadcast_in_dim3A_715 = vector.broadcast %jit3A_714 : f32 to vector<16xf32>
      %select_n3A_716 = arith.select %gt3A_712, %get3A_707, %broadcast_in_dim3A_715 : vector<16xi1>, vector<16xf32>
      %add3A_717 = arith.addf %scan3A_556, %select_n3A_716 : vector<16xf32>
      %min3A_718 = arith.constant 32752 : i32
      %min3A_719 = vector.broadcast %min3A_718 : i32 to vector<16xi32>
      %min3A_720 = arith.minsi %add3A_699, %min3A_719 : vector<16xi32>
      %add3A_721 = arith.addi %min3A_720, %iota3A : vector<16xi32>
      tpu.vector_store_idx %arg9[%add3A_721], %get3A_707 masked %eq3A_713 : memref<32768xf32, #tpu.memory_space<vmem>>[vector<16xi32>], vector<16xf32>, vector<16xi1>
      %jit3A_722 = arith.constant 16 : i32
      %jit3A_723 = arith.constant 0 : i32
      %broadcast_in_dim3A_724 = vector.broadcast %jit3A_722 : i32 to vector<16xi32>
      %broadcast_in_dim3A_725 = vector.broadcast %jit3A_723 : i32 to vector<16xi32>
      %select_n3A_726 = arith.select %eq3A_713, %broadcast_in_dim3A_724, %broadcast_in_dim3A_725 : vector<16xi1>, vector<16xi32>
      %add3A_727 = arith.addi %add3A_699, %select_n3A_726 : vector<16xi32>
      %mul3A_728 = arith.constant 8 : i32
      %mul3A_729 = arith.muli %scan3A_550, %mul3A_728 : i32
      %add3A_730 = arith.constant 6 : i32
      %add3A_731 = arith.addi %mul3A_729, %add3A_730 : i32
      %mul3A_732 = arith.constant 16 : i32
      %mul3A_733 = arith.muli %add3A_731, %mul3A_732 : i32
      %get3A_734 = arith.index_cast %mul3A_733 : i32 to index
      %get3A_735 = tpu.vector_load %arg4[%get3A_734] {strides = array<i32>} : memref<16384xf32, #tpu.memory_space<vmem>>, vector<16xf32>,
      %bitcast3A_736 = vector.bitcast %get3A_735 : vector<16xf32> to vector<16xi32>
      %shift_right_arithmetic3A_737 = arith.constant 20 : i32
      %shift_right_arithmetic3A_738 = vector.broadcast %shift_right_arithmetic3A_737 : i32 to vector<16xi32>
      %shift_right_arithmetic3A_739 = arith.shrsi %bitcast3A_736, %shift_right_arithmetic3A_738 : vector<16xi32>
      %gt3A_740 = arith.cmpi sgt, %shift_right_arithmetic3A_739, %get3A_216 : vector<16xi32>
      %eq3A_741 = arith.cmpi eq, %shift_right_arithmetic3A_739, %get3A_216 : vector<16xi32>
      %jit3A_742 = arith.constant 0.000000e+00 : f32
      %broadcast_in_dim3A_743 = vector.broadcast %jit3A_742 : f32 to vector<16xf32>
      %select_n3A_744 = arith.select %gt3A_740, %get3A_735, %broadcast_in_dim3A_743 : vector<16xi1>, vector<16xf32>
      %add3A_745 = arith.addf %scan3A_557, %select_n3A_744 : vector<16xf32>
      %min3A_746 = arith.constant 32752 : i32
      %min3A_747 = vector.broadcast %min3A_746 : i32 to vector<16xi32>
      %min3A_748 = arith.minsi %add3A_727, %min3A_747 : vector<16xi32>
      %add3A_749 = arith.addi %min3A_748, %iota3A : vector<16xi32>
      tpu.vector_store_idx %arg9[%add3A_749], %get3A_735 masked %eq3A_741 : memref<32768xf32, #tpu.memory_space<vmem>>[vector<16xi32>], vector<16xf32>, vector<16xi1>
      %jit3A_750 = arith.constant 16 : i32
      %jit3A_751 = arith.constant 0 : i32
      %broadcast_in_dim3A_752 = vector.broadcast %jit3A_750 : i32 to vector<16xi32>
      %broadcast_in_dim3A_753 = vector.broadcast %jit3A_751 : i32 to vector<16xi32>
      %select_n3A_754 = arith.select %eq3A_741, %broadcast_in_dim3A_752, %broadcast_in_dim3A_753 : vector<16xi1>, vector<16xi32>
      %add3A_755 = arith.addi %add3A_727, %select_n3A_754 : vector<16xi32>
      %mul3A_756 = arith.constant 8 : i32
      %mul3A_757 = arith.muli %scan3A_550, %mul3A_756 : i32
      %add3A_758 = arith.constant 7 : i32
      %add3A_759 = arith.addi %mul3A_757, %add3A_758 : i32
      %mul3A_760 = arith.constant 16 : i32
      %mul3A_761 = arith.muli %add3A_759, %mul3A_760 : i32
      %get3A_762 = arith.index_cast %mul3A_761 : i32 to index
      %get3A_763 = tpu.vector_load %arg4[%get3A_762] {strides = array<i32>} : memref<16384xf32, #tpu.memory_space<vmem>>, vector<16xf32>,
      %bitcast3A_764 = vector.bitcast %get3A_763 : vector<16xf32> to vector<16xi32>
      %shift_right_arithmetic3A_765 = arith.constant 20 : i32
      %shift_right_arithmetic3A_766 = vector.broadcast %shift_right_arithmetic3A_765 : i32 to vector<16xi32>
      %shift_right_arithmetic3A_767 = arith.shrsi %bitcast3A_764, %shift_right_arithmetic3A_766 : vector<16xi32>
      %gt3A_768 = arith.cmpi sgt, %shift_right_arithmetic3A_767, %get3A_216 : vector<16xi32>
      %eq3A_769 = arith.cmpi eq, %shift_right_arithmetic3A_767, %get3A_216 : vector<16xi32>
      %jit3A_770 = arith.constant 0.000000e+00 : f32
      %broadcast_in_dim3A_771 = vector.broadcast %jit3A_770 : f32 to vector<16xf32>
      %select_n3A_772 = arith.select %gt3A_768, %get3A_763, %broadcast_in_dim3A_771 : vector<16xi1>, vector<16xf32>
      %add3A_773 = arith.addf %scan3A_558, %select_n3A_772 : vector<16xf32>
      %min3A_774 = arith.constant 32752 : i32
      %min3A_775 = vector.broadcast %min3A_774 : i32 to vector<16xi32>
      %min3A_776 = arith.minsi %add3A_755, %min3A_775 : vector<16xi32>
      %add3A_777 = arith.addi %min3A_776, %iota3A : vector<16xi32>
      tpu.vector_store_idx %arg9[%add3A_777], %get3A_763 masked %eq3A_769 : memref<32768xf32, #tpu.memory_space<vmem>>[vector<16xi32>], vector<16xf32>, vector<16xi1>
      %jit3A_778 = arith.constant 16 : i32
      %jit3A_779 = arith.constant 0 : i32
      %broadcast_in_dim3A_780 = vector.broadcast %jit3A_778 : i32 to vector<16xi32>
      %broadcast_in_dim3A_781 = vector.broadcast %jit3A_779 : i32 to vector<16xi32>
      %select_n3A_782 = arith.select %eq3A_769, %broadcast_in_dim3A_780, %broadcast_in_dim3A_781 : vector<16xi1>, vector<16xi32>
      %add3A_783 = arith.addi %add3A_755, %select_n3A_782 : vector<16xi32>
      scf.yield %add3A_577, %add3A_605, %add3A_633, %add3A_661, %add3A_689, %add3A_717, %add3A_745, %add3A_773, %add3A_783 : vector<16xf32>, vector<16xf32>, vector<16xf32>, vector<16xf32>, vector<16xf32>, vector<16xf32>, vector<16xf32>, vector<16xf32>, vector<16xi32>
    }
    %scan3A_302 = arith.constant 128 : i32
    %dma_wait3A_303 = tpu.memref_slice %arg2[%add3A_292] : memref<4194304xf32, #tpu.memory_space<hbm>> -> memref<16384xf32, #tpu.memory_space<hbm>>
    %dma_wait3A_304 = tpu.memref_slice %arg2[%add3A_292] : memref<4194304xf32, #tpu.memory_space<hbm>> -> memref<16384xf32, #tpu.memory_space<hbm>>
    tpu.wait_dma2 semaphore(%arg7 : memref<!tpu.dma_semaphore, #tpu.memory_space<semaphore_mem>>) src(%dma_wait3A_304 : memref<16384xf32, #tpu.memory_space<hbm>>) dst(%arg5 : memref<16384xf32, #tpu.memory_space<vmem>>)
    %scan3A_305 = arith.constant 0 : i32
    %scan3A_306 = arith.constant 128 : i32
    %scan3A_307 = arith.addi %scan3A_305, %scan3A_306 : i32
    %scan3A_308 = arith.constant 1 : i32
    %scan3A_309:9 = scf.for %scan3A_550 = %scan3A_305 to %scan3A_307 step %scan3A_308 iter_args(%scan3A_551 = %scan3A_301#0, %scan3A_552 = %scan3A_301#1, %scan3A_553 = %scan3A_301#2, %scan3A_554 = %scan3A_301#3, %scan3A_555 = %scan3A_301#4, %scan3A_556 = %scan3A_301#5, %scan3A_557 = %scan3A_301#6, %scan3A_558 = %scan3A_301#7, %scan3A_559 = %scan3A_301#8) -> (vector<16xf32>, vector<16xf32>, vector<16xf32>, vector<16xf32>, vector<16xf32>, vector<16xf32>, vector<16xf32>, vector<16xf32>, vector<16xi32>)  : i32 {
      %mul3A_560 = arith.constant 8 : i32
      %mul3A_561 = arith.muli %scan3A_550, %mul3A_560 : i32
      %add3A_562 = arith.constant 0 : i32
      %add3A_563 = arith.addi %mul3A_561, %add3A_562 : i32
      %mul3A_564 = arith.constant 16 : i32
      %mul3A_565 = arith.muli %add3A_563, %mul3A_564 : i32
      %get3A_566 = arith.index_cast %mul3A_565 : i32 to index
      %get3A_567 = tpu.vector_load %arg5[%get3A_566] {strides = array<i32>} : memref<16384xf32, #tpu.memory_space<vmem>>, vector<16xf32>,
      %bitcast3A_568 = vector.bitcast %get3A_567 : vector<16xf32> to vector<16xi32>
      %shift_right_arithmetic3A_569 = arith.constant 20 : i32
      %shift_right_arithmetic3A_570 = vector.broadcast %shift_right_arithmetic3A_569 : i32 to vector<16xi32>
      %shift_right_arithmetic3A_571 = arith.shrsi %bitcast3A_568, %shift_right_arithmetic3A_570 : vector<16xi32>
      %gt3A_572 = arith.cmpi sgt, %shift_right_arithmetic3A_571, %get3A_216 : vector<16xi32>
      %eq3A_573 = arith.cmpi eq, %shift_right_arithmetic3A_571, %get3A_216 : vector<16xi32>
      %jit3A_574 = arith.constant 0.000000e+00 : f32
      %broadcast_in_dim3A_575 = vector.broadcast %jit3A_574 : f32 to vector<16xf32>
      %select_n3A_576 = arith.select %gt3A_572, %get3A_567, %broadcast_in_dim3A_575 : vector<16xi1>, vector<16xf32>
      %add3A_577 = arith.addf %scan3A_551, %select_n3A_576 : vector<16xf32>
      %min3A_578 = arith.constant 32752 : i32
      %min3A_579 = vector.broadcast %min3A_578 : i32 to vector<16xi32>
      %min3A_580 = arith.minsi %scan3A_559, %min3A_579 : vector<16xi32>
      %add3A_581 = arith.addi %min3A_580, %iota3A : vector<16xi32>
      tpu.vector_store_idx %arg9[%add3A_581], %get3A_567 masked %eq3A_573 : memref<32768xf32, #tpu.memory_space<vmem>>[vector<16xi32>], vector<16xf32>, vector<16xi1>
      %jit3A_582 = arith.constant 16 : i32
      %jit3A_583 = arith.constant 0 : i32
      %broadcast_in_dim3A_584 = vector.broadcast %jit3A_582 : i32 to vector<16xi32>
      %broadcast_in_dim3A_585 = vector.broadcast %jit3A_583 : i32 to vector<16xi32>
      %select_n3A_586 = arith.select %eq3A_573, %broadcast_in_dim3A_584, %broadcast_in_dim3A_585 : vector<16xi1>, vector<16xi32>
      %add3A_587 = arith.addi %scan3A_559, %select_n3A_586 : vector<16xi32>
      %mul3A_588 = arith.constant 8 : i32
      %mul3A_589 = arith.muli %scan3A_550, %mul3A_588 : i32
      %add3A_590 = arith.constant 1 : i32
      %add3A_591 = arith.addi %mul3A_589, %add3A_590 : i32
      %mul3A_592 = arith.constant 16 : i32
      %mul3A_593 = arith.muli %add3A_591, %mul3A_592 : i32
      %get3A_594 = arith.index_cast %mul3A_593 : i32 to index
      %get3A_595 = tpu.vector_load %arg5[%get3A_594] {strides = array<i32>} : memref<16384xf32, #tpu.memory_space<vmem>>, vector<16xf32>,
      %bitcast3A_596 = vector.bitcast %get3A_595 : vector<16xf32> to vector<16xi32>
      %shift_right_arithmetic3A_597 = arith.constant 20 : i32
      %shift_right_arithmetic3A_598 = vector.broadcast %shift_right_arithmetic3A_597 : i32 to vector<16xi32>
      %shift_right_arithmetic3A_599 = arith.shrsi %bitcast3A_596, %shift_right_arithmetic3A_598 : vector<16xi32>
      %gt3A_600 = arith.cmpi sgt, %shift_right_arithmetic3A_599, %get3A_216 : vector<16xi32>
      %eq3A_601 = arith.cmpi eq, %shift_right_arithmetic3A_599, %get3A_216 : vector<16xi32>
      %jit3A_602 = arith.constant 0.000000e+00 : f32
      %broadcast_in_dim3A_603 = vector.broadcast %jit3A_602 : f32 to vector<16xf32>
      %select_n3A_604 = arith.select %gt3A_600, %get3A_595, %broadcast_in_dim3A_603 : vector<16xi1>, vector<16xf32>
      %add3A_605 = arith.addf %scan3A_552, %select_n3A_604 : vector<16xf32>
      %min3A_606 = arith.constant 32752 : i32
      %min3A_607 = vector.broadcast %min3A_606 : i32 to vector<16xi32>
      %min3A_608 = arith.minsi %add3A_587, %min3A_607 : vector<16xi32>
      %add3A_609 = arith.addi %min3A_608, %iota3A : vector<16xi32>
      tpu.vector_store_idx %arg9[%add3A_609], %get3A_595 masked %eq3A_601 : memref<32768xf32, #tpu.memory_space<vmem>>[vector<16xi32>], vector<16xf32>, vector<16xi1>
      %jit3A_610 = arith.constant 16 : i32
      %jit3A_611 = arith.constant 0 : i32
      %broadcast_in_dim3A_612 = vector.broadcast %jit3A_610 : i32 to vector<16xi32>
      %broadcast_in_dim3A_613 = vector.broadcast %jit3A_611 : i32 to vector<16xi32>
      %select_n3A_614 = arith.select %eq3A_601, %broadcast_in_dim3A_612, %broadcast_in_dim3A_613 : vector<16xi1>, vector<16xi32>
      %add3A_615 = arith.addi %add3A_587, %select_n3A_614 : vector<16xi32>
      %mul3A_616 = arith.constant 8 : i32
      %mul3A_617 = arith.muli %scan3A_550, %mul3A_616 : i32
      %add3A_618 = arith.constant 2 : i32
      %add3A_619 = arith.addi %mul3A_617, %add3A_618 : i32
      %mul3A_620 = arith.constant 16 : i32
      %mul3A_621 = arith.muli %add3A_619, %mul3A_620 : i32
      %get3A_622 = arith.index_cast %mul3A_621 : i32 to index
      %get3A_623 = tpu.vector_load %arg5[%get3A_622] {strides = array<i32>} : memref<16384xf32, #tpu.memory_space<vmem>>, vector<16xf32>,
      %bitcast3A_624 = vector.bitcast %get3A_623 : vector<16xf32> to vector<16xi32>
      %shift_right_arithmetic3A_625 = arith.constant 20 : i32
      %shift_right_arithmetic3A_626 = vector.broadcast %shift_right_arithmetic3A_625 : i32 to vector<16xi32>
      %shift_right_arithmetic3A_627 = arith.shrsi %bitcast3A_624, %shift_right_arithmetic3A_626 : vector<16xi32>
      %gt3A_628 = arith.cmpi sgt, %shift_right_arithmetic3A_627, %get3A_216 : vector<16xi32>
      %eq3A_629 = arith.cmpi eq, %shift_right_arithmetic3A_627, %get3A_216 : vector<16xi32>
      %jit3A_630 = arith.constant 0.000000e+00 : f32
      %broadcast_in_dim3A_631 = vector.broadcast %jit3A_630 : f32 to vector<16xf32>
      %select_n3A_632 = arith.select %gt3A_628, %get3A_623, %broadcast_in_dim3A_631 : vector<16xi1>, vector<16xf32>
      %add3A_633 = arith.addf %scan3A_553, %select_n3A_632 : vector<16xf32>
      %min3A_634 = arith.constant 32752 : i32
      %min3A_635 = vector.broadcast %min3A_634 : i32 to vector<16xi32>
      %min3A_636 = arith.minsi %add3A_615, %min3A_635 : vector<16xi32>
      %add3A_637 = arith.addi %min3A_636, %iota3A : vector<16xi32>
      tpu.vector_store_idx %arg9[%add3A_637], %get3A_623 masked %eq3A_629 : memref<32768xf32, #tpu.memory_space<vmem>>[vector<16xi32>], vector<16xf32>, vector<16xi1>
      %jit3A_638 = arith.constant 16 : i32
      %jit3A_639 = arith.constant 0 : i32
      %broadcast_in_dim3A_640 = vector.broadcast %jit3A_638 : i32 to vector<16xi32>
      %broadcast_in_dim3A_641 = vector.broadcast %jit3A_639 : i32 to vector<16xi32>
      %select_n3A_642 = arith.select %eq3A_629, %broadcast_in_dim3A_640, %broadcast_in_dim3A_641 : vector<16xi1>, vector<16xi32>
      %add3A_643 = arith.addi %add3A_615, %select_n3A_642 : vector<16xi32>
      %mul3A_644 = arith.constant 8 : i32
      %mul3A_645 = arith.muli %scan3A_550, %mul3A_644 : i32
      %add3A_646 = arith.constant 3 : i32
      %add3A_647 = arith.addi %mul3A_645, %add3A_646 : i32
      %mul3A_648 = arith.constant 16 : i32
      %mul3A_649 = arith.muli %add3A_647, %mul3A_648 : i32
      %get3A_650 = arith.index_cast %mul3A_649 : i32 to index
      %get3A_651 = tpu.vector_load %arg5[%get3A_650] {strides = array<i32>} : memref<16384xf32, #tpu.memory_space<vmem>>, vector<16xf32>,
      %bitcast3A_652 = vector.bitcast %get3A_651 : vector<16xf32> to vector<16xi32>
      %shift_right_arithmetic3A_653 = arith.constant 20 : i32
      %shift_right_arithmetic3A_654 = vector.broadcast %shift_right_arithmetic3A_653 : i32 to vector<16xi32>
      %shift_right_arithmetic3A_655 = arith.shrsi %bitcast3A_652, %shift_right_arithmetic3A_654 : vector<16xi32>
      %gt3A_656 = arith.cmpi sgt, %shift_right_arithmetic3A_655, %get3A_216 : vector<16xi32>
      %eq3A_657 = arith.cmpi eq, %shift_right_arithmetic3A_655, %get3A_216 : vector<16xi32>
      %jit3A_658 = arith.constant 0.000000e+00 : f32
      %broadcast_in_dim3A_659 = vector.broadcast %jit3A_658 : f32 to vector<16xf32>
      %select_n3A_660 = arith.select %gt3A_656, %get3A_651, %broadcast_in_dim3A_659 : vector<16xi1>, vector<16xf32>
      %add3A_661 = arith.addf %scan3A_554, %select_n3A_660 : vector<16xf32>
      %min3A_662 = arith.constant 32752 : i32
      %min3A_663 = vector.broadcast %min3A_662 : i32 to vector<16xi32>
      %min3A_664 = arith.minsi %add3A_643, %min3A_663 : vector<16xi32>
      %add3A_665 = arith.addi %min3A_664, %iota3A : vector<16xi32>
      tpu.vector_store_idx %arg9[%add3A_665], %get3A_651 masked %eq3A_657 : memref<32768xf32, #tpu.memory_space<vmem>>[vector<16xi32>], vector<16xf32>, vector<16xi1>
      %jit3A_666 = arith.constant 16 : i32
      %jit3A_667 = arith.constant 0 : i32
      %broadcast_in_dim3A_668 = vector.broadcast %jit3A_666 : i32 to vector<16xi32>
      %broadcast_in_dim3A_669 = vector.broadcast %jit3A_667 : i32 to vector<16xi32>
      %select_n3A_670 = arith.select %eq3A_657, %broadcast_in_dim3A_668, %broadcast_in_dim3A_669 : vector<16xi1>, vector<16xi32>
      %add3A_671 = arith.addi %add3A_643, %select_n3A_670 : vector<16xi32>
      %mul3A_672 = arith.constant 8 : i32
      %mul3A_673 = arith.muli %scan3A_550, %mul3A_672 : i32
      %add3A_674 = arith.constant 4 : i32
      %add3A_675 = arith.addi %mul3A_673, %add3A_674 : i32
      %mul3A_676 = arith.constant 16 : i32
      %mul3A_677 = arith.muli %add3A_675, %mul3A_676 : i32
      %get3A_678 = arith.index_cast %mul3A_677 : i32 to index
      %get3A_679 = tpu.vector_load %arg5[%get3A_678] {strides = array<i32>} : memref<16384xf32, #tpu.memory_space<vmem>>, vector<16xf32>,
      %bitcast3A_680 = vector.bitcast %get3A_679 : vector<16xf32> to vector<16xi32>
      %shift_right_arithmetic3A_681 = arith.constant 20 : i32
      %shift_right_arithmetic3A_682 = vector.broadcast %shift_right_arithmetic3A_681 : i32 to vector<16xi32>
      %shift_right_arithmetic3A_683 = arith.shrsi %bitcast3A_680, %shift_right_arithmetic3A_682 : vector<16xi32>
      %gt3A_684 = arith.cmpi sgt, %shift_right_arithmetic3A_683, %get3A_216 : vector<16xi32>
      %eq3A_685 = arith.cmpi eq, %shift_right_arithmetic3A_683, %get3A_216 : vector<16xi32>
      %jit3A_686 = arith.constant 0.000000e+00 : f32
      %broadcast_in_dim3A_687 = vector.broadcast %jit3A_686 : f32 to vector<16xf32>
      %select_n3A_688 = arith.select %gt3A_684, %get3A_679, %broadcast_in_dim3A_687 : vector<16xi1>, vector<16xf32>
      %add3A_689 = arith.addf %scan3A_555, %select_n3A_688 : vector<16xf32>
      %min3A_690 = arith.constant 32752 : i32
      %min3A_691 = vector.broadcast %min3A_690 : i32 to vector<16xi32>
      %min3A_692 = arith.minsi %add3A_671, %min3A_691 : vector<16xi32>
      %add3A_693 = arith.addi %min3A_692, %iota3A : vector<16xi32>
      tpu.vector_store_idx %arg9[%add3A_693], %get3A_679 masked %eq3A_685 : memref<32768xf32, #tpu.memory_space<vmem>>[vector<16xi32>], vector<16xf32>, vector<16xi1>
      %jit3A_694 = arith.constant 16 : i32
      %jit3A_695 = arith.constant 0 : i32
      %broadcast_in_dim3A_696 = vector.broadcast %jit3A_694 : i32 to vector<16xi32>
      %broadcast_in_dim3A_697 = vector.broadcast %jit3A_695 : i32 to vector<16xi32>
      %select_n3A_698 = arith.select %eq3A_685, %broadcast_in_dim3A_696, %broadcast_in_dim3A_697 : vector<16xi1>, vector<16xi32>
      %add3A_699 = arith.addi %add3A_671, %select_n3A_698 : vector<16xi32>
      %mul3A_700 = arith.constant 8 : i32
      %mul3A_701 = arith.muli %scan3A_550, %mul3A_700 : i32
      %add3A_702 = arith.constant 5 : i32
      %add3A_703 = arith.addi %mul3A_701, %add3A_702 : i32
      %mul3A_704 = arith.constant 16 : i32
      %mul3A_705 = arith.muli %add3A_703, %mul3A_704 : i32
      %get3A_706 = arith.index_cast %mul3A_705 : i32 to index
      %get3A_707 = tpu.vector_load %arg5[%get3A_706] {strides = array<i32>} : memref<16384xf32, #tpu.memory_space<vmem>>, vector<16xf32>,
      %bitcast3A_708 = vector.bitcast %get3A_707 : vector<16xf32> to vector<16xi32>
      %shift_right_arithmetic3A_709 = arith.constant 20 : i32
      %shift_right_arithmetic3A_710 = vector.broadcast %shift_right_arithmetic3A_709 : i32 to vector<16xi32>
      %shift_right_arithmetic3A_711 = arith.shrsi %bitcast3A_708, %shift_right_arithmetic3A_710 : vector<16xi32>
      %gt3A_712 = arith.cmpi sgt, %shift_right_arithmetic3A_711, %get3A_216 : vector<16xi32>
      %eq3A_713 = arith.cmpi eq, %shift_right_arithmetic3A_711, %get3A_216 : vector<16xi32>
      %jit3A_714 = arith.constant 0.000000e+00 : f32
      %broadcast_in_dim3A_715 = vector.broadcast %jit3A_714 : f32 to vector<16xf32>
      %select_n3A_716 = arith.select %gt3A_712, %get3A_707, %broadcast_in_dim3A_715 : vector<16xi1>, vector<16xf32>
      %add3A_717 = arith.addf %scan3A_556, %select_n3A_716 : vector<16xf32>
      %min3A_718 = arith.constant 32752 : i32
      %min3A_719 = vector.broadcast %min3A_718 : i32 to vector<16xi32>
      %min3A_720 = arith.minsi %add3A_699, %min3A_719 : vector<16xi32>
      %add3A_721 = arith.addi %min3A_720, %iota3A : vector<16xi32>
      tpu.vector_store_idx %arg9[%add3A_721], %get3A_707 masked %eq3A_713 : memref<32768xf32, #tpu.memory_space<vmem>>[vector<16xi32>], vector<16xf32>, vector<16xi1>
      %jit3A_722 = arith.constant 16 : i32
      %jit3A_723 = arith.constant 0 : i32
      %broadcast_in_dim3A_724 = vector.broadcast %jit3A_722 : i32 to vector<16xi32>
      %broadcast_in_dim3A_725 = vector.broadcast %jit3A_723 : i32 to vector<16xi32>
      %select_n3A_726 = arith.select %eq3A_713, %broadcast_in_dim3A_724, %broadcast_in_dim3A_725 : vector<16xi1>, vector<16xi32>
      %add3A_727 = arith.addi %add3A_699, %select_n3A_726 : vector<16xi32>
      %mul3A_728 = arith.constant 8 : i32
      %mul3A_729 = arith.muli %scan3A_550, %mul3A_728 : i32
      %add3A_730 = arith.constant 6 : i32
      %add3A_731 = arith.addi %mul3A_729, %add3A_730 : i32
      %mul3A_732 = arith.constant 16 : i32
      %mul3A_733 = arith.muli %add3A_731, %mul3A_732 : i32
      %get3A_734 = arith.index_cast %mul3A_733 : i32 to index
      %get3A_735 = tpu.vector_load %arg5[%get3A_734] {strides = array<i32>} : memref<16384xf32, #tpu.memory_space<vmem>>, vector<16xf32>,
      %bitcast3A_736 = vector.bitcast %get3A_735 : vector<16xf32> to vector<16xi32>
      %shift_right_arithmetic3A_737 = arith.constant 20 : i32
      %shift_right_arithmetic3A_738 = vector.broadcast %shift_right_arithmetic3A_737 : i32 to vector<16xi32>
      %shift_right_arithmetic3A_739 = arith.shrsi %bitcast3A_736, %shift_right_arithmetic3A_738 : vector<16xi32>
      %gt3A_740 = arith.cmpi sgt, %shift_right_arithmetic3A_739, %get3A_216 : vector<16xi32>
      %eq3A_741 = arith.cmpi eq, %shift_right_arithmetic3A_739, %get3A_216 : vector<16xi32>
      %jit3A_742 = arith.constant 0.000000e+00 : f32
      %broadcast_in_dim3A_743 = vector.broadcast %jit3A_742 : f32 to vector<16xf32>
      %select_n3A_744 = arith.select %gt3A_740, %get3A_735, %broadcast_in_dim3A_743 : vector<16xi1>, vector<16xf32>
      %add3A_745 = arith.addf %scan3A_557, %select_n3A_744 : vector<16xf32>
      %min3A_746 = arith.constant 32752 : i32
      %min3A_747 = vector.broadcast %min3A_746 : i32 to vector<16xi32>
      %min3A_748 = arith.minsi %add3A_727, %min3A_747 : vector<16xi32>
      %add3A_749 = arith.addi %min3A_748, %iota3A : vector<16xi32>
      tpu.vector_store_idx %arg9[%add3A_749], %get3A_735 masked %eq3A_741 : memref<32768xf32, #tpu.memory_space<vmem>>[vector<16xi32>], vector<16xf32>, vector<16xi1>
      %jit3A_750 = arith.constant 16 : i32
      %jit3A_751 = arith.constant 0 : i32
      %broadcast_in_dim3A_752 = vector.broadcast %jit3A_750 : i32 to vector<16xi32>
      %broadcast_in_dim3A_753 = vector.broadcast %jit3A_751 : i32 to vector<16xi32>
      %select_n3A_754 = arith.select %eq3A_741, %broadcast_in_dim3A_752, %broadcast_in_dim3A_753 : vector<16xi1>, vector<16xi32>
      %add3A_755 = arith.addi %add3A_727, %select_n3A_754 : vector<16xi32>
      %mul3A_756 = arith.constant 8 : i32
      %mul3A_757 = arith.muli %scan3A_550, %mul3A_756 : i32
      %add3A_758 = arith.constant 7 : i32
      %add3A_759 = arith.addi %mul3A_757, %add3A_758 : i32
      %mul3A_760 = arith.constant 16 : i32
      %mul3A_761 = arith.muli %add3A_759, %mul3A_760 : i32
      %get3A_762 = arith.index_cast %mul3A_761 : i32 to index
      %get3A_763 = tpu.vector_load %arg5[%get3A_762] {strides = array<i32>} : memref<16384xf32, #tpu.memory_space<vmem>>, vector<16xf32>,
      %bitcast3A_764 = vector.bitcast %get3A_763 : vector<16xf32> to vector<16xi32>
      %shift_right_arithmetic3A_765 = arith.constant 20 : i32
      %shift_right_arithmetic3A_766 = vector.broadcast %shift_right_arithmetic3A_765 : i32 to vector<16xi32>
      %shift_right_arithmetic3A_767 = arith.shrsi %bitcast3A_764, %shift_right_arithmetic3A_766 : vector<16xi32>
      %gt3A_768 = arith.cmpi sgt, %shift_right_arithmetic3A_767, %get3A_216 : vector<16xi32>
      %eq3A_769 = arith.cmpi eq, %shift_right_arithmetic3A_767, %get3A_216 : vector<16xi32>
      %jit3A_770 = arith.constant 0.000000e+00 : f32
      %broadcast_in_dim3A_771 = vector.broadcast %jit3A_770 : f32 to vector<16xf32>
      %select_n3A_772 = arith.select %gt3A_768, %get3A_763, %broadcast_in_dim3A_771 : vector<16xi1>, vector<16xf32>
      %add3A_773 = arith.addf %scan3A_558, %select_n3A_772 : vector<16xf32>
      %min3A_774 = arith.constant 32752 : i32
      %min3A_775 = vector.broadcast %min3A_774 : i32 to vector<16xi32>
      %min3A_776 = arith.minsi %add3A_755, %min3A_775 : vector<16xi32>
      %add3A_777 = arith.addi %min3A_776, %iota3A : vector<16xi32>
      tpu.vector_store_idx %arg9[%add3A_777], %get3A_763 masked %eq3A_769 : memref<32768xf32, #tpu.memory_space<vmem>>[vector<16xi32>], vector<16xf32>, vector<16xi1>
      %jit3A_778 = arith.constant 16 : i32
      %jit3A_779 = arith.constant 0 : i32
      %broadcast_in_dim3A_780 = vector.broadcast %jit3A_778 : i32 to vector<16xi32>
      %broadcast_in_dim3A_781 = vector.broadcast %jit3A_779 : i32 to vector<16xi32>
      %select_n3A_782 = arith.select %eq3A_769, %broadcast_in_dim3A_780, %broadcast_in_dim3A_781 : vector<16xi1>, vector<16xi32>
      %add3A_783 = arith.addi %add3A_755, %select_n3A_782 : vector<16xi32>
      scf.yield %add3A_577, %add3A_605, %add3A_633, %add3A_661, %add3A_689, %add3A_717, %add3A_745, %add3A_773, %add3A_783 : vector<16xf32>, vector<16xf32>, vector<16xf32>, vector<16xf32>, vector<16xf32>, vector<16xf32>, vector<16xf32>, vector<16xf32>, vector<16xi32>
    }
    %scan3A_310 = arith.constant 128 : i32
    %add3A_311 = arith.addf %broadcast_in_dim3A_44, %scan3A_309#0 : vector<16xf32>
    %add3A_312 = arith.addf %add3A_311, %scan3A_309#1 : vector<16xf32>
    %add3A_313 = arith.addf %add3A_312, %scan3A_309#2 : vector<16xf32>
    %add3A_314 = arith.addf %add3A_313, %scan3A_309#3 : vector<16xf32>
    %add3A_315 = arith.addf %add3A_314, %scan3A_309#4 : vector<16xf32>
    %add3A_316 = arith.addf %add3A_315, %scan3A_309#5 : vector<16xf32>
    %add3A_317 = arith.addf %add3A_316, %scan3A_309#6 : vector<16xf32>
    %add3A_318 = arith.addf %add3A_317, %scan3A_309#7 : vector<16xf32>
    %shift_right_arithmetic3A = arith.constant 4 : i32
    %shift_right_arithmetic3A_319 = vector.broadcast %shift_right_arithmetic3A : i32 to vector<16xi32>
    %shift_right_arithmetic3A_320 = arith.shrsi %scan3A_309#8, %shift_right_arithmetic3A_319 : vector<16xi32>
    %min3A_321 = arith.constant 2048 : i32
    %min3A_322 = vector.broadcast %min3A_321 : i32 to vector<16xi32>
    %min3A_323 = arith.minsi %shift_right_arithmetic3A_320, %min3A_322 : vector<16xi32>
    %reduce_max3A = arith.constant true
    %reduce_max3A_324 = vector.broadcast %reduce_max3A : i1 to vector<16xi1>
    %reduce_max3A_325 = arith.constant -2147483648 : i32
    %reduce_max3A_326 = vector.broadcast %reduce_max3A_325 : i32 to vector<16xi32>
    %reduce_max3A_327 = arith.xori %min3A_323, %reduce_max3A_326 : vector<16xi32>
    %reduce_max3A_328 = tpu.scan <max>, %reduce_max3A_327 masked %reduce_max3A_324 : vector<16xi32>, vector<16xi1> -> vector<16xi32>
    %reduce_max3A_329 = arith.xori %reduce_max3A_328, %reduce_max3A_326 : vector<16xi32>
    %reduce_max3A_330 = vector.extract %reduce_max3A_329[15] : i32 from vector<16xi32>
    %scan3A_331 = arith.constant 0 : i32
    %scan3A_332 = arith.constant 0 : i32
    %scan3A_333 = arith.constant 128 : i32
    %scan3A_334 = arith.addi %scan3A_332, %scan3A_333 : i32
    %scan3A_335 = arith.constant 1 : i32
    %scan3A_336 = scf.for %scan3A_550 = %scan3A_332 to %scan3A_334 step %scan3A_335 iter_args(%scan3A_551 = %scan3A_331) -> (i32)  : i32 {
      %mul3A_552 = arith.constant 8 : i32
      %mul3A_553 = arith.muli %scan3A_550, %mul3A_552 : i32
      %add3A_554 = arith.constant 0 : i32
      %add3A_555 = arith.addi %mul3A_553, %add3A_554 : i32
      %mul3A_556 = arith.constant 16 : i32
      %mul3A_557 = arith.muli %add3A_555, %mul3A_556 : i32
      %swap3A = arith.index_cast %mul3A_557 : i32 to index
      %swap3A_558 = tpu.vector_load %arg8[%swap3A] {strides = array<i32>} : memref<32768xi32, #tpu.memory_space<vmem>>, vector<16xi32>,
      tpu.vector_store %arg8[%swap3A], %broadcast_in_dim3A_42 {strides = array<i32>} : memref<32768xi32, #tpu.memory_space<vmem>>, vector<16xi32>,
      %mul3A_559 = arith.constant 8 : i32
      %mul3A_560 = arith.muli %scan3A_550, %mul3A_559 : i32
      %add3A_561 = arith.constant 1 : i32
      %add3A_562 = arith.addi %mul3A_560, %add3A_561 : i32
      %mul3A_563 = arith.constant 16 : i32
      %mul3A_564 = arith.muli %add3A_562, %mul3A_563 : i32
      %swap3A_565 = arith.index_cast %mul3A_564 : i32 to index
      %swap3A_566 = tpu.vector_load %arg8[%swap3A_565] {strides = array<i32>} : memref<32768xi32, #tpu.memory_space<vmem>>, vector<16xi32>,
      tpu.vector_store %arg8[%swap3A_565], %broadcast_in_dim3A_42 {strides = array<i32>} : memref<32768xi32, #tpu.memory_space<vmem>>, vector<16xi32>,
      %mul3A_567 = arith.constant 8 : i32
      %mul3A_568 = arith.muli %scan3A_550, %mul3A_567 : i32
      %add3A_569 = arith.constant 2 : i32
      %add3A_570 = arith.addi %mul3A_568, %add3A_569 : i32
      %mul3A_571 = arith.constant 16 : i32
      %mul3A_572 = arith.muli %add3A_570, %mul3A_571 : i32
      %swap3A_573 = arith.index_cast %mul3A_572 : i32 to index
      %swap3A_574 = tpu.vector_load %arg8[%swap3A_573] {strides = array<i32>} : memref<32768xi32, #tpu.memory_space<vmem>>, vector<16xi32>,
      tpu.vector_store %arg8[%swap3A_573], %broadcast_in_dim3A_42 {strides = array<i32>} : memref<32768xi32, #tpu.memory_space<vmem>>, vector<16xi32>,
      %mul3A_575 = arith.constant 8 : i32
      %mul3A_576 = arith.muli %scan3A_550, %mul3A_575 : i32
      %add3A_577 = arith.constant 3 : i32
      %add3A_578 = arith.addi %mul3A_576, %add3A_577 : i32
      %mul3A_579 = arith.constant 16 : i32
      %mul3A_580 = arith.muli %add3A_578, %mul3A_579 : i32
      %swap3A_581 = arith.index_cast %mul3A_580 : i32 to index
      %swap3A_582 = tpu.vector_load %arg8[%swap3A_581] {strides = array<i32>} : memref<32768xi32, #tpu.memory_space<vmem>>, vector<16xi32>,
      tpu.vector_store %arg8[%swap3A_581], %broadcast_in_dim3A_42 {strides = array<i32>} : memref<32768xi32, #tpu.memory_space<vmem>>, vector<16xi32>,
      %mul3A_583 = arith.constant 8 : i32
      %mul3A_584 = arith.muli %scan3A_550, %mul3A_583 : i32
      %add3A_585 = arith.constant 4 : i32
      %add3A_586 = arith.addi %mul3A_584, %add3A_585 : i32
      %mul3A_587 = arith.constant 16 : i32
      %mul3A_588 = arith.muli %add3A_586, %mul3A_587 : i32
      %swap3A_589 = arith.index_cast %mul3A_588 : i32 to index
      %swap3A_590 = tpu.vector_load %arg8[%swap3A_589] {strides = array<i32>} : memref<32768xi32, #tpu.memory_space<vmem>>, vector<16xi32>,
      tpu.vector_store %arg8[%swap3A_589], %broadcast_in_dim3A_42 {strides = array<i32>} : memref<32768xi32, #tpu.memory_space<vmem>>, vector<16xi32>,
      %mul3A_591 = arith.constant 8 : i32
      %mul3A_592 = arith.muli %scan3A_550, %mul3A_591 : i32
      %add3A_593 = arith.constant 5 : i32
      %add3A_594 = arith.addi %mul3A_592, %add3A_593 : i32
      %mul3A_595 = arith.constant 16 : i32
      %mul3A_596 = arith.muli %add3A_594, %mul3A_595 : i32
      %swap3A_597 = arith.index_cast %mul3A_596 : i32 to index
      %swap3A_598 = tpu.vector_load %arg8[%swap3A_597] {strides = array<i32>} : memref<32768xi32, #tpu.memory_space<vmem>>, vector<16xi32>,
      tpu.vector_store %arg8[%swap3A_597], %broadcast_in_dim3A_42 {strides = array<i32>} : memref<32768xi32, #tpu.memory_space<vmem>>, vector<16xi32>,
      %mul3A_599 = arith.constant 8 : i32
      %mul3A_600 = arith.muli %scan3A_550, %mul3A_599 : i32
      %add3A_601 = arith.constant 6 : i32
      %add3A_602 = arith.addi %mul3A_600, %add3A_601 : i32
      %mul3A_603 = arith.constant 16 : i32
      %mul3A_604 = arith.muli %add3A_602, %mul3A_603 : i32
      %swap3A_605 = arith.index_cast %mul3A_604 : i32 to index
      %swap3A_606 = tpu.vector_load %arg8[%swap3A_605] {strides = array<i32>} : memref<32768xi32, #tpu.memory_space<vmem>>, vector<16xi32>,
      tpu.vector_store %arg8[%swap3A_605], %broadcast_in_dim3A_42 {strides = array<i32>} : memref<32768xi32, #tpu.memory_space<vmem>>, vector<16xi32>,
      %mul3A_607 = arith.constant 8 : i32
      %mul3A_608 = arith.muli %scan3A_550, %mul3A_607 : i32
      %add3A_609 = arith.constant 7 : i32
      %add3A_610 = arith.addi %mul3A_608, %add3A_609 : i32
      %mul3A_611 = arith.constant 16 : i32
      %mul3A_612 = arith.muli %add3A_610, %mul3A_611 : i32
      %swap3A_613 = arith.index_cast %mul3A_612 : i32 to index
      %swap3A_614 = tpu.vector_load %arg8[%swap3A_613] {strides = array<i32>} : memref<32768xi32, #tpu.memory_space<vmem>>, vector<16xi32>,
      tpu.vector_store %arg8[%swap3A_613], %broadcast_in_dim3A_42 {strides = array<i32>} : memref<32768xi32, #tpu.memory_space<vmem>>, vector<16xi32>,
      %scan3A_615 = arith.constant 0 : i32
      scf.yield %scan3A_615 : i32
    }
    %scan3A_337 = arith.constant 128 : i32
    %mul3A_338 = arith.constant 1024 : i32
    %mul3A_339 = vector.broadcast %mul3A_338 : i32 to vector<16xi32>
    %mul3A_340 = arith.muli %iota3A, %mul3A_339 : vector<16xi32>
    %while3A = arith.constant 0 : i32
    %while3A_341 = arith.constant 0 : i32
    %while3A_342 = arith.subi %reduce_max3A_330, %while3A : i32
    %while3A_343 = arith.addi %while3A, %while3A_342 : i32
    %while3A_344 = arith.constant 1 : i32
    %while3A_345 = arith.divsi %while3A_342, %while3A_344 : i32
    %while3A_346 = arith.muli %while3A_345, %while3A_344 : i32
    %while3A_347 = arith.addi %while3A, %while3A_346 : i32
    %while3A_348 = arith.constant 1 : i32
    %while3A_349 = scf.for %while3A_550 = %while3A to %while3A_347 step %while3A_348 iter_args(%while3A_551 = %while3A_341) -> (i32)  : i32 {
      %mul3A_552 = arith.constant 16 : i32
      %mul3A_553 = arith.muli %while3A_550, %mul3A_552 : i32
      %get3A_554 = arith.index_cast %mul3A_553 : i32 to index
      %get3A_555 = tpu.vector_load %arg9[%get3A_554] {strides = array<i32>} : memref<32768xf32, #tpu.memory_space<vmem>>, vector<16xf32>,
      %bitcast3A_556 = vector.bitcast %get3A_555 : vector<16xf32> to vector<16xi32>
      %broadcast_in_dim3A_557 = vector.broadcast %while3A_550 : i32 to vector<16xi32>
      %gt3A_558 = arith.cmpi sgt, %shift_right_arithmetic3A_320, %broadcast_in_dim3A_557 : vector<16xi32>
      %shift_right_arithmetic3A_559 = arith.constant 10 : i32
      %shift_right_arithmetic3A_560 = vector.broadcast %shift_right_arithmetic3A_559 : i32 to vector<16xi32>
      %shift_right_arithmetic3A_561 = arith.shrsi %bitcast3A_556, %shift_right_arithmetic3A_560 : vector<16xi32>
      %and3A_562 = arith.constant 1023 : i32
      %and3A_563 = vector.broadcast %and3A_562 : i32 to vector<16xi32>
      %and3A_564 = arith.andi %shift_right_arithmetic3A_561, %and3A_563 : vector<16xi32>
      %add3A_565 = arith.addi %and3A_564, %mul3A_340 : vector<16xi32>
      tpu.vector_store_idx %arg8[%add3A_565], %broadcast_in_dim3A_40 masked %gt3A_558 {add = true} : memref<32768xi32, #tpu.memory_space<vmem>>[vector<16xi32>], vector<16xi32>, vector<16xi1>
      %while3A_566 = arith.constant 0 : i32
      scf.yield %while3A_566 : i32
    }
    %while3A_350 = arith.constant 1 : i32
    %while3A_351 = scf.for %while3A_550 = %while3A_347 to %while3A_343 step %while3A_350 iter_args(%while3A_551 = %while3A_349) -> (i32)  : i32 {
      %mul3A_552 = arith.constant 16 : i32
      %mul3A_553 = arith.muli %while3A_550, %mul3A_552 : i32
      %get3A_554 = arith.index_cast %mul3A_553 : i32 to index
      %get3A_555 = tpu.vector_load %arg9[%get3A_554] {strides = array<i32>} : memref<32768xf32, #tpu.memory_space<vmem>>, vector<16xf32>,
      %bitcast3A_556 = vector.bitcast %get3A_555 : vector<16xf32> to vector<16xi32>
      %broadcast_in_dim3A_557 = vector.broadcast %while3A_550 : i32 to vector<16xi32>
      %gt3A_558 = arith.cmpi sgt, %shift_right_arithmetic3A_320, %broadcast_in_dim3A_557 : vector<16xi32>
      %shift_right_arithmetic3A_559 = arith.constant 10 : i32
      %shift_right_arithmetic3A_560 = vector.broadcast %shift_right_arithmetic3A_559 : i32 to vector<16xi32>
      %shift_right_arithmetic3A_561 = arith.shrsi %bitcast3A_556, %shift_right_arithmetic3A_560 : vector<16xi32>
      %and3A_562 = arith.constant 1023 : i32
      %and3A_563 = vector.broadcast %and3A_562 : i32 to vector<16xi32>
      %and3A_564 = arith.andi %shift_right_arithmetic3A_561, %and3A_563 : vector<16xi32>
      %add3A_565 = arith.addi %and3A_564, %mul3A_340 : vector<16xi32>
      tpu.vector_store_idx %arg8[%add3A_565], %broadcast_in_dim3A_40 masked %gt3A_558 {add = true} : memref<32768xi32, #tpu.memory_space<vmem>>[vector<16xi32>], vector<16xi32>, vector<16xi1>
      %while3A_566 = arith.constant 0 : i32
      scf.yield %while3A_566 : i32
    }
    %scan3A_352 = arith.constant 0 : i32
    %scan3A_353 = arith.constant 0 : i32
    %scan3A_354 = arith.constant 64 : i32
    %scan3A_355 = arith.addi %scan3A_353, %scan3A_354 : i32
    %scan3A_356 = arith.constant 1 : i32
    %scan3A_357 = scf.for %scan3A_550 = %scan3A_353 to %scan3A_355 step %scan3A_356 iter_args(%scan3A_551 = %scan3A_352) -> (i32)  : i32 {
      %mul3A_552 = arith.constant 16 : i32
      %mul3A_553 = arith.muli %scan3A_550, %mul3A_552 : i32
      %get3A_554 = arith.index_cast %mul3A_553 : i32 to index
      %get3A_555 = tpu.vector_load %arg8[%get3A_554] {strides = array<i32>} : memref<32768xi32, #tpu.memory_space<vmem>>, vector<16xi32>,
      %mul3A_556 = arith.constant 16 : i32
      %mul3A_557 = arith.muli %scan3A_550, %mul3A_556 : i32
      %add3A_558 = arith.constant 1024 : i32
      %add3A_559 = arith.addi %add3A_558, %mul3A_557 : i32
      %get3A_560 = arith.index_cast %add3A_559 : i32 to index
      %get3A_561 = tpu.vector_load %arg8[%get3A_560] {strides = array<i32>} : memref<32768xi32, #tpu.memory_space<vmem>>, vector<16xi32>,
      %add3A_562 = arith.addi %get3A_555, %get3A_561 : vector<16xi32>
      %mul3A_563 = arith.constant 16 : i32
      %mul3A_564 = arith.muli %scan3A_550, %mul3A_563 : i32
      %add3A_565 = arith.constant 2048 : i32
      %add3A_566 = arith.addi %add3A_565, %mul3A_564 : i32
      %get3A_567 = arith.index_cast %add3A_566 : i32 to index
      %get3A_568 = tpu.vector_load %arg8[%get3A_567] {strides = array<i32>} : memref<32768xi32, #tpu.memory_space<vmem>>, vector<16xi32>,
      %add3A_569 = arith.addi %add3A_562, %get3A_568 : vector<16xi32>
      %mul3A_570 = arith.constant 16 : i32
      %mul3A_571 = arith.muli %scan3A_550, %mul3A_570 : i32
      %add3A_572 = arith.constant 3072 : i32
      %add3A_573 = arith.addi %add3A_572, %mul3A_571 : i32
      %get3A_574 = arith.index_cast %add3A_573 : i32 to index
      %get3A_575 = tpu.vector_load %arg8[%get3A_574] {strides = array<i32>} : memref<32768xi32, #tpu.memory_space<vmem>>, vector<16xi32>,
      %add3A_576 = arith.addi %add3A_569, %get3A_575 : vector<16xi32>
      %mul3A_577 = arith.constant 16 : i32
      %mul3A_578 = arith.muli %scan3A_550, %mul3A_577 : i32
      %add3A_579 = arith.constant 4096 : i32
      %add3A_580 = arith.addi %add3A_579, %mul3A_578 : i32
      %get3A_581 = arith.index_cast %add3A_580 : i32 to index
      %get3A_582 = tpu.vector_load %arg8[%get3A_581] {strides = array<i32>} : memref<32768xi32, #tpu.memory_space<vmem>>, vector<16xi32>,
      %add3A_583 = arith.addi %add3A_576, %get3A_582 : vector<16xi32>
      %mul3A_584 = arith.constant 16 : i32
      %mul3A_585 = arith.muli %scan3A_550, %mul3A_584 : i32
      %add3A_586 = arith.constant 5120 : i32
      %add3A_587 = arith.addi %add3A_586, %mul3A_585 : i32
      %get3A_588 = arith.index_cast %add3A_587 : i32 to index
      %get3A_589 = tpu.vector_load %arg8[%get3A_588] {strides = array<i32>} : memref<32768xi32, #tpu.memory_space<vmem>>, vector<16xi32>,
      %add3A_590 = arith.addi %add3A_583, %get3A_589 : vector<16xi32>
      %mul3A_591 = arith.constant 16 : i32
      %mul3A_592 = arith.muli %scan3A_550, %mul3A_591 : i32
      %add3A_593 = arith.constant 6144 : i32
      %add3A_594 = arith.addi %add3A_593, %mul3A_592 : i32
      %get3A_595 = arith.index_cast %add3A_594 : i32 to index
      %get3A_596 = tpu.vector_load %arg8[%get3A_595] {strides = array<i32>} : memref<32768xi32, #tpu.memory_space<vmem>>, vector<16xi32>,
      %add3A_597 = arith.addi %add3A_590, %get3A_596 : vector<16xi32>
      %mul3A_598 = arith.constant 16 : i32
      %mul3A_599 = arith.muli %scan3A_550, %mul3A_598 : i32
      %add3A_600 = arith.constant 7168 : i32
      %add3A_601 = arith.addi %add3A_600, %mul3A_599 : i32
      %get3A_602 = arith.index_cast %add3A_601 : i32 to index
      %get3A_603 = tpu.vector_load %arg8[%get3A_602] {strides = array<i32>} : memref<32768xi32, #tpu.memory_space<vmem>>, vector<16xi32>,
      %add3A_604 = arith.addi %add3A_597, %get3A_603 : vector<16xi32>
      %mul3A_605 = arith.constant 16 : i32
      %mul3A_606 = arith.muli %scan3A_550, %mul3A_605 : i32
      %add3A_607 = arith.constant 8192 : i32
      %add3A_608 = arith.addi %add3A_607, %mul3A_606 : i32
      %get3A_609 = arith.index_cast %add3A_608 : i32 to index
      %get3A_610 = tpu.vector_load %arg8[%get3A_609] {strides = array<i32>} : memref<32768xi32, #tpu.memory_space<vmem>>, vector<16xi32>,
      %add3A_611 = arith.addi %add3A_604, %get3A_610 : vector<16xi32>
      %mul3A_612 = arith.constant 16 : i32
      %mul3A_613 = arith.muli %scan3A_550, %mul3A_612 : i32
      %add3A_614 = arith.constant 9216 : i32
      %add3A_615 = arith.addi %add3A_614, %mul3A_613 : i32
      %get3A_616 = arith.index_cast %add3A_615 : i32 to index
      %get3A_617 = tpu.vector_load %arg8[%get3A_616] {strides = array<i32>} : memref<32768xi32, #tpu.memory_space<vmem>>, vector<16xi32>,
      %add3A_618 = arith.addi %add3A_611, %get3A_617 : vector<16xi32>
      %mul3A_619 = arith.constant 16 : i32
      %mul3A_620 = arith.muli %scan3A_550, %mul3A_619 : i32
      %add3A_621 = arith.constant 10240 : i32
      %add3A_622 = arith.addi %add3A_621, %mul3A_620 : i32
      %get3A_623 = arith.index_cast %add3A_622 : i32 to index
      %get3A_624 = tpu.vector_load %arg8[%get3A_623] {strides = array<i32>} : memref<32768xi32, #tpu.memory_space<vmem>>, vector<16xi32>,
      %add3A_625 = arith.addi %add3A_618, %get3A_624 : vector<16xi32>
      %mul3A_626 = arith.constant 16 : i32
      %mul3A_627 = arith.muli %scan3A_550, %mul3A_626 : i32
      %add3A_628 = arith.constant 11264 : i32
      %add3A_629 = arith.addi %add3A_628, %mul3A_627 : i32
      %get3A_630 = arith.index_cast %add3A_629 : i32 to index
      %get3A_631 = tpu.vector_load %arg8[%get3A_630] {strides = array<i32>} : memref<32768xi32, #tpu.memory_space<vmem>>, vector<16xi32>,
      %add3A_632 = arith.addi %add3A_625, %get3A_631 : vector<16xi32>
      %mul3A_633 = arith.constant 16 : i32
      %mul3A_634 = arith.muli %scan3A_550, %mul3A_633 : i32
      %add3A_635 = arith.constant 12288 : i32
      %add3A_636 = arith.addi %add3A_635, %mul3A_634 : i32
      %get3A_637 = arith.index_cast %add3A_636 : i32 to index
      %get3A_638 = tpu.vector_load %arg8[%get3A_637] {strides = array<i32>} : memref<32768xi32, #tpu.memory_space<vmem>>, vector<16xi32>,
      %add3A_639 = arith.addi %add3A_632, %get3A_638 : vector<16xi32>
      %mul3A_640 = arith.constant 16 : i32
      %mul3A_641 = arith.muli %scan3A_550, %mul3A_640 : i32
      %add3A_642 = arith.constant 13312 : i32
      %add3A_643 = arith.addi %add3A_642, %mul3A_641 : i32
      %get3A_644 = arith.index_cast %add3A_643 : i32 to index
      %get3A_645 = tpu.vector_load %arg8[%get3A_644] {strides = array<i32>} : memref<32768xi32, #tpu.memory_space<vmem>>, vector<16xi32>,
      %add3A_646 = arith.addi %add3A_639, %get3A_645 : vector<16xi32>
      %mul3A_647 = arith.constant 16 : i32
      %mul3A_648 = arith.muli %scan3A_550, %mul3A_647 : i32
      %add3A_649 = arith.constant 14336 : i32
      %add3A_650 = arith.addi %add3A_649, %mul3A_648 : i32
      %get3A_651 = arith.index_cast %add3A_650 : i32 to index
      %get3A_652 = tpu.vector_load %arg8[%get3A_651] {strides = array<i32>} : memref<32768xi32, #tpu.memory_space<vmem>>, vector<16xi32>,
      %add3A_653 = arith.addi %add3A_646, %get3A_652 : vector<16xi32>
      %mul3A_654 = arith.constant 16 : i32
      %mul3A_655 = arith.muli %scan3A_550, %mul3A_654 : i32
      %add3A_656 = arith.constant 15360 : i32
      %add3A_657 = arith.addi %add3A_656, %mul3A_655 : i32
      %get3A_658 = arith.index_cast %add3A_657 : i32 to index
      %get3A_659 = tpu.vector_load %arg8[%get3A_658] {strides = array<i32>} : memref<32768xi32, #tpu.memory_space<vmem>>, vector<16xi32>,
      %add3A_660 = arith.addi %add3A_653, %get3A_659 : vector<16xi32>
      %mul3A_661 = arith.constant 16 : i32
      %mul3A_662 = arith.muli %scan3A_550, %mul3A_661 : i32
      %swap3A = arith.index_cast %mul3A_662 : i32 to index
      %swap3A_663 = tpu.vector_load %arg10[%swap3A] {strides = array<i32>} : memref<2048xi32, #tpu.memory_space<vmem>>, vector<16xi32>,
      tpu.vector_store %arg10[%swap3A], %add3A_660 {strides = array<i32>} : memref<2048xi32, #tpu.memory_space<vmem>>, vector<16xi32>,
      %scan3A_664 = arith.constant 0 : i32
      scf.yield %scan3A_664 : i32
    }
    %scan3A_358 = arith.constant 64 : i32
    %convert_element_type3A_359 = arith.extui %eq3A_32 : i1 to i32
    %cond3A_360 = arith.constant 0 : i32
    %cond3A_361 = arith.cmpi ne, %convert_element_type3A_359, %cond3A_360 : i32
    scf.if %cond3A_361 {
      "tpu.region"() ({
        %run_scoped3A = tpu.sem_alloc : memref<!tpu.dma_semaphore, #tpu.memory_space<semaphore_mem>>
        %dma_start3A_550 = arith.constant 0 : i32
        %dma_start3A_551 = tpu.memref_slice %arg15[%add3A, %dma_start3A_550] : memref<16x2048xi32, #tpu.memory_space<vmem_shared>> -> memref<1x2048xi32, #tpu.memory_space<vmem_shared>>
        %dma_start3A_552 = tpu.memref_squeeze %dma_start3A_551 : memref<1x2048xi32, #tpu.memory_space<vmem_shared>> -> memref<2048xi32, #tpu.memory_space<vmem_shared>>
        %dma_start3A_553 = arith.constant 0 : i32
        %dma_start3A_554 = tpu.memref_slice %arg15[%add3A, %dma_start3A_553] : memref<16x2048xi32, #tpu.memory_space<vmem_shared>> -> memref<1x2048xi32, #tpu.memory_space<vmem_shared>>
        %dma_start3A_555 = tpu.memref_squeeze %dma_start3A_554 : memref<1x2048xi32, #tpu.memory_space<vmem_shared>> -> memref<2048xi32, #tpu.memory_space<vmem_shared>>
        tpu.enqueue_dma source(%arg10 : memref<2048xi32, #tpu.memory_space<vmem>>) target(%dma_start3A_555 : memref<2048xi32, #tpu.memory_space<vmem_shared>>) target_semaphore(%run_scoped3A : memref<!tpu.dma_semaphore, #tpu.memory_space<semaphore_mem>>)
        %dma_wait3A_556 = arith.constant 0 : i32
        %dma_wait3A_557 = tpu.memref_slice %arg15[%add3A, %dma_wait3A_556] : memref<16x2048xi32, #tpu.memory_space<vmem_shared>> -> memref<1x2048xi32, #tpu.memory_space<vmem_shared>>
        %dma_wait3A_558 = tpu.memref_squeeze %dma_wait3A_557 : memref<1x2048xi32, #tpu.memory_space<vmem_shared>> -> memref<2048xi32, #tpu.memory_space<vmem_shared>>
        %dma_wait3A_559 = arith.constant 0 : i32
        %dma_wait3A_560 = tpu.memref_slice %arg15[%add3A, %dma_wait3A_559] : memref<16x2048xi32, #tpu.memory_space<vmem_shared>> -> memref<1x2048xi32, #tpu.memory_space<vmem_shared>>
        %dma_wait3A_561 = tpu.memref_squeeze %dma_wait3A_560 : memref<1x2048xi32, #tpu.memory_space<vmem_shared>> -> memref<2048xi32, #tpu.memory_space<vmem_shared>>
        tpu.wait_dma2 semaphore(%run_scoped3A : memref<!tpu.dma_semaphore, #tpu.memory_space<semaphore_mem>>) src(%arg10 : memref<2048xi32, #tpu.memory_space<vmem>>) dst(%dma_wait3A_561 : memref<2048xi32, #tpu.memory_space<vmem_shared>>)
        tpu.yield
      }) : () -> ()
    } else {
    }
    %barrier3A_362 = arith.constant 0 : index
    tpu.barrier barrier_id(%barrier3A_362)
    %convert_element_type3A_363 = arith.extui %eq3A_34 : i1 to i32
    %cond3A_364 = arith.constant 0 : i32
    %cond3A_365 = arith.cmpi ne, %convert_element_type3A_363, %cond3A_364 : i32
    scf.if %cond3A_365 {
      "tpu.region"() ({
        %run_scoped3A = tpu.sem_alloc : memref<!tpu.dma_semaphore, #tpu.memory_space<semaphore_mem>>
        %dma_start3A_557 = arith.constant 0 : i32
        %dma_start3A_558 = tpu.memref_slice %arg15[%add3A, %dma_start3A_557] : memref<16x2048xi32, #tpu.memory_space<vmem_shared>> -> memref<1x2048xi32, #tpu.memory_space<vmem_shared>>
        %dma_start3A_559 = tpu.memref_squeeze %dma_start3A_558 : memref<1x2048xi32, #tpu.memory_space<vmem_shared>> -> memref<2048xi32, #tpu.memory_space<vmem_shared>>
        %dma_start3A_560 = arith.constant 0 : i32
        %dma_start3A_561 = tpu.memref_slice %arg15[%add3A, %dma_start3A_560] : memref<16x2048xi32, #tpu.memory_space<vmem_shared>> -> memref<1x2048xi32, #tpu.memory_space<vmem_shared>>
        %dma_start3A_562 = tpu.memref_squeeze %dma_start3A_561 : memref<1x2048xi32, #tpu.memory_space<vmem_shared>> -> memref<2048xi32, #tpu.memory_space<vmem_shared>>
        tpu.enqueue_dma source(%dma_start3A_562 : memref<2048xi32, #tpu.memory_space<vmem_shared>>) target(%arg11 : memref<2048xi32, #tpu.memory_space<vmem>>) target_semaphore(%run_scoped3A : memref<!tpu.dma_semaphore, #tpu.memory_space<semaphore_mem>>)
        %dma_wait3A_563 = arith.constant 0 : i32
        %dma_wait3A_564 = tpu.memref_slice %arg15[%add3A, %dma_wait3A_563] : memref<16x2048xi32, #tpu.memory_space<vmem_shared>> -> memref<1x2048xi32, #tpu.memory_space<vmem_shared>>
        %dma_wait3A_565 = tpu.memref_squeeze %dma_wait3A_564 : memref<1x2048xi32, #tpu.memory_space<vmem_shared>> -> memref<2048xi32, #tpu.memory_space<vmem_shared>>
        %dma_wait3A_566 = arith.constant 0 : i32
        %dma_wait3A_567 = tpu.memref_slice %arg15[%add3A, %dma_wait3A_566] : memref<16x2048xi32, #tpu.memory_space<vmem_shared>> -> memref<1x2048xi32, #tpu.memory_space<vmem_shared>>
        %dma_wait3A_568 = tpu.memref_squeeze %dma_wait3A_567 : memref<1x2048xi32, #tpu.memory_space<vmem_shared>> -> memref<2048xi32, #tpu.memory_space<vmem_shared>>
        tpu.wait_dma2 semaphore(%run_scoped3A : memref<!tpu.dma_semaphore, #tpu.memory_space<semaphore_mem>>) src(%dma_wait3A_568 : memref<2048xi32, #tpu.memory_space<vmem_shared>>) dst(%arg11 : memref<2048xi32, #tpu.memory_space<vmem>>)
        tpu.yield
      }) : () -> ()
      %scan3A_550 = arith.constant 0 : i32
      %scan3A_551 = arith.constant 0 : i32
      %scan3A_552 = arith.constant 64 : i32
      %scan3A_553 = arith.addi %scan3A_551, %scan3A_552 : i32
      %scan3A_554 = arith.constant 1 : i32
      %scan3A_555 = scf.for %scan3A_557 = %scan3A_551 to %scan3A_553 step %scan3A_554 iter_args(%scan3A_558 = %scan3A_550) -> (i32)  : i32 {
        %mul3A_559 = arith.constant 16 : i32
        %mul3A_560 = arith.muli %scan3A_557, %mul3A_559 : i32
        %get3A_561 = arith.index_cast %mul3A_560 : i32 to index
        %get3A_562 = tpu.vector_load %arg10[%get3A_561] {strides = array<i32>} : memref<2048xi32, #tpu.memory_space<vmem>>, vector<16xi32>,
        %mul3A_563 = arith.constant 16 : i32
        %mul3A_564 = arith.muli %scan3A_557, %mul3A_563 : i32
        %get3A_565 = arith.index_cast %mul3A_564 : i32 to index
        %get3A_566 = tpu.vector_load %arg11[%get3A_565] {strides = array<i32>} : memref<2048xi32, #tpu.memory_space<vmem>>, vector<16xi32>,
        %add3A_567 = arith.addi %get3A_562, %get3A_566 : vector<16xi32>
        %mul3A_568 = arith.constant 16 : i32
        %mul3A_569 = arith.muli %scan3A_557, %mul3A_568 : i32
        %swap3A = arith.index_cast %mul3A_569 : i32 to index
        %swap3A_570 = tpu.vector_load %arg10[%swap3A] {strides = array<i32>} : memref<2048xi32, #tpu.memory_space<vmem>>, vector<16xi32>,
        tpu.vector_store %arg10[%swap3A], %add3A_567 {strides = array<i32>} : memref<2048xi32, #tpu.memory_space<vmem>>, vector<16xi32>,
        %scan3A_571 = arith.constant 0 : i32
        scf.yield %scan3A_571 : i32
      }
      %scan3A_556 = arith.constant 64 : i32
    } else {
    }
    %sub3A_366 = arith.constant 78643 : i32
    %sub3A_367 = arith.subi %sub3A_366, %add3A_210 : i32
    %scan3A_368 = arith.constant 0 : i32
    %scan3A_369 = arith.constant 0 : i32
    %scan3A_370 = arith.constant 64 : i32
    %scan3A_371 = arith.addi %scan3A_369, %scan3A_370 : i32
    %scan3A_372 = arith.constant 1 : i32
    %scan3A_373 = scf.for %scan3A_550 = %scan3A_369 to %scan3A_371 step %scan3A_372 iter_args(%scan3A_551 = %scan3A_368) -> (i32)  : i32 {
      %mul3A_552 = arith.constant 16 : i32
      %mul3A_553 = arith.muli %scan3A_550, %mul3A_552 : i32
      %get3A_554 = arith.index_cast %mul3A_553 : i32 to index
      %get3A_555 = tpu.vector_load %arg10[%get3A_554] {strides = array<i32>} : memref<2048xi32, #tpu.memory_space<vmem>>, vector<16xi32>,
      %reduce_sum3A_556 = arith.constant true
      %reduce_sum3A_557 = vector.broadcast %reduce_sum3A_556 : i1 to vector<16xi1>
      %reduce_sum3A_558 = tpu.scan <sum>, %get3A_555 masked %reduce_sum3A_557 : vector<16xi32>, vector<16xi1> -> vector<16xi32>
      %reduce_sum3A_559 = vector.extract %reduce_sum3A_558[15] : i32 from vector<16xi32>
      %swap3A = arith.index_cast %scan3A_550 : i32 to index
      %swap3A_560 = memref.load %arg14[%swap3A] : memref<128xi32, #tpu.memory_space<smem>>
      memref.store %reduce_sum3A_559, %arg14[%swap3A] : memref<128xi32, #tpu.memory_space<smem>>
      %scan3A_561 = arith.constant 0 : i32
      scf.yield %scan3A_561 : i32
    }
    %scan3A_374 = arith.constant 64 : i32
    %scan3A_375 = arith.constant 0 : i32
    %scan3A_376 = arith.constant 0 : i32
    %scan3A_377 = arith.constant 0 : i32
    %scan3A_378 = arith.constant 0 : i32
    %scan3A_379 = arith.constant 64 : i32
    %scan3A_380 = arith.addi %scan3A_378, %scan3A_379 : i32
    %scan3A_381 = arith.constant 1 : i32
    %scan3A_382:3 = scf.for %scan3A_550 = %scan3A_378 to %scan3A_380 step %scan3A_381 iter_args(%scan3A_551 = %scan3A_375, %scan3A_552 = %scan3A_376, %scan3A_553 = %scan3A_377) -> (i32, i32, i32)  : i32 {
      %sub3A_554 = arith.constant 63 : i32
      %sub3A_555 = arith.subi %sub3A_554, %scan3A_550 : i32
      %get3A_556 = arith.index_cast %sub3A_555 : i32 to index
      %get3A_557 = memref.load %arg14[%get3A_556] : memref<128xi32, #tpu.memory_space<smem>>
      %add3A_558 = arith.addi %scan3A_551, %get3A_557 : i32
      %ge3A_559 = arith.cmpi sge, %add3A_558, %sub3A_367 : i32
      %lt3A_560 = arith.cmpi slt, %scan3A_551, %sub3A_367 : i32
      %and3A_561 = arith.andi %ge3A_559, %lt3A_560 : i1
      %select_n3A_562 = arith.select %and3A_561, %sub3A_555, %scan3A_552 : i32
      %select_n3A_563 = arith.select %and3A_561, %scan3A_551, %scan3A_553 : i32
      scf.yield %add3A_558, %select_n3A_562, %select_n3A_563 : i32, i32, i32
    }
    %scan3A_383 = arith.constant 64 : i32
    %jit3A_384 = arith.constant 0 : i32
    %jit3A_385 = arith.constant 63 : i32
    %max3A_386 = arith.maxsi %jit3A_384, %scan3A_382#1 : i32
    %min3A_387 = arith.minsi %jit3A_385, %max3A_386 : i32
    %mul3A_388 = arith.constant 16 : i32
    %mul3A_389 = arith.muli %min3A_387, %mul3A_388 : i32
    %get3A_390 = arith.index_cast %mul3A_389 : i32 to index
    %get3A_391 = tpu.vector_load %arg10[%get3A_390] {strides = array<i32>} : memref<2048xi32, #tpu.memory_space<vmem>>, vector<16xi32>,
    %rev3A_392 = arith.constant 15 : i32
    %rev3A_393 = vector.broadcast %rev3A_392 : i32 to vector<16xi32>
    %rev3A_394 = tpu.iota {dimensions = array<i32: 0>} : vector<16xi32>
    %rev3A_395 = arith.subi %rev3A_393, %rev3A_394 : vector<16xi32>
    %rev3A_396 = tpu.dynamic_gather %get3A_391[%rev3A_395] in [0] : vector<16xi32>, vector<16xi32> -> vector<16xi32>
    %broadcast_in_dim3A_397 = arith.constant true
    %broadcast_in_dim3A_398 = vector.broadcast %broadcast_in_dim3A_397 : i1 to vector<16xi1>
    %masked_cumsum3A_399 = tpu.scan <sum>, %rev3A_396 masked %broadcast_in_dim3A_398 : vector<16xi32>, vector<16xi1> -> vector<16xi32>
    %broadcast_in_dim3A_400 = vector.broadcast %scan3A_382#2 : i32 to vector<16xi32>
    %add3A_401 = arith.addi %broadcast_in_dim3A_400, %masked_cumsum3A_399 : vector<16xi32>
    %broadcast_in_dim3A_402 = vector.broadcast %sub3A_367 : i32 to vector<16xi32>
    %ge3A_403 = arith.cmpi sge, %add3A_401, %broadcast_in_dim3A_402 : vector<16xi32>
    %all_reduce_population_count3A_404 = tpu.all_reduce %ge3A_403 {dim = 0 : i64, kind = #tpu.reduction_kind<sum>} : vector<16xi1> -> vector<16xi32>
    %sub3A_405 = arith.constant 1 : i32
    %sub3A_406 = vector.broadcast %sub3A_405 : i32 to vector<16xi32>
    %sub3A_407 = arith.subi %all_reduce_population_count3A_404, %sub3A_406 : vector<16xi32>
    %mul3A_408 = arith.constant 16 : i32
    %mul3A_409 = arith.muli %min3A_387, %mul3A_408 : i32
    %broadcast_in_dim3A_410 = vector.broadcast %mul3A_409 : i32 to vector<16xi32>
    %add3A_411 = arith.addi %broadcast_in_dim3A_410, %sub3A_407 : vector<16xi32>
    %gt3A_412 = arith.cmpi sgt, %iota3A, %sub3A_407 : vector<16xi32>
    %jit3A_413 = arith.constant 0 : i32
    %broadcast_in_dim3A_414 = vector.broadcast %jit3A_413 : i32 to vector<16xi32>
    %select_n3A_415 = arith.select %gt3A_412, %get3A_391, %broadcast_in_dim3A_414 : vector<16xi1>, vector<16xi32>
    %reduce_sum3A_416 = arith.constant true
    %reduce_sum3A_417 = vector.broadcast %reduce_sum3A_416 : i1 to vector<16xi1>
    %reduce_sum3A_418 = tpu.scan <sum>, %select_n3A_415 masked %reduce_sum3A_417 : vector<16xi32>, vector<16xi1> -> vector<16xi32>
    %reduce_sum3A_419 = vector.extract %reduce_sum3A_418[15] : i32 from vector<16xi32>
    %add3A_420 = arith.addi %scan3A_382#2, %reduce_sum3A_419 : i32
    %convert_element_type3A_421 = arith.extui %eq3A_34 : i1 to i32
    %cond3A_422 = arith.constant 0 : i32
    %cond3A_423 = arith.cmpi ne, %convert_element_type3A_421, %cond3A_422 : i32
    scf.if %cond3A_423 {
      %swap3A = arith.constant 0 : index
      %swap3A_550 = tpu.vector_load %arg11[%swap3A] {strides = array<i32>} : memref<2048xi32, #tpu.memory_space<vmem>>, vector<16xi32>,
      tpu.vector_store %arg11[%swap3A], %add3A_411 {strides = array<i32>} : memref<2048xi32, #tpu.memory_space<vmem>>, vector<16xi32>,
      "tpu.region"() ({
        %run_scoped3A = tpu.sem_alloc : memref<!tpu.dma_semaphore, #tpu.memory_space<semaphore_mem>>
        %dma_start3A_551 = arith.constant 0 : i32
        %dma_start3A_552 = tpu.memref_slice %arg15[%add3A, %dma_start3A_551] : memref<16x2048xi32, #tpu.memory_space<vmem_shared>> -> memref<1x2048xi32, #tpu.memory_space<vmem_shared>>
        %dma_start3A_553 = tpu.memref_squeeze %dma_start3A_552 : memref<1x2048xi32, #tpu.memory_space<vmem_shared>> -> memref<2048xi32, #tpu.memory_space<vmem_shared>>
        %dma_start3A_554 = arith.constant 0 : i32
        %dma_start3A_555 = tpu.memref_slice %arg15[%add3A, %dma_start3A_554] : memref<16x2048xi32, #tpu.memory_space<vmem_shared>> -> memref<1x2048xi32, #tpu.memory_space<vmem_shared>>
        %dma_start3A_556 = tpu.memref_squeeze %dma_start3A_555 : memref<1x2048xi32, #tpu.memory_space<vmem_shared>> -> memref<2048xi32, #tpu.memory_space<vmem_shared>>
        tpu.enqueue_dma source(%arg11 : memref<2048xi32, #tpu.memory_space<vmem>>) target(%dma_start3A_556 : memref<2048xi32, #tpu.memory_space<vmem_shared>>) target_semaphore(%run_scoped3A : memref<!tpu.dma_semaphore, #tpu.memory_space<semaphore_mem>>)
        %dma_wait3A_557 = arith.constant 0 : i32
        %dma_wait3A_558 = tpu.memref_slice %arg15[%add3A, %dma_wait3A_557] : memref<16x2048xi32, #tpu.memory_space<vmem_shared>> -> memref<1x2048xi32, #tpu.memory_space<vmem_shared>>
        %dma_wait3A_559 = tpu.memref_squeeze %dma_wait3A_558 : memref<1x2048xi32, #tpu.memory_space<vmem_shared>> -> memref<2048xi32, #tpu.memory_space<vmem_shared>>
        %dma_wait3A_560 = arith.constant 0 : i32
        %dma_wait3A_561 = tpu.memref_slice %arg15[%add3A, %dma_wait3A_560] : memref<16x2048xi32, #tpu.memory_space<vmem_shared>> -> memref<1x2048xi32, #tpu.memory_space<vmem_shared>>
        %dma_wait3A_562 = tpu.memref_squeeze %dma_wait3A_561 : memref<1x2048xi32, #tpu.memory_space<vmem_shared>> -> memref<2048xi32, #tpu.memory_space<vmem_shared>>
        tpu.wait_dma2 semaphore(%run_scoped3A : memref<!tpu.dma_semaphore, #tpu.memory_space<semaphore_mem>>) src(%arg11 : memref<2048xi32, #tpu.memory_space<vmem>>) dst(%dma_wait3A_562 : memref<2048xi32, #tpu.memory_space<vmem_shared>>)
        tpu.yield
      }) : () -> ()
    } else {
    }
    %barrier3A_424 = arith.constant 0 : index
    tpu.barrier barrier_id(%barrier3A_424)
    "tpu.region"() ({
      %run_scoped3A = tpu.sem_alloc : memref<!tpu.dma_semaphore, #tpu.memory_space<semaphore_mem>>
      %dma_start3A_550 = arith.constant 0 : i32
      %dma_start3A_551 = tpu.memref_slice %arg15[%add3A, %dma_start3A_550] : memref<16x2048xi32, #tpu.memory_space<vmem_shared>> -> memref<1x2048xi32, #tpu.memory_space<vmem_shared>>
      %dma_start3A_552 = tpu.memref_squeeze %dma_start3A_551 : memref<1x2048xi32, #tpu.memory_space<vmem_shared>> -> memref<2048xi32, #tpu.memory_space<vmem_shared>>
      %dma_start3A_553 = arith.constant 0 : i32
      %dma_start3A_554 = tpu.memref_slice %arg15[%add3A, %dma_start3A_553] : memref<16x2048xi32, #tpu.memory_space<vmem_shared>> -> memref<1x2048xi32, #tpu.memory_space<vmem_shared>>
      %dma_start3A_555 = tpu.memref_squeeze %dma_start3A_554 : memref<1x2048xi32, #tpu.memory_space<vmem_shared>> -> memref<2048xi32, #tpu.memory_space<vmem_shared>>
      tpu.enqueue_dma source(%dma_start3A_555 : memref<2048xi32, #tpu.memory_space<vmem_shared>>) target(%arg11 : memref<2048xi32, #tpu.memory_space<vmem>>) target_semaphore(%run_scoped3A : memref<!tpu.dma_semaphore, #tpu.memory_space<semaphore_mem>>)
      %dma_wait3A_556 = arith.constant 0 : i32
      %dma_wait3A_557 = tpu.memref_slice %arg15[%add3A, %dma_wait3A_556] : memref<16x2048xi32, #tpu.memory_space<vmem_shared>> -> memref<1x2048xi32, #tpu.memory_space<vmem_shared>>
      %dma_wait3A_558 = tpu.memref_squeeze %dma_wait3A_557 : memref<1x2048xi32, #tpu.memory_space<vmem_shared>> -> memref<2048xi32, #tpu.memory_space<vmem_shared>>
      %dma_wait3A_559 = arith.constant 0 : i32
      %dma_wait3A_560 = tpu.memref_slice %arg15[%add3A, %dma_wait3A_559] : memref<16x2048xi32, #tpu.memory_space<vmem_shared>> -> memref<1x2048xi32, #tpu.memory_space<vmem_shared>>
      %dma_wait3A_561 = tpu.memref_squeeze %dma_wait3A_560 : memref<1x2048xi32, #tpu.memory_space<vmem_shared>> -> memref<2048xi32, #tpu.memory_space<vmem_shared>>
      tpu.wait_dma2 semaphore(%run_scoped3A : memref<!tpu.dma_semaphore, #tpu.memory_space<semaphore_mem>>) src(%dma_wait3A_561 : memref<2048xi32, #tpu.memory_space<vmem_shared>>) dst(%arg11 : memref<2048xi32, #tpu.memory_space<vmem>>)
      tpu.yield
    }) : () -> ()
    %get3A_425 = arith.constant 0 : index
    %get3A_426 = tpu.vector_load %arg11[%get3A_425] {strides = array<i32>} : memref<2048xi32, #tpu.memory_space<vmem>>, vector<16xi32>,
    %scan3A_427 = arith.constant 0 : i32
    %scan3A_428 = arith.constant 0 : i32
    %scan3A_429 = arith.constant 128 : i32
    %scan3A_430 = arith.addi %scan3A_428, %scan3A_429 : i32
    %scan3A_431 = arith.constant 1 : i32
    %scan3A_432 = scf.for %scan3A_550 = %scan3A_428 to %scan3A_430 step %scan3A_431 iter_args(%scan3A_551 = %scan3A_427) -> (i32)  : i32 {
      %mul3A_552 = arith.constant 8 : i32
      %mul3A_553 = arith.muli %scan3A_550, %mul3A_552 : i32
      %add3A_554 = arith.constant 0 : i32
      %add3A_555 = arith.addi %mul3A_553, %add3A_554 : i32
      %mul3A_556 = arith.constant 16 : i32
      %mul3A_557 = arith.muli %add3A_555, %mul3A_556 : i32
      %swap3A = arith.index_cast %mul3A_557 : i32 to index
      %swap3A_558 = tpu.vector_load %arg8[%swap3A] {strides = array<i32>} : memref<32768xi32, #tpu.memory_space<vmem>>, vector<16xi32>,
      tpu.vector_store %arg8[%swap3A], %broadcast_in_dim3A_42 {strides = array<i32>} : memref<32768xi32, #tpu.memory_space<vmem>>, vector<16xi32>,
      %mul3A_559 = arith.constant 8 : i32
      %mul3A_560 = arith.muli %scan3A_550, %mul3A_559 : i32
      %add3A_561 = arith.constant 1 : i32
      %add3A_562 = arith.addi %mul3A_560, %add3A_561 : i32
      %mul3A_563 = arith.constant 16 : i32
      %mul3A_564 = arith.muli %add3A_562, %mul3A_563 : i32
      %swap3A_565 = arith.index_cast %mul3A_564 : i32 to index
      %swap3A_566 = tpu.vector_load %arg8[%swap3A_565] {strides = array<i32>} : memref<32768xi32, #tpu.memory_space<vmem>>, vector<16xi32>,
      tpu.vector_store %arg8[%swap3A_565], %broadcast_in_dim3A_42 {strides = array<i32>} : memref<32768xi32, #tpu.memory_space<vmem>>, vector<16xi32>,
      %mul3A_567 = arith.constant 8 : i32
      %mul3A_568 = arith.muli %scan3A_550, %mul3A_567 : i32
      %add3A_569 = arith.constant 2 : i32
      %add3A_570 = arith.addi %mul3A_568, %add3A_569 : i32
      %mul3A_571 = arith.constant 16 : i32
      %mul3A_572 = arith.muli %add3A_570, %mul3A_571 : i32
      %swap3A_573 = arith.index_cast %mul3A_572 : i32 to index
      %swap3A_574 = tpu.vector_load %arg8[%swap3A_573] {strides = array<i32>} : memref<32768xi32, #tpu.memory_space<vmem>>, vector<16xi32>,
      tpu.vector_store %arg8[%swap3A_573], %broadcast_in_dim3A_42 {strides = array<i32>} : memref<32768xi32, #tpu.memory_space<vmem>>, vector<16xi32>,
      %mul3A_575 = arith.constant 8 : i32
      %mul3A_576 = arith.muli %scan3A_550, %mul3A_575 : i32
      %add3A_577 = arith.constant 3 : i32
      %add3A_578 = arith.addi %mul3A_576, %add3A_577 : i32
      %mul3A_579 = arith.constant 16 : i32
      %mul3A_580 = arith.muli %add3A_578, %mul3A_579 : i32
      %swap3A_581 = arith.index_cast %mul3A_580 : i32 to index
      %swap3A_582 = tpu.vector_load %arg8[%swap3A_581] {strides = array<i32>} : memref<32768xi32, #tpu.memory_space<vmem>>, vector<16xi32>,
      tpu.vector_store %arg8[%swap3A_581], %broadcast_in_dim3A_42 {strides = array<i32>} : memref<32768xi32, #tpu.memory_space<vmem>>, vector<16xi32>,
      %mul3A_583 = arith.constant 8 : i32
      %mul3A_584 = arith.muli %scan3A_550, %mul3A_583 : i32
      %add3A_585 = arith.constant 4 : i32
      %add3A_586 = arith.addi %mul3A_584, %add3A_585 : i32
      %mul3A_587 = arith.constant 16 : i32
      %mul3A_588 = arith.muli %add3A_586, %mul3A_587 : i32
      %swap3A_589 = arith.index_cast %mul3A_588 : i32 to index
      %swap3A_590 = tpu.vector_load %arg8[%swap3A_589] {strides = array<i32>} : memref<32768xi32, #tpu.memory_space<vmem>>, vector<16xi32>,
      tpu.vector_store %arg8[%swap3A_589], %broadcast_in_dim3A_42 {strides = array<i32>} : memref<32768xi32, #tpu.memory_space<vmem>>, vector<16xi32>,
      %mul3A_591 = arith.constant 8 : i32
      %mul3A_592 = arith.muli %scan3A_550, %mul3A_591 : i32
      %add3A_593 = arith.constant 5 : i32
      %add3A_594 = arith.addi %mul3A_592, %add3A_593 : i32
      %mul3A_595 = arith.constant 16 : i32
      %mul3A_596 = arith.muli %add3A_594, %mul3A_595 : i32
      %swap3A_597 = arith.index_cast %mul3A_596 : i32 to index
      %swap3A_598 = tpu.vector_load %arg8[%swap3A_597] {strides = array<i32>} : memref<32768xi32, #tpu.memory_space<vmem>>, vector<16xi32>,
      tpu.vector_store %arg8[%swap3A_597], %broadcast_in_dim3A_42 {strides = array<i32>} : memref<32768xi32, #tpu.memory_space<vmem>>, vector<16xi32>,
      %mul3A_599 = arith.constant 8 : i32
      %mul3A_600 = arith.muli %scan3A_550, %mul3A_599 : i32
      %add3A_601 = arith.constant 6 : i32
      %add3A_602 = arith.addi %mul3A_600, %add3A_601 : i32
      %mul3A_603 = arith.constant 16 : i32
      %mul3A_604 = arith.muli %add3A_602, %mul3A_603 : i32
      %swap3A_605 = arith.index_cast %mul3A_604 : i32 to index
      %swap3A_606 = tpu.vector_load %arg8[%swap3A_605] {strides = array<i32>} : memref<32768xi32, #tpu.memory_space<vmem>>, vector<16xi32>,
      tpu.vector_store %arg8[%swap3A_605], %broadcast_in_dim3A_42 {strides = array<i32>} : memref<32768xi32, #tpu.memory_space<vmem>>, vector<16xi32>,
      %mul3A_607 = arith.constant 8 : i32
      %mul3A_608 = arith.muli %scan3A_550, %mul3A_607 : i32
      %add3A_609 = arith.constant 7 : i32
      %add3A_610 = arith.addi %mul3A_608, %add3A_609 : i32
      %mul3A_611 = arith.constant 16 : i32
      %mul3A_612 = arith.muli %add3A_610, %mul3A_611 : i32
      %swap3A_613 = arith.index_cast %mul3A_612 : i32 to index
      %swap3A_614 = tpu.vector_load %arg8[%swap3A_613] {strides = array<i32>} : memref<32768xi32, #tpu.memory_space<vmem>>, vector<16xi32>,
      tpu.vector_store %arg8[%swap3A_613], %broadcast_in_dim3A_42 {strides = array<i32>} : memref<32768xi32, #tpu.memory_space<vmem>>, vector<16xi32>,
      %scan3A_615 = arith.constant 0 : i32
      scf.yield %scan3A_615 : i32
    }
    %scan3A_433 = arith.constant 128 : i32
    %mul3A_434 = arith.constant 1024 : i32
    %mul3A_435 = vector.broadcast %mul3A_434 : i32 to vector<16xi32>
    %mul3A_436 = arith.muli %iota3A, %mul3A_435 : vector<16xi32>
    %while3A_437 = arith.constant 0 : i32
    %while3A_438 = arith.constant 0 : i32
    %while3A_439 = arith.subi %reduce_max3A_330, %while3A_437 : i32
    %while3A_440 = arith.addi %while3A_437, %while3A_439 : i32
    %while3A_441 = arith.constant 1 : i32
    %while3A_442 = arith.divsi %while3A_439, %while3A_441 : i32
    %while3A_443 = arith.muli %while3A_442, %while3A_441 : i32
    %while3A_444 = arith.addi %while3A_437, %while3A_443 : i32
    %while3A_445 = arith.constant 1 : i32
    %while3A_446 = scf.for %while3A_550 = %while3A_437 to %while3A_444 step %while3A_445 iter_args(%while3A_551 = %while3A_438) -> (i32)  : i32 {
      %mul3A_552 = arith.constant 16 : i32
      %mul3A_553 = arith.muli %while3A_550, %mul3A_552 : i32
      %get3A_554 = arith.index_cast %mul3A_553 : i32 to index
      %get3A_555 = tpu.vector_load %arg9[%get3A_554] {strides = array<i32>} : memref<32768xf32, #tpu.memory_space<vmem>>, vector<16xf32>,
      %bitcast3A_556 = vector.bitcast %get3A_555 : vector<16xf32> to vector<16xi32>
      %broadcast_in_dim3A_557 = vector.broadcast %while3A_550 : i32 to vector<16xi32>
      %gt3A_558 = arith.cmpi sgt, %shift_right_arithmetic3A_320, %broadcast_in_dim3A_557 : vector<16xi32>
      %shift_right_arithmetic3A_559 = arith.constant 10 : i32
      %shift_right_arithmetic3A_560 = vector.broadcast %shift_right_arithmetic3A_559 : i32 to vector<16xi32>
      %shift_right_arithmetic3A_561 = arith.shrsi %bitcast3A_556, %shift_right_arithmetic3A_560 : vector<16xi32>
      %and3A_562 = arith.constant 1023 : i32
      %and3A_563 = vector.broadcast %and3A_562 : i32 to vector<16xi32>
      %and3A_564 = arith.andi %shift_right_arithmetic3A_561, %and3A_563 : vector<16xi32>
      %eq3A_565 = arith.cmpi eq, %and3A_564, %get3A_426 : vector<16xi32>
      %and3A_566 = arith.andi %gt3A_558, %eq3A_565 : vector<16xi1>
      %and3A_567 = arith.constant 1023 : i32
      %and3A_568 = vector.broadcast %and3A_567 : i32 to vector<16xi32>
      %and3A_569 = arith.andi %bitcast3A_556, %and3A_568 : vector<16xi32>
      %add3A_570 = arith.addi %and3A_569, %mul3A_436 : vector<16xi32>
      tpu.vector_store_idx %arg8[%add3A_570], %broadcast_in_dim3A_40 masked %and3A_566 {add = true} : memref<32768xi32, #tpu.memory_space<vmem>>[vector<16xi32>], vector<16xi32>, vector<16xi1>
      %while3A_571 = arith.constant 0 : i32
      scf.yield %while3A_571 : i32
    }
    %while3A_447 = arith.constant 1 : i32
    %while3A_448 = scf.for %while3A_550 = %while3A_444 to %while3A_440 step %while3A_447 iter_args(%while3A_551 = %while3A_446) -> (i32)  : i32 {
      %mul3A_552 = arith.constant 16 : i32
      %mul3A_553 = arith.muli %while3A_550, %mul3A_552 : i32
      %get3A_554 = arith.index_cast %mul3A_553 : i32 to index
      %get3A_555 = tpu.vector_load %arg9[%get3A_554] {strides = array<i32>} : memref<32768xf32, #tpu.memory_space<vmem>>, vector<16xf32>,
      %bitcast3A_556 = vector.bitcast %get3A_555 : vector<16xf32> to vector<16xi32>
      %broadcast_in_dim3A_557 = vector.broadcast %while3A_550 : i32 to vector<16xi32>
      %gt3A_558 = arith.cmpi sgt, %shift_right_arithmetic3A_320, %broadcast_in_dim3A_557 : vector<16xi32>
      %shift_right_arithmetic3A_559 = arith.constant 10 : i32
      %shift_right_arithmetic3A_560 = vector.broadcast %shift_right_arithmetic3A_559 : i32 to vector<16xi32>
      %shift_right_arithmetic3A_561 = arith.shrsi %bitcast3A_556, %shift_right_arithmetic3A_560 : vector<16xi32>
      %and3A_562 = arith.constant 1023 : i32
      %and3A_563 = vector.broadcast %and3A_562 : i32 to vector<16xi32>
      %and3A_564 = arith.andi %shift_right_arithmetic3A_561, %and3A_563 : vector<16xi32>
      %eq3A_565 = arith.cmpi eq, %and3A_564, %get3A_426 : vector<16xi32>
      %and3A_566 = arith.andi %gt3A_558, %eq3A_565 : vector<16xi1>
      %and3A_567 = arith.constant 1023 : i32
      %and3A_568 = vector.broadcast %and3A_567 : i32 to vector<16xi32>
      %and3A_569 = arith.andi %bitcast3A_556, %and3A_568 : vector<16xi32>
      %add3A_570 = arith.addi %and3A_569, %mul3A_436 : vector<16xi32>
      tpu.vector_store_idx %arg8[%add3A_570], %broadcast_in_dim3A_40 masked %and3A_566 {add = true} : memref<32768xi32, #tpu.memory_space<vmem>>[vector<16xi32>], vector<16xi32>, vector<16xi1>
      %while3A_571 = arith.constant 0 : i32
      scf.yield %while3A_571 : i32
    }
    %scan3A_449 = arith.constant 0 : i32
    %scan3A_450 = arith.constant 0 : i32
    %scan3A_451 = arith.constant 64 : i32
    %scan3A_452 = arith.addi %scan3A_450, %scan3A_451 : i32
    %scan3A_453 = arith.constant 1 : i32
    %scan3A_454 = scf.for %scan3A_550 = %scan3A_450 to %scan3A_452 step %scan3A_453 iter_args(%scan3A_551 = %scan3A_449) -> (i32)  : i32 {
      %mul3A_552 = arith.constant 16 : i32
      %mul3A_553 = arith.muli %scan3A_550, %mul3A_552 : i32
      %get3A_554 = arith.index_cast %mul3A_553 : i32 to index
      %get3A_555 = tpu.vector_load %arg8[%get3A_554] {strides = array<i32>} : memref<32768xi32, #tpu.memory_space<vmem>>, vector<16xi32>,
      %mul3A_556 = arith.constant 16 : i32
      %mul3A_557 = arith.muli %scan3A_550, %mul3A_556 : i32
      %add3A_558 = arith.constant 1024 : i32
      %add3A_559 = arith.addi %add3A_558, %mul3A_557 : i32
      %get3A_560 = arith.index_cast %add3A_559 : i32 to index
      %get3A_561 = tpu.vector_load %arg8[%get3A_560] {strides = array<i32>} : memref<32768xi32, #tpu.memory_space<vmem>>, vector<16xi32>,
      %add3A_562 = arith.addi %get3A_555, %get3A_561 : vector<16xi32>
      %mul3A_563 = arith.constant 16 : i32
      %mul3A_564 = arith.muli %scan3A_550, %mul3A_563 : i32
      %add3A_565 = arith.constant 2048 : i32
      %add3A_566 = arith.addi %add3A_565, %mul3A_564 : i32
      %get3A_567 = arith.index_cast %add3A_566 : i32 to index
      %get3A_568 = tpu.vector_load %arg8[%get3A_567] {strides = array<i32>} : memref<32768xi32, #tpu.memory_space<vmem>>, vector<16xi32>,
      %add3A_569 = arith.addi %add3A_562, %get3A_568 : vector<16xi32>
      %mul3A_570 = arith.constant 16 : i32
      %mul3A_571 = arith.muli %scan3A_550, %mul3A_570 : i32
      %add3A_572 = arith.constant 3072 : i32
      %add3A_573 = arith.addi %add3A_572, %mul3A_571 : i32
      %get3A_574 = arith.index_cast %add3A_573 : i32 to index
      %get3A_575 = tpu.vector_load %arg8[%get3A_574] {strides = array<i32>} : memref<32768xi32, #tpu.memory_space<vmem>>, vector<16xi32>,
      %add3A_576 = arith.addi %add3A_569, %get3A_575 : vector<16xi32>
      %mul3A_577 = arith.constant 16 : i32
      %mul3A_578 = arith.muli %scan3A_550, %mul3A_577 : i32
      %add3A_579 = arith.constant 4096 : i32
      %add3A_580 = arith.addi %add3A_579, %mul3A_578 : i32
      %get3A_581 = arith.index_cast %add3A_580 : i32 to index
      %get3A_582 = tpu.vector_load %arg8[%get3A_581] {strides = array<i32>} : memref<32768xi32, #tpu.memory_space<vmem>>, vector<16xi32>,
      %add3A_583 = arith.addi %add3A_576, %get3A_582 : vector<16xi32>
      %mul3A_584 = arith.constant 16 : i32
      %mul3A_585 = arith.muli %scan3A_550, %mul3A_584 : i32
      %add3A_586 = arith.constant 5120 : i32
      %add3A_587 = arith.addi %add3A_586, %mul3A_585 : i32
      %get3A_588 = arith.index_cast %add3A_587 : i32 to index
      %get3A_589 = tpu.vector_load %arg8[%get3A_588] {strides = array<i32>} : memref<32768xi32, #tpu.memory_space<vmem>>, vector<16xi32>,
      %add3A_590 = arith.addi %add3A_583, %get3A_589 : vector<16xi32>
      %mul3A_591 = arith.constant 16 : i32
      %mul3A_592 = arith.muli %scan3A_550, %mul3A_591 : i32
      %add3A_593 = arith.constant 6144 : i32
      %add3A_594 = arith.addi %add3A_593, %mul3A_592 : i32
      %get3A_595 = arith.index_cast %add3A_594 : i32 to index
      %get3A_596 = tpu.vector_load %arg8[%get3A_595] {strides = array<i32>} : memref<32768xi32, #tpu.memory_space<vmem>>, vector<16xi32>,
      %add3A_597 = arith.addi %add3A_590, %get3A_596 : vector<16xi32>
      %mul3A_598 = arith.constant 16 : i32
      %mul3A_599 = arith.muli %scan3A_550, %mul3A_598 : i32
      %add3A_600 = arith.constant 7168 : i32
      %add3A_601 = arith.addi %add3A_600, %mul3A_599 : i32
      %get3A_602 = arith.index_cast %add3A_601 : i32 to index
      %get3A_603 = tpu.vector_load %arg8[%get3A_602] {strides = array<i32>} : memref<32768xi32, #tpu.memory_space<vmem>>, vector<16xi32>,
      %add3A_604 = arith.addi %add3A_597, %get3A_603 : vector<16xi32>
      %mul3A_605 = arith.constant 16 : i32
      %mul3A_606 = arith.muli %scan3A_550, %mul3A_605 : i32
      %add3A_607 = arith.constant 8192 : i32
      %add3A_608 = arith.addi %add3A_607, %mul3A_606 : i32
      %get3A_609 = arith.index_cast %add3A_608 : i32 to index
      %get3A_610 = tpu.vector_load %arg8[%get3A_609] {strides = array<i32>} : memref<32768xi32, #tpu.memory_space<vmem>>, vector<16xi32>,
      %add3A_611 = arith.addi %add3A_604, %get3A_610 : vector<16xi32>
      %mul3A_612 = arith.constant 16 : i32
      %mul3A_613 = arith.muli %scan3A_550, %mul3A_612 : i32
      %add3A_614 = arith.constant 9216 : i32
      %add3A_615 = arith.addi %add3A_614, %mul3A_613 : i32
      %get3A_616 = arith.index_cast %add3A_615 : i32 to index
      %get3A_617 = tpu.vector_load %arg8[%get3A_616] {strides = array<i32>} : memref<32768xi32, #tpu.memory_space<vmem>>, vector<16xi32>,
      %add3A_618 = arith.addi %add3A_611, %get3A_617 : vector<16xi32>
      %mul3A_619 = arith.constant 16 : i32
      %mul3A_620 = arith.muli %scan3A_550, %mul3A_619 : i32
      %add3A_621 = arith.constant 10240 : i32
      %add3A_622 = arith.addi %add3A_621, %mul3A_620 : i32
      %get3A_623 = arith.index_cast %add3A_622 : i32 to index
      %get3A_624 = tpu.vector_load %arg8[%get3A_623] {strides = array<i32>} : memref<32768xi32, #tpu.memory_space<vmem>>, vector<16xi32>,
      %add3A_625 = arith.addi %add3A_618, %get3A_624 : vector<16xi32>
      %mul3A_626 = arith.constant 16 : i32
      %mul3A_627 = arith.muli %scan3A_550, %mul3A_626 : i32
      %add3A_628 = arith.constant 11264 : i32
      %add3A_629 = arith.addi %add3A_628, %mul3A_627 : i32
      %get3A_630 = arith.index_cast %add3A_629 : i32 to index
      %get3A_631 = tpu.vector_load %arg8[%get3A_630] {strides = array<i32>} : memref<32768xi32, #tpu.memory_space<vmem>>, vector<16xi32>,
      %add3A_632 = arith.addi %add3A_625, %get3A_631 : vector<16xi32>
      %mul3A_633 = arith.constant 16 : i32
      %mul3A_634 = arith.muli %scan3A_550, %mul3A_633 : i32
      %add3A_635 = arith.constant 12288 : i32
      %add3A_636 = arith.addi %add3A_635, %mul3A_634 : i32
      %get3A_637 = arith.index_cast %add3A_636 : i32 to index
      %get3A_638 = tpu.vector_load %arg8[%get3A_637] {strides = array<i32>} : memref<32768xi32, #tpu.memory_space<vmem>>, vector<16xi32>,
      %add3A_639 = arith.addi %add3A_632, %get3A_638 : vector<16xi32>
      %mul3A_640 = arith.constant 16 : i32
      %mul3A_641 = arith.muli %scan3A_550, %mul3A_640 : i32
      %add3A_642 = arith.constant 13312 : i32
      %add3A_643 = arith.addi %add3A_642, %mul3A_641 : i32
      %get3A_644 = arith.index_cast %add3A_643 : i32 to index
      %get3A_645 = tpu.vector_load %arg8[%get3A_644] {strides = array<i32>} : memref<32768xi32, #tpu.memory_space<vmem>>, vector<16xi32>,
      %add3A_646 = arith.addi %add3A_639, %get3A_645 : vector<16xi32>
      %mul3A_647 = arith.constant 16 : i32
      %mul3A_648 = arith.muli %scan3A_550, %mul3A_647 : i32
      %add3A_649 = arith.constant 14336 : i32
      %add3A_650 = arith.addi %add3A_649, %mul3A_648 : i32
      %get3A_651 = arith.index_cast %add3A_650 : i32 to index
      %get3A_652 = tpu.vector_load %arg8[%get3A_651] {strides = array<i32>} : memref<32768xi32, #tpu.memory_space<vmem>>, vector<16xi32>,
      %add3A_653 = arith.addi %add3A_646, %get3A_652 : vector<16xi32>
      %mul3A_654 = arith.constant 16 : i32
      %mul3A_655 = arith.muli %scan3A_550, %mul3A_654 : i32
      %add3A_656 = arith.constant 15360 : i32
      %add3A_657 = arith.addi %add3A_656, %mul3A_655 : i32
      %get3A_658 = arith.index_cast %add3A_657 : i32 to index
      %get3A_659 = tpu.vector_load %arg8[%get3A_658] {strides = array<i32>} : memref<32768xi32, #tpu.memory_space<vmem>>, vector<16xi32>,
      %add3A_660 = arith.addi %add3A_653, %get3A_659 : vector<16xi32>
      %mul3A_661 = arith.constant 16 : i32
      %mul3A_662 = arith.muli %scan3A_550, %mul3A_661 : i32
      %swap3A = arith.index_cast %mul3A_662 : i32 to index
      %swap3A_663 = tpu.vector_load %arg10[%swap3A] {strides = array<i32>} : memref<2048xi32, #tpu.memory_space<vmem>>, vector<16xi32>,
      tpu.vector_store %arg10[%swap3A], %add3A_660 {strides = array<i32>} : memref<2048xi32, #tpu.memory_space<vmem>>, vector<16xi32>,
      %scan3A_664 = arith.constant 0 : i32
      scf.yield %scan3A_664 : i32
    }
    %scan3A_455 = arith.constant 64 : i32
    %convert_element_type3A_456 = arith.extui %eq3A_32 : i1 to i32
    %cond3A_457 = arith.constant 0 : i32
    %cond3A_458 = arith.cmpi ne, %convert_element_type3A_456, %cond3A_457 : i32
    scf.if %cond3A_458 {
      "tpu.region"() ({
        %run_scoped3A = tpu.sem_alloc : memref<!tpu.dma_semaphore, #tpu.memory_space<semaphore_mem>>
        %dma_start3A_550 = arith.constant 0 : i32
        %dma_start3A_551 = tpu.memref_slice %arg15[%add3A, %dma_start3A_550] : memref<16x2048xi32, #tpu.memory_space<vmem_shared>> -> memref<1x2048xi32, #tpu.memory_space<vmem_shared>>
        %dma_start3A_552 = tpu.memref_squeeze %dma_start3A_551 : memref<1x2048xi32, #tpu.memory_space<vmem_shared>> -> memref<2048xi32, #tpu.memory_space<vmem_shared>>
        %dma_start3A_553 = arith.constant 0 : i32
        %dma_start3A_554 = tpu.memref_slice %arg15[%add3A, %dma_start3A_553] : memref<16x2048xi32, #tpu.memory_space<vmem_shared>> -> memref<1x2048xi32, #tpu.memory_space<vmem_shared>>
        %dma_start3A_555 = tpu.memref_squeeze %dma_start3A_554 : memref<1x2048xi32, #tpu.memory_space<vmem_shared>> -> memref<2048xi32, #tpu.memory_space<vmem_shared>>
        tpu.enqueue_dma source(%arg10 : memref<2048xi32, #tpu.memory_space<vmem>>) target(%dma_start3A_555 : memref<2048xi32, #tpu.memory_space<vmem_shared>>) target_semaphore(%run_scoped3A : memref<!tpu.dma_semaphore, #tpu.memory_space<semaphore_mem>>)
        %dma_wait3A_556 = arith.constant 0 : i32
        %dma_wait3A_557 = tpu.memref_slice %arg15[%add3A, %dma_wait3A_556] : memref<16x2048xi32, #tpu.memory_space<vmem_shared>> -> memref<1x2048xi32, #tpu.memory_space<vmem_shared>>
        %dma_wait3A_558 = tpu.memref_squeeze %dma_wait3A_557 : memref<1x2048xi32, #tpu.memory_space<vmem_shared>> -> memref<2048xi32, #tpu.memory_space<vmem_shared>>
        %dma_wait3A_559 = arith.constant 0 : i32
        %dma_wait3A_560 = tpu.memref_slice %arg15[%add3A, %dma_wait3A_559] : memref<16x2048xi32, #tpu.memory_space<vmem_shared>> -> memref<1x2048xi32, #tpu.memory_space<vmem_shared>>
        %dma_wait3A_561 = tpu.memref_squeeze %dma_wait3A_560 : memref<1x2048xi32, #tpu.memory_space<vmem_shared>> -> memref<2048xi32, #tpu.memory_space<vmem_shared>>
        tpu.wait_dma2 semaphore(%run_scoped3A : memref<!tpu.dma_semaphore, #tpu.memory_space<semaphore_mem>>) src(%arg10 : memref<2048xi32, #tpu.memory_space<vmem>>) dst(%dma_wait3A_561 : memref<2048xi32, #tpu.memory_space<vmem_shared>>)
        tpu.yield
      }) : () -> ()
    } else {
    }
    %barrier3A_459 = arith.constant 0 : index
    tpu.barrier barrier_id(%barrier3A_459)
    %convert_element_type3A_460 = arith.extui %eq3A_34 : i1 to i32
    %cond3A_461 = arith.constant 0 : i32
    %cond3A_462 = arith.cmpi ne, %convert_element_type3A_460, %cond3A_461 : i32
    scf.if %cond3A_462 {
      "tpu.region"() ({
        %run_scoped3A = tpu.sem_alloc : memref<!tpu.dma_semaphore, #tpu.memory_space<semaphore_mem>>
        %dma_start3A_557 = arith.constant 0 : i32
        %dma_start3A_558 = tpu.memref_slice %arg15[%add3A, %dma_start3A_557] : memref<16x2048xi32, #tpu.memory_space<vmem_shared>> -> memref<1x2048xi32, #tpu.memory_space<vmem_shared>>
        %dma_start3A_559 = tpu.memref_squeeze %dma_start3A_558 : memref<1x2048xi32, #tpu.memory_space<vmem_shared>> -> memref<2048xi32, #tpu.memory_space<vmem_shared>>
        %dma_start3A_560 = arith.constant 0 : i32
        %dma_start3A_561 = tpu.memref_slice %arg15[%add3A, %dma_start3A_560] : memref<16x2048xi32, #tpu.memory_space<vmem_shared>> -> memref<1x2048xi32, #tpu.memory_space<vmem_shared>>
        %dma_start3A_562 = tpu.memref_squeeze %dma_start3A_561 : memref<1x2048xi32, #tpu.memory_space<vmem_shared>> -> memref<2048xi32, #tpu.memory_space<vmem_shared>>
        tpu.enqueue_dma source(%dma_start3A_562 : memref<2048xi32, #tpu.memory_space<vmem_shared>>) target(%arg11 : memref<2048xi32, #tpu.memory_space<vmem>>) target_semaphore(%run_scoped3A : memref<!tpu.dma_semaphore, #tpu.memory_space<semaphore_mem>>)
        %dma_wait3A_563 = arith.constant 0 : i32
        %dma_wait3A_564 = tpu.memref_slice %arg15[%add3A, %dma_wait3A_563] : memref<16x2048xi32, #tpu.memory_space<vmem_shared>> -> memref<1x2048xi32, #tpu.memory_space<vmem_shared>>
        %dma_wait3A_565 = tpu.memref_squeeze %dma_wait3A_564 : memref<1x2048xi32, #tpu.memory_space<vmem_shared>> -> memref<2048xi32, #tpu.memory_space<vmem_shared>>
        %dma_wait3A_566 = arith.constant 0 : i32
        %dma_wait3A_567 = tpu.memref_slice %arg15[%add3A, %dma_wait3A_566] : memref<16x2048xi32, #tpu.memory_space<vmem_shared>> -> memref<1x2048xi32, #tpu.memory_space<vmem_shared>>
        %dma_wait3A_568 = tpu.memref_squeeze %dma_wait3A_567 : memref<1x2048xi32, #tpu.memory_space<vmem_shared>> -> memref<2048xi32, #tpu.memory_space<vmem_shared>>
        tpu.wait_dma2 semaphore(%run_scoped3A : memref<!tpu.dma_semaphore, #tpu.memory_space<semaphore_mem>>) src(%dma_wait3A_568 : memref<2048xi32, #tpu.memory_space<vmem_shared>>) dst(%arg11 : memref<2048xi32, #tpu.memory_space<vmem>>)
        tpu.yield
      }) : () -> ()
      %scan3A_550 = arith.constant 0 : i32
      %scan3A_551 = arith.constant 0 : i32
      %scan3A_552 = arith.constant 64 : i32
      %scan3A_553 = arith.addi %scan3A_551, %scan3A_552 : i32
      %scan3A_554 = arith.constant 1 : i32
      %scan3A_555 = scf.for %scan3A_557 = %scan3A_551 to %scan3A_553 step %scan3A_554 iter_args(%scan3A_558 = %scan3A_550) -> (i32)  : i32 {
        %mul3A_559 = arith.constant 16 : i32
        %mul3A_560 = arith.muli %scan3A_557, %mul3A_559 : i32
        %get3A_561 = arith.index_cast %mul3A_560 : i32 to index
        %get3A_562 = tpu.vector_load %arg10[%get3A_561] {strides = array<i32>} : memref<2048xi32, #tpu.memory_space<vmem>>, vector<16xi32>,
        %mul3A_563 = arith.constant 16 : i32
        %mul3A_564 = arith.muli %scan3A_557, %mul3A_563 : i32
        %get3A_565 = arith.index_cast %mul3A_564 : i32 to index
        %get3A_566 = tpu.vector_load %arg11[%get3A_565] {strides = array<i32>} : memref<2048xi32, #tpu.memory_space<vmem>>, vector<16xi32>,
        %add3A_567 = arith.addi %get3A_562, %get3A_566 : vector<16xi32>
        %mul3A_568 = arith.constant 16 : i32
        %mul3A_569 = arith.muli %scan3A_557, %mul3A_568 : i32
        %swap3A = arith.index_cast %mul3A_569 : i32 to index
        %swap3A_570 = tpu.vector_load %arg10[%swap3A] {strides = array<i32>} : memref<2048xi32, #tpu.memory_space<vmem>>, vector<16xi32>,
        tpu.vector_store %arg10[%swap3A], %add3A_567 {strides = array<i32>} : memref<2048xi32, #tpu.memory_space<vmem>>, vector<16xi32>,
        %scan3A_571 = arith.constant 0 : i32
        scf.yield %scan3A_571 : i32
      }
      %scan3A_556 = arith.constant 64 : i32
    } else {
    }
    %sub3A_463 = arith.subi %sub3A_367, %add3A_420 : i32
    %scan3A_464 = arith.constant 0 : i32
    %scan3A_465 = arith.constant 0 : i32
    %scan3A_466 = arith.constant 64 : i32
    %scan3A_467 = arith.addi %scan3A_465, %scan3A_466 : i32
    %scan3A_468 = arith.constant 1 : i32
    %scan3A_469 = scf.for %scan3A_550 = %scan3A_465 to %scan3A_467 step %scan3A_468 iter_args(%scan3A_551 = %scan3A_464) -> (i32)  : i32 {
      %mul3A_552 = arith.constant 16 : i32
      %mul3A_553 = arith.muli %scan3A_550, %mul3A_552 : i32
      %get3A_554 = arith.index_cast %mul3A_553 : i32 to index
      %get3A_555 = tpu.vector_load %arg10[%get3A_554] {strides = array<i32>} : memref<2048xi32, #tpu.memory_space<vmem>>, vector<16xi32>,
      %reduce_sum3A_556 = arith.constant true
      %reduce_sum3A_557 = vector.broadcast %reduce_sum3A_556 : i1 to vector<16xi1>
      %reduce_sum3A_558 = tpu.scan <sum>, %get3A_555 masked %reduce_sum3A_557 : vector<16xi32>, vector<16xi1> -> vector<16xi32>
      %reduce_sum3A_559 = vector.extract %reduce_sum3A_558[15] : i32 from vector<16xi32>
      %swap3A = arith.index_cast %scan3A_550 : i32 to index
      %swap3A_560 = memref.load %arg14[%swap3A] : memref<128xi32, #tpu.memory_space<smem>>
      memref.store %reduce_sum3A_559, %arg14[%swap3A] : memref<128xi32, #tpu.memory_space<smem>>
      %scan3A_561 = arith.constant 0 : i32
      scf.yield %scan3A_561 : i32
    }
    %scan3A_470 = arith.constant 64 : i32
    %scan3A_471 = arith.constant 0 : i32
    %scan3A_472 = arith.constant 0 : i32
    %scan3A_473 = arith.constant 0 : i32
    %scan3A_474 = arith.constant 0 : i32
    %scan3A_475 = arith.constant 64 : i32
    %scan3A_476 = arith.addi %scan3A_474, %scan3A_475 : i32
    %scan3A_477 = arith.constant 1 : i32
    %scan3A_478:3 = scf.for %scan3A_550 = %scan3A_474 to %scan3A_476 step %scan3A_477 iter_args(%scan3A_551 = %scan3A_471, %scan3A_552 = %scan3A_472, %scan3A_553 = %scan3A_473) -> (i32, i32, i32)  : i32 {
      %sub3A_554 = arith.constant 63 : i32
      %sub3A_555 = arith.subi %sub3A_554, %scan3A_550 : i32
      %get3A_556 = arith.index_cast %sub3A_555 : i32 to index
      %get3A_557 = memref.load %arg14[%get3A_556] : memref<128xi32, #tpu.memory_space<smem>>
      %add3A_558 = arith.addi %scan3A_551, %get3A_557 : i32
      %ge3A_559 = arith.cmpi sge, %add3A_558, %sub3A_463 : i32
      %lt3A_560 = arith.cmpi slt, %scan3A_551, %sub3A_463 : i32
      %and3A_561 = arith.andi %ge3A_559, %lt3A_560 : i1
      %select_n3A_562 = arith.select %and3A_561, %sub3A_555, %scan3A_552 : i32
      %select_n3A_563 = arith.select %and3A_561, %scan3A_551, %scan3A_553 : i32
      scf.yield %add3A_558, %select_n3A_562, %select_n3A_563 : i32, i32, i32
    }
    %scan3A_479 = arith.constant 64 : i32
    %jit3A_480 = arith.constant 0 : i32
    %jit3A_481 = arith.constant 63 : i32
    %max3A_482 = arith.maxsi %jit3A_480, %scan3A_478#1 : i32
    %min3A_483 = arith.minsi %jit3A_481, %max3A_482 : i32
    %mul3A_484 = arith.constant 16 : i32
    %mul3A_485 = arith.muli %min3A_483, %mul3A_484 : i32
    %get3A_486 = arith.index_cast %mul3A_485 : i32 to index
    %get3A_487 = tpu.vector_load %arg10[%get3A_486] {strides = array<i32>} : memref<2048xi32, #tpu.memory_space<vmem>>, vector<16xi32>,
    %rev3A_488 = arith.constant 15 : i32
    %rev3A_489 = vector.broadcast %rev3A_488 : i32 to vector<16xi32>
    %rev3A_490 = tpu.iota {dimensions = array<i32: 0>} : vector<16xi32>
    %rev3A_491 = arith.subi %rev3A_489, %rev3A_490 : vector<16xi32>
    %rev3A_492 = tpu.dynamic_gather %get3A_487[%rev3A_491] in [0] : vector<16xi32>, vector<16xi32> -> vector<16xi32>
    %broadcast_in_dim3A_493 = arith.constant true
    %broadcast_in_dim3A_494 = vector.broadcast %broadcast_in_dim3A_493 : i1 to vector<16xi1>
    %masked_cumsum3A_495 = tpu.scan <sum>, %rev3A_492 masked %broadcast_in_dim3A_494 : vector<16xi32>, vector<16xi1> -> vector<16xi32>
    %broadcast_in_dim3A_496 = vector.broadcast %scan3A_478#2 : i32 to vector<16xi32>
    %add3A_497 = arith.addi %broadcast_in_dim3A_496, %masked_cumsum3A_495 : vector<16xi32>
    %broadcast_in_dim3A_498 = vector.broadcast %sub3A_463 : i32 to vector<16xi32>
    %ge3A_499 = arith.cmpi sge, %add3A_497, %broadcast_in_dim3A_498 : vector<16xi32>
    %all_reduce_population_count3A_500 = tpu.all_reduce %ge3A_499 {dim = 0 : i64, kind = #tpu.reduction_kind<sum>} : vector<16xi1> -> vector<16xi32>
    %sub3A_501 = arith.constant 1 : i32
    %sub3A_502 = vector.broadcast %sub3A_501 : i32 to vector<16xi32>
    %sub3A_503 = arith.subi %all_reduce_population_count3A_500, %sub3A_502 : vector<16xi32>
    %mul3A_504 = arith.constant 16 : i32
    %mul3A_505 = arith.muli %min3A_483, %mul3A_504 : i32
    %broadcast_in_dim3A_506 = vector.broadcast %mul3A_505 : i32 to vector<16xi32>
    %add3A_507 = arith.addi %broadcast_in_dim3A_506, %sub3A_503 : vector<16xi32>
    %gt3A_508 = arith.cmpi sgt, %iota3A, %sub3A_503 : vector<16xi32>
    %jit3A_509 = arith.constant 0 : i32
    %broadcast_in_dim3A_510 = vector.broadcast %jit3A_509 : i32 to vector<16xi32>
    %select_n3A_511 = arith.select %gt3A_508, %get3A_487, %broadcast_in_dim3A_510 : vector<16xi1>, vector<16xi32>
    %reduce_sum3A_512 = arith.constant true
    %reduce_sum3A_513 = vector.broadcast %reduce_sum3A_512 : i1 to vector<16xi1>
    %reduce_sum3A_514 = tpu.scan <sum>, %select_n3A_511 masked %reduce_sum3A_513 : vector<16xi32>, vector<16xi1> -> vector<16xi32>
    %reduce_sum3A_515 = vector.extract %reduce_sum3A_514[15] : i32 from vector<16xi32>
    %add3A_516 = arith.addi %scan3A_478#2, %reduce_sum3A_515 : i32
    %convert_element_type3A_517 = arith.extui %eq3A_34 : i1 to i32
    %cond3A_518 = arith.constant 0 : i32
    %cond3A_519 = arith.cmpi ne, %convert_element_type3A_517, %cond3A_518 : i32
    scf.if %cond3A_519 {
      %swap3A = arith.constant 0 : index
      %swap3A_550 = tpu.vector_load %arg11[%swap3A] {strides = array<i32>} : memref<2048xi32, #tpu.memory_space<vmem>>, vector<16xi32>,
      tpu.vector_store %arg11[%swap3A], %add3A_507 {strides = array<i32>} : memref<2048xi32, #tpu.memory_space<vmem>>, vector<16xi32>,
      "tpu.region"() ({
        %run_scoped3A = tpu.sem_alloc : memref<!tpu.dma_semaphore, #tpu.memory_space<semaphore_mem>>
        %dma_start3A_551 = arith.constant 0 : i32
        %dma_start3A_552 = tpu.memref_slice %arg15[%add3A, %dma_start3A_551] : memref<16x2048xi32, #tpu.memory_space<vmem_shared>> -> memref<1x2048xi32, #tpu.memory_space<vmem_shared>>
        %dma_start3A_553 = tpu.memref_squeeze %dma_start3A_552 : memref<1x2048xi32, #tpu.memory_space<vmem_shared>> -> memref<2048xi32, #tpu.memory_space<vmem_shared>>
        %dma_start3A_554 = arith.constant 0 : i32
        %dma_start3A_555 = tpu.memref_slice %arg15[%add3A, %dma_start3A_554] : memref<16x2048xi32, #tpu.memory_space<vmem_shared>> -> memref<1x2048xi32, #tpu.memory_space<vmem_shared>>
        %dma_start3A_556 = tpu.memref_squeeze %dma_start3A_555 : memref<1x2048xi32, #tpu.memory_space<vmem_shared>> -> memref<2048xi32, #tpu.memory_space<vmem_shared>>
        tpu.enqueue_dma source(%arg11 : memref<2048xi32, #tpu.memory_space<vmem>>) target(%dma_start3A_556 : memref<2048xi32, #tpu.memory_space<vmem_shared>>) target_semaphore(%run_scoped3A : memref<!tpu.dma_semaphore, #tpu.memory_space<semaphore_mem>>)
        %dma_wait3A_557 = arith.constant 0 : i32
        %dma_wait3A_558 = tpu.memref_slice %arg15[%add3A, %dma_wait3A_557] : memref<16x2048xi32, #tpu.memory_space<vmem_shared>> -> memref<1x2048xi32, #tpu.memory_space<vmem_shared>>
        %dma_wait3A_559 = tpu.memref_squeeze %dma_wait3A_558 : memref<1x2048xi32, #tpu.memory_space<vmem_shared>> -> memref<2048xi32, #tpu.memory_space<vmem_shared>>
        %dma_wait3A_560 = arith.constant 0 : i32
        %dma_wait3A_561 = tpu.memref_slice %arg15[%add3A, %dma_wait3A_560] : memref<16x2048xi32, #tpu.memory_space<vmem_shared>> -> memref<1x2048xi32, #tpu.memory_space<vmem_shared>>
        %dma_wait3A_562 = tpu.memref_squeeze %dma_wait3A_561 : memref<1x2048xi32, #tpu.memory_space<vmem_shared>> -> memref<2048xi32, #tpu.memory_space<vmem_shared>>
        tpu.wait_dma2 semaphore(%run_scoped3A : memref<!tpu.dma_semaphore, #tpu.memory_space<semaphore_mem>>) src(%arg11 : memref<2048xi32, #tpu.memory_space<vmem>>) dst(%dma_wait3A_562 : memref<2048xi32, #tpu.memory_space<vmem_shared>>)
        tpu.yield
      }) : () -> ()
    } else {
    }
    %barrier3A_520 = arith.constant 0 : index
    tpu.barrier barrier_id(%barrier3A_520)
    "tpu.region"() ({
      %run_scoped3A = tpu.sem_alloc : memref<!tpu.dma_semaphore, #tpu.memory_space<semaphore_mem>>
      %dma_start3A_550 = arith.constant 0 : i32
      %dma_start3A_551 = tpu.memref_slice %arg15[%add3A, %dma_start3A_550] : memref<16x2048xi32, #tpu.memory_space<vmem_shared>> -> memref<1x2048xi32, #tpu.memory_space<vmem_shared>>
      %dma_start3A_552 = tpu.memref_squeeze %dma_start3A_551 : memref<1x2048xi32, #tpu.memory_space<vmem_shared>> -> memref<2048xi32, #tpu.memory_space<vmem_shared>>
      %dma_start3A_553 = arith.constant 0 : i32
      %dma_start3A_554 = tpu.memref_slice %arg15[%add3A, %dma_start3A_553] : memref<16x2048xi32, #tpu.memory_space<vmem_shared>> -> memref<1x2048xi32, #tpu.memory_space<vmem_shared>>
      %dma_start3A_555 = tpu.memref_squeeze %dma_start3A_554 : memref<1x2048xi32, #tpu.memory_space<vmem_shared>> -> memref<2048xi32, #tpu.memory_space<vmem_shared>>
      tpu.enqueue_dma source(%dma_start3A_555 : memref<2048xi32, #tpu.memory_space<vmem_shared>>) target(%arg11 : memref<2048xi32, #tpu.memory_space<vmem>>) target_semaphore(%run_scoped3A : memref<!tpu.dma_semaphore, #tpu.memory_space<semaphore_mem>>)
      %dma_wait3A_556 = arith.constant 0 : i32
      %dma_wait3A_557 = tpu.memref_slice %arg15[%add3A, %dma_wait3A_556] : memref<16x2048xi32, #tpu.memory_space<vmem_shared>> -> memref<1x2048xi32, #tpu.memory_space<vmem_shared>>
      %dma_wait3A_558 = tpu.memref_squeeze %dma_wait3A_557 : memref<1x2048xi32, #tpu.memory_space<vmem_shared>> -> memref<2048xi32, #tpu.memory_space<vmem_shared>>
      %dma_wait3A_559 = arith.constant 0 : i32
      %dma_wait3A_560 = tpu.memref_slice %arg15[%add3A, %dma_wait3A_559] : memref<16x2048xi32, #tpu.memory_space<vmem_shared>> -> memref<1x2048xi32, #tpu.memory_space<vmem_shared>>
      %dma_wait3A_561 = tpu.memref_squeeze %dma_wait3A_560 : memref<1x2048xi32, #tpu.memory_space<vmem_shared>> -> memref<2048xi32, #tpu.memory_space<vmem_shared>>
      tpu.wait_dma2 semaphore(%run_scoped3A : memref<!tpu.dma_semaphore, #tpu.memory_space<semaphore_mem>>) src(%dma_wait3A_561 : memref<2048xi32, #tpu.memory_space<vmem_shared>>) dst(%arg11 : memref<2048xi32, #tpu.memory_space<vmem>>)
      tpu.yield
    }) : () -> ()
    %get3A_521 = arith.constant 0 : index
    %get3A_522 = tpu.vector_load %arg11[%get3A_521] {strides = array<i32>} : memref<2048xi32, #tpu.memory_space<vmem>>, vector<16xi32>,
    %mul3A_523 = arith.constant 1048576 : i32
    %mul3A_524 = vector.broadcast %mul3A_523 : i32 to vector<16xi32>
    %mul3A_525 = arith.muli %get3A_216, %mul3A_524 : vector<16xi32>
    %mul3A_526 = arith.constant 1024 : i32
    %mul3A_527 = vector.broadcast %mul3A_526 : i32 to vector<16xi32>
    %mul3A_528 = arith.muli %get3A_426, %mul3A_527 : vector<16xi32>
    %add3A_529 = arith.addi %mul3A_525, %mul3A_528 : vector<16xi32>
    %add3A_530 = arith.addi %add3A_529, %get3A_522 : vector<16xi32>
    %bitcast3A = vector.bitcast %add3A_530 : vector<16xi32> to vector<16xf32>
    %while3A_531 = arith.constant 0 : i32
    %while3A_532 = arith.subi %reduce_max3A_330, %while3A_531 : i32
    %while3A_533 = arith.addi %while3A_531, %while3A_532 : i32
    %while3A_534 = arith.constant 1 : i32
    %while3A_535 = arith.divsi %while3A_532, %while3A_534 : i32
    %while3A_536 = arith.muli %while3A_535, %while3A_534 : i32
    %while3A_537 = arith.addi %while3A_531, %while3A_536 : i32
    %while3A_538 = arith.constant 1 : i32
    %while3A_539:2 = scf.for %while3A_550 = %while3A_531 to %while3A_537 step %while3A_538 iter_args(%while3A_551 = %broadcast_in_dim3A_44, %while3A_552 = %broadcast_in_dim3A_44) -> (vector<16xf32>, vector<16xf32>)  : i32 {
      %mul3A_553 = arith.constant 16 : i32
      %mul3A_554 = arith.muli %while3A_550, %mul3A_553 : i32
      %get3A_555 = arith.index_cast %mul3A_554 : i32 to index
      %get3A_556 = tpu.vector_load %arg9[%get3A_555] {strides = array<i32>} : memref<32768xf32, #tpu.memory_space<vmem>>, vector<16xf32>,
      %broadcast_in_dim3A_557 = vector.broadcast %while3A_550 : i32 to vector<16xi32>
      %gt3A_558 = arith.cmpi sgt, %shift_right_arithmetic3A_320, %broadcast_in_dim3A_557 : vector<16xi32>
      %gt3A_559 = arith.cmpf ogt, %get3A_556, %bitcast3A : vector<16xf32>
      %and3A_560 = arith.andi %gt3A_558, %gt3A_559 : vector<16xi1>
      %jit3A_561 = arith.constant 0.000000e+00 : f32
      %broadcast_in_dim3A_562 = vector.broadcast %jit3A_561 : f32 to vector<16xf32>
      %select_n3A_563 = arith.select %and3A_560, %get3A_556, %broadcast_in_dim3A_562 : vector<16xi1>, vector<16xf32>
      %add3A_564 = arith.addf %while3A_551, %select_n3A_563 : vector<16xf32>
      %jit3A_565 = arith.constant 1.000000e+00 : f32
      %jit3A_566 = arith.constant 0.000000e+00 : f32
      %broadcast_in_dim3A_567 = vector.broadcast %jit3A_565 : f32 to vector<16xf32>
      %broadcast_in_dim3A_568 = vector.broadcast %jit3A_566 : f32 to vector<16xf32>
      %select_n3A_569 = arith.select %and3A_560, %broadcast_in_dim3A_567, %broadcast_in_dim3A_568 : vector<16xi1>, vector<16xf32>
      %add3A_570 = arith.addf %while3A_552, %select_n3A_569 : vector<16xf32>
      scf.yield %add3A_564, %add3A_570 : vector<16xf32>, vector<16xf32>
    }
    %while3A_540 = arith.constant 1 : i32
    %while3A_541:2 = scf.for %while3A_550 = %while3A_537 to %while3A_533 step %while3A_540 iter_args(%while3A_551 = %while3A_539#0, %while3A_552 = %while3A_539#1) -> (vector<16xf32>, vector<16xf32>)  : i32 {
      %mul3A_553 = arith.constant 16 : i32
      %mul3A_554 = arith.muli %while3A_550, %mul3A_553 : i32
      %get3A_555 = arith.index_cast %mul3A_554 : i32 to index
      %get3A_556 = tpu.vector_load %arg9[%get3A_555] {strides = array<i32>} : memref<32768xf32, #tpu.memory_space<vmem>>, vector<16xf32>,
      %broadcast_in_dim3A_557 = vector.broadcast %while3A_550 : i32 to vector<16xi32>
      %gt3A_558 = arith.cmpi sgt, %shift_right_arithmetic3A_320, %broadcast_in_dim3A_557 : vector<16xi32>
      %gt3A_559 = arith.cmpf ogt, %get3A_556, %bitcast3A : vector<16xf32>
      %and3A_560 = arith.andi %gt3A_558, %gt3A_559 : vector<16xi1>
      %jit3A_561 = arith.constant 0.000000e+00 : f32
      %broadcast_in_dim3A_562 = vector.broadcast %jit3A_561 : f32 to vector<16xf32>
      %select_n3A_563 = arith.select %and3A_560, %get3A_556, %broadcast_in_dim3A_562 : vector<16xi1>, vector<16xf32>
      %add3A_564 = arith.addf %while3A_551, %select_n3A_563 : vector<16xf32>
      %jit3A_565 = arith.constant 1.000000e+00 : f32
      %jit3A_566 = arith.constant 0.000000e+00 : f32
      %broadcast_in_dim3A_567 = vector.broadcast %jit3A_565 : f32 to vector<16xf32>
      %broadcast_in_dim3A_568 = vector.broadcast %jit3A_566 : f32 to vector<16xf32>
      %select_n3A_569 = arith.select %and3A_560, %broadcast_in_dim3A_567, %broadcast_in_dim3A_568 : vector<16xi1>, vector<16xf32>
      %add3A_570 = arith.addf %while3A_552, %select_n3A_569 : vector<16xf32>
      scf.yield %add3A_564, %add3A_570 : vector<16xf32>, vector<16xf32>
    }
    %add3A_542 = arith.addf %add3A_318, %while3A_541#0 : vector<16xf32>
    %convert_element_type3A_543 = arith.extui %eq3A_32 : i1 to i32
    %cond3A_544 = arith.constant 0 : i32
    %cond3A_545 = arith.cmpi ne, %convert_element_type3A_543, %cond3A_544 : i32
    scf.if %cond3A_545 {
      %swap3A = arith.constant 0 : index
      %swap3A_550 = tpu.vector_load %arg12[%swap3A] {strides = array<i32>} : memref<2048xf32, #tpu.memory_space<vmem>>, vector<16xf32>,
      tpu.vector_store %arg12[%swap3A], %add3A_542 {strides = array<i32>} : memref<2048xf32, #tpu.memory_space<vmem>>, vector<16xf32>,
      %swap3A_551 = arith.constant 16 : index
      %swap3A_552 = tpu.vector_load %arg12[%swap3A_551] {strides = array<i32>} : memref<2048xf32, #tpu.memory_space<vmem>>, vector<16xf32>,
      tpu.vector_store %arg12[%swap3A_551], %while3A_541#1 {strides = array<i32>} : memref<2048xf32, #tpu.memory_space<vmem>>, vector<16xf32>,
      "tpu.region"() ({
        %run_scoped3A = tpu.sem_alloc : memref<!tpu.dma_semaphore, #tpu.memory_space<semaphore_mem>>
        %dma_start3A_553 = arith.constant 0 : i32
        %dma_start3A_554 = tpu.memref_slice %arg16[%add3A, %dma_start3A_553] : memref<16x2048xf32, #tpu.memory_space<vmem_shared>> -> memref<1x2048xf32, #tpu.memory_space<vmem_shared>>
        %dma_start3A_555 = tpu.memref_squeeze %dma_start3A_554 : memref<1x2048xf32, #tpu.memory_space<vmem_shared>> -> memref<2048xf32, #tpu.memory_space<vmem_shared>>
        %dma_start3A_556 = arith.constant 0 : i32
        %dma_start3A_557 = tpu.memref_slice %arg16[%add3A, %dma_start3A_556] : memref<16x2048xf32, #tpu.memory_space<vmem_shared>> -> memref<1x2048xf32, #tpu.memory_space<vmem_shared>>
        %dma_start3A_558 = tpu.memref_squeeze %dma_start3A_557 : memref<1x2048xf32, #tpu.memory_space<vmem_shared>> -> memref<2048xf32, #tpu.memory_space<vmem_shared>>
        tpu.enqueue_dma source(%arg12 : memref<2048xf32, #tpu.memory_space<vmem>>) target(%dma_start3A_558 : memref<2048xf32, #tpu.memory_space<vmem_shared>>) target_semaphore(%run_scoped3A : memref<!tpu.dma_semaphore, #tpu.memory_space<semaphore_mem>>)
        %dma_wait3A_559 = arith.constant 0 : i32
        %dma_wait3A_560 = tpu.memref_slice %arg16[%add3A, %dma_wait3A_559] : memref<16x2048xf32, #tpu.memory_space<vmem_shared>> -> memref<1x2048xf32, #tpu.memory_space<vmem_shared>>
        %dma_wait3A_561 = tpu.memref_squeeze %dma_wait3A_560 : memref<1x2048xf32, #tpu.memory_space<vmem_shared>> -> memref<2048xf32, #tpu.memory_space<vmem_shared>>
        %dma_wait3A_562 = arith.constant 0 : i32
        %dma_wait3A_563 = tpu.memref_slice %arg16[%add3A, %dma_wait3A_562] : memref<16x2048xf32, #tpu.memory_space<vmem_shared>> -> memref<1x2048xf32, #tpu.memory_space<vmem_shared>>
        %dma_wait3A_564 = tpu.memref_squeeze %dma_wait3A_563 : memref<1x2048xf32, #tpu.memory_space<vmem_shared>> -> memref<2048xf32, #tpu.memory_space<vmem_shared>>
        tpu.wait_dma2 semaphore(%run_scoped3A : memref<!tpu.dma_semaphore, #tpu.memory_space<semaphore_mem>>) src(%arg12 : memref<2048xf32, #tpu.memory_space<vmem>>) dst(%dma_wait3A_564 : memref<2048xf32, #tpu.memory_space<vmem_shared>>)
        tpu.yield
      }) : () -> ()
    } else {
    }
    %barrier3A_546 = arith.constant 0 : index
    tpu.barrier barrier_id(%barrier3A_546)
    %convert_element_type3A_547 = arith.extui %eq3A_34 : i1 to i32
    %cond3A_548 = arith.constant 0 : i32
    %cond3A_549 = arith.cmpi ne, %convert_element_type3A_547, %cond3A_548 : i32
    scf.if %cond3A_549 {
      "tpu.region"() ({
        %run_scoped3A = tpu.sem_alloc : memref<!tpu.dma_semaphore, #tpu.memory_space<semaphore_mem>>
        %dma_start3A_579 = arith.constant 0 : i32
        %dma_start3A_580 = tpu.memref_slice %arg16[%add3A, %dma_start3A_579] : memref<16x2048xf32, #tpu.memory_space<vmem_shared>> -> memref<1x2048xf32, #tpu.memory_space<vmem_shared>>
        %dma_start3A_581 = tpu.memref_squeeze %dma_start3A_580 : memref<1x2048xf32, #tpu.memory_space<vmem_shared>> -> memref<2048xf32, #tpu.memory_space<vmem_shared>>
        %dma_start3A_582 = arith.constant 0 : i32
        %dma_start3A_583 = tpu.memref_slice %arg16[%add3A, %dma_start3A_582] : memref<16x2048xf32, #tpu.memory_space<vmem_shared>> -> memref<1x2048xf32, #tpu.memory_space<vmem_shared>>
        %dma_start3A_584 = tpu.memref_squeeze %dma_start3A_583 : memref<1x2048xf32, #tpu.memory_space<vmem_shared>> -> memref<2048xf32, #tpu.memory_space<vmem_shared>>
        tpu.enqueue_dma source(%dma_start3A_584 : memref<2048xf32, #tpu.memory_space<vmem_shared>>) target(%arg12 : memref<2048xf32, #tpu.memory_space<vmem>>) target_semaphore(%run_scoped3A : memref<!tpu.dma_semaphore, #tpu.memory_space<semaphore_mem>>)
        %dma_wait3A_585 = arith.constant 0 : i32
        %dma_wait3A_586 = tpu.memref_slice %arg16[%add3A, %dma_wait3A_585] : memref<16x2048xf32, #tpu.memory_space<vmem_shared>> -> memref<1x2048xf32, #tpu.memory_space<vmem_shared>>
        %dma_wait3A_587 = tpu.memref_squeeze %dma_wait3A_586 : memref<1x2048xf32, #tpu.memory_space<vmem_shared>> -> memref<2048xf32, #tpu.memory_space<vmem_shared>>
        %dma_wait3A_588 = arith.constant 0 : i32
        %dma_wait3A_589 = tpu.memref_slice %arg16[%add3A, %dma_wait3A_588] : memref<16x2048xf32, #tpu.memory_space<vmem_shared>> -> memref<1x2048xf32, #tpu.memory_space<vmem_shared>>
        %dma_wait3A_590 = tpu.memref_squeeze %dma_wait3A_589 : memref<1x2048xf32, #tpu.memory_space<vmem_shared>> -> memref<2048xf32, #tpu.memory_space<vmem_shared>>
        tpu.wait_dma2 semaphore(%run_scoped3A : memref<!tpu.dma_semaphore, #tpu.memory_space<semaphore_mem>>) src(%dma_wait3A_590 : memref<2048xf32, #tpu.memory_space<vmem_shared>>) dst(%arg12 : memref<2048xf32, #tpu.memory_space<vmem>>)
        tpu.yield
      }) : () -> ()
      %get3A_550 = arith.constant 0 : index
      %get3A_551 = tpu.vector_load %arg12[%get3A_550] {strides = array<i32>} : memref<2048xf32, #tpu.memory_space<vmem>>, vector<16xf32>,
      %get3A_552 = arith.constant 16 : index
      %get3A_553 = tpu.vector_load %arg12[%get3A_552] {strides = array<i32>} : memref<2048xf32, #tpu.memory_space<vmem>>, vector<16xf32>,
      %add3A_554 = arith.addf %add3A_542, %get3A_551 : vector<16xf32>
      %reduce_sum3A_555 = arith.constant true
      %reduce_sum3A_556 = vector.broadcast %reduce_sum3A_555 : i1 to vector<16xi1>
      %reduce_sum3A_557 = tpu.scan <sum>, %add3A_554 masked %reduce_sum3A_556 : vector<16xf32>, vector<16xi1> -> vector<16xf32>
      %reduce_sum3A_558 = vector.extract %reduce_sum3A_557[15] : f32 from vector<16xf32>
      %convert_element_type3A_559 = arith.sitofp %add3A_210 : i32 to f32
      %add3A_560 = arith.addf %while3A_541#1, %get3A_553 : vector<16xf32>
      %reduce_sum3A_561 = arith.constant true
      %reduce_sum3A_562 = vector.broadcast %reduce_sum3A_561 : i1 to vector<16xi1>
      %reduce_sum3A_563 = tpu.scan <sum>, %add3A_560 masked %reduce_sum3A_562 : vector<16xf32>, vector<16xi1> -> vector<16xf32>
      %reduce_sum3A_564 = vector.extract %reduce_sum3A_563[15] : f32 from vector<16xf32>
      %add3A_565 = arith.addf %convert_element_type3A_559, %reduce_sum3A_564 : f32
      %sub3A_566 = arith.constant 7.864300e+04 : f32
      %sub3A_567 = arith.subf %sub3A_566, %add3A_565 : f32
      %broadcast_in_dim3A_568 = vector.broadcast %reduce_sum3A_558 : f32 to vector<16xf32>
      %broadcast_in_dim3A_569 = vector.broadcast %sub3A_567 : f32 to vector<16xf32>
      %mul3A_570 = arith.mulf %broadcast_in_dim3A_569, %bitcast3A : vector<16xf32>
      %add3A_571 = arith.addf %broadcast_in_dim3A_568, %mul3A_570 : vector<16xf32>
      %swap3A = arith.constant 0 : index
      %swap3A_572 = tpu.vector_load %arg13[%swap3A] {strides = array<i32>} : memref<64xf32, #tpu.memory_space<vmem>>, vector<16xf32>,
      tpu.vector_store %arg13[%swap3A], %add3A_571 {strides = array<i32>} : memref<64xf32, #tpu.memory_space<vmem>>, vector<16xf32>,
      %swap3A_573 = arith.constant 16 : index
      %swap3A_574 = tpu.vector_load %arg13[%swap3A_573] {strides = array<i32>} : memref<64xf32, #tpu.memory_space<vmem>>, vector<16xf32>,
      tpu.vector_store %arg13[%swap3A_573], %add3A_571 {strides = array<i32>} : memref<64xf32, #tpu.memory_space<vmem>>, vector<16xf32>,
      %swap3A_575 = arith.constant 32 : index
      %swap3A_576 = tpu.vector_load %arg13[%swap3A_575] {strides = array<i32>} : memref<64xf32, #tpu.memory_space<vmem>>, vector<16xf32>,
      tpu.vector_store %arg13[%swap3A_575], %add3A_571 {strides = array<i32>} : memref<64xf32, #tpu.memory_space<vmem>>, vector<16xf32>,
      %swap3A_577 = arith.constant 48 : index
      %swap3A_578 = tpu.vector_load %arg13[%swap3A_577] {strides = array<i32>} : memref<64xf32, #tpu.memory_space<vmem>>, vector<16xf32>,
      tpu.vector_store %arg13[%swap3A_577], %add3A_571 {strides = array<i32>} : memref<64xf32, #tpu.memory_space<vmem>>, vector<16xf32>,
      "tpu.region"() ({
        %run_scoped3A = tpu.sem_alloc : memref<!tpu.dma_semaphore, #tpu.memory_space<semaphore_mem>>
        %dma_start3A_579 = arith.constant 0 : i32
        %dma_start3A_580 = tpu.memref_slice %arg3[%add3A, %dma_start3A_579] : memref<16x64xf32, #tpu.memory_space<hbm>> -> memref<1x64xf32, #tpu.memory_space<hbm>>
        %dma_start3A_581 = tpu.memref_squeeze %dma_start3A_580 : memref<1x64xf32, #tpu.memory_space<hbm>> -> memref<64xf32, #tpu.memory_space<hbm>>
        %dma_start3A_582 = arith.constant 0 : i32
        %dma_start3A_583 = tpu.memref_slice %arg3[%add3A, %dma_start3A_582] : memref<16x64xf32, #tpu.memory_space<hbm>> -> memref<1x64xf32, #tpu.memory_space<hbm>>
        %dma_start3A_584 = tpu.memref_squeeze %dma_start3A_583 : memref<1x64xf32, #tpu.memory_space<hbm>> -> memref<64xf32, #tpu.memory_space<hbm>>
        tpu.enqueue_dma source(%arg13 : memref<64xf32, #tpu.memory_space<vmem>>) target(%dma_start3A_584 : memref<64xf32, #tpu.memory_space<hbm>>) target_semaphore(%run_scoped3A : memref<!tpu.dma_semaphore, #tpu.memory_space<semaphore_mem>>)
        %dma_wait3A_585 = arith.constant 0 : i32
        %dma_wait3A_586 = tpu.memref_slice %arg3[%add3A, %dma_wait3A_585] : memref<16x64xf32, #tpu.memory_space<hbm>> -> memref<1x64xf32, #tpu.memory_space<hbm>>
        %dma_wait3A_587 = tpu.memref_squeeze %dma_wait3A_586 : memref<1x64xf32, #tpu.memory_space<hbm>> -> memref<64xf32, #tpu.memory_space<hbm>>
        %dma_wait3A_588 = arith.constant 0 : i32
        %dma_wait3A_589 = tpu.memref_slice %arg3[%add3A, %dma_wait3A_588] : memref<16x64xf32, #tpu.memory_space<hbm>> -> memref<1x64xf32, #tpu.memory_space<hbm>>
        %dma_wait3A_590 = tpu.memref_squeeze %dma_wait3A_589 : memref<1x64xf32, #tpu.memory_space<hbm>> -> memref<64xf32, #tpu.memory_space<hbm>>
        tpu.wait_dma2 semaphore(%run_scoped3A : memref<!tpu.dma_semaphore, #tpu.memory_space<semaphore_mem>>) src(%arg13 : memref<64xf32, #tpu.memory_space<vmem>>) dst(%dma_wait3A_590 : memref<64xf32, #tpu.memory_space<hbm>>)
        tpu.yield
      }) : () -> ()
    } else {
    }
    return
  }
}

module attributes {stable_mosaic.version = 14 : i64} {
  func.func @_tc_body(%arg0: i32, %arg1: memref<1x2048x128xf32, #tpu.memory_space<vmem>>, %arg2: memref<1x2048x128xi32, #tpu.memory_space<vmem>>, %arg3: memref<1x2048x128xf32, #tpu.memory_space<vmem>>, %arg4: memref<1x1x1xf32, #tpu.memory_space<smem>>, %arg5: memref<1x1x1xf32, #tpu.memory_space<smem>>, %arg6: memref<1x1x1xf32, #tpu.memory_space<smem>>) attributes {dimension_semantics = [#tpu.dimension_semantics<arbitrary>], iteration_bounds = array<i64: 16>, scalar_prefetch = 0 : i64, scratch_operands = 0 : i64, tpu.core_type = #tpu.core_type<tc>, window_params = [{transform_indices = @transform_0, window_bounds = array<i64: 1, 2048, 128>}, {transform_indices = @transform_1, window_bounds = array<i64: 1, 2048, 128>}, {transform_indices = @transform_2, window_bounds = array<i64: 1, 2048, 128>}, {transform_indices = @transform_3, window_bounds = array<i64: 1, 1, 1>}, {transform_indices = @transform_4, window_bounds = array<i64: 1, 1, 1>}, {transform_indices = @transform_5, window_bounds = array<i64: 1, 1, 1>}]} {
    %get3A = arith.constant 0 : index
    %get3A_0 = arith.constant 0 : index
    %get3A_1 = arith.constant 0 : index
    %get3A_2 = vector.load %arg1[%get3A, %get3A_0, %get3A_1] : memref<1x2048x128xf32, #tpu.memory_space<vmem>>, vector<1x2048x128xf32>
    %get3A_3 = vector.shape_cast %get3A_2 : vector<1x2048x128xf32> to vector<2048x128xf32>
    %get3A_4 = arith.constant 0 : index
    %get3A_5 = arith.constant 0 : index
    %get3A_6 = arith.constant 0 : index
    %get3A_7 = vector.load %arg2[%get3A_4, %get3A_5, %get3A_6] : memref<1x2048x128xi32, #tpu.memory_space<vmem>>, vector<1x2048x128xi32>
    %get3A_8 = vector.shape_cast %get3A_7 : vector<1x2048x128xi32> to vector<2048x128xi32>
    %convert_element_type3A = arith.sitofp %get3A_8 : vector<2048x128xi32> to vector<2048x128xf32>
    %max3A = arith.constant 0.000000e+00 : f32
    %max3A_9 = vector.broadcast %max3A : f32 to vector<2048x128xf32>
    %max3A_10 = arith.maximumf %get3A_3, %max3A_9 : vector<2048x128xf32>
    %mul3A = arith.mulf %get3A_3, %convert_element_type3A : vector<2048x128xf32>
    %sub3A = arith.subf %max3A_10, %mul3A : vector<2048x128xf32>
    %abs3A = math.absf %get3A_3 : vector<2048x128xf32>
    %neg3A = arith.constant 0.000000e+00 : f32
    %neg3A_11 = vector.broadcast %neg3A : f32 to vector<2048x128xf32>
    %neg3A_12 = arith.subf %neg3A_11, %abs3A : vector<2048x128xf32>
    %exp3A = math.exp %neg3A_12 : vector<2048x128xf32>
    %log1p3A = math.log1p %exp3A : vector<2048x128xf32>
    %add3A = arith.addf %sub3A, %log1p3A : vector<2048x128xf32>
    %neg3A_13 = arith.constant 0.000000e+00 : f32
    %neg3A_14 = vector.broadcast %neg3A_13 : f32 to vector<2048x128xf32>
    %neg3A_15 = arith.subf %neg3A_14, %add3A : vector<2048x128xf32>
    %exp3A_16 = math.exp %neg3A_15 : vector<2048x128xf32>
    %sub3A_17 = arith.constant 1.000000e+00 : f32
    %sub3A_18 = vector.broadcast %sub3A_17 : f32 to vector<2048x128xf32>
    %sub3A_19 = arith.subf %sub3A_18, %exp3A_16 : vector<2048x128xf32>
    %integer_pow3A = arith.mulf %sub3A_19, %sub3A_19 : vector<2048x128xf32>
    %mul3A_20 = arith.constant 2.500000e-01 : f32
    %mul3A_21 = vector.broadcast %mul3A_20 : f32 to vector<2048x128xf32>
    %mul3A_22 = arith.mulf %mul3A_21, %integer_pow3A : vector<2048x128xf32>
    %mul3A_23 = arith.mulf %mul3A_22, %add3A : vector<2048x128xf32>
    %swap3A = arith.constant 0 : index
    %swap3A_24 = arith.constant 0 : index
    %swap3A_25 = arith.constant 0 : index
    %swap3A_26 = vector.load %arg3[%swap3A, %swap3A_24, %swap3A_25] : memref<1x2048x128xf32, #tpu.memory_space<vmem>>, vector<1x2048x128xf32>
    %swap3A_27 = vector.shape_cast %swap3A_26 : vector<1x2048x128xf32> to vector<2048x128xf32>
    %swap3A_28 = vector.shape_cast %mul3A_23 : vector<2048x128xf32> to vector<1x2048x128xf32>
    tpu.vector_store %arg3[%swap3A, %swap3A_24, %swap3A_25], %swap3A_28 {strides = array<i32>} : memref<1x2048x128xf32, #tpu.memory_space<vmem>>, vector<1x2048x128xf32>,
    %neg3A_29 = arith.constant 0.000000e+00 : f32
    %neg3A_30 = vector.broadcast %neg3A_29 : f32 to vector<2048x128xf32>
    %neg3A_31 = arith.subf %neg3A_30, %get3A_3 : vector<2048x128xf32>
    %exp3A_32 = math.exp %neg3A_31 : vector<2048x128xf32>
    %add3A_33 = arith.constant 1.000000e+00 : f32
    %add3A_34 = vector.broadcast %add3A_33 : f32 to vector<2048x128xf32>
    %add3A_35 = arith.addf %add3A_34, %exp3A_32 : vector<2048x128xf32>
    %div3A = arith.constant 1.000000e+00 : f32
    %div3A_36 = vector.broadcast %div3A : f32 to vector<2048x128xf32>
    %div3A_37 = arith.divf %div3A_36, %add3A_35 : vector<2048x128xf32>
    %mul3A_38 = arith.mulf %div3A_37, %convert_element_type3A : vector<2048x128xf32>
    %reduce_sum3A = vector.shape_cast %mul3A_38 : vector<2048x128xf32> to vector<1x2048x128xf32>
    %reduce_sum3A_39 = arith.constant dense<0.000000e+00> : vector<1xf32>
    %reduce_sum3A_40 = vector.multi_reduction <add>, %reduce_sum3A, %reduce_sum3A_39 [1, 2] : vector<1x2048x128xf32> to vector<1xf32>
    %reduce_sum3A_41 = vector.shape_cast %reduce_sum3A_40 : vector<1xf32> to vector<1x1x1xf32>
    %reduce_sum3A_42 = vector.extract %reduce_sum3A_41[0, 0, 0] : f32 from vector<1x1x1xf32>
    %swap3A_43 = arith.constant 0 : index
    %swap3A_44 = arith.constant 0 : index
    %swap3A_45 = arith.constant 0 : index
    %swap3A_46 = memref.load %arg4[%swap3A_43, %swap3A_44, %swap3A_45] : memref<1x1x1xf32, #tpu.memory_space<smem>>
    memref.store %reduce_sum3A_42, %arg4[%swap3A_43, %swap3A_44, %swap3A_45] : memref<1x1x1xf32, #tpu.memory_space<smem>>
    %reduce_sum3A_47 = vector.shape_cast %div3A_37 : vector<2048x128xf32> to vector<1x2048x128xf32>
    %reduce_sum3A_48 = arith.constant dense<0.000000e+00> : vector<1xf32>
    %reduce_sum3A_49 = vector.multi_reduction <add>, %reduce_sum3A_47, %reduce_sum3A_48 [1, 2] : vector<1x2048x128xf32> to vector<1xf32>
    %reduce_sum3A_50 = vector.shape_cast %reduce_sum3A_49 : vector<1xf32> to vector<1x1x1xf32>
    %reduce_sum3A_51 = vector.extract %reduce_sum3A_50[0, 0, 0] : f32 from vector<1x1x1xf32>
    %swap3A_52 = arith.constant 0 : index
    %swap3A_53 = arith.constant 0 : index
    %swap3A_54 = arith.constant 0 : index
    %swap3A_55 = memref.load %arg5[%swap3A_52, %swap3A_53, %swap3A_54] : memref<1x1x1xf32, #tpu.memory_space<smem>>
    memref.store %reduce_sum3A_51, %arg5[%swap3A_52, %swap3A_53, %swap3A_54] : memref<1x1x1xf32, #tpu.memory_space<smem>>
    %reduce_sum3A_56 = vector.shape_cast %convert_element_type3A : vector<2048x128xf32> to vector<1x2048x128xf32>
    %reduce_sum3A_57 = arith.constant dense<0.000000e+00> : vector<1xf32>
    %reduce_sum3A_58 = vector.multi_reduction <add>, %reduce_sum3A_56, %reduce_sum3A_57 [1, 2] : vector<1x2048x128xf32> to vector<1xf32>
    %reduce_sum3A_59 = vector.shape_cast %reduce_sum3A_58 : vector<1xf32> to vector<1x1x1xf32>
    %reduce_sum3A_60 = vector.extract %reduce_sum3A_59[0, 0, 0] : f32 from vector<1x1x1xf32>
    %swap3A_61 = arith.constant 0 : index
    %swap3A_62 = arith.constant 0 : index
    %swap3A_63 = arith.constant 0 : index
    %swap3A_64 = memref.load %arg6[%swap3A_61, %swap3A_62, %swap3A_63] : memref<1x1x1xf32, #tpu.memory_space<smem>>
    memref.store %reduce_sum3A_60, %arg6[%swap3A_61, %swap3A_62, %swap3A_63] : memref<1x1x1xf32, #tpu.memory_space<smem>>
    return
  }
  func.func @transform_0(%arg0: i32) -> (i32, i32, i32) {
    %c0_i32 = arith.constant 0 : i32
    %c0_i32_0 = arith.constant 0 : i32
    %c0_i32_1 = arith.constant 0 : i32
    return %arg0, %c0_i32, %c0_i32_0 : i32, i32, i32
  }
  func.func @transform_1(%arg0: i32) -> (i32, i32, i32) {
    %c0_i32 = arith.constant 0 : i32
    %c0_i32_0 = arith.constant 0 : i32
    %c0_i32_1 = arith.constant 0 : i32
    return %arg0, %c0_i32, %c0_i32_0 : i32, i32, i32
  }
  func.func @transform_2(%arg0: i32) -> (i32, i32, i32) {
    %c0_i32 = arith.constant 0 : i32
    %c0_i32_0 = arith.constant 0 : i32
    %c0_i32_1 = arith.constant 0 : i32
    return %arg0, %c0_i32, %c0_i32_0 : i32, i32, i32
  }
  func.func @transform_3(%arg0: i32) -> (i32, i32, i32) {
    %c0_i32 = arith.constant 0 : i32
    %c0_i32_0 = arith.constant 0 : i32
    %c0_i32_1 = arith.constant 0 : i32
    return %arg0, %c0_i32, %c0_i32_0 : i32, i32, i32
  }
  func.func @transform_4(%arg0: i32) -> (i32, i32, i32) {
    %c0_i32 = arith.constant 0 : i32
    %c0_i32_0 = arith.constant 0 : i32
    %c0_i32_1 = arith.constant 0 : i32
    return %arg0, %c0_i32, %c0_i32_0 : i32, i32, i32
  }
  func.func @transform_5(%arg0: i32) -> (i32, i32, i32) {
    %c0_i32 = arith.constant 0 : i32
    %c0_i32_0 = arith.constant 0 : i32
    %c0_i32_1 = arith.constant 0 : i32
    return %arg0, %c0_i32, %c0_i32_0 : i32, i32, i32
  }
}

</mosaic_0001>

<sc_bundles>
// kernel: kernel.4.cloned.1.call-start
scs
__scs_entry_jumppad:
0x0: {  	(pc) =	sbr.rel $0x88, $3  }
0x1: {  	(tag) =	ssettag $0x0;
	lr =	simm.s32 $0x1  }
0x2: {  	[smem:$0x3F9F] =	sst lr;
	_ =	strace $0xD0000000  }
0x3: {  	_ = 	snop  }
0x4: {  	_ = 	snop  }
0x5: {  	_ = 	snop  }
0x6: {  	_ = 	snop  }
0x7: {  	_ = 	snop  }
__scs_overlays_trampoline_lowered:
0x8: {  	[smem:$0x3FAE] =	sst s0  }
0x9: {  	[smem:$0x3FAF] =	sst s1  }
0xa: {  	[smem:$0x3FB0] =	sst s2  }
0xb: {  	[smem:$0x3FB1] =	sst s3  }
0xc: {  	[smem:$0x3FB2] =	sst s4  }
0xd: {  	[smem:$0x3FB3] =	sst s5  }
0xe: {  	[smem:$0x3FB4] =	sst s6  }
0xf: {  	[smem:$0x3FB5] =	sst s7  }
0x10: {  	[smem:$0x3FB6] =	sst s8  }
0x11: {  	[smem:$0x3FB7] =	sst s9;
	s0 =	simm.s32 @!p0 $0x0  }
0x12: {  	s1 =	sld [smem:$0x3F9D];
	s0 =	simm.s32 @p0 $0x1  }
0x13: {  	[smem:$0x3FB8] =	sst s0;
	s0 =	simm.s32 @!p1 $0x0  }
0x14: {  	s2 =	sld [smem:$0x3F9C];
	s0 =	simm.s32 @p1 $0x1  }
0x15: {  	[smem:$0x3FB9] =	sst s0;
	s0 =	simm.s32 @!p2 $0x0  }
0x16: {  	s3 =	sld [smem:$0x3FDB];
	s0 =	simm.s32 @p2 $0x1  }
0x17: {  	s4 =	simm.s32 $0x1BF5;
	[smem:$0x3FBB] =	sst s0  }
0x18: {  	s0 =	sld [smem:$0x3F9E];
	_ =	swait.ge [sflag:s4], $0x0  }
0x19: {  	s7 =	sld [smem:$0x3F9F]  }
0x1a: {  	s8 =	sadd.s32 $0xFFFFE003, lr  }
0x1b: {  	s9 =	sadd.s32 $0xFFFFFEF7, lr;
	s5 =	simm.s32 $0xFFFFFFFF;
	p2 =	slt.u32 s8, $0xFFFFF086  }
0x1c: {  	p1 =	slt.u32 s9, $0xF7A;
	s5 =	simm.s32 @!p2 $0x0  }
0x1d: {  	s5 =	simm.s32 @p1 $0x1;
	p0 =	seq.s32 s7, s2  }
0x1e: {  	s7 =	smul.u32 @!p0 $0xF7A, s2;
	p2 =	seq.s32 @!p0 s5, $0x0  }
0x1f: {  	s9 =	smul.u32 $0xF7A, s1;
	s8 =	simm.s32 @!p0 $0x1BF5;
	p2 =	por !p2, p0  }
0x20: {  	[sflag:s8] =	ssyncset.s32 @!p0 $0xFFFFF086;
	s6 =	sadd.s32 @!p0 s3, s7;
	s7 =	simm.s32 @!p0 $0x108  }
0x21: {  	s3 =	sadd.s32 s3, s9;
	s6 =	sadd.s32 @!p0 $0x88, s6;
	s7 =	simm.s32 @p2 $0x1082  }
0x22: {  	[simem:s7], [sflag:s8] =	dma.local @!p0 [hbm:s6], $0xF7A  }
0x23: {  	s9 =	sor.u32 $0xD0000000, s2;
	s6 =	simm.s32 $0x108;
	_ =	swait.ge @!p0 [sflag:s8], $0x0  }
0x24: {  	s3 =	sadd.s32 $0x88, s3;
	s6 =	simm.s32 @!p1 $0x1082;
	[sflag:s4] =	ssyncset.s32 $0xFFFFF086  }
0x25: {  	[simem:s6], [sflag:s4] =	dma.local [hbm:s3], $0xF7A  }
0x26: {  	[smem:$0x3F9F] =	sst s1;
	(tag) =	ssettag s2;
	_ =	strace s9  }
0x27: {  	s1 =	sld [smem:$0x3FAF]  }
0x28: {  	s2 =	sld [smem:$0x3FB0]  }
0x29: {  	s4 =	sld [smem:$0x3FB2]  }
0x2a: {  	p0 =	seq.s32 s5, $0x0;
	s5 =	sld [smem:$0x3FB3]  }
0x2b: {  	s6 =	sld [smem:$0x3FB4]  }
0x2c: {  	s7 =	sld [smem:$0x3FB5]  }
0x2d: {  	s3 =	simm.s32 $0x108;
	s8 =	sld [smem:$0x3FB6]  }
0x2e: {  	s3 =	simm.s32 @!p0 $0x1082;
	s9 =	sld [smem:$0x3FB7]  }
0x2f: {  	lr =	sadd.s32 s0, s3;
	s0 =	sld [smem:$0x3FAE]  }
0x30: {  	s3 =	sld [smem:$0x3FB1]  }
0x31: {  	[smem:$0x3FBA] =	sst s10  }
0x32: {  	s10 =	sld [smem:$0x3FB8];
	_ =	sdelay $0x3  }
0x33: {  	p0 =	seq.s32 s10, $0x1;
	s10 =	sld [smem:$0x3FBA];
	_ =	sdelay $0x3  }
0x34: {  	[smem:$0x3FBA] =	sst s10  }
0x35: {  	s10 =	sld [smem:$0x3FB9];
	_ =	sdelay $0x3  }
0x36: {  	p1 =	seq.s32 s10, $0x1;
	s10 =	sld [smem:$0x3FBA];
	_ =	sdelay $0x3  }
0x37: {  	[smem:$0x3FBA] =	sst s10  }
0x38: {  	s10 =	sld [smem:$0x3FBB]  }
0x39: {  	_ = 	snop;
	(pc) =	sbr.ind lr, $3  }
0x3a: {  	_ = 	snop  }
0x3b: {  	_ = 	snop  }
0x3c: {  	p2 =	seq.s32 s10, $0x1;
	s10 =	sld [smem:$0x3FBA]  }
0x3d: {  	_ =	shalt  }
0x3e: {  	_ =	shalt  }
0x3f: {  	_ =	shalt  }
0x40: {  	_ =	shalt  }
0x41: {  	_ =	shalt  }
0x42: {  	_ =	shalt  }
0x43: {  	_ =	shalt  }
0x44: {  	_ =	shalt  }
0x45: {  	_ =	shalt  }
0x46: {  	_ =	shalt  }
0x47: {  	_ =	shalt  }
0x48: {  	_ =	shalt  }
0x49: {  	_ =	shalt  }
0x4a: {  	_ =	shalt  }
0x4b: {  	_ =	shalt  }
0x4c: {  	_ =	shalt  }
0x4d: {  	_ =	shalt  }
0x4e: {  	_ =	shalt  }
0x4f: {  	_ =	shalt  }
0x50: {  	_ =	shalt  }
0x51: {  	_ =	shalt  }
0x52: {  	_ =	shalt  }
0x53: {  	_ =	shalt  }
0x54: {  	_ =	shalt  }
0x55: {  	_ =	shalt  }
0x56: {  	_ =	shalt  }
0x57: {  	_ =	shalt  }
0x58: {  	_ =	shalt  }
0x59: {  	_ =	shalt  }
0x5a: {  	_ =	shalt  }
0x5b: {  	_ =	shalt  }
0x5c: {  	_ =	shalt  }
0x5d: {  	_ =	shalt  }
0x5e: {  	_ =	shalt  }
0x5f: {  	_ =	shalt  }
0x60: {  	_ =	shalt  }
0x61: {  	_ =	shalt  }
0x62: {  	_ =	shalt  }
0x63: {  	_ =	shalt  }
0x64: {  	_ =	shalt  }
0x65: {  	_ =	shalt  }
0x66: {  	_ =	shalt  }
0x67: {  	_ =	shalt  }
0x68: {  	_ =	shalt  }
0x69: {  	_ =	shalt  }
0x6a: {  	_ =	shalt  }
0x6b: {  	_ =	shalt  }
0x6c: {  	_ =	shalt  }
0x6d: {  	_ =	shalt  }
0x6e: {  	_ =	shalt  }
0x6f: {  	_ =	shalt  }
0x70: {  	_ =	shalt  }
0x71: {  	_ =	shalt  }
0x72: {  	_ =	shalt  }
0x73: {  	_ =	shalt  }
0x74: {  	_ =	shalt  }
0x75: {  	_ =	shalt  }
0x76: {  	_ =	shalt  }
0x77: {  	_ =	shalt  }
0x78: {  	_ =	shalt  }
0x79: {  	_ =	shalt  }
0x7a: {  	_ =	shalt  }
0x7b: {  	_ =	shalt  }
0x7c: {  	_ =	shalt  }
0x7d: {  	_ =	shalt  }
0x7e: {  	_ =	shalt  }
0x7f: {  	_ =	shalt  }
0x80: {  	_ =	shalt  }
0x81: {  	_ =	shalt  }
0x82: {  	_ =	shalt  }
0x83: {  	_ =	shalt  }
0x84: {  	_ =	shalt  }
0x85: {  	_ =	shalt  }
0x86: {  	_ =	shalt  }
0x87: {  	_ =	shalt  }
.Lfunc_end0:
.L_simem_size_0:
called_computation_lowered:
.L_overlay_start_0:
0x88: {  	s2 =	sld [smem:$0x3FD9]  }
0x89: {  	s3 =	sld [smem:$0x3FFE];
	_ =	sdelay $0x1  }
0x8a: {  	s1 =	srdreg.scid  }
0x8b: {  	s0 =	sand.u32 $0x1, s1  }
0x8c: {  	s16 =	sshll.u32 s0, $0xA;
	s2 =	sadd.s32 s3, s2  }
0x8d: {  	s2 =	sadd.s32 s2, s16  }
0x8e: {  	[smem:$0x3FC6] =	sst s2  }
0x8f: {  	_ = 	snop  }
0x90: {  	(tm) =	ssettm $0x1  }
0x91: {  	s17 =	sld [smem:$0x3FFB];
	_ =	sdelay $0x3  }
0x92: {  	_ =	strace s17  }
0x93: {  	s2 =	sld [smem:$0x3FFC];
	_ =	sdelay $0x3  }
0x94: {  	_ =	strace s2  }
0x95: {  	s2 =	sld [smem:$0x3FFD];
	_ =	sdelay $0x3  }
0x96: {  	_ =	strace s2  }
0x97: {  	_ =	strace $0x8FFFFFFF  }
0x98: {  	s18 =	sld [smem:$0x3FDB];
	_ =	sdelay $0x1  }
0x99: {  	s19 =	simm.s32 $_scs_section_size  }
0x9a: {  	s4 =	simm.s32 $_size__tile_overlayer_lowered;
	s5 =	simm.s32 $_tile_overlayer_lowered  }
0x9b: {  	s22 =	simm.s32 $0x1BFF;
	s21 =	sshll.u32 s5, $0x1;
	s2 =	sadd.s32 s19, s18  }
0x9c: {  	s6 =	simm.s32 $0x0;
	s20 =	sshll.u32 s4, $0x1;
	s4 =	sadd.s32 s21, s2  }
0x9d: {  	[timem:s6], [sflag:s22] =	dma.local [hbm:s4], s20  }
0x9e: {  	_ =	swait.ge [sflag:s22], s20  }
0x9f: {  	s3 =	ssub.s32 $0x0, s20;
	[sflag:s22] =	ssyncset.done $0x0  }
0xa0: {  	[sflag:s22] =	ssyncadd.s32 s3;
	_ =	sdelay $0x1  }
0xa1: {  	s23 =	simm.s32 $0x1B8B  }
0xa2: {  	_ =	swait.ge [sflag:s23], $0x1  }
0xa3: {  	[sflag:s23] =	ssyncset.done $0x0  }
0xa4: {  	s25 =	simm.s32 $0x1B8E;
	s24 =	sld [smem:$0x3FFE];
	[sflag:s23] =	ssyncadd.s32 $0xFFFFFFFF  }
0xa5: {  	s26 =	simm.s32 $execute0_lowered;
	[smem:$0x3FD2] =	sst s25  }
0xa6: {  	s4 =	sshll.u32 s26, $0x1;
	_ =	strace $0x80000046;
	[dreg:$0x1] =	wrdreg $0xFFFFFFFF  }
0xa7: {  	s28 =	simm.s32 $_size_execute0_lowered;
	s2 =	sadd.s32 s2, s4;
	[dreg:$0x0] =	wrdreg $0x0  }
0xa8: {  	s4 =	sshll.u32 s28, $0x1;
	[dreg:$0x2] =	wrdreg s2  }
0xa9: {  	[dreg:$0x3] =	wrdreg s4  }
0xaa: {  	[dreg:$0x4] =	wrdreg $0xC0  }
0xab: {  	_ =	task [dreg:s6], $0x5FFFF  }
0xac: {  	[dreg:$0x1] =	wrdreg $0xFFFFFFFF  }
0xad: {  	[dreg:$0x0] =	wrdreg $0x60  }
0xae: {  	[dreg:$0x2] =	wrdreg s24  }
0xaf: {  	[dreg:$0x3] =	wrdreg $0x198800  }
0xb0: {  	[dreg:$0x4] =	wrdreg $0x1A0800  }
0xb1: {  	[dreg:$0x5] =	wrdreg $0x9  }
0xb2: {  	_ =	task.clear_ibuf [dreg:s6], $0x6FFFF;
	_ =	strace $0x90000046  }
0xb3: {  	s29 =	simm.s32 $0x9;
	_ =	strace $0x80000048  }
0xb4: {  	_ =	swait.ge [sflag:s29], $0x1  }
0xb5: {  	[sflag:s29] =	ssyncadd.s32 $0xFFFFFFFF  }
0xb6: {  	_ =	strace $0x90000048  }
0xb7: {  	_ =	sfence  }
0xb8: {  	s30 =	sld [smem:$0x0];
	_ =	sdelay $0x2  }
0xb9: {  	s31 =	sshll.u32 s1, $0xD;
	s1 =	sshrl.u32 s1, $0x2  }
0xba: {  	s3 =	sand.u32 $0x4000, s31;
	s1 =	sadd.s32 s1, s30  }
0xbb: {  	s0 =	sor.u32 s3, s0;
	s1 =	sshll.u32 s1, $0x11  }
0xbc: {  	s0 =	sor.u32 s1, s0  }
0xbd: {  	s0 =	sadd.s32 $0x8F2B, s0  }
0xbe: {  	[sflag:s0] =	ssyncadd.remote.s32 $0x1  }
0xbf: {  	_ =	sfence.sel $0xFFFF  }
0xc0: {  	[dreg:$0x0] =	wrdreg $0xFFFFFFFF;
	(pc) =	sbr.abs _section_cstart, $3  }
0xc1: {  	[dreg:$0x1] =	wrdreg $0xFFFFFFFF  }
0xc2: {  	_ =	task.clear_ibuf [dreg:s6], $0x2FFFF;
	_ =	strace $0x9FFFFFFF  }
0xc3: {  	(tm) =	ssettm $0x7FFFFFFF  }
tec
execute0_lowered:
.L_overlay_start_1:
0x0: {  	(tag) =	ssettag $0x1  }
0x1: {  	s0 =	rddreg [dreg:$0x0]  }
0x2: {  	s1 =	rddreg [dreg:$0x1]  }
0x3: {  	s4 =	rddreg [dreg:$0x2];
	s3 =	srdreg.scid  }
0x4: {  	s6 =	stileid.u32;
	s2 =	simm.s32 $0x0;
	s17 =	simm.s32 $0x1  }
0x5: {  	s18 =	simm.s32 $0x8000;
	s19 =	simm.s32 $0x2;
	s20 =	simm.s32 $0x80  }
0x6: {  	s21 =	simm.s32 $0x400;
	s22 =	simm.s32 $0x18800;
	s23 =	simm.s32 $0x3  }
0x7: {  	s9 =	sand.u32 $0x1, s3;
	s24 =	sshrl.u32 s6, $0x1;
	[smem:$0x7FF] =	sst s2  }
0x8: {  	s14 =	sand.u32 $0x1, s6;
	s11 =	sshll.u32 s24, $0x7;
	s5 =	sshll.u32 s9, $0xA  }
0x9: {  	_ =	strace $0x80000047;
	s25 =	sshll.u32 s9, $0x12;
	s3 =	sshll.u32 s24, $0xF  }
0xa: {  	s7 =	ssub.s32 $0x2, s9;
	s26 =	sshll.u32 s14, $0xE;
	s28 =	sshll.u32 s9, $0xE  }
0xb: {  	p0 =	seq.s32 s14, $0x0;
	p1 =	sne.s32 s14, $0x0;
	s24 =	simm.s32 $0x10000  }
0xc: {  	s5 =	sor.u32 s5, s11;
	s3 =	sor.u32 s3, s25;
	s8 =	sshrl.u32 s7, $0x1  }
0xd: {  	s12 =	sadd.s32 s28, s1;
	s5 =	sshrl.u32 s5, $0x3;
	s3 =	sor.u32 s26, s3  }
0xe: {  	s16 =	ssub.s32 s7, s8;
	s15 =	sadd.s32 s5, s0;
	s3 =	sadd.s32 s0, s3  }
0xf: {  	s0 =	sor.u32 s28, s11;
	s11 =	sadd.s32 s11, s12;
	s30 =	smax.u32 s16, $0x1  }
0x10: {  	s16 =	simm.s32 $0x4000;
	s29 =	sadd.s32 $0x80000, s15;
	[dreg:$0x9] =	wrdreg s30  }
.Ltmp0:
0x11: {  	s6 =	sadd.s32 $0x1000, s3;
	[dreg:$0x8] =	wrdreg s29;
	(pc) =	sbr.rel .LBB2_1-.Ltmp0, $4  }
0x12: {  	v0 =	vlaneseq.u32;
	s5 =	sadd.s32 $0x800, s3;
	s7 =	sadd.s32 $0x1800, s3;
	[dreg:$0x4] =	wrdreg s6  }
0x13: {  	v4 =	vmul.u32 $0xFFFFFFFF, v0;
	s8 =	sadd.s32 $0x2000, s3;
	s31 =	sadd.s32 $0x2800, s3;
	[dreg:$0x5] =	wrdreg s7  }
0x14: {  	v1 =	vimm.s32 $0x0;
	v3 =	vimm.s32 $0x1;
	s9 =	sadd.s32 $0x3000, s3;
	s10 =	sadd.s32 $0x3800, s3;
	[dreg:$0x6] =	wrdreg s8  }
0x15: {  	v5 =	vimm.f32 $0.0e+00;
	v2 =	vmul.u32 $0x800, v0;
	v4 =	vadd.s32 $0xF, v4;
	s12 =	sadd.s32 s0, s1;
	s13 =	sadd.s32 s0, s4;
	[dreg:$0x7] =	wrdreg s31  }
.LBB2_81:
0x16: {  	v9 =	vimm.f32 $0.0e+00;
	s5 =	smov.u32 s8;
	s6 =	rddreg [dreg:$0x4]  }
.LBB2_89:
0x17: {  	[bflag:$0x0] =	sbarrier.arrive @p0 $0xFFFF  }
0x18: {  	s0 =	simm.s32 @p0 $0x80;
	s1 =	simm.s32 @p0 $0x400;
	s4 =	simm.s32 @p0 $0x19000  }
0x19: {  	[tilespmem:s4], [sflag:$0x3] =	stream.strided.gather @p0 [spmem:s13], $0x800, s1, s0, $0x38;
	[tilespmem:$0x1A880] =	vst v63  }
0x1a: {  	s0 =	simm.s32 @p0 $0x3  }
0x1b: {  	_ =	swait.ge @p0 [sflag:s0], $0x800  }
0x1c: {  	[sflag:s0] =	ssyncset.done @p0 $0x0  }
0x1d: {  	[sflag:s0] =	ssyncadd.s32 @p0 $0xFFFFF800  }
0x1e: {  	v10 =	vld @p0 [tilespmem:$0x19000]  }
0x1f: {  	v11 =	vld @p0 [tilespmem:$0x19010];
	_ =	sdelay $0x1  }
0x20: {  	v7 =	vadd.f32 v8, v7;
	_ =	sdelay $0x1  }
0x21: {  	v8 =	vadd.f32 @p0 v10, v7  }
0x22: {  	v10 =	vadd.f32 @p0 v11, v9  }
0x23: {  	(xrf2) =	vadd.scan.msk.f32 @p0 $0xffff, v8  }
0x24: {  	(xrf2) =	vadd.scan.msk.f32 @p0 $0xffff, v10;
	_ =	sdelay $0x8  }
0x25: {  	v8, _, _ =	vpop @p0 (xrf2)  }
0x26: {  	v10, _, _ =	vpop @p0 (xrf2)  }
0x27: {  	(v2sf) =	vpush @p0 v10, $0xF;
	_ =	sdelay $0xd  }
0x28: {  	s1 =	scvt.s32.f32 @p0 s26  }
0x29: {  	s4 =	spop @p0 (v2sf)  }
0x2a: {  	s1 =	sadd.f32 @p0 s1, s4;
	_ =	sdelay $0x1  }
0x2b: {  	s1 =	ssub.f32 @p0 $7.864300000e+04, s1;
	_ =	sdelay $0x1  }
0x2c: {  	v8 =	vbroadcast @p0 v8, $0xF;
	v6 =	vmul.f32 @p0 s1, v6;
	_ =	sdelay $0x1  }
0x2d: {  	v6 =	vadd.f32 @p0 v6, v8;
	_ =	sdelay $0x1  }
0x2e: {  	[tilespmem:$0x19800] =	vst @p0 v6  }
0x2f: {  	[tilespmem:$0x19810] =	vst @p0 v6  }
0x30: {  	[tilespmem:$0x19820] =	vst @p0 v6  }
0x31: {  	s8 =	rddreg [dreg:$0x8];
	s4 =	simm.s32 @p0 $0x19800;
	s1 =	simm.s32 @p0 $0x0;
	[tilespmem:$0x19830] =	vst @p0 v6  }
0x32: {  	[hbm4b:s8+s1] =	stream.linear.scatter @p0 [tilespmem:s4], [sflag:$0x3], $0x80, $0x38;
	[tilespmem:$0x1A880] =	vst v63  }
0x33: {  	_ =	swait.ge @p0 [sflag:s0], $0x80  }
0x34: {  	[sflag:s0] =	ssyncset.done @p0 $0x0  }
0x35: {  	[sflag:s0] =	ssyncadd.s32 @p0 $0xFFFFFF80  }
0x36: {  	[tilespmem:$0x19000] =	vst @!p0 v7  }
0x37: {  	s1 =	simm.s32 @!p0 $0x400;
	s4 =	simm.s32 @!p0 $0x19000;
	s0 =	simm.s32 @!p0 $0x80;
	[tilespmem:$0x19010] =	vst @!p0 v9  }
0x38: {  	[spmem:s13] =	stream.strided.scatter @!p0 [tilespmem:s4], [sflag:$0x3], $0x800, s1, s0, $0x38;
	[tilespmem:$0x1A880] =	vst v63  }
0x39: {  	s0 =	simm.s32 @!p0 $0x3  }
0x3a: {  	_ =	swait.ge @!p0 [sflag:s0], $0x800  }
0x3b: {  	s2 =	sadd.s32 $0x1, s2;
	s30 =	rddreg [dreg:$0x9]  }
0x3c: {  	p2 =	sne.s32 s2, s30  }
.Ltmp1:
0x3d: {  	_ = 	snop;
	(pc) =	sbr.rel @!p2 .LBB2_90-.Ltmp1, $4  }
0x3e: {  	[sflag:s0] =	ssyncset.done @!p0 $0x0  }
0x3f: {  	[sflag:s0] =	ssyncadd.s32 @!p0 $0xFFFFF800  }
0x40: {  	[bflag:$0x0] =	sbarrier.arrive @!p0 $0xFFFF  }
0x41: {  	s8 =	rddreg [dreg:$0x6]  }
.LBB2_1:
0x42: {  	s0 =	simm.s32 $0x0;
	s1 =	simm.s32 $0x200  }
.LBB2_2:
0x43: {  	p2 =	sne.s32 s1, $0x1FE00;
	[tilespmem:s0+$0x8070] =	vst v1  }
0x44: {  	[tilespmem:s0+$0x8000] =	vst v1  }
0x45: {  	[tilespmem:s0+$0x8010] =	vst v1  }
.Ltmp2:
0x46: {  	[tilespmem:s0+$0x8020] =	vst v1;
	(pc) =	sbr.rel @p2 .LBB2_2-.Ltmp2, $4  }
0x47: {  	[tilespmem:s0+$0x8030] =	vst v1  }
0x48: {  	[tilespmem:s0+$0x8040] =	vst v1  }
0x49: {  	[tilespmem:s0+$0x8050] =	vst v1  }
0x4a: {  	[tilespmem:s0+$0x8060] =	vst v1;
	s0 =	sshra.s32 s1, $0x2;
	s1 =	sadd.s32 $0x200, s1  }
0x4b: {  	[tilespmem:s0+$0x8070] =	vst v1  }
0x4c: {  	[tilespmem:s0+$0x8000] =	vst v1  }
0x4d: {  	[tilespmem:s0+$0x8010] =	vst v1  }
0x4e: {  	[tilespmem:s0+$0x8020] =	vst v1  }
0x4f: {  	[tilespmem:s0+$0x8030] =	vst v1  }
0x50: {  	[tilespmem:s0+$0x8040] =	vst v1  }
0x51: {  	[tilespmem:s0+$0x8050] =	vst v1  }
0x52: {  	[tilespmem:s0+$0x8060] =	vst v1;
	s0 =	simm.s32 $0x0  }
0x53: {  	[tilespmem:s0], [sflag:$0x1] =	stream.linear.gather [hbm4b:s3+s0], $0x4000, $0x38;
	[tilespmem:$0x1A880] =	vst v63  }
0x54: {  	_ = 	snop  }
0x55: {  	[tilespmem:s16], [sflag:$0x2] =	stream.linear.gather [hbm4b:s5+s0], $0x4000, $0x38;
	[tilespmem:$0x1A880] =	vst v63  }
0x56: {  	_ =	swait.ge [sflag:s17], $0x4000  }
0x57: {  	[sflag:s17] =	ssyncset.done $0x0  }
0x58: {  	[sflag:s17] =	ssyncadd.s32 $0xFFFFC000  }
.LBB2_4:
0x59: {  	s1 =	sshra.s32 s0, $0x2  }
0x5a: {  	v6 =	vld [tilespmem:s1+$0x0];
	_ =	sdelay $0x4  }
0x5b: {  	v6 =	vshra.s32 v6, $0x14  }
0x5c: {  	v6 =	vadd.s32 v2, v6;
	_ =	sdelay $0x4  }
0x5d: {  	[tilespmem:v6+s18+$0x0] =	vst.idx.add.s32.msk $0xffff, v3  }
0x5e: {  	v6 =	vld [tilespmem:s1+$0x10];
	_ =	sdelay $0x4  }
0x5f: {  	v6 =	vshra.s32 v6, $0x14  }
0x60: {  	v6 =	vadd.s32 v2, v6;
	_ =	sdelay $0x4  }
0x61: {  	[tilespmem:v6+s18+$0x0] =	vst.idx.add.s32.msk $0xffff, v3  }
0x62: {  	v6 =	vld [tilespmem:s1+$0x20];
	_ =	sdelay $0x4  }
0x63: {  	v6 =	vshra.s32 v6, $0x14  }
0x64: {  	v6 =	vadd.s32 v2, v6;
	_ =	sdelay $0x4  }
0x65: {  	[tilespmem:v6+s18+$0x0] =	vst.idx.add.s32.msk $0xffff, v3  }
0x66: {  	v6 =	vld [tilespmem:s1+$0x30];
	_ =	sdelay $0x4  }
0x67: {  	v6 =	vshra.s32 v6, $0x14  }
0x68: {  	v6 =	vadd.s32 v2, v6;
	_ =	sdelay $0x4  }
0x69: {  	[tilespmem:v6+s18+$0x0] =	vst.idx.add.s32.msk $0xffff, v3  }
0x6a: {  	v6 =	vld [tilespmem:s1+$0x40];
	_ =	sdelay $0x4  }
0x6b: {  	v6 =	vshra.s32 v6, $0x14  }
0x6c: {  	v6 =	vadd.s32 v2, v6;
	_ =	sdelay $0x4  }
0x6d: {  	[tilespmem:v6+s18+$0x0] =	vst.idx.add.s32.msk $0xffff, v3  }
0x6e: {  	v6 =	vld [tilespmem:s1+$0x50];
	_ =	sdelay $0x4  }
0x6f: {  	v6 =	vshra.s32 v6, $0x14  }
0x70: {  	v6 =	vadd.s32 v2, v6;
	_ =	sdelay $0x4  }
0x71: {  	[tilespmem:v6+s18+$0x0] =	vst.idx.add.s32.msk $0xffff, v3  }
0x72: {  	v6 =	vld [tilespmem:s1+$0x60];
	_ =	sdelay $0x4  }
0x73: {  	v6 =	vshra.s32 v6, $0x14  }
0x74: {  	v6 =	vadd.s32 v2, v6;
	_ =	sdelay $0x4  }
0x75: {  	[tilespmem:v6+s18+$0x0] =	vst.idx.add.s32.msk $0xffff, v3  }
0x76: {  	v6 =	vld [tilespmem:s1+$0x70];
	_ =	sdelay $0x4  }
0x77: {  	v6 =	vshra.s32 v6, $0x14  }
0x78: {  	p2 =	sne.s32 s0, $0xFE00;
	v6 =	vadd.s32 v2, v6  }
.Ltmp3:
0x79: {  	_ = 	snop;
	(pc) =	sbr.rel @p2 .LBB2_4-.Ltmp3, $2  }
0x7a: {  	_ =	sdelay $0x2  }
0x7b: {  	s0 =	sadd.s32 $0x200, s0;
	[tilespmem:v6+s18+$0x0] =	vst.idx.add.s32.msk $0xffff, v3  }
0x7c: {  	s0 =	simm.s32 $0x0  }
0x7d: {  	[tilespmem:s0], [sflag:$0x1] =	stream.linear.gather [hbm4b:s6+s0], $0x4000, $0x38;
	[tilespmem:$0x1A880] =	vst v63  }
0x7e: {  	_ =	swait.ge [sflag:s19], $0x4000  }
0x7f: {  	[sflag:s19] =	ssyncset.done $0x0  }
0x80: {  	[sflag:s19] =	ssyncadd.s32 $0xFFFFC000  }
.LBB2_6:
0x81: {  	s1 =	sshra.s32 s0, $0x2  }
0x82: {  	v6 =	vld [tilespmem:s1+$0x4000];
	_ =	sdelay $0x4  }
0x83: {  	v6 =	vshra.s32 v6, $0x14  }
0x84: {  	v6 =	vadd.s32 v2, v6;
	_ =	sdelay $0x4  }
0x85: {  	[tilespmem:v6+s18+$0x0] =	vst.idx.add.s32.msk $0xffff, v3  }
0x86: {  	v6 =	vld [tilespmem:s1+$0x4010];
	_ =	sdelay $0x4  }
0x87: {  	v6 =	vshra.s32 v6, $0x14  }
0x88: {  	v6 =	vadd.s32 v2, v6;
	_ =	sdelay $0x4  }
0x89: {  	[tilespmem:v6+s18+$0x0] =	vst.idx.add.s32.msk $0xffff, v3  }
0x8a: {  	v6 =	vld [tilespmem:s1+$0x4020];
	_ =	sdelay $0x4  }
0x8b: {  	v6 =	vshra.s32 v6, $0x14  }
0x8c: {  	v6 =	vadd.s32 v2, v6;
	_ =	sdelay $0x4  }
0x8d: {  	[tilespmem:v6+s18+$0x0] =	vst.idx.add.s32.msk $0xffff, v3  }
0x8e: {  	v6 =	vld [tilespmem:s1+$0x4030];
	_ =	sdelay $0x4  }
0x8f: {  	v6 =	vshra.s32 v6, $0x14  }
0x90: {  	v6 =	vadd.s32 v2, v6;
	_ =	sdelay $0x4  }
0x91: {  	[tilespmem:v6+s18+$0x0] =	vst.idx.add.s32.msk $0xffff, v3  }
0x92: {  	v6 =	vld [tilespmem:s1+$0x4040];
	_ =	sdelay $0x4  }
0x93: {  	v6 =	vshra.s32 v6, $0x14  }
0x94: {  	v6 =	vadd.s32 v2, v6;
	_ =	sdelay $0x4  }
0x95: {  	[tilespmem:v6+s18+$0x0] =	vst.idx.add.s32.msk $0xffff, v3  }
0x96: {  	v6 =	vld [tilespmem:s1+$0x4050];
	_ =	sdelay $0x4  }
0x97: {  	v6 =	vshra.s32 v6, $0x14  }
0x98: {  	v6 =	vadd.s32 v2, v6;
	_ =	sdelay $0x4  }
0x99: {  	[tilespmem:v6+s18+$0x0] =	vst.idx.add.s32.msk $0xffff, v3  }
0x9a: {  	v6 =	vld [tilespmem:s1+$0x4060];
	_ =	sdelay $0x4  }
0x9b: {  	v6 =	vshra.s32 v6, $0x14  }
0x9c: {  	v6 =	vadd.s32 v2, v6;
	_ =	sdelay $0x4  }
0x9d: {  	[tilespmem:v6+s18+$0x0] =	vst.idx.add.s32.msk $0xffff, v3  }
0x9e: {  	v6 =	vld [tilespmem:s1+$0x4070];
	_ =	sdelay $0x4  }
0x9f: {  	v6 =	vshra.s32 v6, $0x14  }
0xa0: {  	p2 =	sne.s32 s0, $0xFE00;
	v6 =	vadd.s32 v2, v6  }
.Ltmp4:
0xa1: {  	_ = 	snop;
	(pc) =	sbr.rel @p2 .LBB2_6-.Ltmp4, $2  }
0xa2: {  	_ =	sdelay $0x2  }
0xa3: {  	s0 =	sadd.s32 $0x200, s0;
	[tilespmem:v6+s18+$0x0] =	vst.idx.add.s32.msk $0xffff, v3  }
0xa4: {  	s0 =	simm.s32 $0x0  }
0xa5: {  	[tilespmem:s16], [sflag:$0x2] =	stream.linear.gather [hbm4b:s7+s0], $0x4000, $0x38;
	[tilespmem:$0x1A880] =	vst v63  }
0xa6: {  	_ =	swait.ge [sflag:s17], $0x4000  }
0xa7: {  	[sflag:s17] =	ssyncset.done $0x0  }
0xa8: {  	[sflag:s17] =	ssyncadd.s32 $0xFFFFC000  }
.LBB2_8:
0xa9: {  	s1 =	sshra.s32 s0, $0x2  }
0xaa: {  	v6 =	vld [tilespmem:s1+$0x0];
	_ =	sdelay $0x4  }
0xab: {  	v6 =	vshra.s32 v6, $0x14  }
0xac: {  	v6 =	vadd.s32 v2, v6;
	_ =	sdelay $0x4  }
0xad: {  	[tilespmem:v6+s18+$0x0] =	vst.idx.add.s32.msk $0xffff, v3  }
0xae: {  	v6 =	vld [tilespmem:s1+$0x10];
	_ =	sdelay $0x4  }
0xaf: {  	v6 =	vshra.s32 v6, $0x14  }
0xb0: {  	v6 =	vadd.s32 v2, v6;
	_ =	sdelay $0x4  }
0xb1: {  	[tilespmem:v6+s18+$0x0] =	vst.idx.add.s32.msk $0xffff, v3  }
0xb2: {  	v6 =	vld [tilespmem:s1+$0x20];
	_ =	sdelay $0x4  }
0xb3: {  	v6 =	vshra.s32 v6, $0x14  }
0xb4: {  	v6 =	vadd.s32 v2, v6;
	_ =	sdelay $0x4  }
0xb5: {  	[tilespmem:v6+s18+$0x0] =	vst.idx.add.s32.msk $0xffff, v3  }
0xb6: {  	v6 =	vld [tilespmem:s1+$0x30];
	_ =	sdelay $0x4  }
0xb7: {  	v6 =	vshra.s32 v6, $0x14  }
0xb8: {  	v6 =	vadd.s32 v2, v6;
	_ =	sdelay $0x4  }
0xb9: {  	[tilespmem:v6+s18+$0x0] =	vst.idx.add.s32.msk $0xffff, v3  }
0xba: {  	v6 =	vld [tilespmem:s1+$0x40];
	_ =	sdelay $0x4  }
0xbb: {  	v6 =	vshra.s32 v6, $0x14  }
0xbc: {  	v6 =	vadd.s32 v2, v6;
	_ =	sdelay $0x4  }
0xbd: {  	[tilespmem:v6+s18+$0x0] =	vst.idx.add.s32.msk $0xffff, v3  }
0xbe: {  	v6 =	vld [tilespmem:s1+$0x50];
	_ =	sdelay $0x4  }
0xbf: {  	v6 =	vshra.s32 v6, $0x14  }
0xc0: {  	v6 =	vadd.s32 v2, v6;
	_ =	sdelay $0x4  }
0xc1: {  	[tilespmem:v6+s18+$0x0] =	vst.idx.add.s32.msk $0xffff, v3  }
0xc2: {  	v6 =	vld [tilespmem:s1+$0x60];
	_ =	sdelay $0x4  }
0xc3: {  	v6 =	vshra.s32 v6, $0x14  }
0xc4: {  	v6 =	vadd.s32 v2, v6;
	_ =	sdelay $0x4  }
0xc5: {  	[tilespmem:v6+s18+$0x0] =	vst.idx.add.s32.msk $0xffff, v3  }
0xc6: {  	v6 =	vld [tilespmem:s1+$0x70];
	_ =	sdelay $0x4  }
0xc7: {  	v6 =	vshra.s32 v6, $0x14  }
0xc8: {  	p2 =	sne.s32 s0, $0xFE00;
	v6 =	vadd.s32 v2, v6  }
.Ltmp5:
0xc9: {  	_ = 	snop;
	(pc) =	sbr.rel @p2 .LBB2_8-.Ltmp5, $2  }
0xca: {  	_ =	sdelay $0x2  }
0xcb: {  	s0 =	sadd.s32 $0x200, s0;
	[tilespmem:v6+s18+$0x0] =	vst.idx.add.s32.msk $0xffff, v3  }
0xcc: {  	s0 =	simm.s32 $0x0  }
0xcd: {  	[tilespmem:s0], [sflag:$0x1] =	stream.linear.gather [hbm4b:s8+s0], $0x4000, $0x38;
	[tilespmem:$0x1A880] =	vst v63  }
0xce: {  	_ =	swait.ge [sflag:s19], $0x4000  }
0xcf: {  	[sflag:s19] =	ssyncset.done $0x0  }
0xd0: {  	[sflag:s19] =	ssyncadd.s32 $0xFFFFC000  }
.LBB2_10:
0xd1: {  	s1 =	sshra.s32 s0, $0x2  }
0xd2: {  	v6 =	vld [tilespmem:s1+$0x4000];
	_ =	sdelay $0x4  }
0xd3: {  	v6 =	vshra.s32 v6, $0x14  }
0xd4: {  	v6 =	vadd.s32 v2, v6;
	_ =	sdelay $0x4  }
0xd5: {  	[tilespmem:v6+s18+$0x0] =	vst.idx.add.s32.msk $0xffff, v3  }
0xd6: {  	v6 =	vld [tilespmem:s1+$0x4010];
	_ =	sdelay $0x4  }
0xd7: {  	v6 =	vshra.s32 v6, $0x14  }
0xd8: {  	v6 =	vadd.s32 v2, v6;
	_ =	sdelay $0x4  }
0xd9: {  	[tilespmem:v6+s18+$0x0] =	vst.idx.add.s32.msk $0xffff, v3  }
0xda: {  	v6 =	vld [tilespmem:s1+$0x4020];
	_ =	sdelay $0x4  }
0xdb: {  	v6 =	vshra.s32 v6, $0x14  }
0xdc: {  	v6 =	vadd.s32 v2, v6;
	_ =	sdelay $0x4  }
0xdd: {  	[tilespmem:v6+s18+$0x0] =	vst.idx.add.s32.msk $0xffff, v3  }
0xde: {  	v6 =	vld [tilespmem:s1+$0x4030];
	_ =	sdelay $0x4  }
0xdf: {  	v6 =	vshra.s32 v6, $0x14  }
0xe0: {  	v6 =	vadd.s32 v2, v6;
	_ =	sdelay $0x4  }
0xe1: {  	[tilespmem:v6+s18+$0x0] =	vst.idx.add.s32.msk $0xffff, v3  }
0xe2: {  	v6 =	vld [tilespmem:s1+$0x4040];
	_ =	sdelay $0x4  }
0xe3: {  	v6 =	vshra.s32 v6, $0x14  }
0xe4: {  	v6 =	vadd.s32 v2, v6;
	_ =	sdelay $0x4  }
0xe5: {  	[tilespmem:v6+s18+$0x0] =	vst.idx.add.s32.msk $0xffff, v3  }
0xe6: {  	v6 =	vld [tilespmem:s1+$0x4050];
	_ =	sdelay $0x4  }
0xe7: {  	v6 =	vshra.s32 v6, $0x14  }
0xe8: {  	v6 =	vadd.s32 v2, v6;
	_ =	sdelay $0x4  }
0xe9: {  	[tilespmem:v6+s18+$0x0] =	vst.idx.add.s32.msk $0xffff, v3  }
0xea: {  	v6 =	vld [tilespmem:s1+$0x4060];
	_ =	sdelay $0x4  }
0xeb: {  	v6 =	vshra.s32 v6, $0x14  }
0xec: {  	v6 =	vadd.s32 v2, v6;
	_ =	sdelay $0x4  }
0xed: {  	[tilespmem:v6+s18+$0x0] =	vst.idx.add.s32.msk $0xffff, v3  }
0xee: {  	v6 =	vld [tilespmem:s1+$0x4070];
	_ =	sdelay $0x4  }
0xef: {  	v6 =	vshra.s32 v6, $0x14  }
0xf0: {  	p2 =	sne.s32 s0, $0xFE00;
	v6 =	vadd.s32 v2, v6  }
.Ltmp6:
0xf1: {  	_ = 	snop;
	(pc) =	sbr.rel @p2 .LBB2_10-.Ltmp6, $2  }
0xf2: {  	_ =	sdelay $0x2  }
0xf3: {  	s0 =	sadd.s32 $0x200, s0;
	[tilespmem:v6+s18+$0x0] =	vst.idx.add.s32.msk $0xffff, v3  }
0xf4: {  	s0 =	simm.s32 $0x0  }
0xf5: {  	[tilespmem:s16], [sflag:$0x2] =	stream.linear.gather [hbm4b:s31+s0], $0x4000, $0x38;
	[tilespmem:$0x1A880] =	vst v63  }
0xf6: {  	_ =	swait.ge [sflag:s17], $0x4000  }
0xf7: {  	[sflag:s17] =	ssyncset.done $0x0  }
0xf8: {  	[sflag:s17] =	ssyncadd.s32 $0xFFFFC000  }
.LBB2_12:
0xf9: {  	s1 =	sshra.s32 s0, $0x2  }
0xfa: {  	v6 =	vld [tilespmem:s1+$0x0];
	_ =	sdelay $0x4  }
0xfb: {  	v6 =	vshra.s32 v6, $0x14  }
0xfc: {  	v6 =	vadd.s32 v2, v6;
	_ =	sdelay $0x4  }
0xfd: {  	[tilespmem:v6+s18+$0x0] =	vst.idx.add.s32.msk $0xffff, v3  }
0xfe: {  	v6 =	vld [tilespmem:s1+$0x10];
	_ =	sdelay $0x4  }
0xff: {  	v6 =	vshra.s32 v6, $0x14  }
0x100: {  	v6 =	vadd.s32 v2, v6;
	_ =	sdelay $0x4  }
0x101: {  	[tilespmem:v6+s18+$0x0] =	vst.idx.add.s32.msk $0xffff, v3  }
0x102: {  	v6 =	vld [tilespmem:s1+$0x20];
	_ =	sdelay $0x4  }
0x103: {  	v6 =	vshra.s32 v6, $0x14  }
0x104: {  	v6 =	vadd.s32 v2, v6;
	_ =	sdelay $0x4  }
0x105: {  	[tilespmem:v6+s18+$0x0] =	vst.idx.add.s32.msk $0xffff, v3  }
0x106: {  	v6 =	vld [tilespmem:s1+$0x30];
	_ =	sdelay $0x4  }
0x107: {  	v6 =	vshra.s32 v6, $0x14  }
0x108: {  	v6 =	vadd.s32 v2, v6;
	_ =	sdelay $0x4  }
0x109: {  	[tilespmem:v6+s18+$0x0] =	vst.idx.add.s32.msk $0xffff, v3  }
0x10a: {  	v6 =	vld [tilespmem:s1+$0x40];
	_ =	sdelay $0x4  }
0x10b: {  	v6 =	vshra.s32 v6, $0x14  }
0x10c: {  	v6 =	vadd.s32 v2, v6;
	_ =	sdelay $0x4  }
0x10d: {  	[tilespmem:v6+s18+$0x0] =	vst.idx.add.s32.msk $0xffff, v3  }
0x10e: {  	v6 =	vld [tilespmem:s1+$0x50];
	_ =	sdelay $0x4  }
0x10f: {  	v6 =	vshra.s32 v6, $0x14  }
0x110: {  	v6 =	vadd.s32 v2, v6;
	_ =	sdelay $0x4  }
0x111: {  	[tilespmem:v6+s18+$0x0] =	vst.idx.add.s32.msk $0xffff, v3  }
0x112: {  	v6 =	vld [tilespmem:s1+$0x60];
	_ =	sdelay $0x4  }
0x113: {  	v6 =	vshra.s32 v6, $0x14  }
0x114: {  	v6 =	vadd.s32 v2, v6;
	_ =	sdelay $0x4  }
0x115: {  	[tilespmem:v6+s18+$0x0] =	vst.idx.add.s32.msk $0xffff, v3  }
0x116: {  	v6 =	vld [tilespmem:s1+$0x70];
	_ =	sdelay $0x4  }
0x117: {  	v6 =	vshra.s32 v6, $0x14  }
0x118: {  	p2 =	sne.s32 s0, $0xFE00;
	v6 =	vadd.s32 v2, v6  }
.Ltmp7:
0x119: {  	_ = 	snop;
	(pc) =	sbr.rel @p2 .LBB2_12-.Ltmp7, $2  }
0x11a: {  	_ =	sdelay $0x2  }
0x11b: {  	s0 =	sadd.s32 $0x200, s0;
	[tilespmem:v6+s18+$0x0] =	vst.idx.add.s32.msk $0xffff, v3  }
0x11c: {  	s0 =	simm.s32 $0x0  }
0x11d: {  	[tilespmem:s0], [sflag:$0x1] =	stream.linear.gather [hbm4b:s9+s0], $0x4000, $0x38;
	[tilespmem:$0x1A880] =	vst v63  }
0x11e: {  	_ =	swait.ge [sflag:s19], $0x4000  }
0x11f: {  	[sflag:s19] =	ssyncset.done $0x0  }
0x120: {  	[sflag:s19] =	ssyncadd.s32 $0xFFFFC000  }
.LBB2_14:
0x121: {  	s1 =	sshra.s32 s0, $0x2  }
0x122: {  	v6 =	vld [tilespmem:s1+$0x4000];
	_ =	sdelay $0x4  }
0x123: {  	v6 =	vshra.s32 v6, $0x14  }
0x124: {  	v6 =	vadd.s32 v2, v6;
	_ =	sdelay $0x4  }
0x125: {  	[tilespmem:v6+s18+$0x0] =	vst.idx.add.s32.msk $0xffff, v3  }
0x126: {  	v6 =	vld [tilespmem:s1+$0x4010];
	_ =	sdelay $0x4  }
0x127: {  	v6 =	vshra.s32 v6, $0x14  }
0x128: {  	v6 =	vadd.s32 v2, v6;
	_ =	sdelay $0x4  }
0x129: {  	[tilespmem:v6+s18+$0x0] =	vst.idx.add.s32.msk $0xffff, v3  }
0x12a: {  	v6 =	vld [tilespmem:s1+$0x4020];
	_ =	sdelay $0x4  }
0x12b: {  	v6 =	vshra.s32 v6, $0x14  }
0x12c: {  	v6 =	vadd.s32 v2, v6;
	_ =	sdelay $0x4  }
0x12d: {  	[tilespmem:v6+s18+$0x0] =	vst.idx.add.s32.msk $0xffff, v3  }
0x12e: {  	v6 =	vld [tilespmem:s1+$0x4030];
	_ =	sdelay $0x4  }
0x12f: {  	v6 =	vshra.s32 v6, $0x14  }
0x130: {  	v6 =	vadd.s32 v2, v6;
	_ =	sdelay $0x4  }
0x131: {  	[tilespmem:v6+s18+$0x0] =	vst.idx.add.s32.msk $0xffff, v3  }
0x132: {  	v6 =	vld [tilespmem:s1+$0x4040];
	_ =	sdelay $0x4  }
0x133: {  	v6 =	vshra.s32 v6, $0x14  }
0x134: {  	v6 =	vadd.s32 v2, v6;
	_ =	sdelay $0x4  }
0x135: {  	[tilespmem:v6+s18+$0x0] =	vst.idx.add.s32.msk $0xffff, v3  }
0x136: {  	v6 =	vld [tilespmem:s1+$0x4050];
	_ =	sdelay $0x4  }
0x137: {  	v6 =	vshra.s32 v6, $0x14  }
0x138: {  	v6 =	vadd.s32 v2, v6;
	_ =	sdelay $0x4  }
0x139: {  	[tilespmem:v6+s18+$0x0] =	vst.idx.add.s32.msk $0xffff, v3  }
0x13a: {  	v6 =	vld [tilespmem:s1+$0x4060];
	_ =	sdelay $0x4  }
0x13b: {  	v6 =	vshra.s32 v6, $0x14  }
0x13c: {  	v6 =	vadd.s32 v2, v6;
	_ =	sdelay $0x4  }
0x13d: {  	[tilespmem:v6+s18+$0x0] =	vst.idx.add.s32.msk $0xffff, v3  }
0x13e: {  	v6 =	vld [tilespmem:s1+$0x4070];
	_ =	sdelay $0x4  }
0x13f: {  	v6 =	vshra.s32 v6, $0x14  }
0x140: {  	p2 =	sne.s32 s0, $0xFE00;
	v6 =	vadd.s32 v2, v6  }
.Ltmp8:
0x141: {  	_ = 	snop;
	(pc) =	sbr.rel @p2 .LBB2_14-.Ltmp8, $2  }
0x142: {  	_ =	sdelay $0x2  }
0x143: {  	s0 =	sadd.s32 $0x200, s0;
	[tilespmem:v6+s18+$0x0] =	vst.idx.add.s32.msk $0xffff, v3  }
0x144: {  	s0 =	simm.s32 $0x0  }
0x145: {  	[tilespmem:s16], [sflag:$0x2] =	stream.linear.gather [hbm4b:s10+s0], $0x4000, $0x38;
	[tilespmem:$0x1A880] =	vst v63  }
0x146: {  	_ =	swait.ge [sflag:s17], $0x4000  }
0x147: {  	[sflag:s17] =	ssyncset.done $0x0  }
0x148: {  	[sflag:s17] =	ssyncadd.s32 $0xFFFFC000  }
.LBB2_16:
0x149: {  	s1 =	sshra.s32 s0, $0x2  }
0x14a: {  	v6 =	vld [tilespmem:s1+$0x0];
	_ =	sdelay $0x4  }
0x14b: {  	v6 =	vshra.s32 v6, $0x14  }
0x14c: {  	v6 =	vadd.s32 v2, v6;
	_ =	sdelay $0x4  }
0x14d: {  	[tilespmem:v6+s18+$0x0] =	vst.idx.add.s32.msk $0xffff, v3  }
0x14e: {  	v6 =	vld [tilespmem:s1+$0x10];
	_ =	sdelay $0x4  }
0x14f: {  	v6 =	vshra.s32 v6, $0x14  }
0x150: {  	v6 =	vadd.s32 v2, v6;
	_ =	sdelay $0x4  }
0x151: {  	[tilespmem:v6+s18+$0x0] =	vst.idx.add.s32.msk $0xffff, v3  }
0x152: {  	v6 =	vld [tilespmem:s1+$0x20];
	_ =	sdelay $0x4  }
0x153: {  	v6 =	vshra.s32 v6, $0x14  }
0x154: {  	v6 =	vadd.s32 v2, v6;
	_ =	sdelay $0x4  }
0x155: {  	[tilespmem:v6+s18+$0x0] =	vst.idx.add.s32.msk $0xffff, v3  }
0x156: {  	v6 =	vld [tilespmem:s1+$0x30];
	_ =	sdelay $0x4  }
0x157: {  	v6 =	vshra.s32 v6, $0x14  }
0x158: {  	v6 =	vadd.s32 v2, v6;
	_ =	sdelay $0x4  }
0x159: {  	[tilespmem:v6+s18+$0x0] =	vst.idx.add.s32.msk $0xffff, v3  }
0x15a: {  	v6 =	vld [tilespmem:s1+$0x40];
	_ =	sdelay $0x4  }
0x15b: {  	v6 =	vshra.s32 v6, $0x14  }
0x15c: {  	v6 =	vadd.s32 v2, v6;
	_ =	sdelay $0x4  }
0x15d: {  	[tilespmem:v6+s18+$0x0] =	vst.idx.add.s32.msk $0xffff, v3  }
0x15e: {  	v6 =	vld [tilespmem:s1+$0x50];
	_ =	sdelay $0x4  }
0x15f: {  	v6 =	vshra.s32 v6, $0x14  }
0x160: {  	v6 =	vadd.s32 v2, v6;
	_ =	sdelay $0x4  }
0x161: {  	[tilespmem:v6+s18+$0x0] =	vst.idx.add.s32.msk $0xffff, v3  }
0x162: {  	v6 =	vld [tilespmem:s1+$0x60];
	_ =	sdelay $0x4  }
0x163: {  	v6 =	vshra.s32 v6, $0x14  }
0x164: {  	v6 =	vadd.s32 v2, v6;
	_ =	sdelay $0x4  }
0x165: {  	[tilespmem:v6+s18+$0x0] =	vst.idx.add.s32.msk $0xffff, v3  }
0x166: {  	v6 =	vld [tilespmem:s1+$0x70];
	_ =	sdelay $0x4  }
0x167: {  	v6 =	vshra.s32 v6, $0x14  }
0x168: {  	p2 =	sne.s32 s0, $0xFE00;
	v6 =	vadd.s32 v2, v6  }
.Ltmp9:
0x169: {  	_ = 	snop;
	(pc) =	sbr.rel @p2 .LBB2_16-.Ltmp9, $2  }
0x16a: {  	_ =	sdelay $0x2  }
0x16b: {  	s0 =	sadd.s32 $0x200, s0;
	[tilespmem:v6+s18+$0x0] =	vst.idx.add.s32.msk $0xffff, v3  }
0x16c: {  	_ =	swait.ge [sflag:s19], $0x4000  }
0x16d: {  	[sflag:s19] =	ssyncset.done $0x0  }
0x16e: {  	s0 =	simm.s32 $0x0;
	s1 =	simm.s32 $0x0;
	[sflag:s19] =	ssyncadd.s32 $0xFFFFC000  }
.LBB2_18:
0x16f: {  	s4 =	sshra.s32 s1, $0x2  }
0x170: {  	v6 =	vld [tilespmem:s4+$0x4000];
	_ =	sdelay $0x4  }
0x171: {  	v6 =	vshra.s32 v6, $0x14  }
0x172: {  	v6 =	vadd.s32 v2, v6;
	_ =	sdelay $0x3  }
0x173: {  	s14 =	simm.s32 $0x8000  }
0x174: {  	[tilespmem:v6+s14+$0x0] =	vst.idx.add.s32.msk $0xffff, v3  }
0x175: {  	v6 =	vld [tilespmem:s4+$0x4010];
	_ =	sdelay $0x4  }
0x176: {  	v6 =	vshra.s32 v6, $0x14  }
0x177: {  	v6 =	vadd.s32 v2, v6;
	_ =	sdelay $0x4  }
0x178: {  	[tilespmem:v6+s14+$0x0] =	vst.idx.add.s32.msk $0xffff, v3  }
0x179: {  	v6 =	vld [tilespmem:s4+$0x4020];
	_ =	sdelay $0x4  }
0x17a: {  	v6 =	vshra.s32 v6, $0x14  }
0x17b: {  	v6 =	vadd.s32 v2, v6;
	_ =	sdelay $0x4  }
0x17c: {  	[tilespmem:v6+s14+$0x0] =	vst.idx.add.s32.msk $0xffff, v3  }
0x17d: {  	v6 =	vld [tilespmem:s4+$0x4030];
	_ =	sdelay $0x4  }
0x17e: {  	v6 =	vshra.s32 v6, $0x14  }
0x17f: {  	v6 =	vadd.s32 v2, v6;
	_ =	sdelay $0x4  }
0x180: {  	[tilespmem:v6+s14+$0x0] =	vst.idx.add.s32.msk $0xffff, v3  }
0x181: {  	v6 =	vld [tilespmem:s4+$0x4040];
	_ =	sdelay $0x4  }
0x182: {  	v6 =	vshra.s32 v6, $0x14  }
0x183: {  	v6 =	vadd.s32 v2, v6;
	_ =	sdelay $0x4  }
0x184: {  	[tilespmem:v6+s14+$0x0] =	vst.idx.add.s32.msk $0xffff, v3  }
0x185: {  	v6 =	vld [tilespmem:s4+$0x4050];
	_ =	sdelay $0x4  }
0x186: {  	v6 =	vshra.s32 v6, $0x14  }
0x187: {  	v6 =	vadd.s32 v2, v6;
	_ =	sdelay $0x4  }
0x188: {  	[tilespmem:v6+s14+$0x0] =	vst.idx.add.s32.msk $0xffff, v3  }
0x189: {  	v6 =	vld [tilespmem:s4+$0x4060];
	_ =	sdelay $0x4  }
0x18a: {  	v6 =	vshra.s32 v6, $0x14  }
0x18b: {  	v6 =	vadd.s32 v2, v6;
	_ =	sdelay $0x4  }
0x18c: {  	[tilespmem:v6+s14+$0x0] =	vst.idx.add.s32.msk $0xffff, v3  }
0x18d: {  	v6 =	vld [tilespmem:s4+$0x4070];
	_ =	sdelay $0x4  }
0x18e: {  	v6 =	vshra.s32 v6, $0x14  }
0x18f: {  	p2 =	sne.s32 s1, $0xFE00;
	v6 =	vadd.s32 v2, v6  }
.Ltmp10:
0x190: {  	_ = 	snop;
	(pc) =	sbr.rel @p2 .LBB2_18-.Ltmp10, $2  }
0x191: {  	_ =	sdelay $0x2  }
0x192: {  	s1 =	sadd.s32 $0x200, s1;
	[tilespmem:v6+s14+$0x0] =	vst.idx.add.s32.msk $0xffff, v3  }
0x193: {  	s0 =	sand.u32 $0x7F0, s0;
	v7 =	vld [tilespmem:s14+$0x0]  }
0x194: {  	v6 =	vld [tilespmem:s0+$0x8800]  }
0x195: {  	v8 =	vld [tilespmem:s0+$0x9000]  }
0x196: {  	v9 =	vld [tilespmem:s0+$0x9800]  }
0x197: {  	v10 =	vld [tilespmem:s0+$0xA000]  }
0x198: {  	v11 =	vld [tilespmem:s0+$0xA800]  }
0x199: {  	v6 =	vadd.s32 v7, v6;
	v7 =	vld [tilespmem:s0+$0xB000]  }
0x19a: {  	v6 =	vadd.s32 v8, v6;
	v8 =	vld [tilespmem:s0+$0xB800]  }
0x19b: {  	v58 =	vld [tilespmem:s0+$0xC000];
	v6 =	vadd.s32 v9, v6  }
0x19c: {  	v59 =	vld [tilespmem:s0+$0xC800];
	v6 =	vadd.s32 v10, v6  }
0x19d: {  	v60 =	vld [tilespmem:s0+$0xD000];
	v6 =	vadd.s32 v11, v6  }
0x19e: {  	v6 =	vadd.s32 v7, v6;
	v7 =	vld [tilespmem:s0+$0xD800]  }
0x19f: {  	v6 =	vadd.s32 v8, v6;
	v8 =	vld [tilespmem:s0+$0xE000]  }
0x1a0: {  	v61 =	vld [tilespmem:s0+$0xE800];
	v6 =	vadd.s32 v58, v6  }
0x1a1: {  	v62 =	vld [tilespmem:s0+$0xF000];
	v6 =	vadd.s32 v59, v6  }
0x1a2: {  	v63 =	vld [tilespmem:s0+$0xF800];
	v6 =	vadd.s32 v60, v6  }
0x1a3: {  	v6 =	vadd.s32 v7, v6  }
0x1a4: {  	v6 =	vadd.s32 v8, v6  }
0x1a5: {  	v6 =	vadd.s32 v61, v6  }
0x1a6: {  	v6 =	vadd.s32 v62, v6  }
0x1a7: {  	s26 =	simm.s32 $0x18000;
	s30 =	simm.s32 $0x10;
	v6 =	vadd.s32 v63, v6  }
0x1a8: {  	s0 =	sand.u32 $0x7F0, s30;
	[tilespmem:s26+$0x0] =	vst v6  }
0x1a9: {  	s25 =	simm.s32 $0x20;
	s1 =	simm.s32 $0x8010;
	v6 =	vld [tilespmem:s0+$0x8800]  }
.LBB2_20:
0x1aa: {  	p2 =	sne.s32 s25, $0x7F0;
	v7 =	vld [tilespmem:s1+$0x0]  }
0x1ab: {  	v8 =	vld [tilespmem:s0+$0x9000]  }
0x1ac: {  	v9 =	vld [tilespmem:s0+$0x9800]  }
0x1ad: {  	v10 =	vld [tilespmem:s0+$0xA000]  }
0x1ae: {  	v11 =	vld [tilespmem:s0+$0xA800]  }
0x1af: {  	v6 =	vadd.s32 v7, v6;
	v7 =	vld [tilespmem:s0+$0xB000]  }
0x1b0: {  	v6 =	vadd.s32 v8, v6;
	v8 =	vld [tilespmem:s0+$0xB800]  }
0x1b1: {  	v6 =	vadd.s32 v9, v6;
	v9 =	vld [tilespmem:s0+$0xC000]  }
0x1b2: {  	v6 =	vadd.s32 v10, v6;
	v10 =	vld [tilespmem:s0+$0xC800]  }
0x1b3: {  	v6 =	vadd.s32 v11, v6;
	v11 =	vld [tilespmem:s0+$0xD000]  }
0x1b4: {  	v6 =	vadd.s32 v7, v6;
	v7 =	vld [tilespmem:s0+$0xD800]  }
0x1b5: {  	v6 =	vadd.s32 v8, v6;
	v8 =	vld [tilespmem:s0+$0xE000]  }
0x1b6: {  	v6 =	vadd.s32 v9, v6;
	v9 =	vld [tilespmem:s0+$0xE800]  }
0x1b7: {  	v6 =	vadd.s32 v10, v6;
	v10 =	vld [tilespmem:s0+$0xF000]  }
0x1b8: {  	v6 =	vadd.s32 v11, v6;
	v11 =	vld [tilespmem:s0+$0xF800]  }
0x1b9: {  	v6 =	vadd.s32 v7, v6  }
0x1ba: {  	v6 =	vadd.s32 v8, v6  }
.Ltmp11:
0x1bb: {  	v6 =	vadd.s32 v9, v6;
	(pc) =	sbr.rel @p2 .LBB2_20-.Ltmp11, $4  }
0x1bc: {  	v6 =	vadd.s32 v10, v6  }
0x1bd: {  	s26 =	sadd.s32 $0x10, s26;
	v6 =	vadd.s32 v11, v6  }
0x1be: {  	s0 =	sand.u32 $0x7F0, s25;
	[tilespmem:s26+$0x0] =	vst v6  }
0x1bf: {  	s1 =	sadd.s32 $0x10, s1;
	s25 =	sadd.s32 $0x10, s25;
	v6 =	vld [tilespmem:s0+$0x8800]  }
0x1c0: {  	v7 =	vld [tilespmem:s1+$0x0]  }
0x1c1: {  	v8 =	vld [tilespmem:s0+$0x9000]  }
0x1c2: {  	v9 =	vld [tilespmem:s0+$0x9800]  }
0x1c3: {  	v10 =	vld [tilespmem:s0+$0xA000]  }
0x1c4: {  	v11 =	vld [tilespmem:s0+$0xA800]  }
0x1c5: {  	v6 =	vadd.s32 v7, v6;
	v7 =	vld [tilespmem:s0+$0xB000]  }
0x1c6: {  	v56 =	vld [tilespmem:s0+$0xB800];
	v6 =	vadd.s32 v8, v6  }
0x1c7: {  	v57 =	vld [tilespmem:s0+$0xC000];
	v6 =	vadd.s32 v9, v6  }
0x1c8: {  	v58 =	vld [tilespmem:s0+$0xC800];
	v6 =	vadd.s32 v10, v6  }
0x1c9: {  	v59 =	vld [tilespmem:s0+$0xD000];
	v6 =	vadd.s32 v11, v6  }
0x1ca: {  	v6 =	vadd.s32 v7, v6;
	v7 =	vld [tilespmem:s0+$0xD800]  }
0x1cb: {  	v60 =	vld [tilespmem:s0+$0xE000];
	v6 =	vadd.s32 v56, v6  }
0x1cc: {  	v61 =	vld [tilespmem:s0+$0xE800];
	v6 =	vadd.s32 v57, v6  }
0x1cd: {  	v62 =	vld [tilespmem:s0+$0xF000];
	v6 =	vadd.s32 v58, v6  }
0x1ce: {  	v63 =	vld [tilespmem:s0+$0xF800];
	v6 =	vadd.s32 v59, v6  }
0x1cf: {  	v6 =	vadd.s32 v7, v6  }
.Ltmp12:
0x1d0: {  	v6 =	vadd.s32 v60, v6;
	(pc) =	sbr.rel @!p0 .LBB2_22-.Ltmp12, $4  }
0x1d1: {  	v6 =	vadd.s32 v61, v6  }
0x1d2: {  	v6 =	vadd.s32 v62, v6  }
0x1d3: {  	s30 =	sadd.s32 $0x10, s26;
	v6 =	vadd.s32 v63, v6  }
0x1d4: {  	[tilespmem:s30+$0x0] =	vst v6  }
0x1d5: {  	[bflag:$0x0] =	sbarrier.arrive $0xFFFF  }
0x1d6: {  	[tilespmem:s22], [sflag:$0x3] =	stream.strided.gather [spmem:s11], $0x800, s21, s20, $0x38;
	[tilespmem:$0x1A880] =	vst v63  }
0x1d7: {  	_ =	swait.ge [sflag:s23], $0x800  }
0x1d8: {  	[sflag:s23] =	ssyncset.done $0x0  }
0x1d9: {  	s0 =	simm.s32 $0x0;
	[sflag:s23] =	ssyncadd.s32 $0xFFFFF800  }
0x1da: {  	s1 =	simm.s32 $0x40;
	v6 =	vld [tilespmem:s0+$0x18800]  }
.LBB2_24:
0x1db: {  	p2 =	sne.s32 s1, $0x1FC0;
	v7 =	vld [tilespmem:s0+$0x18000];
	_ =	sdelay $0x1  }
.Ltmp13:
0x1dc: {  	(pc) =	sbr.rel @p2 .LBB2_24-.Ltmp13, $3  }
0x1dd: {  	_ =	sdelay $0x1  }
0x1de: {  	s4 =	sshra.s32 s1, $0x2;
	v7 =	vadd.s32 v7, v6  }
0x1df: {  	s1 =	sadd.s32 $0x40, s1;
	v6 =	vld [tilespmem:s4+$0x18800];
	[tilespmem:s0+$0x18000] =	vst v7;
	s0 =	smov.u32 s4  }
0x1e0: {  	v7 =	vld [tilespmem:s0+$0x18000];
	_ =	sdelay $0x1  }
.Ltmp14:
0x1e1: {  	_ = 	snop;
	(pc) =	sbr.rel .LBB2_26-.Ltmp14, $3  }
0x1e2: {  	_ =	sdelay $0x1  }
0x1e3: {  	v6 =	vadd.s32 v7, v6  }
0x1e4: {  	[tilespmem:s0+$0x18000] =	vst v6  }
.LBB2_22:
0x1e5: {  	s0 =	simm.s32 $0x18000  }
0x1e6: {  	[spmem:s11] =	stream.strided.scatter [tilespmem:s0], [sflag:$0x3], $0x800, s21, s20, $0x38;
	[tilespmem:$0x1A880] =	vst v63  }
0x1e7: {  	_ =	swait.ge [sflag:s23], $0x800  }
0x1e8: {  	[sflag:s23] =	ssyncset.done $0x0  }
0x1e9: {  	[sflag:s23] =	ssyncadd.s32 $0xFFFFF800  }
0x1ea: {  	[bflag:$0x0] =	sbarrier.arrive $0xFFFF  }
.LBB2_26:
0x1eb: {  	s0 =	simm.s32 $0x18000  }
0x1ec: {  	v6 =	vld [tilespmem:s0+$0x0]  }
0x1ed: {  	s26 =	simm.s32 $0x18010  }
0x1ee: {  	v7 =	vld [tilespmem:s26+$0x0];
	_ =	sdelay $0x2  }
0x1ef: {  	(xrf0) =	vadd.scan.msk.s32 $0xffff, v6;
	_ =	sdelay $0x1  }
0x1f0: {  	(xrf0) =	vadd.scan.msk.s32 $0xffff, v7;
	_ =	sdelay $0x3  }
0x1f1: {  	s29 =	simm.s32 $0x18020;
	v7, _, _ =	vpop (xrf0)  }
0x1f2: {  	v8 =	vld [tilespmem:s29+$0x0];
	(v2sf) =	vpush v7, $0xF  }
0x1f3: {  	v7, _, _ =	vpop (xrf0)  }
0x1f4: {  	(v2sf) =	vpush v7, $0xF;
	_ =	sdelay $0x2  }
0x1f5: {  	s30 =	simm.s32 $0x18030;
	(xrf0) =	vadd.scan.msk.s32 $0xffff, v8  }
0x1f6: {  	v6 =	vld [tilespmem:s30+$0x0];
	_ =	sdelay $0x2  }
0x1f7: {  	s25 =	simm.s32 $0x4  }
0x1f8: {  	s1 =	simm.s32 $0x8;
	s14 =	simm.s32 $0xC;
	s28 =	simm.s32 $0x18040  }
0x1f9: {  	s15 =	simm.s32 $0x0;
	s0 =	simm.s32 $0x0;
	s26 =	simm.s32 $0x10;
	(xrf0) =	vadd.scan.msk.s32 $0xffff, v6;
	v6, _, _ =	vpop (xrf0)  }
.LBB2_27:
0x1fa: {  	v7 =	vld [tilespmem:s28+$0x0];
	p2 =	sne.s32 s26, $0x1FC;
	(v2sf) =	vpush v6, $0xF;
	s4 =	smov.u32 s26;
	s26 =	sadd.s32 $0x4, s26  }
.Ltmp15:
0x1fb: {  	(pc) =	sbr.rel @p2 .LBB2_27-.Ltmp15, $4  }
0x1fc: {  	_ = 	snop  }
0x1fd: {  	s29 =	sshra.s32 s15, $0x2;
	s15 =	smov.u32 s25;
	s30 =	spop (v2sf)  }
0x1fe: {  	s25 =	smov.u32 s1;
	s1 =	smov.u32 s14;
	[smem:s29] =	sst s30  }
0x1ff: {  	s28 =	sadd.s32 $0x10, s28;
	s14 =	smov.u32 s4;
	(xrf0) =	vadd.scan.msk.s32 $0xffff, v7;
	v6, _, _ =	vpop (xrf0)  }
0x200: {  	_ =	sdelay $0x4  }
0x201: {  	(v2sf) =	vpush v6, $0xF;
	v6, _, _ =	vpop (xrf0)  }
0x202: {  	(v2sf) =	vpush v6, $0xF;
	_ =	sdelay $0xb  }
0x203: {  	s4 =	spop (v2sf);
	s15 =	sshra.s32 s15, $0x2  }
0x204: {  	s25 =	sshra.s32 s25, $0x2;
	[smem:s15] =	sst s4;
	s26 =	spop (v2sf)  }
0x205: {  	s1 =	sshra.s32 s1, $0x2;
	[smem:s25] =	sst s26;
	s28 =	spop (v2sf)  }
0x206: {  	s29 =	sshra.s32 s14, $0x2;
	[smem:s1] =	sst s28;
	s30 =	spop (v2sf)  }
0x207: {  	[smem:s29] =	sst s30  }
0x208: {  	s1 =	sld [smem:$0x7F];
	_ =	sdelay $0x1  }
0x209: {  	s14 =	simm.s32 $0x7F;
	p4 =	por $0x1, $0x1  }
0x20a: {  	s4 =	simm.s32 $0x7E;
	s15 =	simm.s32 $0x0;
	s25 =	sadd.s32 $0x0, s1  }
0x20b: {  	s26 =	simm.s32 $0x7E;
	s1 =	simm.s32 $0x0;
	p3 =	sgt.s32 s25, $0x13332  }
.LBB2_29:
0x20c: {  	s28 =	sld [smem:s26+$0x0]  }
0x20d: {  	p3 =	por !p4, !p3;
	s29 =	smov.u32 s4;
	p2 =	sne.s32 s4, $0x0  }
.Ltmp16:
0x20e: {  	s4 =	sadd.s32 $0xFFFFFFFF, s4;
	p3 =	por !p3, !p3;
	(pc) =	sbr.rel @p2 .LBB2_29-.Ltmp16, $4  }
0x20f: {  	s0 =	smov.u32 @p3 s14;
	s1 =	smov.u32 @p3 s15;
	s14 =	smov.u32 s29  }
0x210: {  	s15 =	smov.u32 s25  }
0x211: {  	s25 =	sadd.s32 s25, s28  }
0x212: {  	s26 =	sadd.s32 $0xFFFFFFFF, s26;
	p4 =	slt.s32 s15, $0x13333;
	p3 =	sgt.s32 s25, $0x13332  }
0x213: {  	p2 =	por !p4, !p3  }
0x214: {  	p2 =	por !p2, !p2  }
0x215: {  	s0 =	smov.u32 @p2 s14  }
0x216: {  	s0 =	sshll.u32 s0, $0x4  }
0x217: {  	s4 =	sand.u32 $0x7F0, s0  }
0x218: {  	v6 =	vld [tilespmem:s4+$0x18000];
	_ =	sdelay $0x4  }
0x219: {  	v7 =	vperm.xlane v6, v4;
	_ =	sdelay $0x1  }
0x21a: {  	(xrf0) =	vadd.scan.msk.s32 $0xffff, v7;
	_ =	sdelay $0x5  }
0x21b: {  	s1 =	smov.u32 @p2 s15;
	v7, _, _ =	vpop (xrf0)  }
0x21c: {  	v7 =	vadd.s32 s1, v7  }
0x21d: {  	vm0 =	vgt.s32 v7, $0x13332  }
0x21e: {  	v7 =	vmpcnt.ones.xlane vm0;
	_ =	sdelay $0x1  }
0x21f: {  	v7 =	vadd.s32 $0xFFFFFFFF, v7  }
0x220: {  	vm15 =	vlt.s32 v7, v0  }
0x221: {  	v6 =	vnsel vm15, $0x0, v6  }
0x222: {  	(xrf0) =	vadd.scan.msk.s32 $0xffff, v6;
	_ =	sdelay $0x5  }
0x223: {  	v6, _, _ =	vpop (xrf0)  }
0x224: {  	(v2sf) =	vpush v6, $0xF;
	_ =	sdelay $0xb  }
0x225: {  	v6 =	vadd.s32 @!p1 s0, v7  }
0x226: {  	s14 =	simm.s32 @!p1 $0x18800;
	s4 =	simm.s32 @!p1 $0x400;
	s0 =	simm.s32 @!p1 $0x80;
	[tilespmem:$0x18800] =	vst @!p1 v6  }
0x227: {  	[spmem:s11] =	stream.strided.scatter @!p1 [tilespmem:s14], [sflag:$0x3], $0x800, s4, s0, $0x38;
	[tilespmem:$0x1A880] =	vst v63  }
0x228: {  	s4 =	simm.s32 @!p1 $0x3;
	s30 =	spop (v2sf)  }
0x229: {  	_ =	swait.ge @!p1 [sflag:s4], $0x800  }
0x22a: {  	[sflag:s4] =	ssyncset.done @!p1 $0x0  }
0x22b: {  	[sflag:s4] =	ssyncadd.s32 @!p1 $0xFFFFF800  }
0x22c: {  	[bflag:$0x0] =	sbarrier.arrive $0xFFFF  }
0x22d: {  	[tilespmem:s22], [sflag:$0x3] =	stream.strided.gather [spmem:s12], $0x800, s21, s20, $0x38;
	[tilespmem:$0x1A880] =	vst v63  }
0x22e: {  	_ =	swait.ge [sflag:s23], $0x800  }
0x22f: {  	[sflag:s23] =	ssyncset.done $0x0  }
0x230: {  	s28 =	simm.s32 $0x0;
	[sflag:s23] =	ssyncadd.s32 $0xFFFFF800  }
0x231: {  	v6 =	vld [tilespmem:$0x18800];
	[tilespmem:s28], [sflag:$0x1] =	stream.linear.gather [hbm4b:s3+s28], $0x4000, $0x38  }
0x232: {  	_ = 	snop  }
0x233: {  	[tilespmem:s16], [sflag:$0x2] =	stream.linear.gather [hbm4b:s5+s28], $0x4000, $0x38;
	[tilespmem:$0x1A880] =	vst v63  }
0x234: {  	v15 =	vimm.s32 $0x0;
	v8 =	vimm.f32 $0.0e+00;
	v9 =	vimm.f32 $0.0e+00;
	_ =	swait.ge [sflag:s17], $0x4000  }
0x235: {  	v10 =	vimm.f32 $0.0e+00;
	v11 =	vimm.f32 $0.0e+00;
	v12 =	vimm.f32 $0.0e+00;
	[sflag:s17] =	ssyncset.done $0x0  }
0x236: {  	v13 =	vimm.f32 $0.0e+00;
	v14 =	vimm.f32 $0.0e+00;
	v7 =	vimm.f32 $0.0e+00;
	s26 =	sadd.s32 s1, s30;
	[sflag:s17] =	ssyncadd.s32 $0xFFFFC000  }
.LBB2_31:
0x237: {  	s0 =	sshra.s32 s28, $0x2  }
0x238: {  	v16 =	vld [tilespmem:s0+$0x0];
	_ =	sdelay $0x4  }
0x239: {  	vm0 =	vlt.s32 v15, $0x7FF0;
	v17 =	vshra.s32 v16, $0x14  }
0x23a: {  	v18 =	vnsel vm0, $0x7FF0, v15;
	vm1 =	veq.s32 v17, v6  }
0x23b: {  	v18 =	vadd.s32 v0, v18;
	_ =	sdelay $0x4  }
0x23c: {  	[tilespmem:v18+s24+$0x0] =	vst.idx.msk vm1, v16  }
0x23d: {  	v18 =	vld [tilespmem:s0+$0x10];
	_ =	sdelay $0x2  }
0x23e: {  	v19 =	vsel vm1, $0x10, v1  }
0x23f: {  	v15 =	vadd.s32 v15, v19  }
0x240: {  	vm6 =	vlt.s32 v15, $0x7FF0;
	v54 =	vshra.s32 v18, $0x14  }
0x241: {  	v20 =	vnsel vm6, $0x7FF0, v15;
	vm7 =	veq.s32 v54, v6  }
0x242: {  	v20 =	vadd.s32 v0, v20;
	_ =	sdelay $0x4  }
0x243: {  	[tilespmem:v20+s24+$0x0] =	vst.idx.msk vm7, v18  }
0x244: {  	v20 =	vld [tilespmem:s0+$0x20];
	_ =	sdelay $0x2  }
0x245: {  	v21 =	vsel vm7, $0x10, v1  }
0x246: {  	v15 =	vadd.s32 v15, v21  }
0x247: {  	vm8 =	vlt.s32 v15, $0x7FF0;
	v55 =	vshra.s32 v20, $0x14  }
0x248: {  	v22 =	vnsel vm8, $0x7FF0, v15;
	vm9 =	veq.s32 v55, v6  }
0x249: {  	v22 =	vadd.s32 v0, v22;
	_ =	sdelay $0x4  }
0x24a: {  	[tilespmem:v22+s24+$0x0] =	vst.idx.msk vm9, v20  }
0x24b: {  	v22 =	vld [tilespmem:s0+$0x30];
	_ =	sdelay $0x2  }
0x24c: {  	v23 =	vsel vm9, $0x10, v1  }
0x24d: {  	v15 =	vadd.s32 v15, v23  }
0x24e: {  	vm10 =	vlt.s32 v15, $0x7FF0;
	v56 =	vshra.s32 v22, $0x14  }
0x24f: {  	v24 =	vnsel vm10, $0x7FF0, v15;
	vm11 =	veq.s32 v56, v6  }
0x250: {  	v24 =	vadd.s32 v0, v24;
	_ =	sdelay $0x4  }
0x251: {  	[tilespmem:v24+s24+$0x0] =	vst.idx.msk vm11, v22  }
0x252: {  	v24 =	vld [tilespmem:s0+$0x40];
	_ =	sdelay $0x2  }
0x253: {  	v25 =	vsel vm11, $0x10, v1  }
0x254: {  	v15 =	vadd.s32 v15, v25  }
0x255: {  	vm12 =	vlt.s32 v15, $0x7FF0;
	v57 =	vshra.s32 v24, $0x14  }
0x256: {  	v26 =	vnsel vm12, $0x7FF0, v15;
	vm13 =	veq.s32 v57, v6  }
0x257: {  	v26 =	vadd.s32 v0, v26;
	_ =	sdelay $0x4  }
0x258: {  	[tilespmem:v26+s24+$0x0] =	vst.idx.msk vm13, v24  }
0x259: {  	v26 =	vld [tilespmem:s0+$0x50];
	_ =	sdelay $0x2  }
0x25a: {  	v27 =	vsel vm13, $0x10, v1  }
0x25b: {  	v15 =	vadd.s32 v15, v27  }
0x25c: {  	vm14 =	vlt.s32 v15, $0x7FF0;
	v58 =	vshra.s32 v26, $0x14  }
0x25d: {  	v28 =	vnsel vm14, $0x7FF0, v15;
	vm15 =	veq.s32 v58, v6  }
0x25e: {  	v28 =	vadd.s32 v0, v28;
	_ =	sdelay $0x4  }
0x25f: {  	[tilespmem:v28+s24+$0x0] =	vst.idx.msk vm15, v26  }
0x260: {  	v28 =	vld [tilespmem:s0+$0x60];
	_ =	sdelay $0x2  }
0x261: {  	v29 =	vsel vm15, $0x10, v1  }
0x262: {  	v15 =	vadd.s32 v15, v29  }
0x263: {  	vm4 =	vlt.s32 v15, $0x7FF0;
	v59 =	vshra.s32 v28, $0x14  }
0x264: {  	v30 =	vnsel vm4, $0x7FF0, v15;
	vm5 =	veq.s32 v59, v6  }
0x265: {  	v30 =	vadd.s32 v0, v30;
	_ =	sdelay $0x4  }
0x266: {  	[tilespmem:v30+s24+$0x0] =	vst.idx.msk vm5, v28  }
0x267: {  	vm6 =	vgt.s32 v17, v6;
	v30 =	vld [tilespmem:s0+$0x70]  }
0x268: {  	v16 =	vnsel vm6, $0x0, v16  }
0x269: {  	v14 =	vadd.f32 v16, v14;
	vm7 =	vgt.s32 v54, v6  }
0x26a: {  	v16 =	vnsel vm7, $0x0, v18;
	vm9 =	vgt.s32 v55, v6;
	v17 =	vsel vm5, $0x10, v1  }
0x26b: {  	v13 =	vadd.f32 v16, v13;
	v61 =	vnsel vm9, $0x0, v20;
	v15 =	vadd.s32 v15, v17  }
0x26c: {  	v12 =	vadd.f32 v61, v12;
	vm8 =	vlt.s32 v15, $0x7FF0;
	v17 =	vshra.s32 v30, $0x14  }
0x26d: {  	vm11 =	vgt.s32 v56, v6;
	v60 =	vnsel vm8, $0x7FF0, v15;
	vm10 =	veq.s32 v17, v6  }
0x26e: {  	p2 =	sne.s32 s28, $0xFE00;
	v16 =	vnsel vm11, $0x0, v22;
	vm12 =	vgt.s32 v57, v6;
	v18 =	vadd.s32 v0, v60  }
.Ltmp17:
0x26f: {  	v11 =	vadd.f32 v16, v11;
	v62 =	vnsel vm12, $0x0, v24;
	vm13 =	vgt.s32 v58, v6;
	(pc) =	sbr.rel @p2 .LBB2_31-.Ltmp17, $4  }
0x270: {  	v10 =	vadd.f32 v62, v10;
	v16 =	vnsel vm13, $0x0, v26;
	vm14 =	vgt.s32 v59, v6  }
0x271: {  	v9 =	vadd.f32 v16, v9;
	v63 =	vnsel vm14, $0x0, v28;
	vm15 =	vgt.s32 v17, v6  }
0x272: {  	v8 =	vadd.f32 v63, v8;
	v16 =	vnsel vm15, $0x0, v30;
	v17 =	vsel vm10, $0x10, v1  }
0x273: {  	s28 =	sadd.s32 $0x200, s28;
	v7 =	vadd.f32 v16, v7;
	v15 =	vadd.s32 v15, v17;
	[tilespmem:v18+s24+$0x0] =	vst.idx.msk vm10, v30  }
0x274: {  	s28 =	simm.s32 $0x0  }
0x275: {  	[tilespmem:s28], [sflag:$0x1] =	stream.linear.gather [hbm4b:s6+s28], $0x4000, $0x38;
	[tilespmem:$0x1A880] =	vst v63  }
0x276: {  	_ =	swait.ge [sflag:s19], $0x4000  }
0x277: {  	[sflag:s19] =	ssyncset.done $0x0  }
0x278: {  	[sflag:s19] =	ssyncadd.s32 $0xFFFFC000  }
.LBB2_33:
0x279: {  	s0 =	sshra.s32 s28, $0x2  }
0x27a: {  	v16 =	vld [tilespmem:s0+$0x4000];
	_ =	sdelay $0x4  }
0x27b: {  	vm0 =	vlt.s32 v15, $0x7FF0;
	v17 =	vshra.s32 v16, $0x14  }
0x27c: {  	v18 =	vnsel vm0, $0x7FF0, v15;
	vm1 =	veq.s32 v17, v6  }
0x27d: {  	v18 =	vadd.s32 v0, v18;
	_ =	sdelay $0x4  }
0x27e: {  	[tilespmem:v18+s24+$0x0] =	vst.idx.msk vm1, v16  }
0x27f: {  	v18 =	vld [tilespmem:s0+$0x4010];
	_ =	sdelay $0x2  }
0x280: {  	v19 =	vsel vm1, $0x10, v1  }
0x281: {  	v15 =	vadd.s32 v15, v19  }
0x282: {  	vm6 =	vlt.s32 v15, $0x7FF0;
	v54 =	vshra.s32 v18, $0x14  }
0x283: {  	v20 =	vnsel vm6, $0x7FF0, v15;
	vm7 =	veq.s32 v54, v6  }
0x284: {  	v20 =	vadd.s32 v0, v20;
	_ =	sdelay $0x4  }
0x285: {  	[tilespmem:v20+s24+$0x0] =	vst.idx.msk vm7, v18  }
0x286: {  	v20 =	vld [tilespmem:s0+$0x4020];
	_ =	sdelay $0x2  }
0x287: {  	v21 =	vsel vm7, $0x10, v1  }
0x288: {  	v15 =	vadd.s32 v15, v21  }
0x289: {  	vm8 =	vlt.s32 v15, $0x7FF0;
	v55 =	vshra.s32 v20, $0x14  }
0x28a: {  	v22 =	vnsel vm8, $0x7FF0, v15;
	vm9 =	veq.s32 v55, v6  }
0x28b: {  	v22 =	vadd.s32 v0, v22;
	_ =	sdelay $0x4  }
0x28c: {  	[tilespmem:v22+s24+$0x0] =	vst.idx.msk vm9, v20  }
0x28d: {  	v22 =	vld [tilespmem:s0+$0x4030];
	_ =	sdelay $0x2  }
0x28e: {  	v23 =	vsel vm9, $0x10, v1  }
0x28f: {  	v15 =	vadd.s32 v15, v23  }
0x290: {  	vm10 =	vlt.s32 v15, $0x7FF0;
	v56 =	vshra.s32 v22, $0x14  }
0x291: {  	v24 =	vnsel vm10, $0x7FF0, v15;
	vm11 =	veq.s32 v56, v6  }
0x292: {  	v24 =	vadd.s32 v0, v24;
	_ =	sdelay $0x4  }
0x293: {  	[tilespmem:v24+s24+$0x0] =	vst.idx.msk vm11, v22  }
0x294: {  	v24 =	vld [tilespmem:s0+$0x4040];
	_ =	sdelay $0x2  }
0x295: {  	v25 =	vsel vm11, $0x10, v1  }
0x296: {  	v15 =	vadd.s32 v15, v25  }
0x297: {  	vm12 =	vlt.s32 v15, $0x7FF0;
	v57 =	vshra.s32 v24, $0x14  }
0x298: {  	v26 =	vnsel vm12, $0x7FF0, v15;
	vm13 =	veq.s32 v57, v6  }
0x299: {  	v26 =	vadd.s32 v0, v26;
	_ =	sdelay $0x4  }
0x29a: {  	[tilespmem:v26+s24+$0x0] =	vst.idx.msk vm13, v24  }
0x29b: {  	v26 =	vld [tilespmem:s0+$0x4050];
	_ =	sdelay $0x2  }
0x29c: {  	v27 =	vsel vm13, $0x10, v1  }
0x29d: {  	v15 =	vadd.s32 v15, v27  }
0x29e: {  	vm14 =	vlt.s32 v15, $0x7FF0;
	v58 =	vshra.s32 v26, $0x14  }
0x29f: {  	v28 =	vnsel vm14, $0x7FF0, v15;
	vm15 =	veq.s32 v58, v6  }
0x2a0: {  	v28 =	vadd.s32 v0, v28;
	_ =	sdelay $0x4  }
0x2a1: {  	[tilespmem:v28+s24+$0x0] =	vst.idx.msk vm15, v26  }
0x2a2: {  	v28 =	vld [tilespmem:s0+$0x4060];
	_ =	sdelay $0x2  }
0x2a3: {  	v29 =	vsel vm15, $0x10, v1  }
0x2a4: {  	v15 =	vadd.s32 v15, v29  }
0x2a5: {  	vm4 =	vlt.s32 v15, $0x7FF0;
	v59 =	vshra.s32 v28, $0x14  }
0x2a6: {  	v30 =	vnsel vm4, $0x7FF0, v15;
	vm5 =	veq.s32 v59, v6  }
0x2a7: {  	v30 =	vadd.s32 v0, v30;
	_ =	sdelay $0x4  }
0x2a8: {  	[tilespmem:v30+s24+$0x0] =	vst.idx.msk vm5, v28  }
0x2a9: {  	vm6 =	vgt.s32 v17, v6;
	v30 =	vld [tilespmem:s0+$0x4070]  }
0x2aa: {  	v16 =	vnsel vm6, $0x0, v16  }
0x2ab: {  	v14 =	vadd.f32 v16, v14;
	vm7 =	vgt.s32 v54, v6  }
0x2ac: {  	v16 =	vnsel vm7, $0x0, v18;
	vm9 =	vgt.s32 v55, v6;
	v17 =	vsel vm5, $0x10, v1  }
0x2ad: {  	v13 =	vadd.f32 v16, v13;
	v61 =	vnsel vm9, $0x0, v20;
	v15 =	vadd.s32 v15, v17  }
0x2ae: {  	v12 =	vadd.f32 v61, v12;
	vm8 =	vlt.s32 v15, $0x7FF0;
	v17 =	vshra.s32 v30, $0x14  }
0x2af: {  	vm11 =	vgt.s32 v56, v6;
	v60 =	vnsel vm8, $0x7FF0, v15;
	vm10 =	veq.s32 v17, v6  }
0x2b0: {  	p2 =	sne.s32 s28, $0xFE00;
	v16 =	vnsel vm11, $0x0, v22;
	vm12 =	vgt.s32 v57, v6;
	v18 =	vadd.s32 v0, v60  }
.Ltmp18:
0x2b1: {  	v11 =	vadd.f32 v16, v11;
	v62 =	vnsel vm12, $0x0, v24;
	vm13 =	vgt.s32 v58, v6;
	(pc) =	sbr.rel @p2 .LBB2_33-.Ltmp18, $4  }
0x2b2: {  	v10 =	vadd.f32 v62, v10;
	v16 =	vnsel vm13, $0x0, v26;
	vm14 =	vgt.s32 v59, v6  }
0x2b3: {  	v9 =	vadd.f32 v16, v9;
	v63 =	vnsel vm14, $0x0, v28;
	vm15 =	vgt.s32 v17, v6  }
0x2b4: {  	v8 =	vadd.f32 v63, v8;
	v16 =	vnsel vm15, $0x0, v30;
	v17 =	vsel vm10, $0x10, v1  }
0x2b5: {  	s28 =	sadd.s32 $0x200, s28;
	v7 =	vadd.f32 v16, v7;
	v15 =	vadd.s32 v15, v17;
	[tilespmem:v18+s24+$0x0] =	vst.idx.msk vm10, v30  }
0x2b6: {  	s28 =	simm.s32 $0x0  }
0x2b7: {  	[tilespmem:s16], [sflag:$0x2] =	stream.linear.gather [hbm4b:s7+s28], $0x4000, $0x38;
	[tilespmem:$0x1A880] =	vst v63  }
0x2b8: {  	_ =	swait.ge [sflag:s17], $0x4000  }
0x2b9: {  	[sflag:s17] =	ssyncset.done $0x0  }
0x2ba: {  	[sflag:s17] =	ssyncadd.s32 $0xFFFFC000  }
.LBB2_35:
0x2bb: {  	s0 =	sshra.s32 s28, $0x2  }
0x2bc: {  	v16 =	vld [tilespmem:s0+$0x0];
	_ =	sdelay $0x4  }
0x2bd: {  	vm0 =	vlt.s32 v15, $0x7FF0;
	v17 =	vshra.s32 v16, $0x14  }
0x2be: {  	v18 =	vnsel vm0, $0x7FF0, v15;
	vm1 =	veq.s32 v17, v6  }
0x2bf: {  	v18 =	vadd.s32 v0, v18;
	_ =	sdelay $0x4  }
0x2c0: {  	[tilespmem:v18+s24+$0x0] =	vst.idx.msk vm1, v16  }
0x2c1: {  	v18 =	vld [tilespmem:s0+$0x10];
	_ =	sdelay $0x2  }
0x2c2: {  	v19 =	vsel vm1, $0x10, v1  }
0x2c3: {  	v15 =	vadd.s32 v15, v19  }
0x2c4: {  	vm6 =	vlt.s32 v15, $0x7FF0;
	v54 =	vshra.s32 v18, $0x14  }
0x2c5: {  	v20 =	vnsel vm6, $0x7FF0, v15;
	vm7 =	veq.s32 v54, v6  }
0x2c6: {  	v20 =	vadd.s32 v0, v20;
	_ =	sdelay $0x4  }
0x2c7: {  	[tilespmem:v20+s24+$0x0] =	vst.idx.msk vm7, v18  }
0x2c8: {  	v20 =	vld [tilespmem:s0+$0x20];
	_ =	sdelay $0x2  }
0x2c9: {  	v21 =	vsel vm7, $0x10, v1  }
0x2ca: {  	v15 =	vadd.s32 v15, v21  }
0x2cb: {  	vm8 =	vlt.s32 v15, $0x7FF0;
	v55 =	vshra.s32 v20, $0x14  }
0x2cc: {  	v22 =	vnsel vm8, $0x7FF0, v15;
	vm9 =	veq.s32 v55, v6  }
0x2cd: {  	v22 =	vadd.s32 v0, v22;
	_ =	sdelay $0x4  }
0x2ce: {  	[tilespmem:v22+s24+$0x0] =	vst.idx.msk vm9, v20  }
0x2cf: {  	v22 =	vld [tilespmem:s0+$0x30];
	_ =	sdelay $0x2  }
0x2d0: {  	v23 =	vsel vm9, $0x10, v1  }
0x2d1: {  	v15 =	vadd.s32 v15, v23  }
0x2d2: {  	vm10 =	vlt.s32 v15, $0x7FF0;
	v56 =	vshra.s32 v22, $0x14  }
0x2d3: {  	v24 =	vnsel vm10, $0x7FF0, v15;
	vm11 =	veq.s32 v56, v6  }
0x2d4: {  	v24 =	vadd.s32 v0, v24;
	_ =	sdelay $0x4  }
0x2d5: {  	[tilespmem:v24+s24+$0x0] =	vst.idx.msk vm11, v22  }
0x2d6: {  	v24 =	vld [tilespmem:s0+$0x40];
	_ =	sdelay $0x2  }
0x2d7: {  	v25 =	vsel vm11, $0x10, v1  }
0x2d8: {  	v15 =	vadd.s32 v15, v25  }
0x2d9: {  	vm12 =	vlt.s32 v15, $0x7FF0;
	v57 =	vshra.s32 v24, $0x14  }
0x2da: {  	v26 =	vnsel vm12, $0x7FF0, v15;
	vm13 =	veq.s32 v57, v6  }
0x2db: {  	v26 =	vadd.s32 v0, v26;
	_ =	sdelay $0x4  }
0x2dc: {  	[tilespmem:v26+s24+$0x0] =	vst.idx.msk vm13, v24  }
0x2dd: {  	v26 =	vld [tilespmem:s0+$0x50];
	_ =	sdelay $0x2  }
0x2de: {  	v27 =	vsel vm13, $0x10, v1  }
0x2df: {  	v15 =	vadd.s32 v15, v27  }
0x2e0: {  	vm14 =	vlt.s32 v15, $0x7FF0;
	v58 =	vshra.s32 v26, $0x14  }
0x2e1: {  	v28 =	vnsel vm14, $0x7FF0, v15;
	vm15 =	veq.s32 v58, v6  }
0x2e2: {  	v28 =	vadd.s32 v0, v28;
	_ =	sdelay $0x4  }
0x2e3: {  	[tilespmem:v28+s24+$0x0] =	vst.idx.msk vm15, v26  }
0x2e4: {  	v28 =	vld [tilespmem:s0+$0x60];
	_ =	sdelay $0x2  }
0x2e5: {  	v29 =	vsel vm15, $0x10, v1  }
0x2e6: {  	v15 =	vadd.s32 v15, v29  }
0x2e7: {  	vm4 =	vlt.s32 v15, $0x7FF0;
	v59 =	vshra.s32 v28, $0x14  }
0x2e8: {  	v30 =	vnsel vm4, $0x7FF0, v15;
	vm5 =	veq.s32 v59, v6  }
0x2e9: {  	v30 =	vadd.s32 v0, v30;
	_ =	sdelay $0x4  }
0x2ea: {  	[tilespmem:v30+s24+$0x0] =	vst.idx.msk vm5, v28  }
0x2eb: {  	vm6 =	vgt.s32 v17, v6;
	v30 =	vld [tilespmem:s0+$0x70]  }
0x2ec: {  	v16 =	vnsel vm6, $0x0, v16  }
0x2ed: {  	v14 =	vadd.f32 v16, v14;
	vm7 =	vgt.s32 v54, v6  }
0x2ee: {  	v16 =	vnsel vm7, $0x0, v18;
	vm9 =	vgt.s32 v55, v6;
	v17 =	vsel vm5, $0x10, v1  }
0x2ef: {  	v13 =	vadd.f32 v16, v13;
	v61 =	vnsel vm9, $0x0, v20;
	v15 =	vadd.s32 v15, v17  }
0x2f0: {  	v12 =	vadd.f32 v61, v12;
	vm8 =	vlt.s32 v15, $0x7FF0;
	v17 =	vshra.s32 v30, $0x14  }
0x2f1: {  	vm11 =	vgt.s32 v56, v6;
	v60 =	vnsel vm8, $0x7FF0, v15;
	vm10 =	veq.s32 v17, v6  }
0x2f2: {  	p2 =	sne.s32 s28, $0xFE00;
	v16 =	vnsel vm11, $0x0, v22;
	vm12 =	vgt.s32 v57, v6;
	v18 =	vadd.s32 v0, v60  }
.Ltmp19:
0x2f3: {  	v11 =	vadd.f32 v16, v11;
	v62 =	vnsel vm12, $0x0, v24;
	vm13 =	vgt.s32 v58, v6;
	(pc) =	sbr.rel @p2 .LBB2_35-.Ltmp19, $4  }
0x2f4: {  	v10 =	vadd.f32 v62, v10;
	v16 =	vnsel vm13, $0x0, v26;
	vm14 =	vgt.s32 v59, v6  }
0x2f5: {  	v9 =	vadd.f32 v16, v9;
	v63 =	vnsel vm14, $0x0, v28;
	vm15 =	vgt.s32 v17, v6  }
0x2f6: {  	v8 =	vadd.f32 v63, v8;
	v16 =	vnsel vm15, $0x0, v30;
	v17 =	vsel vm10, $0x10, v1  }
0x2f7: {  	s28 =	sadd.s32 $0x200, s28;
	v7 =	vadd.f32 v16, v7;
	v15 =	vadd.s32 v15, v17;
	[tilespmem:v18+s24+$0x0] =	vst.idx.msk vm10, v30  }
0x2f8: {  	s28 =	simm.s32 $0x0  }
0x2f9: {  	[tilespmem:s28], [sflag:$0x1] =	stream.linear.gather [hbm4b:s8+s28], $0x4000, $0x38;
	[tilespmem:$0x1A880] =	vst v63  }
0x2fa: {  	_ =	swait.ge [sflag:s19], $0x4000  }
0x2fb: {  	[sflag:s19] =	ssyncset.done $0x0  }
0x2fc: {  	[sflag:s19] =	ssyncadd.s32 $0xFFFFC000  }
.LBB2_37:
0x2fd: {  	s0 =	sshra.s32 s28, $0x2  }
0x2fe: {  	v16 =	vld [tilespmem:s0+$0x4000];
	_ =	sdelay $0x4  }
0x2ff: {  	vm0 =	vlt.s32 v15, $0x7FF0;
	v17 =	vshra.s32 v16, $0x14  }
0x300: {  	v18 =	vnsel vm0, $0x7FF0, v15;
	vm1 =	veq.s32 v17, v6  }
0x301: {  	v18 =	vadd.s32 v0, v18;
	_ =	sdelay $0x4  }
0x302: {  	[tilespmem:v18+s24+$0x0] =	vst.idx.msk vm1, v16  }
0x303: {  	v18 =	vld [tilespmem:s0+$0x4010];
	_ =	sdelay $0x2  }
0x304: {  	v19 =	vsel vm1, $0x10, v1  }
0x305: {  	v15 =	vadd.s32 v15, v19  }
0x306: {  	vm6 =	vlt.s32 v15, $0x7FF0;
	v54 =	vshra.s32 v18, $0x14  }
0x307: {  	v20 =	vnsel vm6, $0x7FF0, v15;
	vm7 =	veq.s32 v54, v6  }
0x308: {  	v20 =	vadd.s32 v0, v20;
	_ =	sdelay $0x4  }
0x309: {  	[tilespmem:v20+s24+$0x0] =	vst.idx.msk vm7, v18  }
0x30a: {  	v20 =	vld [tilespmem:s0+$0x4020];
	_ =	sdelay $0x2  }
0x30b: {  	v21 =	vsel vm7, $0x10, v1  }
0x30c: {  	v15 =	vadd.s32 v15, v21  }
0x30d: {  	vm8 =	vlt.s32 v15, $0x7FF0;
	v55 =	vshra.s32 v20, $0x14  }
0x30e: {  	v22 =	vnsel vm8, $0x7FF0, v15;
	vm9 =	veq.s32 v55, v6  }
0x30f: {  	v22 =	vadd.s32 v0, v22;
	_ =	sdelay $0x4  }
0x310: {  	[tilespmem:v22+s24+$0x0] =	vst.idx.msk vm9, v20  }
0x311: {  	v22 =	vld [tilespmem:s0+$0x4030];
	_ =	sdelay $0x2  }
0x312: {  	v23 =	vsel vm9, $0x10, v1  }
0x313: {  	v15 =	vadd.s32 v15, v23  }
0x314: {  	vm10 =	vlt.s32 v15, $0x7FF0;
	v56 =	vshra.s32 v22, $0x14  }
0x315: {  	v24 =	vnsel vm10, $0x7FF0, v15;
	vm11 =	veq.s32 v56, v6  }
0x316: {  	v24 =	vadd.s32 v0, v24;
	_ =	sdelay $0x4  }
0x317: {  	[tilespmem:v24+s24+$0x0] =	vst.idx.msk vm11, v22  }
0x318: {  	v24 =	vld [tilespmem:s0+$0x4040];
	_ =	sdelay $0x2  }
0x319: {  	v25 =	vsel vm11, $0x10, v1  }
0x31a: {  	v15 =	vadd.s32 v15, v25  }
0x31b: {  	vm12 =	vlt.s32 v15, $0x7FF0;
	v57 =	vshra.s32 v24, $0x14  }
0x31c: {  	v26 =	vnsel vm12, $0x7FF0, v15;
	vm13 =	veq.s32 v57, v6  }
0x31d: {  	v26 =	vadd.s32 v0, v26;
	_ =	sdelay $0x4  }
0x31e: {  	[tilespmem:v26+s24+$0x0] =	vst.idx.msk vm13, v24  }
0x31f: {  	v26 =	vld [tilespmem:s0+$0x4050];
	_ =	sdelay $0x2  }
0x320: {  	v27 =	vsel vm13, $0x10, v1  }
0x321: {  	v15 =	vadd.s32 v15, v27  }
0x322: {  	vm14 =	vlt.s32 v15, $0x7FF0;
	v58 =	vshra.s32 v26, $0x14  }
0x323: {  	v28 =	vnsel vm14, $0x7FF0, v15;
	vm15 =	veq.s32 v58, v6  }
0x324: {  	v28 =	vadd.s32 v0, v28;
	_ =	sdelay $0x4  }
0x325: {  	[tilespmem:v28+s24+$0x0] =	vst.idx.msk vm15, v26  }
0x326: {  	v28 =	vld [tilespmem:s0+$0x4060];
	_ =	sdelay $0x2  }
0x327: {  	v29 =	vsel vm15, $0x10, v1  }
0x328: {  	v15 =	vadd.s32 v15, v29  }
0x329: {  	vm4 =	vlt.s32 v15, $0x7FF0;
	v59 =	vshra.s32 v28, $0x14  }
0x32a: {  	v30 =	vnsel vm4, $0x7FF0, v15;
	vm5 =	veq.s32 v59, v6  }
0x32b: {  	v30 =	vadd.s32 v0, v30;
	_ =	sdelay $0x4  }
0x32c: {  	[tilespmem:v30+s24+$0x0] =	vst.idx.msk vm5, v28  }
0x32d: {  	vm6 =	vgt.s32 v17, v6;
	v30 =	vld [tilespmem:s0+$0x4070]  }
0x32e: {  	v16 =	vnsel vm6, $0x0, v16  }
0x32f: {  	v14 =	vadd.f32 v16, v14;
	vm7 =	vgt.s32 v54, v6  }
0x330: {  	v16 =	vnsel vm7, $0x0, v18;
	vm9 =	vgt.s32 v55, v6;
	v17 =	vsel vm5, $0x10, v1  }
0x331: {  	v13 =	vadd.f32 v16, v13;
	v61 =	vnsel vm9, $0x0, v20;
	v15 =	vadd.s32 v15, v17  }
0x332: {  	v12 =	vadd.f32 v61, v12;
	vm8 =	vlt.s32 v15, $0x7FF0;
	v17 =	vshra.s32 v30, $0x14  }
0x333: {  	vm11 =	vgt.s32 v56, v6;
	v60 =	vnsel vm8, $0x7FF0, v15;
	vm10 =	veq.s32 v17, v6  }
0x334: {  	p2 =	sne.s32 s28, $0xFE00;
	v16 =	vnsel vm11, $0x0, v22;
	vm12 =	vgt.s32 v57, v6;
	v18 =	vadd.s32 v0, v60  }
.Ltmp20:
0x335: {  	v11 =	vadd.f32 v16, v11;
	v62 =	vnsel vm12, $0x0, v24;
	vm13 =	vgt.s32 v58, v6;
	(pc) =	sbr.rel @p2 .LBB2_37-.Ltmp20, $4  }
0x336: {  	v10 =	vadd.f32 v62, v10;
	v16 =	vnsel vm13, $0x0, v26;
	vm14 =	vgt.s32 v59, v6  }
0x337: {  	v9 =	vadd.f32 v16, v9;
	v63 =	vnsel vm14, $0x0, v28;
	vm15 =	vgt.s32 v17, v6  }
0x338: {  	v8 =	vadd.f32 v63, v8;
	v16 =	vnsel vm15, $0x0, v30;
	v17 =	vsel vm10, $0x10, v1  }
0x339: {  	s28 =	sadd.s32 $0x200, s28;
	v7 =	vadd.f32 v16, v7;
	v15 =	vadd.s32 v15, v17;
	[tilespmem:v18+s24+$0x0] =	vst.idx.msk vm10, v30  }
0x33a: {  	s28 =	simm.s32 $0x0  }
0x33b: {  	[tilespmem:s16], [sflag:$0x2] =	stream.linear.gather [hbm4b:s31+s28], $0x4000, $0x38;
	[tilespmem:$0x1A880] =	vst v63  }
0x33c: {  	_ =	swait.ge [sflag:s17], $0x4000  }
0x33d: {  	[sflag:s17] =	ssyncset.done $0x0  }
0x33e: {  	[sflag:s17] =	ssyncadd.s32 $0xFFFFC000  }
.LBB2_39:
0x33f: {  	s0 =	sshra.s32 s28, $0x2  }
0x340: {  	v16 =	vld [tilespmem:s0+$0x0];
	_ =	sdelay $0x4  }
0x341: {  	vm0 =	vlt.s32 v15, $0x7FF0;
	v17 =	vshra.s32 v16, $0x14  }
0x342: {  	v18 =	vnsel vm0, $0x7FF0, v15;
	vm1 =	veq.s32 v17, v6  }
0x343: {  	v18 =	vadd.s32 v0, v18;
	_ =	sdelay $0x4  }
0x344: {  	[tilespmem:v18+s24+$0x0] =	vst.idx.msk vm1, v16  }
0x345: {  	v18 =	vld [tilespmem:s0+$0x10];
	_ =	sdelay $0x2  }
0x346: {  	v19 =	vsel vm1, $0x10, v1  }
0x347: {  	v15 =	vadd.s32 v15, v19  }
0x348: {  	vm6 =	vlt.s32 v15, $0x7FF0;
	v54 =	vshra.s32 v18, $0x14  }
0x349: {  	v20 =	vnsel vm6, $0x7FF0, v15;
	vm7 =	veq.s32 v54, v6  }
0x34a: {  	v20 =	vadd.s32 v0, v20;
	_ =	sdelay $0x4  }
0x34b: {  	[tilespmem:v20+s24+$0x0] =	vst.idx.msk vm7, v18  }
0x34c: {  	v20 =	vld [tilespmem:s0+$0x20];
	_ =	sdelay $0x2  }
0x34d: {  	v21 =	vsel vm7, $0x10, v1  }
0x34e: {  	v15 =	vadd.s32 v15, v21  }
0x34f: {  	vm8 =	vlt.s32 v15, $0x7FF0;
	v55 =	vshra.s32 v20, $0x14  }
0x350: {  	v22 =	vnsel vm8, $0x7FF0, v15;
	vm9 =	veq.s32 v55, v6  }
0x351: {  	v22 =	vadd.s32 v0, v22;
	_ =	sdelay $0x4  }
0x352: {  	[tilespmem:v22+s24+$0x0] =	vst.idx.msk vm9, v20  }
0x353: {  	v22 =	vld [tilespmem:s0+$0x30];
	_ =	sdelay $0x2  }
0x354: {  	v23 =	vsel vm9, $0x10, v1  }
0x355: {  	v15 =	vadd.s32 v15, v23  }
0x356: {  	vm10 =	vlt.s32 v15, $0x7FF0;
	v56 =	vshra.s32 v22, $0x14  }
0x357: {  	v24 =	vnsel vm10, $0x7FF0, v15;
	vm11 =	veq.s32 v56, v6  }
0x358: {  	v24 =	vadd.s32 v0, v24;
	_ =	sdelay $0x4  }
0x359: {  	[tilespmem:v24+s24+$0x0] =	vst.idx.msk vm11, v22  }
0x35a: {  	v24 =	vld [tilespmem:s0+$0x40];
	_ =	sdelay $0x2  }
0x35b: {  	v25 =	vsel vm11, $0x10, v1  }
0x35c: {  	v15 =	vadd.s32 v15, v25  }
0x35d: {  	vm12 =	vlt.s32 v15, $0x7FF0;
	v57 =	vshra.s32 v24, $0x14  }
0x35e: {  	v26 =	vnsel vm12, $0x7FF0, v15;
	vm13 =	veq.s32 v57, v6  }
0x35f: {  	v26 =	vadd.s32 v0, v26;
	_ =	sdelay $0x4  }
0x360: {  	[tilespmem:v26+s24+$0x0] =	vst.idx.msk vm13, v24  }
0x361: {  	v26 =	vld [tilespmem:s0+$0x50];
	_ =	sdelay $0x2  }
0x362: {  	v27 =	vsel vm13, $0x10, v1  }
0x363: {  	v15 =	vadd.s32 v15, v27  }
0x364: {  	vm14 =	vlt.s32 v15, $0x7FF0;
	v58 =	vshra.s32 v26, $0x14  }
0x365: {  	v28 =	vnsel vm14, $0x7FF0, v15;
	vm15 =	veq.s32 v58, v6  }
0x366: {  	v28 =	vadd.s32 v0, v28;
	_ =	sdelay $0x4  }
0x367: {  	[tilespmem:v28+s24+$0x0] =	vst.idx.msk vm15, v26  }
0x368: {  	v28 =	vld [tilespmem:s0+$0x60];
	_ =	sdelay $0x2  }
0x369: {  	v29 =	vsel vm15, $0x10, v1  }
0x36a: {  	v15 =	vadd.s32 v15, v29  }
0x36b: {  	vm4 =	vlt.s32 v15, $0x7FF0;
	v59 =	vshra.s32 v28, $0x14  }
0x36c: {  	v30 =	vnsel vm4, $0x7FF0, v15;
	vm5 =	veq.s32 v59, v6  }
0x36d: {  	v30 =	vadd.s32 v0, v30;
	_ =	sdelay $0x4  }
0x36e: {  	[tilespmem:v30+s24+$0x0] =	vst.idx.msk vm5, v28  }
0x36f: {  	vm6 =	vgt.s32 v17, v6;
	v30 =	vld [tilespmem:s0+$0x70]  }
0x370: {  	v16 =	vnsel vm6, $0x0, v16  }
0x371: {  	v14 =	vadd.f32 v16, v14;
	vm7 =	vgt.s32 v54, v6  }
0x372: {  	v16 =	vnsel vm7, $0x0, v18;
	vm9 =	vgt.s32 v55, v6;
	v17 =	vsel vm5, $0x10, v1  }
0x373: {  	v13 =	vadd.f32 v16, v13;
	v61 =	vnsel vm9, $0x0, v20;
	v15 =	vadd.s32 v15, v17  }
0x374: {  	v12 =	vadd.f32 v61, v12;
	vm8 =	vlt.s32 v15, $0x7FF0;
	v17 =	vshra.s32 v30, $0x14  }
0x375: {  	vm11 =	vgt.s32 v56, v6;
	v60 =	vnsel vm8, $0x7FF0, v15;
	vm10 =	veq.s32 v17, v6  }
0x376: {  	p2 =	sne.s32 s28, $0xFE00;
	v16 =	vnsel vm11, $0x0, v22;
	vm12 =	vgt.s32 v57, v6;
	v18 =	vadd.s32 v0, v60  }
.Ltmp21:
0x377: {  	v11 =	vadd.f32 v16, v11;
	v62 =	vnsel vm12, $0x0, v24;
	vm13 =	vgt.s32 v58, v6;
	(pc) =	sbr.rel @p2 .LBB2_39-.Ltmp21, $4  }
0x378: {  	v10 =	vadd.f32 v62, v10;
	v16 =	vnsel vm13, $0x0, v26;
	vm14 =	vgt.s32 v59, v6  }
0x379: {  	v9 =	vadd.f32 v16, v9;
	v63 =	vnsel vm14, $0x0, v28;
	vm15 =	vgt.s32 v17, v6  }
0x37a: {  	v8 =	vadd.f32 v63, v8;
	v16 =	vnsel vm15, $0x0, v30;
	v17 =	vsel vm10, $0x10, v1  }
0x37b: {  	s28 =	sadd.s32 $0x200, s28;
	v7 =	vadd.f32 v16, v7;
	v15 =	vadd.s32 v15, v17;
	[tilespmem:v18+s24+$0x0] =	vst.idx.msk vm10, v30  }
0x37c: {  	s28 =	simm.s32 $0x0  }
0x37d: {  	[tilespmem:s28], [sflag:$0x1] =	stream.linear.gather [hbm4b:s9+s28], $0x4000, $0x38;
	[tilespmem:$0x1A880] =	vst v63  }
0x37e: {  	_ =	swait.ge [sflag:s19], $0x4000  }
0x37f: {  	[sflag:s19] =	ssyncset.done $0x0  }
0x380: {  	[sflag:s19] =	ssyncadd.s32 $0xFFFFC000  }
.LBB2_41:
0x381: {  	s0 =	sshra.s32 s28, $0x2  }
0x382: {  	v16 =	vld [tilespmem:s0+$0x4000];
	_ =	sdelay $0x4  }
0x383: {  	vm0 =	vlt.s32 v15, $0x7FF0;
	v17 =	vshra.s32 v16, $0x14  }
0x384: {  	v18 =	vnsel vm0, $0x7FF0, v15;
	vm1 =	veq.s32 v17, v6  }
0x385: {  	v18 =	vadd.s32 v0, v18;
	_ =	sdelay $0x4  }
0x386: {  	[tilespmem:v18+s24+$0x0] =	vst.idx.msk vm1, v16  }
0x387: {  	v18 =	vld [tilespmem:s0+$0x4010];
	_ =	sdelay $0x2  }
0x388: {  	v19 =	vsel vm1, $0x10, v1  }
0x389: {  	v15 =	vadd.s32 v15, v19  }
0x38a: {  	vm6 =	vlt.s32 v15, $0x7FF0;
	v54 =	vshra.s32 v18, $0x14  }
0x38b: {  	v20 =	vnsel vm6, $0x7FF0, v15;
	vm7 =	veq.s32 v54, v6  }
0x38c: {  	v20 =	vadd.s32 v0, v20;
	_ =	sdelay $0x4  }
0x38d: {  	[tilespmem:v20+s24+$0x0] =	vst.idx.msk vm7, v18  }
0x38e: {  	v20 =	vld [tilespmem:s0+$0x4020];
	_ =	sdelay $0x2  }
0x38f: {  	v21 =	vsel vm7, $0x10, v1  }
0x390: {  	v15 =	vadd.s32 v15, v21  }
0x391: {  	vm8 =	vlt.s32 v15, $0x7FF0;
	v55 =	vshra.s32 v20, $0x14  }
0x392: {  	v22 =	vnsel vm8, $0x7FF0, v15;
	vm9 =	veq.s32 v55, v6  }
0x393: {  	v22 =	vadd.s32 v0, v22;
	_ =	sdelay $0x4  }
0x394: {  	[tilespmem:v22+s24+$0x0] =	vst.idx.msk vm9, v20  }
0x395: {  	v22 =	vld [tilespmem:s0+$0x4030];
	_ =	sdelay $0x2  }
0x396: {  	v23 =	vsel vm9, $0x10, v1  }
0x397: {  	v15 =	vadd.s32 v15, v23  }
0x398: {  	vm10 =	vlt.s32 v15, $0x7FF0;
	v56 =	vshra.s32 v22, $0x14  }
0x399: {  	v24 =	vnsel vm10, $0x7FF0, v15;
	vm11 =	veq.s32 v56, v6  }
0x39a: {  	v24 =	vadd.s32 v0, v24;
	_ =	sdelay $0x4  }
0x39b: {  	[tilespmem:v24+s24+$0x0] =	vst.idx.msk vm11, v22  }
0x39c: {  	v24 =	vld [tilespmem:s0+$0x4040];
	_ =	sdelay $0x2  }
0x39d: {  	v25 =	vsel vm11, $0x10, v1  }
0x39e: {  	v15 =	vadd.s32 v15, v25  }
0x39f: {  	vm12 =	vlt.s32 v15, $0x7FF0;
	v57 =	vshra.s32 v24, $0x14  }
0x3a0: {  	v26 =	vnsel vm12, $0x7FF0, v15;
	vm13 =	veq.s32 v57, v6  }
0x3a1: {  	v26 =	vadd.s32 v0, v26;
	_ =	sdelay $0x4  }
0x3a2: {  	[tilespmem:v26+s24+$0x0] =	vst.idx.msk vm13, v24  }
0x3a3: {  	v26 =	vld [tilespmem:s0+$0x4050];
	_ =	sdelay $0x2  }
0x3a4: {  	v27 =	vsel vm13, $0x10, v1  }
0x3a5: {  	v15 =	vadd.s32 v15, v27  }
0x3a6: {  	vm14 =	vlt.s32 v15, $0x7FF0;
	v58 =	vshra.s32 v26, $0x14  }
0x3a7: {  	v28 =	vnsel vm14, $0x7FF0, v15;
	vm15 =	veq.s32 v58, v6  }
0x3a8: {  	v28 =	vadd.s32 v0, v28;
	_ =	sdelay $0x4  }
0x3a9: {  	[tilespmem:v28+s24+$0x0] =	vst.idx.msk vm15, v26  }
0x3aa: {  	v28 =	vld [tilespmem:s0+$0x4060];
	_ =	sdelay $0x2  }
0x3ab: {  	v29 =	vsel vm15, $0x10, v1  }
0x3ac: {  	v15 =	vadd.s32 v15, v29  }
0x3ad: {  	vm4 =	vlt.s32 v15, $0x7FF0;
	v59 =	vshra.s32 v28, $0x14  }
0x3ae: {  	v30 =	vnsel vm4, $0x7FF0, v15;
	vm5 =	veq.s32 v59, v6  }
0x3af: {  	v30 =	vadd.s32 v0, v30;
	_ =	sdelay $0x4  }
0x3b0: {  	[tilespmem:v30+s24+$0x0] =	vst.idx.msk vm5, v28  }
0x3b1: {  	vm6 =	vgt.s32 v17, v6;
	v30 =	vld [tilespmem:s0+$0x4070]  }
0x3b2: {  	v16 =	vnsel vm6, $0x0, v16  }
0x3b3: {  	v14 =	vadd.f32 v16, v14;
	vm7 =	vgt.s32 v54, v6  }
0x3b4: {  	v16 =	vnsel vm7, $0x0, v18;
	vm9 =	vgt.s32 v55, v6;
	v17 =	vsel vm5, $0x10, v1  }
0x3b5: {  	v13 =	vadd.f32 v16, v13;
	v61 =	vnsel vm9, $0x0, v20;
	v15 =	vadd.s32 v15, v17  }
0x3b6: {  	v12 =	vadd.f32 v61, v12;
	vm8 =	vlt.s32 v15, $0x7FF0;
	v17 =	vshra.s32 v30, $0x14  }
0x3b7: {  	vm11 =	vgt.s32 v56, v6;
	v60 =	vnsel vm8, $0x7FF0, v15;
	vm10 =	veq.s32 v17, v6  }
0x3b8: {  	p2 =	sne.s32 s28, $0xFE00;
	v16 =	vnsel vm11, $0x0, v22;
	vm12 =	vgt.s32 v57, v6;
	v18 =	vadd.s32 v0, v60  }
.Ltmp22:
0x3b9: {  	v11 =	vadd.f32 v16, v11;
	v62 =	vnsel vm12, $0x0, v24;
	vm13 =	vgt.s32 v58, v6;
	(pc) =	sbr.rel @p2 .LBB2_41-.Ltmp22, $4  }
0x3ba: {  	v10 =	vadd.f32 v62, v10;
	v16 =	vnsel vm13, $0x0, v26;
	vm14 =	vgt.s32 v59, v6  }
0x3bb: {  	v9 =	vadd.f32 v16, v9;
	v63 =	vnsel vm14, $0x0, v28;
	vm15 =	vgt.s32 v17, v6  }
0x3bc: {  	v8 =	vadd.f32 v63, v8;
	v16 =	vnsel vm15, $0x0, v30;
	v17 =	vsel vm10, $0x10, v1  }
0x3bd: {  	s28 =	sadd.s32 $0x200, s28;
	v7 =	vadd.f32 v16, v7;
	v15 =	vadd.s32 v15, v17;
	[tilespmem:v18+s24+$0x0] =	vst.idx.msk vm10, v30  }
0x3be: {  	s28 =	simm.s32 $0x0  }
0x3bf: {  	[tilespmem:s16], [sflag:$0x2] =	stream.linear.gather [hbm4b:s10+s28], $0x4000, $0x38;
	[tilespmem:$0x1A880] =	vst v63  }
0x3c0: {  	_ =	swait.ge [sflag:s17], $0x4000  }
0x3c1: {  	[sflag:s17] =	ssyncset.done $0x0  }
0x3c2: {  	[sflag:s17] =	ssyncadd.s32 $0xFFFFC000  }
.LBB2_43:
0x3c3: {  	s0 =	sshra.s32 s28, $0x2  }
0x3c4: {  	v16 =	vld [tilespmem:s0+$0x0];
	_ =	sdelay $0x4  }
0x3c5: {  	vm0 =	vlt.s32 v15, $0x7FF0;
	v17 =	vshra.s32 v16, $0x14  }
0x3c6: {  	v18 =	vnsel vm0, $0x7FF0, v15;
	vm1 =	veq.s32 v17, v6  }
0x3c7: {  	v18 =	vadd.s32 v0, v18;
	_ =	sdelay $0x4  }
0x3c8: {  	[tilespmem:v18+s24+$0x0] =	vst.idx.msk vm1, v16  }
0x3c9: {  	v18 =	vld [tilespmem:s0+$0x10];
	_ =	sdelay $0x2  }
0x3ca: {  	v19 =	vsel vm1, $0x10, v1  }
0x3cb: {  	v15 =	vadd.s32 v15, v19  }
0x3cc: {  	vm6 =	vlt.s32 v15, $0x7FF0;
	v54 =	vshra.s32 v18, $0x14  }
0x3cd: {  	v20 =	vnsel vm6, $0x7FF0, v15;
	vm7 =	veq.s32 v54, v6  }
0x3ce: {  	v20 =	vadd.s32 v0, v20;
	_ =	sdelay $0x4  }
0x3cf: {  	[tilespmem:v20+s24+$0x0] =	vst.idx.msk vm7, v18  }
0x3d0: {  	v20 =	vld [tilespmem:s0+$0x20];
	_ =	sdelay $0x2  }
0x3d1: {  	v21 =	vsel vm7, $0x10, v1  }
0x3d2: {  	v15 =	vadd.s32 v15, v21  }
0x3d3: {  	vm8 =	vlt.s32 v15, $0x7FF0;
	v55 =	vshra.s32 v20, $0x14  }
0x3d4: {  	v22 =	vnsel vm8, $0x7FF0, v15;
	vm9 =	veq.s32 v55, v6  }
0x3d5: {  	v22 =	vadd.s32 v0, v22;
	_ =	sdelay $0x4  }
0x3d6: {  	[tilespmem:v22+s24+$0x0] =	vst.idx.msk vm9, v20  }
0x3d7: {  	v22 =	vld [tilespmem:s0+$0x30];
	_ =	sdelay $0x2  }
0x3d8: {  	v23 =	vsel vm9, $0x10, v1  }
0x3d9: {  	v15 =	vadd.s32 v15, v23  }
0x3da: {  	vm10 =	vlt.s32 v15, $0x7FF0;
	v56 =	vshra.s32 v22, $0x14  }
0x3db: {  	v24 =	vnsel vm10, $0x7FF0, v15;
	vm11 =	veq.s32 v56, v6  }
0x3dc: {  	v24 =	vadd.s32 v0, v24;
	_ =	sdelay $0x4  }
0x3dd: {  	[tilespmem:v24+s24+$0x0] =	vst.idx.msk vm11, v22  }
0x3de: {  	v24 =	vld [tilespmem:s0+$0x40];
	_ =	sdelay $0x2  }
0x3df: {  	v25 =	vsel vm11, $0x10, v1  }
0x3e0: {  	v15 =	vadd.s32 v15, v25  }
0x3e1: {  	vm12 =	vlt.s32 v15, $0x7FF0;
	v57 =	vshra.s32 v24, $0x14  }
0x3e2: {  	v26 =	vnsel vm12, $0x7FF0, v15;
	vm13 =	veq.s32 v57, v6  }
0x3e3: {  	v26 =	vadd.s32 v0, v26;
	_ =	sdelay $0x4  }
0x3e4: {  	[tilespmem:v26+s24+$0x0] =	vst.idx.msk vm13, v24  }
0x3e5: {  	v26 =	vld [tilespmem:s0+$0x50];
	_ =	sdelay $0x2  }
0x3e6: {  	v27 =	vsel vm13, $0x10, v1  }
0x3e7: {  	v15 =	vadd.s32 v15, v27  }
0x3e8: {  	vm14 =	vlt.s32 v15, $0x7FF0;
	v58 =	vshra.s32 v26, $0x14  }
0x3e9: {  	v28 =	vnsel vm14, $0x7FF0, v15;
	vm15 =	veq.s32 v58, v6  }
0x3ea: {  	v28 =	vadd.s32 v0, v28;
	_ =	sdelay $0x4  }
0x3eb: {  	[tilespmem:v28+s24+$0x0] =	vst.idx.msk vm15, v26  }
0x3ec: {  	v28 =	vld [tilespmem:s0+$0x60];
	_ =	sdelay $0x2  }
0x3ed: {  	v29 =	vsel vm15, $0x10, v1  }
0x3ee: {  	v15 =	vadd.s32 v15, v29  }
0x3ef: {  	vm4 =	vlt.s32 v15, $0x7FF0;
	v59 =	vshra.s32 v28, $0x14  }
0x3f0: {  	v30 =	vnsel vm4, $0x7FF0, v15;
	vm5 =	veq.s32 v59, v6  }
0x3f1: {  	v30 =	vadd.s32 v0, v30;
	_ =	sdelay $0x4  }
0x3f2: {  	[tilespmem:v30+s24+$0x0] =	vst.idx.msk vm5, v28  }
0x3f3: {  	vm6 =	vgt.s32 v17, v6;
	v30 =	vld [tilespmem:s0+$0x70]  }
0x3f4: {  	v16 =	vnsel vm6, $0x0, v16  }
0x3f5: {  	v14 =	vadd.f32 v16, v14;
	vm7 =	vgt.s32 v54, v6  }
0x3f6: {  	v16 =	vnsel vm7, $0x0, v18;
	vm9 =	vgt.s32 v55, v6;
	v17 =	vsel vm5, $0x10, v1  }
0x3f7: {  	v13 =	vadd.f32 v16, v13;
	v61 =	vnsel vm9, $0x0, v20;
	v15 =	vadd.s32 v15, v17  }
0x3f8: {  	v12 =	vadd.f32 v61, v12;
	vm8 =	vlt.s32 v15, $0x7FF0;
	v17 =	vshra.s32 v30, $0x14  }
0x3f9: {  	vm11 =	vgt.s32 v56, v6;
	v60 =	vnsel vm8, $0x7FF0, v15;
	vm10 =	veq.s32 v17, v6  }
0x3fa: {  	p2 =	sne.s32 s28, $0xFE00;
	v16 =	vnsel vm11, $0x0, v22;
	vm12 =	vgt.s32 v57, v6;
	v18 =	vadd.s32 v0, v60  }
.Ltmp23:
0x3fb: {  	v11 =	vadd.f32 v16, v11;
	v62 =	vnsel vm12, $0x0, v24;
	vm13 =	vgt.s32 v58, v6;
	(pc) =	sbr.rel @p2 .LBB2_43-.Ltmp23, $4  }
0x3fc: {  	v10 =	vadd.f32 v62, v10;
	v16 =	vnsel vm13, $0x0, v26;
	vm14 =	vgt.s32 v59, v6  }
0x3fd: {  	v9 =	vadd.f32 v16, v9;
	v63 =	vnsel vm14, $0x0, v28;
	vm15 =	vgt.s32 v17, v6  }
0x3fe: {  	v8 =	vadd.f32 v63, v8;
	v16 =	vnsel vm15, $0x0, v30;
	v17 =	vsel vm10, $0x10, v1  }
0x3ff: {  	s28 =	sadd.s32 $0x200, s28;
	v7 =	vadd.f32 v16, v7;
	v15 =	vadd.s32 v15, v17;
	[tilespmem:v18+s24+$0x0] =	vst.idx.msk vm10, v30  }
0x400: {  	_ =	swait.ge [sflag:s19], $0x4000  }
0x401: {  	[sflag:s19] =	ssyncset.done $0x0  }
0x402: {  	s28 =	simm.s32 $0x0;
	s29 =	simm.s32 $0x0;
	[sflag:s19] =	ssyncadd.s32 $0xFFFFC000  }
.LBB2_45:
0x403: {  	s0 =	sshra.s32 s29, $0x2  }
0x404: {  	v16 =	vld [tilespmem:s0+$0x4000];
	_ =	sdelay $0x4  }
0x405: {  	vm0 =	vlt.s32 v15, $0x7FF0;
	v17 =	vshra.s32 v16, $0x14  }
0x406: {  	v18 =	vnsel vm0, $0x7FF0, v15;
	vm1 =	veq.s32 v17, v6  }
0x407: {  	v18 =	vadd.s32 v0, v18;
	_ =	sdelay $0x4  }
0x408: {  	[tilespmem:v18+s24+$0x0] =	vst.idx.msk vm1, v16  }
0x409: {  	v18 =	vld [tilespmem:s0+$0x4010];
	_ =	sdelay $0x2  }
0x40a: {  	v19 =	vsel vm1, $0x10, v1  }
0x40b: {  	v15 =	vadd.s32 v15, v19  }
0x40c: {  	vm6 =	vlt.s32 v15, $0x7FF0;
	v54 =	vshra.s32 v18, $0x14  }
0x40d: {  	v20 =	vnsel vm6, $0x7FF0, v15;
	vm7 =	veq.s32 v54, v6  }
0x40e: {  	v20 =	vadd.s32 v0, v20;
	_ =	sdelay $0x4  }
0x40f: {  	[tilespmem:v20+s24+$0x0] =	vst.idx.msk vm7, v18  }
0x410: {  	v20 =	vld [tilespmem:s0+$0x4020];
	_ =	sdelay $0x2  }
0x411: {  	v21 =	vsel vm7, $0x10, v1  }
0x412: {  	v15 =	vadd.s32 v15, v21  }
0x413: {  	vm8 =	vlt.s32 v15, $0x7FF0;
	v55 =	vshra.s32 v20, $0x14  }
0x414: {  	v22 =	vnsel vm8, $0x7FF0, v15;
	vm9 =	veq.s32 v55, v6  }
0x415: {  	v22 =	vadd.s32 v0, v22;
	_ =	sdelay $0x4  }
0x416: {  	[tilespmem:v22+s24+$0x0] =	vst.idx.msk vm9, v20  }
0x417: {  	v22 =	vld [tilespmem:s0+$0x4030];
	_ =	sdelay $0x2  }
0x418: {  	v23 =	vsel vm9, $0x10, v1  }
0x419: {  	v15 =	vadd.s32 v15, v23  }
0x41a: {  	vm10 =	vlt.s32 v15, $0x7FF0;
	v56 =	vshra.s32 v22, $0x14  }
0x41b: {  	v24 =	vnsel vm10, $0x7FF0, v15;
	vm11 =	veq.s32 v56, v6  }
0x41c: {  	v24 =	vadd.s32 v0, v24;
	_ =	sdelay $0x4  }
0x41d: {  	[tilespmem:v24+s24+$0x0] =	vst.idx.msk vm11, v22  }
0x41e: {  	v24 =	vld [tilespmem:s0+$0x4040];
	_ =	sdelay $0x2  }
0x41f: {  	v25 =	vsel vm11, $0x10, v1  }
0x420: {  	v15 =	vadd.s32 v15, v25  }
0x421: {  	vm12 =	vlt.s32 v15, $0x7FF0;
	v57 =	vshra.s32 v24, $0x14  }
0x422: {  	v26 =	vnsel vm12, $0x7FF0, v15;
	vm13 =	veq.s32 v57, v6  }
0x423: {  	v26 =	vadd.s32 v0, v26;
	_ =	sdelay $0x4  }
0x424: {  	[tilespmem:v26+s24+$0x0] =	vst.idx.msk vm13, v24  }
0x425: {  	v26 =	vld [tilespmem:s0+$0x4050];
	_ =	sdelay $0x2  }
0x426: {  	v27 =	vsel vm13, $0x10, v1  }
0x427: {  	v15 =	vadd.s32 v15, v27  }
0x428: {  	vm14 =	vlt.s32 v15, $0x7FF0;
	v58 =	vshra.s32 v26, $0x14  }
0x429: {  	v28 =	vnsel vm14, $0x7FF0, v15;
	vm15 =	veq.s32 v58, v6  }
0x42a: {  	v28 =	vadd.s32 v0, v28;
	_ =	sdelay $0x4  }
0x42b: {  	[tilespmem:v28+s24+$0x0] =	vst.idx.msk vm15, v26  }
0x42c: {  	v28 =	vld [tilespmem:s0+$0x4060];
	_ =	sdelay $0x2  }
0x42d: {  	v29 =	vsel vm15, $0x10, v1  }
0x42e: {  	v15 =	vadd.s32 v15, v29  }
0x42f: {  	vm4 =	vlt.s32 v15, $0x7FF0;
	v59 =	vshra.s32 v28, $0x14  }
0x430: {  	v30 =	vnsel vm4, $0x7FF0, v15;
	vm5 =	veq.s32 v59, v6  }
0x431: {  	v30 =	vadd.s32 v0, v30;
	_ =	sdelay $0x4  }
0x432: {  	[tilespmem:v30+s24+$0x0] =	vst.idx.msk vm5, v28  }
0x433: {  	vm6 =	vgt.s32 v17, v6;
	v30 =	vld [tilespmem:s0+$0x4070]  }
0x434: {  	v16 =	vnsel vm6, $0x0, v16  }
0x435: {  	v14 =	vadd.f32 v16, v14;
	vm7 =	vgt.s32 v54, v6  }
0x436: {  	v16 =	vnsel vm7, $0x0, v18;
	vm9 =	vgt.s32 v55, v6;
	v17 =	vsel vm5, $0x10, v1  }
0x437: {  	v13 =	vadd.f32 v16, v13;
	v61 =	vnsel vm9, $0x0, v20;
	v15 =	vadd.s32 v15, v17  }
0x438: {  	v12 =	vadd.f32 v61, v12;
	vm8 =	vlt.s32 v15, $0x7FF0;
	v17 =	vshra.s32 v30, $0x14  }
0x439: {  	vm11 =	vgt.s32 v56, v6;
	v60 =	vnsel vm8, $0x7FF0, v15;
	vm10 =	veq.s32 v17, v6  }
0x43a: {  	p2 =	seq.s32 s29, $0xFE00;
	v16 =	vnsel vm11, $0x0, v22;
	vm12 =	vgt.s32 v57, v6;
	v18 =	vadd.s32 v0, v60  }
.Ltmp24:
0x43b: {  	v11 =	vadd.f32 v16, v11;
	v62 =	vnsel vm12, $0x0, v24;
	vm13 =	vgt.s32 v58, v6;
	(pc) =	sbr.rel @!p2 .LBB2_45-.Ltmp24, $4  }
0x43c: {  	v10 =	vadd.f32 v62, v10;
	v16 =	vnsel vm13, $0x0, v26;
	vm14 =	vgt.s32 v59, v6  }
0x43d: {  	v9 =	vadd.f32 v16, v9;
	v63 =	vnsel vm14, $0x0, v28;
	vm15 =	vgt.s32 v17, v6  }
0x43e: {  	v8 =	vadd.f32 v63, v8;
	v16 =	vnsel vm15, $0x0, v30;
	v17 =	vsel vm10, $0x10, v1  }
0x43f: {  	s29 =	sadd.s32 $0x200, s29;
	v7 =	vadd.f32 v16, v7;
	v15 =	vadd.s32 v15, v17;
	[tilespmem:v18+s24+$0x0] =	vst.idx.msk vm10, v30  }
0x440: {  	s0 =	sshra.s32 s28, $0x2;
	s1 =	sadd.s32 $0x200, s28  }
.LBB2_47:
0x441: {  	p2 =	seq.s32 s1, $0xFE00;
	[tilespmem:s0+$0x8070] =	vst v1  }
0x442: {  	[tilespmem:s0+$0x8000] =	vst v1  }
0x443: {  	[tilespmem:s0+$0x8010] =	vst v1  }
.Ltmp25:
0x444: {  	[tilespmem:s0+$0x8020] =	vst v1;
	(pc) =	sbr.rel @!p2 .LBB2_47-.Ltmp25, $4  }
0x445: {  	[tilespmem:s0+$0x8030] =	vst v1  }
0x446: {  	[tilespmem:s0+$0x8040] =	vst v1  }
0x447: {  	[tilespmem:s0+$0x8050] =	vst v1  }
0x448: {  	[tilespmem:s0+$0x8060] =	vst v1;
	s0 =	sshra.s32 s1, $0x2;
	s1 =	sadd.s32 $0x200, s1  }
0x449: {  	v15 =	vshra.s32 v15, $0x4  }
0x44a: {  	vm0 =	vlt.s32 v15, $0x800  }
0x44b: {  	v16 =	vnsel vm0, $0x800, v15  }
0x44c: {  	v16 =	vxor.u32 $0x80000000, v16  }
0x44d: {  	(xrf0) =	vmax.scan.msk.u32 $0xffff, v16;
	_ =	sdelay $0x5  }
0x44e: {  	v16, _, _ =	vpop (xrf0)  }
0x44f: {  	(v2sf) =	vpush v16, $0xF;
	_ =	sdelay $0xe  }
0x450: {  	[tilespmem:s0+$0x8070] =	vst v1;
	s31 =	spop (v2sf)  }
0x451: {  	[tilespmem:s0+$0x8000] =	vst v1;
	s28 =	sxor.u32 $0x80000000, s31  }
0x452: {  	[tilespmem:s0+$0x8010] =	vst v1;
	p2 =	sgt.s32 s28, $0x0  }
.Ltmp26:
0x453: {  	[tilespmem:s0+$0x8020] =	vst v1;
	(pc) =	sbr.rel @!p2 .LBB2_52-.Ltmp26, $4  }
0x454: {  	[tilespmem:s0+$0x8030] =	vst v1  }
0x455: {  	[tilespmem:s0+$0x8040] =	vst v1  }
0x456: {  	[tilespmem:s0+$0x8050] =	vst v1  }
0x457: {  	[tilespmem:s0+$0x8060] =	vst v1  }
0x458: {  	s0 =	simm.s32 $0x10000  }
0x459: {  	v16 =	vld [tilespmem:s0+$0x0];
	_ =	sdelay $0x1  }
0x45a: {  	p3 =	sne.s32 s28, $0x1  }
.Ltmp27:
0x45b: {  	_ = 	snop;
	(pc) =	sbr.rel @!p3 .LBB2_51-.Ltmp27, $4  }
0x45c: {  	_ = 	snop  }
0x45d: {  	s4 =	simm.s32 $0x0;
	v17 =	vshrl.u32 v16, $0xA;
	v16 =	vmul.u32 $0x400, v0  }
0x45e: {  	vm0 =	vgt.s32 v15, s4;
	v17 =	vand.u32 $0x3FF, v17  }
0x45f: {  	s1 =	simm.s32 $0x1;
	v17 =	vor.u32 v16, v17  }
.LBB2_50:
0x460: {  	_ =	sdelay $0x3  }
0x461: {  	[tilespmem:v17+s18+$0x0] =	vst.idx.add.s32.msk vm0, v3;
	s0 =	sadd.s32 $0x10, s0;
	s4 =	smov.u32 s1;
	s1 =	sadd.s32 $0x1, s1  }
0x462: {  	v17 =	vld [tilespmem:s0+$0x0];
	p3 =	sne.s32 s28, s1;
	_ =	sdelay $0x2  }
.Ltmp28:
0x463: {  	(pc) =	sbr.rel @p3 .LBB2_50-.Ltmp28, $4  }
0x464: {  	_ = 	snop  }
0x465: {  	v17 =	vshrl.u32 v17, $0xA  }
0x466: {  	vm0 =	vgt.s32 v15, s4;
	v17 =	vand.u32 $0x3FF, v17  }
0x467: {  	v17 =	vor.u32 v16, v17  }
.LBB2_51:
0x468: {  	_ =	sdelay $0x4  }
0x469: {  	[tilespmem:v17+s18+$0x0] =	vst.idx.add.s32.msk vm0, v3  }
.LBB2_52:
0x46a: {  	s0 =	simm.s32 $0x0;
	s1 =	simm.s32 $0x8000  }
0x46b: {  	s0 =	sand.u32 $0x3F0, s0;
	v17 =	vld [tilespmem:s1+$0x0]  }
0x46c: {  	v16 =	vld [tilespmem:s0+$0x8400]  }
0x46d: {  	v18 =	vld [tilespmem:s0+$0x8800]  }
0x46e: {  	v19 =	vld [tilespmem:s0+$0x8C00]  }
0x46f: {  	v20 =	vld [tilespmem:s0+$0x9000]  }
0x470: {  	v21 =	vld [tilespmem:s0+$0x9400]  }
0x471: {  	v16 =	vadd.s32 v17, v16;
	v17 =	vld [tilespmem:s0+$0x9800]  }
0x472: {  	v60 =	vld [tilespmem:s0+$0x9C00];
	v16 =	vadd.s32 v18, v16  }
0x473: {  	v14 =	vadd.f32 $0.0e+00, v14;
	v61 =	vld [tilespmem:s0+$0xA000];
	v16 =	vadd.s32 v19, v16  }
0x474: {  	v62 =	vld [tilespmem:s0+$0xA400];
	v16 =	vadd.s32 v20, v16  }
0x475: {  	v13 =	vadd.f32 v13, v14;
	v14 =	vadd.s32 v21, v16;
	v16 =	vld [tilespmem:s0+$0xA800]  }
0x476: {  	v14 =	vadd.s32 v17, v14;
	v17 =	vld [tilespmem:s0+$0xAC00]  }
0x477: {  	v12 =	vadd.f32 v12, v13;
	v13 =	vadd.s32 v60, v14;
	v14 =	vld [tilespmem:s0+$0xB000]  }
0x478: {  	v63 =	vld [tilespmem:s0+$0xB400];
	v13 =	vadd.s32 v61, v13  }
0x479: {  	v11 =	vadd.f32 v11, v12;
	v12 =	vadd.s32 v62, v13;
	v13 =	vld [tilespmem:s0+$0xB800]  }
0x47a: {  	v12 =	vadd.s32 v16, v12;
	v16 =	vld [tilespmem:s0+$0xBC00]  }
0x47b: {  	v10 =	vadd.f32 v10, v11;
	v11 =	vadd.s32 v17, v12  }
0x47c: {  	v11 =	vadd.s32 v14, v11  }
0x47d: {  	v9 =	vadd.f32 v9, v10;
	v10 =	vadd.s32 v63, v11  }
0x47e: {  	v10 =	vadd.s32 v13, v10  }
0x47f: {  	s29 =	simm.s32 $0x18000;
	s31 =	simm.s32 $0x10;
	v8 =	vadd.f32 v8, v9;
	v9 =	vadd.s32 v16, v10  }
0x480: {  	s0 =	sand.u32 $0x3F0, s31;
	[tilespmem:s29+$0x0] =	vst v9  }
0x481: {  	s25 =	simm.s32 $0x20;
	s1 =	simm.s32 $0x8010;
	v7 =	vadd.f32 v7, v8;
	v8 =	vld [tilespmem:s0+$0x8400]  }
.LBB2_53:
0x482: {  	p3 =	sne.s32 s25, $0x3F0;
	v9 =	vld [tilespmem:s1+$0x0]  }
0x483: {  	v10 =	vld [tilespmem:s0+$0x8800]  }
0x484: {  	v11 =	vld [tilespmem:s0+$0x8C00]  }
0x485: {  	v12 =	vld [tilespmem:s0+$0x9000]  }
0x486: {  	v13 =	vld [tilespmem:s0+$0x9400]  }
0x487: {  	v8 =	vadd.s32 v9, v8;
	v9 =	vld [tilespmem:s0+$0x9800]  }
0x488: {  	v8 =	vadd.s32 v10, v8;
	v10 =	vld [tilespmem:s0+$0x9C00]  }
0x489: {  	v8 =	vadd.s32 v11, v8;
	v11 =	vld [tilespmem:s0+$0xA000]  }
0x48a: {  	v8 =	vadd.s32 v12, v8;
	v12 =	vld [tilespmem:s0+$0xA400]  }
0x48b: {  	v8 =	vadd.s32 v13, v8;
	v13 =	vld [tilespmem:s0+$0xA800]  }
0x48c: {  	v8 =	vadd.s32 v9, v8;
	v9 =	vld [tilespmem:s0+$0xAC00]  }
0x48d: {  	v8 =	vadd.s32 v10, v8;
	v10 =	vld [tilespmem:s0+$0xB000]  }
0x48e: {  	v8 =	vadd.s32 v11, v8;
	v11 =	vld [tilespmem:s0+$0xB400]  }
0x48f: {  	v8 =	vadd.s32 v12, v8;
	v12 =	vld [tilespmem:s0+$0xB800]  }
0x490: {  	v8 =	vadd.s32 v13, v8;
	v13 =	vld [tilespmem:s0+$0xBC00]  }
0x491: {  	v8 =	vadd.s32 v9, v8  }
0x492: {  	v8 =	vadd.s32 v10, v8  }
.Ltmp29:
0x493: {  	v8 =	vadd.s32 v11, v8;
	(pc) =	sbr.rel @p3 .LBB2_53-.Ltmp29, $4  }
0x494: {  	v8 =	vadd.s32 v12, v8  }
0x495: {  	s29 =	sadd.s32 $0x10, s29;
	v8 =	vadd.s32 v13, v8  }
0x496: {  	s0 =	sand.u32 $0x3F0, s25;
	[tilespmem:s29+$0x0] =	vst v8  }
0x497: {  	s1 =	sadd.s32 $0x10, s1;
	s25 =	sadd.s32 $0x10, s25;
	v8 =	vld [tilespmem:s0+$0x8400]  }
0x498: {  	v9 =	vld [tilespmem:s1+$0x0]  }
0x499: {  	v10 =	vld [tilespmem:s0+$0x8800]  }
0x49a: {  	v11 =	vld [tilespmem:s0+$0x8C00]  }
0x49b: {  	v12 =	vld [tilespmem:s0+$0x9000]  }
0x49c: {  	v13 =	vld [tilespmem:s0+$0x9400]  }
0x49d: {  	v58 =	vld [tilespmem:s0+$0x9800];
	v8 =	vadd.s32 v9, v8  }
0x49e: {  	v59 =	vld [tilespmem:s0+$0x9C00];
	v8 =	vadd.s32 v10, v8  }
0x49f: {  	v60 =	vld [tilespmem:s0+$0xA000];
	v8 =	vadd.s32 v11, v8  }
0x4a0: {  	v8 =	vadd.s32 v12, v8;
	v12 =	vld [tilespmem:s0+$0xA400]  }
0x4a1: {  	v8 =	vadd.s32 v13, v8;
	v13 =	vld [tilespmem:s0+$0xA800]  }
0x4a2: {  	v61 =	vld [tilespmem:s0+$0xAC00];
	v8 =	vadd.s32 v58, v8  }
0x4a3: {  	v62 =	vld [tilespmem:s0+$0xB000];
	v8 =	vadd.s32 v59, v8  }
0x4a4: {  	v63 =	vld [tilespmem:s0+$0xB400];
	v8 =	vadd.s32 v60, v8  }
0x4a5: {  	v8 =	vadd.s32 v12, v8;
	v12 =	vld [tilespmem:s0+$0xB800]  }
0x4a6: {  	v8 =	vadd.s32 v13, v8;
	v13 =	vld [tilespmem:s0+$0xBC00]  }
0x4a7: {  	v8 =	vadd.s32 v61, v8  }
.Ltmp30:
0x4a8: {  	v8 =	vadd.s32 v62, v8;
	(pc) =	sbr.rel @!p0 .LBB2_55-.Ltmp30, $4  }
0x4a9: {  	v8 =	vadd.s32 v63, v8  }
0x4aa: {  	v8 =	vadd.s32 v12, v8  }
0x4ab: {  	s31 =	sadd.s32 $0x10, s29;
	v8 =	vadd.s32 v13, v8  }
0x4ac: {  	[tilespmem:s31+$0x0] =	vst v8  }
0x4ad: {  	[bflag:$0x0] =	sbarrier.arrive $0xFFFF  }
0x4ae: {  	[tilespmem:s22], [sflag:$0x3] =	stream.strided.gather [spmem:s12], $0x800, s21, s20, $0x38;
	[tilespmem:$0x1A880] =	vst v63  }
0x4af: {  	_ =	swait.ge [sflag:s23], $0x800  }
0x4b0: {  	[sflag:s23] =	ssyncset.done $0x0  }
0x4b1: {  	s0 =	simm.s32 $0x0;
	[sflag:s23] =	ssyncadd.s32 $0xFFFFF800  }
0x4b2: {  	s1 =	simm.s32 $0x40;
	v8 =	vld [tilespmem:s0+$0x18800]  }
.LBB2_57:
0x4b3: {  	p3 =	sne.s32 s1, $0xFC0;
	v9 =	vld [tilespmem:s0+$0x18000];
	_ =	sdelay $0x1  }
.Ltmp31:
0x4b4: {  	(pc) =	sbr.rel @p3 .LBB2_57-.Ltmp31, $3  }
0x4b5: {  	_ =	sdelay $0x1  }
0x4b6: {  	s4 =	sshra.s32 s1, $0x2;
	v9 =	vadd.s32 v9, v8  }
0x4b7: {  	s1 =	sadd.s32 $0x40, s1;
	v8 =	vld [tilespmem:s4+$0x18800];
	[tilespmem:s0+$0x18000] =	vst v9;
	s0 =	smov.u32 s4  }
0x4b8: {  	v9 =	vld [tilespmem:s0+$0x18000];
	_ =	sdelay $0x1  }
.Ltmp32:
0x4b9: {  	_ = 	snop;
	(pc) =	sbr.rel .LBB2_59-.Ltmp32, $3  }
0x4ba: {  	_ =	sdelay $0x1  }
0x4bb: {  	v8 =	vadd.s32 v9, v8  }
0x4bc: {  	[tilespmem:s0+$0x18000] =	vst v8  }
.LBB2_55:
0x4bd: {  	s0 =	simm.s32 $0x18000  }
0x4be: {  	[spmem:s12] =	stream.strided.scatter [tilespmem:s0], [sflag:$0x3], $0x800, s21, s20, $0x38;
	[tilespmem:$0x1A880] =	vst v63  }
0x4bf: {  	_ =	swait.ge [sflag:s23], $0x800  }
0x4c0: {  	[sflag:s23] =	ssyncset.done $0x0  }
0x4c1: {  	[sflag:s23] =	ssyncadd.s32 $0xFFFFF800  }
0x4c2: {  	[bflag:$0x0] =	sbarrier.arrive $0xFFFF  }
.LBB2_59:
0x4c3: {  	s0 =	simm.s32 $0x18000  }
0x4c4: {  	v8 =	vld [tilespmem:s0+$0x0]  }
0x4c5: {  	s25 =	simm.s32 $0x18010  }
0x4c6: {  	v9 =	vld [tilespmem:s25+$0x0];
	_ =	sdelay $0x2  }
0x4c7: {  	(xrf0) =	vadd.scan.msk.s32 $0xffff, v8;
	_ =	sdelay $0x1  }
0x4c8: {  	(xrf0) =	vadd.scan.msk.s32 $0xffff, v9;
	_ =	sdelay $0x3  }
0x4c9: {  	s30 =	simm.s32 $0x18020;
	v9, _, _ =	vpop (xrf0)  }
0x4ca: {  	v10 =	vld [tilespmem:s30+$0x0];
	(v2sf) =	vpush v9, $0xF  }
0x4cb: {  	v9, _, _ =	vpop (xrf0)  }
0x4cc: {  	(v2sf) =	vpush v9, $0xF;
	_ =	sdelay $0x2  }
0x4cd: {  	s31 =	simm.s32 $0x18030;
	(xrf0) =	vadd.scan.msk.s32 $0xffff, v10  }
0x4ce: {  	v8 =	vld [tilespmem:s31+$0x0];
	_ =	sdelay $0x2  }
0x4cf: {  	s8 =	smov.u32 s5  }
0x4d0: {  	s1 =	simm.s32 $0x0;
	s14 =	simm.s32 $0x4;
	s29 =	simm.s32 $0x10  }
0x4d1: {  	s15 =	simm.s32 $0x18040;
	s0 =	simm.s32 $0x8;
	s25 =	simm.s32 $0xC;
	(xrf0) =	vadd.scan.msk.s32 $0xffff, v8;
	v8, _, _ =	vpop (xrf0)  }
.LBB2_60:
0x4d2: {  	v9 =	vld [tilespmem:s15+$0x0];
	p3 =	sne.s32 s29, $0xFC;
	(v2sf) =	vpush v8, $0xF;
	s4 =	smov.u32 s29;
	s29 =	sadd.s32 $0x4, s29  }
.Ltmp33:
0x4d3: {  	(pc) =	sbr.rel @p3 .LBB2_60-.Ltmp33, $4  }
0x4d4: {  	_ = 	snop  }
0x4d5: {  	s30 =	sshra.s32 s1, $0x2;
	s1 =	smov.u32 s14;
	s31 =	spop (v2sf)  }
0x4d6: {  	s14 =	smov.u32 s0;
	s0 =	smov.u32 s25;
	[smem:s30] =	sst s31  }
0x4d7: {  	s15 =	sadd.s32 $0x10, s15;
	s25 =	smov.u32 s4;
	(xrf0) =	vadd.scan.msk.s32 $0xffff, v9;
	v8, _, _ =	vpop (xrf0)  }
0x4d8: {  	_ =	sdelay $0x4  }
0x4d9: {  	(v2sf) =	vpush v8, $0xF;
	v8, _, _ =	vpop (xrf0)  }
0x4da: {  	(v2sf) =	vpush v8, $0xF;
	_ =	sdelay $0xb  }
0x4db: {  	s4 =	spop (v2sf);
	s1 =	sshra.s32 s1, $0x2  }
0x4dc: {  	s7 =	sshra.s32 s14, $0x2;
	[smem:s1] =	sst s4;
	s14 =	spop (v2sf)  }
0x4dd: {  	s0 =	sshra.s32 s0, $0x2;
	[smem:s7] =	sst s14;
	s15 =	spop (v2sf)  }
0x4de: {  	s25 =	sshra.s32 s25, $0x2;
	[smem:s0] =	sst s15;
	s31 =	spop (v2sf)  }
0x4df: {  	[smem:s25] =	sst s31  }
0x4e0: {  	s4 =	sld [smem:$0x3F]  }
0x4e1: {  	s29 =	ssub.s32 $0x13333, s26  }
0x4e2: {  	s30 =	simm.s32 $0x0;
	s1 =	simm.s32 $0x3F;
	p5 =	sgt.s32 s29, $0x0  }
0x4e3: {  	s14 =	simm.s32 $0x0;
	s0 =	simm.s32 $0x0;
	s15 =	sadd.s32 $0x0, s4  }
0x4e4: {  	s25 =	simm.s32 $0x3E;
	s4 =	simm.s32 $0x3E;
	p4 =	sge.s32 s15, s29  }
.LBB2_62:
0x4e5: {  	s31 =	sld [smem:s25+$0x0]  }
0x4e6: {  	p4 =	por !p5, !p4;
	s5 =	smov.u32 s4;
	p3 =	sne.s32 s4, $0x0  }
.Ltmp34:
0x4e7: {  	s4 =	sadd.s32 $0xFFFFFFFF, s4;
	p4 =	por !p4, !p4;
	(pc) =	sbr.rel @p3 .LBB2_62-.Ltmp34, $4  }
0x4e8: {  	s0 =	smov.u32 @p4 s1;
	s30 =	smov.u32 @p4 s14;
	s1 =	smov.u32 s5  }
0x4e9: {  	s14 =	smov.u32 s15  }
0x4ea: {  	s15 =	sadd.s32 s15, s31  }
0x4eb: {  	s25 =	sadd.s32 $0xFFFFFFFF, s25;
	p5 =	slt.s32 s14, s29;
	p4 =	sge.s32 s15, s29  }
0x4ec: {  	p3 =	por !p5, !p4  }
0x4ed: {  	p3 =	por !p3, !p3  }
0x4ee: {  	s0 =	smov.u32 @p3 s1  }
0x4ef: {  	s0 =	sshll.u32 s0, $0x4  }
0x4f0: {  	s25 =	sand.u32 $0x3F0, s0  }
0x4f1: {  	v8 =	vld [tilespmem:s25+$0x18000];
	_ =	sdelay $0x4  }
0x4f2: {  	v9 =	vperm.xlane v8, v4;
	_ =	sdelay $0x1  }
0x4f3: {  	(xrf0) =	vadd.scan.msk.s32 $0xffff, v9;
	_ =	sdelay $0x5  }
0x4f4: {  	s30 =	smov.u32 @p3 s14;
	v9, _, _ =	vpop (xrf0)  }
0x4f5: {  	v9 =	vadd.s32 s30, v9  }
0x4f6: {  	vm0 =	vge.s32 v9, s29  }
0x4f7: {  	v9 =	vmpcnt.ones.xlane vm0;
	_ =	sdelay $0x1  }
0x4f8: {  	v9 =	vadd.s32 $0xFFFFFFFF, v9  }
0x4f9: {  	vm15 =	vlt.s32 v9, v0  }
0x4fa: {  	v8 =	vnsel vm15, $0x0, v8  }
0x4fb: {  	(xrf0) =	vadd.scan.msk.s32 $0xffff, v8;
	_ =	sdelay $0x5  }
0x4fc: {  	v8, _, _ =	vpop (xrf0)  }
0x4fd: {  	(v2sf) =	vpush v8, $0xF;
	_ =	sdelay $0xb  }
0x4fe: {  	v8 =	vadd.s32 @!p1 s0, v9  }
0x4ff: {  	s4 =	simm.s32 @!p1 $0x18800;
	s1 =	simm.s32 @!p1 $0x400;
	s0 =	simm.s32 @!p1 $0x80;
	[tilespmem:$0x18800] =	vst @!p1 v8  }
0x500: {  	[spmem:s12] =	stream.strided.scatter @!p1 [tilespmem:s4], [sflag:$0x3], $0x800, s1, s0, $0x38;
	[tilespmem:$0x1A880] =	vst v63  }
0x501: {  	s0 =	simm.s32 @!p1 $0x3;
	s31 =	spop (v2sf)  }
0x502: {  	_ =	swait.ge @!p1 [sflag:s0], $0x800  }
0x503: {  	[sflag:s0] =	ssyncset.done @!p1 $0x0  }
0x504: {  	[sflag:s0] =	ssyncadd.s32 @!p1 $0xFFFFF800  }
0x505: {  	[bflag:$0x0] =	sbarrier.arrive $0xFFFF  }
0x506: {  	[tilespmem:s22], [sflag:$0x3] =	stream.strided.gather [spmem:s12], $0x800, s21, s20, $0x38;
	[tilespmem:$0x1A880] =	vst v63  }
0x507: {  	_ =	swait.ge [sflag:s23], $0x800  }
0x508: {  	[sflag:s23] =	ssyncset.done $0x0  }
0x509: {  	[sflag:s23] =	ssyncadd.s32 $0xFFFFF800  }
0x50a: {  	s1 =	simm.s32 $0x200;
	s0 =	simm.s32 $0x0;
	v8 =	vld [tilespmem:$0x18800]  }
.LBB2_64:
0x50b: {  	p3 =	seq.s32 s1, $0xFE00;
	[tilespmem:s0+$0x8070] =	vst v1  }
0x50c: {  	[tilespmem:s0+$0x8000] =	vst v1  }
0x50d: {  	[tilespmem:s0+$0x8010] =	vst v1  }
.Ltmp35:
0x50e: {  	[tilespmem:s0+$0x8020] =	vst v1;
	(pc) =	sbr.rel @!p3 .LBB2_64-.Ltmp35, $4  }
0x50f: {  	[tilespmem:s0+$0x8030] =	vst v1  }
0x510: {  	[tilespmem:s0+$0x8040] =	vst v1  }
0x511: {  	[tilespmem:s0+$0x8050] =	vst v1  }
0x512: {  	[tilespmem:s0+$0x8060] =	vst v1;
	s0 =	sshra.s32 s1, $0x2;
	s1 =	sadd.s32 $0x200, s1  }
0x513: {  	[tilespmem:s0+$0x8070] =	vst v1  }
0x514: {  	[tilespmem:s0+$0x8000] =	vst v1  }
0x515: {  	[tilespmem:s0+$0x8010] =	vst v1  }
.Ltmp36:
0x516: {  	[tilespmem:s0+$0x8020] =	vst v1;
	(pc) =	sbr.rel @!p2 .LBB2_69-.Ltmp36, $4  }
0x517: {  	[tilespmem:s0+$0x8030] =	vst v1  }
0x518: {  	[tilespmem:s0+$0x8040] =	vst v1  }
0x519: {  	[tilespmem:s0+$0x8050] =	vst v1  }
0x51a: {  	[tilespmem:s0+$0x8060] =	vst v1  }
0x51b: {  	s0 =	simm.s32 $0x10000  }
0x51c: {  	v10 =	vld [tilespmem:s0+$0x0];
	_ =	sdelay $0x3  }
0x51d: {  	p2 =	sne.s32 s28, $0x1  }
.Ltmp37:
0x51e: {  	v9 =	vshrl.u32 v10, $0xA;
	(pc) =	sbr.rel @!p2 .LBB2_68-.Ltmp37, $4  }
0x51f: {  	s1 =	simm.s32 $0x0;
	v11 =	vand.u32 $0x3FF, v9  }
0x520: {  	vm0 =	vgt.s32 v15, s1;
	v9 =	vmul.u32 $0x400, v0;
	vm1 =	veq.s32 v11, v8  }
0x521: {  	v10 =	vand.u32 $0x3FF, v10;
	vm0 =	vmand vm0, vm1  }
0x522: {  	s1 =	simm.s32 $0x1;
	v10 =	vor.u32 v9, v10  }
.LBB2_67:
0x523: {  	_ =	sdelay $0x3  }
0x524: {  	[tilespmem:v10+s18+$0x0] =	vst.idx.add.s32.msk vm0, v3;
	s0 =	sadd.s32 $0x10, s0;
	s4 =	smov.u32 s1;
	s1 =	sadd.s32 $0x1, s1  }
0x525: {  	v10 =	vld [tilespmem:s0+$0x0];
	p2 =	sne.s32 s28, s1;
	_ =	sdelay $0x4  }
.Ltmp38:
0x526: {  	v11 =	vshrl.u32 v10, $0xA;
	v10 =	vand.u32 $0x3FF, v10;
	(pc) =	sbr.rel @p2 .LBB2_67-.Ltmp38, $4  }
0x527: {  	v11 =	vand.u32 $0x3FF, v11  }
0x528: {  	vm0 =	vgt.s32 v15, s4;
	vm1 =	veq.s32 v11, v8  }
0x529: {  	vm0 =	vmand vm0, vm1  }
0x52a: {  	v10 =	vor.u32 v9, v10  }
.LBB2_68:
0x52b: {  	_ =	sdelay $0x4  }
0x52c: {  	[tilespmem:v10+s18+$0x0] =	vst.idx.add.s32.msk vm0, v3  }
.LBB2_69:
0x52d: {  	s0 =	simm.s32 $0x0;
	s1 =	simm.s32 $0x8000  }
0x52e: {  	s0 =	sand.u32 $0x3F0, s0;
	v10 =	vld [tilespmem:s1+$0x0]  }
0x52f: {  	v9 =	vld [tilespmem:s0+$0x8400]  }
0x530: {  	v11 =	vld [tilespmem:s0+$0x8800]  }
0x531: {  	v12 =	vld [tilespmem:s0+$0x8C00]  }
0x532: {  	v13 =	vld [tilespmem:s0+$0x9000]  }
0x533: {  	v14 =	vld [tilespmem:s0+$0x9400]  }
0x534: {  	v9 =	vadd.s32 v10, v9;
	v10 =	vld [tilespmem:s0+$0x9800]  }
0x535: {  	v9 =	vadd.s32 v11, v9;
	v11 =	vld [tilespmem:s0+$0x9C00]  }
0x536: {  	v9 =	vadd.s32 v12, v9;
	v12 =	vld [tilespmem:s0+$0xA000]  }
0x537: {  	v9 =	vadd.s32 v13, v9;
	v13 =	vld [tilespmem:s0+$0xA400]  }
0x538: {  	v9 =	vadd.s32 v14, v9;
	v14 =	vld [tilespmem:s0+$0xA800]  }
0x539: {  	v9 =	vadd.s32 v10, v9;
	v10 =	vld [tilespmem:s0+$0xAC00]  }
0x53a: {  	v9 =	vadd.s32 v11, v9;
	v11 =	vld [tilespmem:s0+$0xB000]  }
0x53b: {  	v9 =	vadd.s32 v12, v9;
	v12 =	vld [tilespmem:s0+$0xB400]  }
0x53c: {  	v9 =	vadd.s32 v13, v9;
	v13 =	vld [tilespmem:s0+$0xB800]  }
0x53d: {  	v9 =	vadd.s32 v14, v9;
	v14 =	vld [tilespmem:s0+$0xBC00]  }
0x53e: {  	v9 =	vadd.s32 v10, v9  }
0x53f: {  	v9 =	vadd.s32 v11, v9  }
0x540: {  	v9 =	vadd.s32 v12, v9  }
0x541: {  	v9 =	vadd.s32 v13, v9  }
0x542: {  	s25 =	simm.s32 $0x10;
	s0 =	simm.s32 $0x18000;
	v9 =	vadd.s32 v14, v9  }
0x543: {  	s1 =	sand.u32 $0x3F0, s25;
	[tilespmem:s0+$0x0] =	vst v9  }
0x544: {  	s14 =	simm.s32 $0x20;
	s25 =	simm.s32 $0x8010;
	v9 =	vld [tilespmem:s1+$0x8400]  }
.LBB2_70:
0x545: {  	p2 =	sne.s32 s14, $0x3F0;
	v10 =	vld [tilespmem:s25+$0x0]  }
0x546: {  	v11 =	vld [tilespmem:s1+$0x8800]  }
0x547: {  	v12 =	vld [tilespmem:s1+$0x8C00]  }
0x548: {  	v13 =	vld [tilespmem:s1+$0x9000]  }
0x549: {  	v14 =	vld [tilespmem:s1+$0x9400]  }
0x54a: {  	v9 =	vadd.s32 v10, v9;
	v10 =	vld [tilespmem:s1+$0x9800]  }
0x54b: {  	v9 =	vadd.s32 v11, v9;
	v11 =	vld [tilespmem:s1+$0x9C00]  }
0x54c: {  	v9 =	vadd.s32 v12, v9;
	v12 =	vld [tilespmem:s1+$0xA000]  }
0x54d: {  	v9 =	vadd.s32 v13, v9;
	v13 =	vld [tilespmem:s1+$0xA400]  }
0x54e: {  	v9 =	vadd.s32 v14, v9;
	v14 =	vld [tilespmem:s1+$0xA800]  }
0x54f: {  	v9 =	vadd.s32 v10, v9;
	v10 =	vld [tilespmem:s1+$0xAC00]  }
0x550: {  	v9 =	vadd.s32 v11, v9;
	v11 =	vld [tilespmem:s1+$0xB000]  }
0x551: {  	v9 =	vadd.s32 v12, v9;
	v12 =	vld [tilespmem:s1+$0xB400]  }
0x552: {  	v9 =	vadd.s32 v13, v9;
	v13 =	vld [tilespmem:s1+$0xB800]  }
0x553: {  	v9 =	vadd.s32 v14, v9;
	v14 =	vld [tilespmem:s1+$0xBC00]  }
0x554: {  	v9 =	vadd.s32 v10, v9  }
0x555: {  	v9 =	vadd.s32 v11, v9  }
.Ltmp39:
0x556: {  	v9 =	vadd.s32 v12, v9;
	(pc) =	sbr.rel @p2 .LBB2_70-.Ltmp39, $4  }
0x557: {  	v9 =	vadd.s32 v13, v9  }
0x558: {  	s0 =	sadd.s32 $0x10, s0;
	v9 =	vadd.s32 v14, v9  }
0x559: {  	s1 =	sand.u32 $0x3F0, s14;
	[tilespmem:s0+$0x0] =	vst v9  }
0x55a: {  	s25 =	sadd.s32 $0x10, s25;
	s14 =	sadd.s32 $0x10, s14;
	v9 =	vld [tilespmem:s1+$0x8400]  }
0x55b: {  	v10 =	vld [tilespmem:s25+$0x0]  }
0x55c: {  	v11 =	vld [tilespmem:s1+$0x8800]  }
0x55d: {  	v12 =	vld [tilespmem:s1+$0x8C00]  }
0x55e: {  	v13 =	vld [tilespmem:s1+$0x9000]  }
0x55f: {  	v14 =	vld [tilespmem:s1+$0x9400]  }
0x560: {  	v9 =	vadd.s32 v10, v9;
	v10 =	vld [tilespmem:s1+$0x9800]  }
0x561: {  	v9 =	vadd.s32 v11, v9;
	v11 =	vld [tilespmem:s1+$0x9C00]  }
0x562: {  	v9 =	vadd.s32 v12, v9;
	v12 =	vld [tilespmem:s1+$0xA000]  }
0x563: {  	v9 =	vadd.s32 v13, v9;
	v13 =	vld [tilespmem:s1+$0xA400]  }
0x564: {  	v9 =	vadd.s32 v14, v9;
	v14 =	vld [tilespmem:s1+$0xA800]  }
0x565: {  	v9 =	vadd.s32 v10, v9;
	v10 =	vld [tilespmem:s1+$0xAC00]  }
0x566: {  	v9 =	vadd.s32 v11, v9;
	v11 =	vld [tilespmem:s1+$0xB000]  }
0x567: {  	v9 =	vadd.s32 v12, v9;
	v12 =	vld [tilespmem:s1+$0xB400]  }
0x568: {  	v9 =	vadd.s32 v13, v9;
	v13 =	vld [tilespmem:s1+$0xB800]  }
0x569: {  	v9 =	vadd.s32 v14, v9;
	v14 =	vld [tilespmem:s1+$0xBC00]  }
0x56a: {  	v9 =	vadd.s32 v10, v9  }
.Ltmp40:
0x56b: {  	v9 =	vadd.s32 v11, v9;
	(pc) =	sbr.rel @!p0 .LBB2_72-.Ltmp40, $4  }
0x56c: {  	v9 =	vadd.s32 v12, v9  }
0x56d: {  	v9 =	vadd.s32 v13, v9  }
0x56e: {  	s0 =	sadd.s32 $0x10, s0;
	v9 =	vadd.s32 v14, v9  }
0x56f: {  	[tilespmem:s0+$0x0] =	vst v9  }
0x570: {  	[bflag:$0x0] =	sbarrier.arrive $0xFFFF  }
0x571: {  	[tilespmem:s22], [sflag:$0x3] =	stream.strided.gather [spmem:s12], $0x800, s21, s20, $0x38;
	[tilespmem:$0x1A880] =	vst v63  }
0x572: {  	_ =	swait.ge [sflag:s23], $0x800  }
0x573: {  	[sflag:s23] =	ssyncset.done $0x0  }
0x574: {  	s0 =	simm.s32 $0x0;
	[sflag:s23] =	ssyncadd.s32 $0xFFFFF800  }
0x575: {  	s1 =	simm.s32 $0x40;
	v9 =	vld [tilespmem:s0+$0x18800]  }
.LBB2_74:
0x576: {  	p2 =	sne.s32 s1, $0xFC0;
	v10 =	vld [tilespmem:s0+$0x18000];
	_ =	sdelay $0x1  }
.Ltmp41:
0x577: {  	(pc) =	sbr.rel @p2 .LBB2_74-.Ltmp41, $3  }
0x578: {  	_ =	sdelay $0x1  }
0x579: {  	s4 =	sshra.s32 s1, $0x2;
	v10 =	vadd.s32 v10, v9  }
0x57a: {  	s1 =	sadd.s32 $0x40, s1;
	v9 =	vld [tilespmem:s4+$0x18800];
	[tilespmem:s0+$0x18000] =	vst v10;
	s0 =	smov.u32 s4  }
0x57b: {  	v10 =	vld [tilespmem:s0+$0x18000];
	_ =	sdelay $0x1  }
.Ltmp42:
0x57c: {  	_ = 	snop;
	(pc) =	sbr.rel .LBB2_76-.Ltmp42, $3  }
0x57d: {  	_ =	sdelay $0x1  }
0x57e: {  	v9 =	vadd.s32 v10, v9  }
0x57f: {  	[tilespmem:s0+$0x18000] =	vst v9  }
.LBB2_72:
0x580: {  	s0 =	simm.s32 $0x18000  }
0x581: {  	[spmem:s12] =	stream.strided.scatter [tilespmem:s0], [sflag:$0x3], $0x800, s21, s20, $0x38;
	[tilespmem:$0x1A880] =	vst v63  }
0x582: {  	_ =	swait.ge [sflag:s23], $0x800  }
0x583: {  	[sflag:s23] =	ssyncset.done $0x0  }
0x584: {  	[sflag:s23] =	ssyncadd.s32 $0xFFFFF800  }
0x585: {  	[bflag:$0x0] =	sbarrier.arrive $0xFFFF  }
.LBB2_76:
0x586: {  	s0 =	simm.s32 $0x18000  }
0x587: {  	v9 =	vld [tilespmem:s0+$0x0]  }
0x588: {  	s14 =	simm.s32 $0x18010  }
0x589: {  	v10 =	vld [tilespmem:s14+$0x0];
	_ =	sdelay $0x2  }
0x58a: {  	(xrf0) =	vadd.scan.msk.s32 $0xffff, v9;
	_ =	sdelay $0x1  }
0x58b: {  	(xrf0) =	vadd.scan.msk.s32 $0xffff, v10;
	_ =	sdelay $0x3  }
0x58c: {  	s15 =	simm.s32 $0x18020;
	v10, _, _ =	vpop (xrf0)  }
0x58d: {  	v11 =	vld [tilespmem:s15+$0x0];
	(v2sf) =	vpush v10, $0xF  }
0x58e: {  	v10, _, _ =	vpop (xrf0)  }
0x58f: {  	(v2sf) =	vpush v10, $0xF;
	_ =	sdelay $0x2  }
0x590: {  	s25 =	simm.s32 $0x18030;
	(xrf0) =	vadd.scan.msk.s32 $0xffff, v11  }
0x591: {  	v9 =	vld [tilespmem:s25+$0x0];
	_ =	sdelay $0x3  }
0x592: {  	s1 =	simm.s32 $0x0;
	s4 =	simm.s32 $0x18040;
	s14 =	simm.s32 $0x4  }
0x593: {  	s0 =	simm.s32 $0x8;
	s15 =	simm.s32 $0x10;
	s25 =	simm.s32 $0xC;
	(xrf0) =	vadd.scan.msk.s32 $0xffff, v9;
	v9, _, _ =	vpop (xrf0)  }
.LBB2_77:
0x594: {  	v10 =	vld [tilespmem:s4+$0x0];
	p2 =	sne.s32 s15, $0xFC;
	(v2sf) =	vpush v9, $0xF;
	s5 =	smov.u32 s15;
	s15 =	sadd.s32 $0x4, s15  }
.Ltmp43:
0x595: {  	(pc) =	sbr.rel @p2 .LBB2_77-.Ltmp43, $4  }
0x596: {  	_ = 	snop  }
0x597: {  	s6 =	sshra.s32 s1, $0x2;
	s1 =	smov.u32 s14;
	s7 =	spop (v2sf)  }
0x598: {  	s14 =	smov.u32 s0;
	s0 =	smov.u32 s25;
	[smem:s6] =	sst s7  }
0x599: {  	s4 =	sadd.s32 $0x10, s4;
	s25 =	smov.u32 s5;
	(xrf0) =	vadd.scan.msk.s32 $0xffff, v10;
	v9, _, _ =	vpop (xrf0)  }
0x59a: {  	_ =	sdelay $0x4  }
0x59b: {  	(v2sf) =	vpush v9, $0xF;
	v9, _, _ =	vpop (xrf0)  }
0x59c: {  	(v2sf) =	vpush v9, $0xF;
	_ =	sdelay $0xb  }
0x59d: {  	s4 =	spop (v2sf);
	s1 =	sshra.s32 s1, $0x2  }
0x59e: {  	s6 =	sshra.s32 s14, $0x2;
	[smem:s1] =	sst s4;
	s7 =	spop (v2sf)  }
0x59f: {  	s0 =	sshra.s32 s0, $0x2;
	[smem:s6] =	sst s7;
	s14 =	spop (v2sf)  }
0x5a0: {  	s15 =	sshra.s32 s25, $0x2;
	[smem:s0] =	sst s14;
	s25 =	spop (v2sf)  }
0x5a1: {  	[smem:s15] =	sst s25  }
0x5a2: {  	s4 =	sld [smem:$0x3F]  }
0x5a3: {  	s31 =	sadd.s32 s31, s30;
	s30 =	simm.s32 $0x3E  }
0x5a4: {  	s1 =	simm.s32 $0x0;
	s0 =	ssub.s32 s29, s31;
	s29 =	simm.s32 $0x3E  }
0x5a5: {  	s14 =	simm.s32 $0x0;
	p4 =	sgt.s32 s0, $0x0;
	s4 =	sadd.s32 $0x0, s4  }
0x5a6: {  	s25 =	simm.s32 $0x3F;
	s15 =	simm.s32 $0x0;
	p3 =	sge.s32 s4, s0  }
.LBB2_79:
0x5a7: {  	s5 =	sld [smem:s30+$0x0]  }
0x5a8: {  	p3 =	por !p4, !p3;
	s6 =	smov.u32 s29;
	p2 =	sne.s32 s29, $0x0  }
.Ltmp44:
0x5a9: {  	s29 =	sadd.s32 $0xFFFFFFFF, s29;
	p3 =	por !p3, !p3;
	(pc) =	sbr.rel @p2 .LBB2_79-.Ltmp44, $4  }
0x5aa: {  	s1 =	smov.u32 @p3 s25;
	s14 =	smov.u32 @p3 s15;
	s25 =	smov.u32 s6  }
0x5ab: {  	s15 =	smov.u32 s4  }
0x5ac: {  	s4 =	sadd.s32 s4, s5  }
0x5ad: {  	s30 =	sadd.s32 $0xFFFFFFFF, s30;
	p4 =	slt.s32 s15, s0;
	p3 =	sge.s32 s4, s0  }
0x5ae: {  	p2 =	por !p4, !p3  }
0x5af: {  	p2 =	por !p2, !p2  }
0x5b0: {  	s1 =	smov.u32 @p2 s25  }
0x5b1: {  	s1 =	sshll.u32 s1, $0x4  }
0x5b2: {  	s4 =	sand.u32 $0x3F0, s1  }
0x5b3: {  	v9 =	vld [tilespmem:s4+$0x18000];
	_ =	sdelay $0x4  }
0x5b4: {  	v9 =	vperm.xlane v9, v4;
	_ =	sdelay $0x1  }
0x5b5: {  	(xrf0) =	vadd.scan.msk.s32 $0xffff, v9;
	_ =	sdelay $0x5  }
0x5b6: {  	s14 =	smov.u32 @p2 s15;
	v9, _, _ =	vpop (xrf0)  }
0x5b7: {  	v10 =	vmov @!p1 s1;
	v9 =	vadd.s32 s14, v9  }
0x5b8: {  	vm0 =	vge.s32 v9, s0;
	v9 =	vadd.s32 @!p1 $0xFFFFFFFF, v10  }
0x5b9: {  	v10 =	vmpcnt.ones.xlane vm0;
	v9 =	vbroadcast @!p1 v9, $0x0;
	_ =	sdelay $0x1  }
0x5ba: {  	v9 =	vadd.s32 @!p1 v9, v10  }
0x5bb: {  	s1 =	simm.s32 @!p1 $0x400;
	s4 =	simm.s32 @!p1 $0x18800;
	s0 =	simm.s32 @!p1 $0x80;
	[tilespmem:$0x18800] =	vst @!p1 v9  }
0x5bc: {  	[spmem:s12] =	stream.strided.scatter @!p1 [tilespmem:s4], [sflag:$0x3], $0x800, s1, s0, $0x38;
	[tilespmem:$0x1A880] =	vst v63  }
0x5bd: {  	s0 =	simm.s32 @!p1 $0x3  }
0x5be: {  	_ =	swait.ge @!p1 [sflag:s0], $0x800  }
0x5bf: {  	[sflag:s0] =	ssyncset.done @!p1 $0x0  }
0x5c0: {  	[sflag:s0] =	ssyncadd.s32 @!p1 $0xFFFFF800  }
0x5c1: {  	[bflag:$0x0] =	sbarrier.arrive $0xFFFF  }
0x5c2: {  	[tilespmem:s22], [sflag:$0x3] =	stream.strided.gather [spmem:s12], $0x800, s21, s20, $0x38;
	[tilespmem:$0x1A880] =	vst v63  }
0x5c3: {  	_ =	swait.ge [sflag:s23], $0x800  }
0x5c4: {  	[sflag:s23] =	ssyncset.done $0x0  }
0x5c5: {  	[sflag:s23] =	ssyncadd.s32 $0xFFFFF800  }
0x5c6: {  	p2 =	slt.s32 s28, $0x1;
	v9 =	vld [tilespmem:$0x18800]  }
.Ltmp45:
0x5c7: {  	_ = 	snop;
	(pc) =	sbr.rel @p2 .LBB2_81-.Ltmp45, $4  }
0x5c8: {  	_ = 	snop  }
0x5c9: {  	v6 =	vshll.u32 v6, $0x14;
	v8 =	vshll.u32 v8, $0xA  }
0x5ca: {  	v6 =	vadd.s32 v6, v8;
	s7 =	rddreg [dreg:$0x5]  }
0x5cb: {  	v8 =	vimm.f32 $0.0e+00;
	s31 =	rddreg [dreg:$0x7];
	v6 =	vadd.s32 v9, v6  }
0x5cc: {  	p3 =	sne.s32 s28, $0x1  }
.Ltmp46:
0x5cd: {  	_ = 	snop;
	(pc) =	sbr.rel @!p3 .LBB2_83-.Ltmp46, $3  }
0x5ce: {  	_ =	sdelay $0x1  }
0x5cf: {  	s4 =	simm.s32 $0x10000;
	s1 =	simm.s32 $0x0  }
0x5d0: {  	s0 =	simm.s32 $0x1;
	p2 =	por $0x0, $0x0;
	s6 =	rddreg [dreg:$0x4];
	v11 =	vld [tilespmem:s4+$0x0]  }
0x5d1: {  	_ = 	snop  }
0x5d2: {  	p3 =	sne.s32 s28, $0x2  }
.Ltmp47:
0x5d3: {  	_ = 	snop;
	(pc) =	sbr.rel @!p3 .LBB2_85-.Ltmp47, $4  }
0x5d4: {  	_ = 	snop  }
0x5d5: {  	vm0 =	vgt.s32 v15, s1;
	vm1 =	vgt.f32 v11, v6  }
0x5d6: {  	s1 =	simm.s32 $0x10010;
	v9 =	vimm.f32 $0.0e+00;
	vm0 =	vmand vm0, vm1  }
0x5d7: {  	s4 =	simm.s32 $0x2;
	p2 =	por $0x1, $0x1;
	v10 =	vimm.f32 $0.0e+00;
	v12 =	vnsel vm0, $0x0, v11;
	v11 =	vld [tilespmem:s1+$0x0];
	v13 =	vsel vm0, $0x3F800000, v5  }
.LBB2_86:
0x5d8: {  	s5 =	smov.u32 s4;
	s4 =	sadd.s32 $0x1, s4  }
0x5d9: {  	v9 =	vadd.f32 v12, v9;
	v10 =	vadd.f32 v13, v10;
	p3 =	sne.s32 s28, s4  }
.Ltmp48:
0x5da: {  	(pc) =	sbr.rel @p3 .LBB2_86-.Ltmp48, $4  }
0x5db: {  	_ = 	snop  }
0x5dc: {  	vm0 =	vgt.s32 v15, s0;
	s1 =	sadd.s32 $0x10, s1;
	s0 =	smov.u32 s5;
	vm1 =	vgt.f32 v11, v6;
	v12 =	vmov v11  }
0x5dd: {  	v11 =	vld [tilespmem:s1+$0x0];
	vm0 =	vmand vm0, vm1  }
0x5de: {  	v12 =	vnsel vm0, $0x0, v12;
	v13 =	vsel vm0, $0x3F800000, v5  }
0x5df: {  	s1 =	smov.u32 s0  }
.LBB2_88:
0x5e0: {  	_ = 	snop  }
.Ltmp49:
0x5e1: {  	v9 =	vadd.f32 @p2 v12, v9;
	(pc) =	sbr.rel .LBB2_89-.Ltmp49, $4  }
0x5e2: {  	vm0 =	vgt.s32 v15, s1;
	v10 =	vadd.f32 @p2 v13, v10;
	vm1 =	vgt.f32 v11, v6  }
0x5e3: {  	v9 =	vpsel p2, v9, v8;
	vm0 =	vmand vm0, vm1  }
0x5e4: {  	v10 =	vpsel p2, v10, v8;
	v11 =	vnsel vm0, $0x0, v11;
	v63 =	vsel vm0, $0x3F800000, v5  }
0x5e5: {  	s5 =	smov.u32 s8;
	v8 =	vadd.f32 v11, v9;
	v9 =	vadd.f32 v63, v10  }
.LBB2_83:
.Ltmp50:
0x5e6: {  	(pc) =	sbr.rel .LBB2_88-.Ltmp50, $2  }
0x5e7: {  	_ =	sdelay $0x2  }
0x5e8: {  	v9 =	vimm.f32 $0.0e+00;
	v10 =	vimm.f32 $0.0e+00  }
.LBB2_85:
.Ltmp51:
0x5e9: {  	(pc) =	sbr.rel .LBB2_88-.Ltmp51, $2  }
0x5ea: {  	_ =	sdelay $0x2  }
0x5eb: {  	v9 =	vimm.f32 $0.0e+00;
	v10 =	vimm.f32 $0.0e+00;
	s1 =	simm.s32 $0x1  }
.LBB2_90:
0x5ec: {  	_ =	sfence.sel $0x180000  }
0x5ed: {  	[bflag:$0x0] =	sbarrier.arrive $0xFFFF  }
0x5ee: {  	_ =	strace $0x90000047  }
0x5ef: {  	s0 =	stileid.u32;
	[bflag:$0x2] =	sbarrier.arrive $0xFFFF  }
0x5f0: {  	p0 =	sne.s32 s0, $0x0;
	s0 =	rddreg [dreg:$0x3]  }
0x5f1: {  	s0 =	sadd.s32 @!p0 $0x100000, s0  }
0x5f2: {  	[sflag:s0] =	ssyncadd.tile.s32 @!p0 $0x1;
	_ =	shalt  }
.Lfunc_end2:
_tile_overlayer_lowered:
.L_overlay_start_2:
0x5f3: {  	(tag) =	ssettag $0x2  }
0x5f4: {  	s0 =	rddreg [dreg:$0x0];
	s2 =	stileid.u32  }
0x5f5: {  	s1 =	rddreg [dreg:$0x1];
	p0 =	sne.s32 s2, $0x0  }
0x5f6: {  	s3 =	rddreg [dreg:$0x2];
	[bflag:$0x3] =	sbarrier.arrive $0xFFFF;
	s2 =	simm.s32 @!p0 $0x1C03  }
0x5f7: {  	[timem:s3], [sflag:s2] =	dma.local @!p0 [hbm:s0], s1  }
0x5f8: {  	s0 =	simm.s32 @!p0 $0x3  }
0x5f9: {  	_ =	swait.ge @!p0 [sflag:s0], s1  }
0x5fa: {  	s1 =	ssub.s32 @!p0 $0x0, s1;
	[sflag:s0] =	ssyncset.done @!p0 $0x0  }
0x5fb: {  	[sflag:s0] =	ssyncadd.s32 @!p0 s1  }
0x5fc: {  	[bflag:$0x3] =	sbarrier.arrive $0xFFFF  }
0x5fd: {  	_ =	shalt  }

</sc_bundles>
